<compile_context>
chip_gen: v7x
topology: tpu7x:2x2x1
jax: 0.10.2.dev20260603
libtpu: 0.0.44.dev20260713+nightly
codegen_flags: <defaults>
</compile_context>

<pallas_src>
import functools

import numpy as np
import jax
import jax.numpy as jnp
from jax import lax
from jax.experimental import pallas as pl
from jax.experimental.pallas import tpu as pltpu
from jax.experimental.pallas import tpu_sc as plsc

F32 = jnp.float32
I32 = jnp.int32

NT = 16
NQ = 512
NR = NT * NQ
NK = 50000
E = 131072
DKEY = 128
DOUT = 112
TDIM = 128
NB = 16
NPRE = 12
NTILE = 16
CH = 128
NCH = E // (NTILE * CH)
ACC_W = 128


def _sigmoid(x):
    return 1.0 / (1.0 + jnp.exp(-x))


def _stage_a(Ts, time2, qxT, vcomp, Wqt, bqt, Wdst, bdst, freqs,
             qn_ref, qpos_ref, vrot_ref, tdst_ref):
    q = Ts[:, 0:4]
    nrm = jnp.sqrt(jnp.sum(q * q, axis=1, keepdims=True))
    qn = q / (nrm + 1e-8)
    qn_ref[...] = qn
    qw, qx, qy, qz = qn[:, 0:1], qn[:, 1:2], qn[:, 2:3], qn[:, 3:4]

    arg = time2[...] * freqs[...]
    te = jnp.concatenate([jnp.sin(arg), jnp.cos(arg)], axis=1)
    qt = jnp.dot(te, Wqt[...], preferred_element_type=F32) + bqt[...]
    tdst_ref[...] = jnp.dot(qt, Wdst[...], preferred_element_type=F32) + bdst[...]

    def rot(vx, vy, vz):
        tx = 2.0 * (qy * vz - qz * vy)
        ty = 2.0 * (qz * vx - qx * vz)
        tz = 2.0 * (qx * vy - qy * vx)
        ox = vx + qw * tx + (qy * tz - qz * ty)
        oy = vy + qw * ty + (qz * tx - qx * tz)
        oz = vz + qw * tz + (qx * ty - qy * tx)
        return ox, oy, oz

    px, py, pz = rot(qxT[0:1, :], qxT[1:2, :], qxT[2:3, :])
    qpos_ref[0] = px + Ts[:, 4:5]
    qpos_ref[1] = py + Ts[:, 5:6]
    qpos_ref[2] = pz + Ts[:, 6:7]

    for k in range(8):
        ox, oy, oz = rot(vcomp[0, k:k + 1, :], vcomp[1, k:k + 1, :],
                         vcomp[2, k:k + 1, :])
        vrot_ref[0, k] = ox
        vrot_ref[1, k] = oy
        vrot_ref[2, k] = oz


def _stage_ak(kf0, kf1, Wmsg, out0_ref, out1_ref):
    z = jnp.zeros((kf0.shape[0], ACC_W - DOUT), F32)
    p0 = jnp.dot(kf0[...], Wmsg[0], preferred_element_type=F32)
    out0_ref[...] = jnp.concatenate([p0, z], axis=1)
    p1 = jnp.dot(kf1[...], Wmsg[1], preferred_element_type=F32)
    out1_ref[...] = jnp.concatenate([p1, z], axis=1)


def _stage_b(kxc_h, kyc_h, kzc_h, qx0_h, qx1_h, qx2_h, esrc_h, edst_h, out_h,
             src_v, dst_v, kc0, kc1, qc0, qc1, d2_v,
             kx_sh, ky_sh, kz_sh, qx_sh, qy_sh, qz_sh,
             sem0, sem1):
    c = lax.axis_index("c")
    s = lax.axis_index("s")
    pltpu.sync_copy(esrc_h.at[c, s], src_v)
    pltpu.sync_copy(edst_h.at[c, s], dst_v)

    @pl.when(s == 0)
    def _():
        pltpu.sync_copy(kxc_h, kx_sh)
        pltpu.sync_copy(kyc_h, ky_sh)
        pltpu.sync_copy(kzc_h, kz_sh)
        pltpu.sync_copy(qx0_h, qx_sh)
        pltpu.sync_copy(qx1_h, qy_sh)
        pltpu.sync_copy(qx2_h, qz_sh)

    plsc.subcore_barrier()
    sems = (sem0, sem1)
    kcs = (kc0, kc1)
    qcs = (qc0, qc1)
    ktabs = (kx_sh, ky_sh, kz_sh)
    qtabs = (qx_sh, qy_sh, qz_sh)

    def streams(ch, b):
        out = []
        for j in range(3):
            out.append(pltpu.make_async_copy(
                ktabs[j].at[src_v.at[ch]],
                kcs[b].at[pl.ds(j * CH, CH)], sems[b]))
            out.append(pltpu.make_async_copy(
                qtabs[j].at[dst_v.at[ch]],
                qcs[b].at[pl.ds(j * CH, CH)], sems[b]))
        return out

    for b in range(2):
        for st in streams(b, b):
            st.start()

    def body(g, carry):
        for b in range(2):
            ch = 2 * g + b
            for st in streams(ch, b):
                st.wait()
            for grp in range(8):
                o = grp * 16
                kv = kcs[b]
                qv = qcs[b]
                ddx = kv[pl.ds(o, 16)] - qv[pl.ds(o, 16)]
                ddy = kv[pl.ds(CH + o, 16)] - qv[pl.ds(CH + o, 16)]
                ddz = kv[pl.ds(2 * CH + o, 16)] - qv[pl.ds(2 * CH + o, 16)]
                d2_v[ch, pl.ds(o, 16)] = ddx * ddx + ddy * ddy + ddz * ddz
            nxt = ch + 2

            @pl.when(nxt < NCH)
            def _():
                for st in streams(nxt, b):
                    st.start()
        return carry

    lax.fori_loop(0, NCH // 2, body, 0)
    pltpu.sync_copy(d2_v, out_h.at[c, s])


def _stage_c(d2, Wr, cbs, isg, out_ref):
    d = jnp.sqrt(d2[0, 0])
    ds = d * isg[0]
    diff = ds - cbs[0]
    basisT = jnp.exp(-0.5 * diff * diff)
    out_ref[0] = lax.dot_general(
        basisT, Wr[0], dimension_numbers=(((0,), (0,)), ((), ())),
        preferred_element_type=F32)


def _stage_d(kp0_h, kp1_h, gate_h, esrc_h, edst_h, out_h,
             src_v, dst_v, rows_v, gate_v, acc_sh, sr0, sr1, sg):
    c = lax.axis_index("c")
    s = lax.axis_index("s")
    pltpu.sync_copy(esrc_h.at[c, s], src_v)
    pltpu.sync_copy(edst_h.at[c, s], dst_v)
    z16 = jnp.zeros((16,), F32)

    def zbody(r, carry):
        for j in range(8):
            rows_v[0, r, pl.ds(j * 16, 16)] = z16
        return carry

    lax.fori_loop(0, CH, zbody, 0)
    for i in range(4):
        pltpu.sync_copy(rows_v.at[0], acc_sh.at[pl.ds(s * 512 + i * 128, 128)])
    plsc.subcore_barrier()
    ones_col = jnp.where(lax.iota(I32, 16) == 0, 1.0, 0.0).astype(F32)

    srs = (sr0, sr1)
    gtab = gate_h.at[c]

    def fire_rows(ch, b):
        @pl.when(c == 0)
        def _():
            pltpu.async_copy(kp0_h.at[src_v.at[ch]], rows_v.at[b], srs[b])

        @pl.when(c == 1)
        def _():
            pltpu.async_copy(kp1_h.at[src_v.at[ch]], rows_v.at[b], srs[b])

    for b in range(2):
        fire_rows(b, b)
    pltpu.async_copy(gtab.at[pl.ds(s * NCH * CH, CH)], gate_v, sg)

    def body(g, carry):
        for b in range(2):
            ch = 2 * g + b
            pltpu.make_async_copy(kp0_h.at[src_v.at[ch]], rows_v.at[b],
                                  srs[b]).wait()
            pltpu.make_async_copy(gtab.at[pl.ds(s * NCH * CH + ch * CH, CH)],
                                  gate_v, sg).wait()

            def rbody(r, rcarry):
                for j in range(7):
                    sl = pl.ds(j * 16, 16)
                    rows_v[b, r, sl] = rows_v[b, r, sl] * gate_v[r, sl]
                rows_v[b, r, pl.ds(DOUT, 16)] = ones_col
                return rcarry

            lax.fori_loop(0, CH, rbody, 0)

            @pl.when(ch + 1 < NCH)
            def _():
                pltpu.async_copy(
                    gtab.at[pl.ds(s * NCH * CH + (ch + 1) * CH, CH)],
                    gate_v, sg)
            pltpu.sync_copy(rows_v.at[b], acc_sh.at[dst_v.at[ch]], add=True)
            nxt = ch + 2

            @pl.when(nxt < NCH)
            def _():
                fire_rows(nxt, b)
        return carry

    lax.fori_loop(0, NCH // 2, body, 0)
    plsc.subcore_barrier()
    pltpu.sync_copy(acc_sh.at[pl.ds(s * 512, 512)],
                    out_h.at[c, pl.ds(s * 512, 512)])


def _stage_e1(acc, tdst, scal, qfv, Wl1, bl1, Wl2p, bl2p,
              Wa1, ba1, Wa2p, ba2p, lv_ref, av_ref):
    a0 = acc[0]
    a1 = acc[1]
    kf = (a0[:, 0:DOUT] / (a0[:, DOUT:DOUT + 1] + 1e-6)
          + a1[:, 0:DOUT] / (a1[:, DOUT:DOUT + 1] + 1e-6)
          + tdst[0])
    kf = kf * _sigmoid(kf)
    h = jnp.concatenate([kf, scal[...], qfv[0]], axis=1)
    ul = jnp.dot(h, Wl1[...], preferred_element_type=F32) + bl1[...]
    ul = ul * _sigmoid(ul)
    lv_ref[0] = jnp.dot(ul, Wl2p[...], preferred_element_type=F32) + bl2p[...]
    ua = jnp.dot(h, Wa1[...], preferred_element_type=F32) + ba1[...]
    ua = ua * _sigmoid(ua)
    av_ref[0] = jnp.dot(ua, Wa2p[...], preferred_element_type=F32) + ba2p[...]


def _stage_e2(lvc, avc, qn, qxT, wrow, ang_ref, lin_ref):
    qw = qn[:, 0:1]
    qx = qn[:, 1:2]
    qy = qn[:, 2:3]
    qz = qn[:, 3:4]

    def irot(vx, vy, vz):
        ux = 2.0 * (qy * vz - qz * vy)
        uy = 2.0 * (qz * vx - qx * vz)
        uz = 2.0 * (qx * vy - qy * vx)
        ox = vx - qw * ux + (qy * uz - qz * uy)
        oy = vy - qw * uy + (qz * ux - qx * uz)
        oz = vz - qw * uz + (qx * uy - qy * ux)
        return ox, oy, oz

    lx, ly, lz = irot(lvc[0], lvc[1], lvc[2])
    ax_, ay_, az_ = irot(avc[0], avc[1], avc[2])
    px = qxT[0:1, :]
    py = qxT[1:2, :]
    pz = qxT[2:3, :]
    obx = py * lz - pz * ly
    oby = pz * lx - px * lz
    obz = px * ly - py * lx
    w = wrow[...]
    lin_ref[:, 0:1] = jnp.sum(w * lx, axis=1, keepdims=True)
    lin_ref[:, 1:2] = jnp.sum(w * ly, axis=1, keepdims=True)
    lin_ref[:, 2:3] = jnp.sum(w * lz, axis=1, keepdims=True)
    ang_ref[:, 0:1] = jnp.sum(w * (ax_ + obx), axis=1, keepdims=True)
    ang_ref[:, 1:2] = jnp.sum(w * (ay_ + oby), axis=1, keepdims=True)
    ang_ref[:, 2:3] = jnp.sum(w * (az_ + obz), axis=1, keepdims=True)


def kernel(Ts, time, query_x, query_f, query_w, key_x_s0, key_f_s0,
           key_x_s1, key_f_s1, edge_src_s0, edge_dst_s0, edge_src_s1,
           edge_dst_s1, Wr0, Wmsg0, Wr1, Wmsg1, Wqt, bqt, Wdst, bdst,
           Wl1, bl1, Wl2, bl2, Wa1, ba1, Wa2, ba2):
    time2 = time.reshape(NT, 1)
    qxT = query_x.T
    vcomp = query_f[:, 32:].reshape(NQ, 8, 3).transpose(2, 1, 0)
    scal = query_f[:, 0:32]
    wrow = query_w.reshape(1, NQ)
    freqs = jnp.asarray(
        np.exp(-np.log(10000.0) * np.arange(TDIM // 2, dtype=np.float32)
               / (TDIM // 2)).reshape(1, TDIM // 2))
    kxc = jnp.concatenate([key_x_s0[:, 0], key_x_s1[:, 0]])
    kyc = jnp.concatenate([key_x_s0[:, 1], key_x_s1[:, 1]])
    kzc = jnp.concatenate([key_x_s0[:, 2], key_x_s1[:, 2]])
    esrc = (jnp.stack([edge_src_s0, edge_src_s1 + NK])
            .reshape(2, NTILE, NCH, CH))
    esrc_d = jnp.stack([edge_src_s0, edge_src_s1]).reshape(2, NTILE, NCH, CH)
    edst = jnp.stack([edge_dst_s0, edge_dst_s1]).reshape(2, NTILE, NCH, CH)
    Wmsg = jnp.stack([Wmsg0, Wmsg1])
    Wrs = jnp.stack([Wr0, Wr1])
    sig = np.array([1.0 / NB, 4.0 / NB], dtype=np.float32)
    cen = np.stack([np.linspace(0.0, 1.0, NB), np.linspace(0.0, 4.0, NB)])
    cbs = jnp.asarray((cen / sig[:, None]).astype(np.float32)
                      .reshape(2, NB, 1))
    isg = jnp.asarray((1.0 / sig).reshape(2, 1, 1))
    msel = np.zeros((3 * NPRE, 3), dtype=np.float32)
    for i in range(3 * NPRE):
        msel[i, i % 3] = 1.0 / NPRE
    msel = jnp.asarray(msel)
    Wl2p = Wl2[:, 1:] @ msel
    bl2p = (bl2[1:] @ msel).reshape(1, 3)
    Wa2p = Wa2[:, 1:] @ msel
    ba2p = (ba2[1:] @ msel).reshape(1, 3)

    qn, qpos, vrot, tdst = pl.pallas_call(
        _stage_a,
        out_shape=(
            jax.ShapeDtypeStruct((NT, 4), F32),
            jax.ShapeDtypeStruct((3, NT, NQ), F32),
            jax.ShapeDtypeStruct((3, 8, NT, NQ), F32),
            jax.ShapeDtypeStruct((NT, DOUT), F32),
        ),
    )(Ts, time2, qxT, vcomp, Wqt, bqt.reshape(1, TDIM), Wdst,
      bdst.reshape(1, DOUT), freqs)

    kp0, kp1 = pl.pallas_call(
        _stage_ak,
        grid=(NK // 2000,),
        in_specs=[
            pl.BlockSpec((2000, DKEY), lambda i: (i, 0)),
            pl.BlockSpec((2000, DKEY), lambda i: (i, 0)),
            pl.BlockSpec((2, DKEY, DOUT), lambda i: (0, 0, 0)),
        ],
        out_specs=(
            pl.BlockSpec((2000, ACC_W), lambda i: (i, 0)),
            pl.BlockSpec((2000, ACC_W), lambda i: (i, 0)),
        ),
        out_shape=(
            jax.ShapeDtypeStruct((NK, ACC_W), F32),
            jax.ShapeDtypeStruct((NK, ACC_W), F32),
        ),
    )(key_f_s0, key_f_s1, Wmsg)

    qxc = qpos.reshape(3, NR)
    mesh = plsc.VectorSubcoreMesh(core_axis_name="c", subcore_axis_name="s",
                                  num_cores=2, num_subcores=NTILE)
    d2 = pl.kernel(
        _stage_b,
        out_type=jax.ShapeDtypeStruct((2, NTILE, NCH, CH), F32),
        mesh=mesh,
        scratch_types=[
            pltpu.VMEM((NCH, CH), I32),
            pltpu.VMEM((NCH, CH), I32),
            pltpu.VMEM((3 * CH,), F32),
            pltpu.VMEM((3 * CH,), F32),
            pltpu.VMEM((3 * CH,), F32),
            pltpu.VMEM((3 * CH,), F32),
            pltpu.VMEM((NCH, CH), F32),
            pltpu.VMEM_SHARED((2 * NK,), F32),
            pltpu.VMEM_SHARED((2 * NK,), F32),
            pltpu.VMEM_SHARED((2 * NK,), F32),
            pltpu.VMEM_SHARED((NR,), F32),
            pltpu.VMEM_SHARED((NR,), F32),
            pltpu.VMEM_SHARED((NR,), F32),
            pltpu.SemaphoreType.DMA,
            pltpu.SemaphoreType.DMA,
        ],
    )(kxc, kyc, kzc, qxc[0], qxc[1], qxc[2], esrc, edst)

    gate = pl.pallas_call(
        _stage_c,
        grid=(2, NTILE),
        in_specs=[
            pl.BlockSpec((1, 1, 1, NCH * CH), lambda c, i: (c, i, 0, 0)),
            pl.BlockSpec((1, NB, DOUT), lambda c, i: (c, 0, 0)),
            pl.BlockSpec((1, NB, 1), lambda c, i: (c, 0, 0)),
            pl.BlockSpec((1, 1, 1), lambda c, i: (c, 0, 0)),
        ],
        out_specs=pl.BlockSpec((1, NCH * CH, DOUT), lambda c, i: (c, i, 0)),
        out_shape=jax.ShapeDtypeStruct((2, E, DOUT), F32),
    )(d2.reshape(2, NTILE, 1, NCH * CH), Wrs, cbs, isg)

    acc = pl.kernel(
        _stage_d,
        out_type=jax.ShapeDtypeStruct((2, NR, ACC_W), F32),
        mesh=mesh,
        scratch_types=[
            pltpu.VMEM((NCH, CH), I32),
            pltpu.VMEM((NCH, CH), I32),
            pltpu.VMEM((2, CH, ACC_W), F32),
            pltpu.VMEM((CH, DOUT), F32),
            pltpu.VMEM_SHARED((NR, ACC_W), F32),
            pltpu.SemaphoreType.DMA,
            pltpu.SemaphoreType.DMA,
            pltpu.SemaphoreType.DMA,
        ],
    )(kp0, kp1, gate, esrc_d, edst)

    qfv = vrot.transpose(2, 3, 1, 0).reshape(NT, NQ, 24)
    lv, av = pl.pallas_call(
        _stage_e1,
        grid=(NT,),
        in_specs=[
            pl.BlockSpec((2, NQ, ACC_W), lambda t: (0, t, 0)),
            pl.BlockSpec((1, 1, DOUT), lambda t: (t, 0, 0)),
            pl.BlockSpec((NQ, 32), lambda t: (0, 0)),
            pl.BlockSpec((1, NQ, 24), lambda t: (t, 0, 0)),
            pl.BlockSpec((DOUT + 56, 128), lambda t: (0, 0)),
            pl.BlockSpec((1, 128), lambda t: (0, 0)),
            pl.BlockSpec((128, 3), lambda t: (0, 0)),
            pl.BlockSpec((1, 3), lambda t: (0, 0)),
            pl.BlockSpec((DOUT + 56, 128), lambda t: (0, 0)),
            pl.BlockSpec((1, 128), lambda t: (0, 0)),
            pl.BlockSpec((128, 3), lambda t: (0, 0)),
            pl.BlockSpec((1, 3), lambda t: (0, 0)),
        ],
        out_specs=(
            pl.BlockSpec((1, NQ, 3), lambda t: (t, 0, 0)),
            pl.BlockSpec((1, NQ, 3), lambda t: (t, 0, 0)),
        ),
        out_shape=(
            jax.ShapeDtypeStruct((NT, NQ, 3), F32),
            jax.ShapeDtypeStruct((NT, NQ, 3), F32),
        ),
    )(acc, tdst.reshape(NT, 1, DOUT), scal, qfv, Wl1, bl1.reshape(1, 128),
      Wl2p, bl2p,
      Wa1, ba1.reshape(1, 128), Wa2p, ba2p)

    lvc = lv.transpose(2, 0, 1)
    avc = av.transpose(2, 0, 1)
    ang_out, lin_out = pl.pallas_call(
        _stage_e2,
        out_shape=(
            jax.ShapeDtypeStruct((NT, 3), F32),
            jax.ShapeDtypeStruct((NT, 3), F32),
        ),
    )(lvc, avc, qn, qxT, wrow)
    return (ang_out, lin_out)

# --- scband reference (transcript-rebuilt; emitter-appended) ---
"""Pipeline reference for scband-score-model-head-50062138802498 (READ-ONLY COPY).

The authoritative reference and input builder live on the scoring server;
editing this copy changes nothing except your own understanding.
"""

import jax, jax.numpy as jnp
import numpy as np

NT = 16
NQ = 512
NK = 50000
E = 131072
DKEY = 128
DQ = 56
DOUT = 112
TDIM = 128
NPRE = 12
NB = 16
MAX_TIME = 1000.0
LIN_MULT = 1.0


def quat_rotate(q, v):
    qw = q[..., :1]
    qv = q[..., 1:]
    t = 2.0 * jnp.cross(qv, v)
    return v + qw * t + jnp.cross(qv, t)


def setup_inputs(seed: int = 0):
    key = jax.random.key(seed)
    ks = jax.random.split(key, 32)
    inp = {}
    inp['Ts'] = jax.random.normal(ks[0], (NT, 7), dtype=jnp.float32)
    inp['time'] = jax.random.uniform(ks[1], (NT,), dtype=jnp.float32) * MAX_TIME
    inp['query_x'] = jax.random.normal(ks[2], (NQ, 3), dtype=jnp.float32)
    inp['query_f'] = jax.random.normal(ks[3], (NQ, DQ), dtype=jnp.float32)
    inp['query_w'] = jax.random.uniform(ks[4], (NQ,), dtype=jnp.float32)
    inp['key_x_s0'] = jax.random.normal(ks[5], (NK, 3), dtype=jnp.float32)
    inp['key_f_s0'] = jax.random.normal(ks[6], (NK, DKEY), dtype=jnp.float32)
    inp['key_x_s1'] = jax.random.normal(ks[7], (NK, 3), dtype=jnp.float32)
    inp['key_f_s1'] = jax.random.normal(ks[8], (NK, DKEY), dtype=jnp.float32)
    inp['edge_src_s0'] = jax.random.randint(ks[9], (E,), 0, NK, dtype=jnp.int32)
    inp['edge_dst_s0'] = jnp.sort(jax.random.randint(ks[10], (E,), 0, NT * NQ, dtype=jnp.int32))
    inp['edge_src_s1'] = jax.random.randint(ks[11], (E,), 0, NK, dtype=jnp.int32)
    inp['edge_dst_s1'] = jnp.sort(jax.random.randint(ks[12], (E,), 0, NT * NQ, dtype=jnp.int32))
    # learned parameters
    inp['Wr0'] = jax.random.normal(ks[13], (NB, DOUT), dtype=jnp.float32) * 0.25
    inp['Wmsg0'] = jax.random.normal(ks[14], (DKEY, DOUT), dtype=jnp.float32) * 0.09
    inp['Wr1'] = jax.random.normal(ks[15], (NB, DOUT), dtype=jnp.float32) * 0.25
    inp['Wmsg1'] = jax.random.normal(ks[16], (DKEY, DOUT), dtype=jnp.float32) * 0.09
    inp['Wqt'] = jax.random.normal(ks[17], (TDIM, TDIM), dtype=jnp.float32) * 0.09
    inp['bqt'] = jnp.zeros((TDIM,), dtype=jnp.float32)
    inp['Wdst'] = jax.random.normal(ks[18], (TDIM, DOUT), dtype=jnp.float32) * 0.09
    inp['bdst'] = jnp.zeros((DOUT,), dtype=jnp.float32)
    inp['Wl1'] = jax.random.normal(ks[19], (DOUT + DQ, 128), dtype=jnp.float32) * 0.08
    inp['bl1'] = jnp.zeros((128,), dtype=jnp.float32)
    inp['Wl2'] = jax.random.normal(ks[20], (128, 1 + NPRE * 3), dtype=jnp.float32) * 0.09
    inp['bl2'] = jnp.zeros((1 + NPRE * 3,), dtype=jnp.float32)
    inp['Wa1'] = jax.random.normal(ks[21], (DOUT + DQ, 128), dtype=jnp.float32) * 0.08
    inp['ba1'] = jnp.zeros((128,), dtype=jnp.float32)
    inp['Wa2'] = jax.random.normal(ks[22], (128, 1 + NPRE * 3), dtype=jnp.float32) * 0.09
    inp['ba2'] = jnp.zeros((1 + NPRE * 3,), dtype=jnp.float32)
    return inp


def reference(Ts, time, query_x, query_f, query_w, key_x_s0, key_f_s0, key_x_s1, key_f_s1,
              edge_src_s0, edge_dst_s0, edge_src_s1, edge_dst_s1,
              Wr0, Wmsg0, Wr1, Wmsg1, Wqt, bqt, Wdst, bdst,
              Wl1, bl1, Wl2, bl2, Wa1, ba1, Wa2, ba2):
    nT = Ts.shape[0]
    nQ = query_x.shape[0]
    q = Ts[:, :4]
    q = q / (jnp.linalg.norm(q, axis=-1, keepdims=True) + 1e-8)
    trans = Ts[:, 4:]

    # sinusoidal time encoding
    half = TDIM // 2
    freqs = jnp.exp(-jnp.log(10000.0) * jnp.arange(half, dtype=jnp.float32) / half)
    arg = time[:, None] * freqs[None, :]
    time_enc = jnp.concatenate([jnp.sin(arg), jnp.cos(arg)], axis=-1)

    # query time mlp (query_time_encoding=True path)
    qtime = time_enc @ Wqt + bqt
    qtime_flat = jnp.repeat(qtime, nQ, axis=0)

    # transform query pcd by poses Ts (TransformPcd): positions and l=1 feature irreps rotate
    qx_t = quat_rotate(q[:, None, :], query_x[None, :, :]) + trans[:, None, :]
    scal = query_f[:, :32]
    vec = query_f[:, 32:].reshape(nQ, 8, 3)
    vec_t = quat_rotate(q[:, None, None, :], vec[None, :, :, :])
    qf_t = jnp.concatenate([jnp.broadcast_to(scal[None], (nT, nQ, 32)), vec_t.reshape(nT, nQ, 24)], axis=-1)
    qx_flat = qx_t.reshape(nT * nQ, 3)
    qf_flat = qf_t.reshape(nT * nQ, DQ)

    def scale_field(key_x, key_f, src, dst, Wr, Wmsg, r_max):
        rel = key_x[src] - qx_flat[dst]
        dist = jnp.linalg.norm(rel, axis=-1)
        centers = jnp.linspace(0.0, r_max, NB)
        sigma = r_max / NB
        basis = jnp.exp(-0.5 * ((dist[:, None] - centers[None, :]) / sigma) ** 2)
        gate = basis @ Wr
        msg = (key_f[src] @ Wmsg) * gate
        agg = jax.ops.segment_sum(msg, dst, num_segments=nT * nQ)
        deg = jax.ops.segment_sum(jnp.ones_like(dist), dst, num_segments=nT * nQ)
        return agg / (deg[:, None] + 1e-6)

    key_feat = scale_field(key_x_s0, key_f_s0, edge_src_s0, edge_dst_s0, Wr0, Wmsg0, 1.0)
    key_feat = key_feat + scale_field(key_x_s1, key_f_s1, edge_src_s1, edge_dst_s1, Wr1, Wmsg1, 4.0)
    key_feat = key_feat + (qtime_flat @ Wdst + bdst)
    key_feat = jax.nn.silu(key_feat)

    h = jnp.concatenate([key_feat, qf_flat], axis=-1)
    lin = jax.nn.silu(h @ Wl1 + bl1) @ Wl2 + bl2
    ang = jax.nn.silu(h @ Wa1 + ba1) @ Wa2 + ba2

    lin_vel = lin[:, 1:].reshape(nT, nQ, NPRE, 3).mean(axis=-2)
    ang_spin = ang[:, 1:].reshape(nT, nQ, NPRE, 3).mean(axis=-2)

    qinv = jnp.concatenate([q[:, :1], -q[:, 1:]], axis=-1)[:, None, :]
    lin_vel = quat_rotate(qinv, lin_vel)
    ang_spin = quat_rotate(qinv, ang_spin)
    ang_orbital = jnp.cross(query_x[None, :, :] / LIN_MULT, lin_vel)
    lin_out = jnp.einsum('q,tqi->ti', query_w, lin_vel)
    ang_out = jnp.einsum('q,tqi->ti', query_w, ang_orbital) + jnp.einsum('q,tqi->ti', query_w, ang_spin)
    return (ang_out, lin_out)

if __name__ == "__main__":
    import jax
    _d = setup_inputs()
    print(jax.jit(kernel)(*tuple(_d.values())))

</pallas_src>

<mosaic_0001>
#map = affine_map<(d0, d1) -> (0, 0)>
#map1 = affine_map<(d0, d1) -> (0, 0, 0)>
#map2 = affine_map<(d0, d1) -> (0, 0, 0, 0)>
module attributes {stable_mosaic.version = 14 : i64} {
  func.func @_stage_d(%arg0: i32, %arg1: i32, %arg2: memref<50000x128xf32, #tpu.memory_space<hbm>>, %arg3: memref<50000x128xf32, #tpu.memory_space<hbm>>, %arg4: memref<2x131072x112xf32, #tpu.memory_space<hbm>>, %arg5: memref<2x16x64x128xi32, #tpu.memory_space<hbm>>, %arg6: memref<2x16x64x128xi32, #tpu.memory_space<hbm>>, %arg7: memref<2x8192x128xf32, #tpu.memory_space<hbm>>, %arg8: memref<64x128xi32, #tpu.memory_space<vmem>>, %arg9: memref<64x128xi32, #tpu.memory_space<vmem>>, %arg10: memref<2x128x128xf32, #tpu.memory_space<vmem>>, %arg11: memref<128x112xf32, #tpu.memory_space<vmem>>, %arg12: memref<8192x128xf32, #tpu.memory_space<vmem_shared>>, %arg13: memref<!tpu.dma_semaphore, #tpu.memory_space<semaphore_mem>>, %arg14: memref<!tpu.dma_semaphore, #tpu.memory_space<semaphore_mem>>, %arg15: memref<!tpu.dma_semaphore, #tpu.memory_space<semaphore_mem>>) attributes {dimension_semantics = [#tpu.dimension_semantics<core_parallel>, #tpu.dimension_semantics<subcore_parallel>], iteration_bounds = array<i64: 2, 16>, scalar_prefetch = 0 : i64, scratch_operands = 8 : i64, tpu.core_type = #tpu.core_type<sc_vector_subcore>, window_params = [{transform_indices = #map}, {transform_indices = #map}, {transform_indices = #map1}, {transform_indices = #map2}, {transform_indices = #map2}, {transform_indices = #map1}]} {
    "tpu.region"() ({
      %run_scoped3A_72 = tpu.sem_alloc : memref<!tpu.dma_semaphore, #tpu.memory_space<semaphore_mem>>
      %dma_start3A_73 = arith.constant 0 : i32
      %dma_start3A_74 = arith.constant 0 : i32
      %dma_start3A_75 = tpu.memref_slice %arg5[%arg0, %arg1, %dma_start3A_73, %dma_start3A_74] : memref<2x16x64x128xi32, #tpu.memory_space<hbm>> -> memref<1x1x64x128xi32, #tpu.memory_space<hbm>>
      %dma_start3A_76 = tpu.memref_squeeze %dma_start3A_75 : memref<1x1x64x128xi32, #tpu.memory_space<hbm>> -> memref<64x128xi32, #tpu.memory_space<hbm>>
      %dma_start3A_77 = arith.constant 0 : i32
      %dma_start3A_78 = arith.constant 0 : i32
      %dma_start3A_79 = tpu.memref_slice %arg5[%arg0, %arg1, %dma_start3A_77, %dma_start3A_78] : memref<2x16x64x128xi32, #tpu.memory_space<hbm>> -> memref<1x1x64x128xi32, #tpu.memory_space<hbm>>
      %dma_start3A_80 = tpu.memref_squeeze %dma_start3A_79 : memref<1x1x64x128xi32, #tpu.memory_space<hbm>> -> memref<64x128xi32, #tpu.memory_space<hbm>>
      tpu.enqueue_dma source(%dma_start3A_80 : memref<64x128xi32, #tpu.memory_space<hbm>>) target(%arg8 : memref<64x128xi32, #tpu.memory_space<vmem>>) target_semaphore(%run_scoped3A_72 : memref<!tpu.dma_semaphore, #tpu.memory_space<semaphore_mem>>)
      %dma_wait3A = arith.constant 0 : i32
      %dma_wait3A_81 = arith.constant 0 : i32
      %dma_wait3A_82 = tpu.memref_slice %arg5[%arg0, %arg1, %dma_wait3A, %dma_wait3A_81] : memref<2x16x64x128xi32, #tpu.memory_space<hbm>> -> memref<1x1x64x128xi32, #tpu.memory_space<hbm>>
      %dma_wait3A_83 = tpu.memref_squeeze %dma_wait3A_82 : memref<1x1x64x128xi32, #tpu.memory_space<hbm>> -> memref<64x128xi32, #tpu.memory_space<hbm>>
      %dma_wait3A_84 = arith.constant 0 : i32
      %dma_wait3A_85 = arith.constant 0 : i32
      %dma_wait3A_86 = tpu.memref_slice %arg5[%arg0, %arg1, %dma_wait3A_84, %dma_wait3A_85] : memref<2x16x64x128xi32, #tpu.memory_space<hbm>> -> memref<1x1x64x128xi32, #tpu.memory_space<hbm>>
      %dma_wait3A_87 = tpu.memref_squeeze %dma_wait3A_86 : memref<1x1x64x128xi32, #tpu.memory_space<hbm>> -> memref<64x128xi32, #tpu.memory_space<hbm>>
      tpu.wait_dma2 semaphore(%run_scoped3A_72 : memref<!tpu.dma_semaphore, #tpu.memory_space<semaphore_mem>>) src(%dma_wait3A_87 : memref<64x128xi32, #tpu.memory_space<hbm>>) dst(%arg8 : memref<64x128xi32, #tpu.memory_space<vmem>>)
      tpu.yield
    }) : () -> ()
    "tpu.region"() ({
      %run_scoped3A_72 = tpu.sem_alloc : memref<!tpu.dma_semaphore, #tpu.memory_space<semaphore_mem>>
      %dma_start3A_73 = arith.constant 0 : i32
      %dma_start3A_74 = arith.constant 0 : i32
      %dma_start3A_75 = tpu.memref_slice %arg6[%arg0, %arg1, %dma_start3A_73, %dma_start3A_74] : memref<2x16x64x128xi32, #tpu.memory_space<hbm>> -> memref<1x1x64x128xi32, #tpu.memory_space<hbm>>
      %dma_start3A_76 = tpu.memref_squeeze %dma_start3A_75 : memref<1x1x64x128xi32, #tpu.memory_space<hbm>> -> memref<64x128xi32, #tpu.memory_space<hbm>>
      %dma_start3A_77 = arith.constant 0 : i32
      %dma_start3A_78 = arith.constant 0 : i32
      %dma_start3A_79 = tpu.memref_slice %arg6[%arg0, %arg1, %dma_start3A_77, %dma_start3A_78] : memref<2x16x64x128xi32, #tpu.memory_space<hbm>> -> memref<1x1x64x128xi32, #tpu.memory_space<hbm>>
      %dma_start3A_80 = tpu.memref_squeeze %dma_start3A_79 : memref<1x1x64x128xi32, #tpu.memory_space<hbm>> -> memref<64x128xi32, #tpu.memory_space<hbm>>
      tpu.enqueue_dma source(%dma_start3A_80 : memref<64x128xi32, #tpu.memory_space<hbm>>) target(%arg9 : memref<64x128xi32, #tpu.memory_space<vmem>>) target_semaphore(%run_scoped3A_72 : memref<!tpu.dma_semaphore, #tpu.memory_space<semaphore_mem>>)
      %dma_wait3A = arith.constant 0 : i32
      %dma_wait3A_81 = arith.constant 0 : i32
      %dma_wait3A_82 = tpu.memref_slice %arg6[%arg0, %arg1, %dma_wait3A, %dma_wait3A_81] : memref<2x16x64x128xi32, #tpu.memory_space<hbm>> -> memref<1x1x64x128xi32, #tpu.memory_space<hbm>>
      %dma_wait3A_83 = tpu.memref_squeeze %dma_wait3A_82 : memref<1x1x64x128xi32, #tpu.memory_space<hbm>> -> memref<64x128xi32, #tpu.memory_space<hbm>>
      %dma_wait3A_84 = arith.constant 0 : i32
      %dma_wait3A_85 = arith.constant 0 : i32
      %dma_wait3A_86 = tpu.memref_slice %arg6[%arg0, %arg1, %dma_wait3A_84, %dma_wait3A_85] : memref<2x16x64x128xi32, #tpu.memory_space<hbm>> -> memref<1x1x64x128xi32, #tpu.memory_space<hbm>>
      %dma_wait3A_87 = tpu.memref_squeeze %dma_wait3A_86 : memref<1x1x64x128xi32, #tpu.memory_space<hbm>> -> memref<64x128xi32, #tpu.memory_space<hbm>>
      tpu.wait_dma2 semaphore(%run_scoped3A_72 : memref<!tpu.dma_semaphore, #tpu.memory_space<semaphore_mem>>) src(%dma_wait3A_87 : memref<64x128xi32, #tpu.memory_space<hbm>>) dst(%arg9 : memref<64x128xi32, #tpu.memory_space<vmem>>)
      tpu.yield
    }) : () -> ()
    %broadcast_in_dim3A = arith.constant 0.000000e+00 : f32
    %broadcast_in_dim3A_0 = vector.broadcast %broadcast_in_dim3A : f32 to vector<16xf32>
    %scan3A = arith.constant 0 : i32
    %scan3A_1 = arith.constant 0 : i32
    %scan3A_2 = arith.constant 128 : i32
    %scan3A_3 = arith.addi %scan3A_1, %scan3A_2 : i32
    %scan3A_4 = arith.constant 1 : i32
    scf.for %scan3A_72 = %scan3A_1 to %scan3A_3 step %scan3A_4  : i32 {
      %swap3A = arith.constant 0 : i32
      %swap3A_73 = arith.index_cast %swap3A : i32 to index
      %swap3A_74 = arith.index_cast %scan3A_72 : i32 to index
      %swap3A_75 = arith.constant 0 : index
      %swap3A_76 = tpu.vector_load %arg10[%swap3A_73, %swap3A_74, %swap3A_75] {strides = array<i32>} : memref<2x128x128xf32, #tpu.memory_space<vmem>>, vector<1x1x16xf32>,
      %swap3A_77 = vector.shape_cast %swap3A_76 : vector<1x1x16xf32> to vector<16xf32>
      %swap3A_78 = vector.shape_cast %broadcast_in_dim3A_0 : vector<16xf32> to vector<1x1x16xf32>
      tpu.vector_store %arg10[%swap3A_73, %swap3A_74, %swap3A_75], %swap3A_78 {strides = array<i32>} : memref<2x128x128xf32, #tpu.memory_space<vmem>>, vector<1x1x16xf32>,
      %swap3A_79 = arith.constant 0 : i32
      %swap3A_80 = arith.index_cast %swap3A_79 : i32 to index
      %swap3A_81 = arith.index_cast %scan3A_72 : i32 to index
      %swap3A_82 = arith.constant 16 : index
      %swap3A_83 = tpu.vector_load %arg10[%swap3A_80, %swap3A_81, %swap3A_82] {strides = array<i32>} : memref<2x128x128xf32, #tpu.memory_space<vmem>>, vector<1x1x16xf32>,
      %swap3A_84 = vector.shape_cast %swap3A_83 : vector<1x1x16xf32> to vector<16xf32>
      %swap3A_85 = vector.shape_cast %broadcast_in_dim3A_0 : vector<16xf32> to vector<1x1x16xf32>
      tpu.vector_store %arg10[%swap3A_80, %swap3A_81, %swap3A_82], %swap3A_85 {strides = array<i32>} : memref<2x128x128xf32, #tpu.memory_space<vmem>>, vector<1x1x16xf32>,
      %swap3A_86 = arith.constant 0 : i32
      %swap3A_87 = arith.index_cast %swap3A_86 : i32 to index
      %swap3A_88 = arith.index_cast %scan3A_72 : i32 to index
      %swap3A_89 = arith.constant 32 : index
      %swap3A_90 = tpu.vector_load %arg10[%swap3A_87, %swap3A_88, %swap3A_89] {strides = array<i32>} : memref<2x128x128xf32, #tpu.memory_space<vmem>>, vector<1x1x16xf32>,
      %swap3A_91 = vector.shape_cast %swap3A_90 : vector<1x1x16xf32> to vector<16xf32>
      %swap3A_92 = vector.shape_cast %broadcast_in_dim3A_0 : vector<16xf32> to vector<1x1x16xf32>
      tpu.vector_store %arg10[%swap3A_87, %swap3A_88, %swap3A_89], %swap3A_92 {strides = array<i32>} : memref<2x128x128xf32, #tpu.memory_space<vmem>>, vector<1x1x16xf32>,
      %swap3A_93 = arith.constant 0 : i32
      %swap3A_94 = arith.index_cast %swap3A_93 : i32 to index
      %swap3A_95 = arith.index_cast %scan3A_72 : i32 to index
      %swap3A_96 = arith.constant 48 : index
      %swap3A_97 = tpu.vector_load %arg10[%swap3A_94, %swap3A_95, %swap3A_96] {strides = array<i32>} : memref<2x128x128xf32, #tpu.memory_space<vmem>>, vector<1x1x16xf32>,
      %swap3A_98 = vector.shape_cast %swap3A_97 : vector<1x1x16xf32> to vector<16xf32>
      %swap3A_99 = vector.shape_cast %broadcast_in_dim3A_0 : vector<16xf32> to vector<1x1x16xf32>
      tpu.vector_store %arg10[%swap3A_94, %swap3A_95, %swap3A_96], %swap3A_99 {strides = array<i32>} : memref<2x128x128xf32, #tpu.memory_space<vmem>>, vector<1x1x16xf32>,
      %swap3A_100 = arith.constant 0 : i32
      %swap3A_101 = arith.index_cast %swap3A_100 : i32 to index
      %swap3A_102 = arith.index_cast %scan3A_72 : i32 to index
      %swap3A_103 = arith.constant 64 : index
      %swap3A_104 = tpu.vector_load %arg10[%swap3A_101, %swap3A_102, %swap3A_103] {strides = array<i32>} : memref<2x128x128xf32, #tpu.memory_space<vmem>>, vector<1x1x16xf32>,
      %swap3A_105 = vector.shape_cast %swap3A_104 : vector<1x1x16xf32> to vector<16xf32>
      %swap3A_106 = vector.shape_cast %broadcast_in_dim3A_0 : vector<16xf32> to vector<1x1x16xf32>
      tpu.vector_store %arg10[%swap3A_101, %swap3A_102, %swap3A_103], %swap3A_106 {strides = array<i32>} : memref<2x128x128xf32, #tpu.memory_space<vmem>>, vector<1x1x16xf32>,
      %swap3A_107 = arith.constant 0 : i32
      %swap3A_108 = arith.index_cast %swap3A_107 : i32 to index
      %swap3A_109 = arith.index_cast %scan3A_72 : i32 to index
      %swap3A_110 = arith.constant 80 : index
      %swap3A_111 = tpu.vector_load %arg10[%swap3A_108, %swap3A_109, %swap3A_110] {strides = array<i32>} : memref<2x128x128xf32, #tpu.memory_space<vmem>>, vector<1x1x16xf32>,
      %swap3A_112 = vector.shape_cast %swap3A_111 : vector<1x1x16xf32> to vector<16xf32>
      %swap3A_113 = vector.shape_cast %broadcast_in_dim3A_0 : vector<16xf32> to vector<1x1x16xf32>
      tpu.vector_store %arg10[%swap3A_108, %swap3A_109, %swap3A_110], %swap3A_113 {strides = array<i32>} : memref<2x128x128xf32, #tpu.memory_space<vmem>>, vector<1x1x16xf32>,
      %swap3A_114 = arith.constant 0 : i32
      %swap3A_115 = arith.index_cast %swap3A_114 : i32 to index
      %swap3A_116 = arith.index_cast %scan3A_72 : i32 to index
      %swap3A_117 = arith.constant 96 : index
      %swap3A_118 = tpu.vector_load %arg10[%swap3A_115, %swap3A_116, %swap3A_117] {strides = array<i32>} : memref<2x128x128xf32, #tpu.memory_space<vmem>>, vector<1x1x16xf32>,
      %swap3A_119 = vector.shape_cast %swap3A_118 : vector<1x1x16xf32> to vector<16xf32>
      %swap3A_120 = vector.shape_cast %broadcast_in_dim3A_0 : vector<16xf32> to vector<1x1x16xf32>
      tpu.vector_store %arg10[%swap3A_115, %swap3A_116, %swap3A_117], %swap3A_120 {strides = array<i32>} : memref<2x128x128xf32, #tpu.memory_space<vmem>>, vector<1x1x16xf32>,
      %swap3A_121 = arith.constant 0 : i32
      %swap3A_122 = arith.index_cast %swap3A_121 : i32 to index
      %swap3A_123 = arith.index_cast %scan3A_72 : i32 to index
      %swap3A_124 = arith.constant 112 : index
      %swap3A_125 = tpu.vector_load %arg10[%swap3A_122, %swap3A_123, %swap3A_124] {strides = array<i32>} : memref<2x128x128xf32, #tpu.memory_space<vmem>>, vector<1x1x16xf32>,
      %swap3A_126 = vector.shape_cast %swap3A_125 : vector<1x1x16xf32> to vector<16xf32>
      %swap3A_127 = vector.shape_cast %broadcast_in_dim3A_0 : vector<16xf32> to vector<1x1x16xf32>
      tpu.vector_store %arg10[%swap3A_122, %swap3A_123, %swap3A_124], %swap3A_127 {strides = array<i32>} : memref<2x128x128xf32, #tpu.memory_space<vmem>>, vector<1x1x16xf32>,
    }
    %scan3A_5 = arith.constant 128 : i32
    %mul3A = arith.constant 512 : i32
    %mul3A_6 = arith.muli %arg1, %mul3A : i32
    %add3A = arith.constant 0 : i32
    %add3A_7 = arith.addi %mul3A_6, %add3A : i32
    %run_scoped3A = arith.constant 0 : i32
    "tpu.region"() ({
      %run_scoped3A_72 = tpu.sem_alloc : memref<!tpu.dma_semaphore, #tpu.memory_space<semaphore_mem>>
      %dma_start3A_73 = arith.constant 0 : i32
      %dma_start3A_74 = arith.constant 0 : i32
      %dma_start3A_75 = tpu.memref_slice %arg10[%run_scoped3A, %dma_start3A_73, %dma_start3A_74] : memref<2x128x128xf32, #tpu.memory_space<vmem>> -> memref<1x128x128xf32, #tpu.memory_space<vmem>>
      %dma_start3A_76 = tpu.memref_squeeze %dma_start3A_75 : memref<1x128x128xf32, #tpu.memory_space<vmem>> -> memref<128x128xf32, #tpu.memory_space<vmem>>
      %dma_start3A_77 = arith.constant 0 : i32
      %dma_start3A_78 = tpu.memref_slice %arg12[%add3A_7, %dma_start3A_77] : memref<8192x128xf32, #tpu.memory_space<vmem_shared>> -> memref<128x128xf32, #tpu.memory_space<vmem_shared>>
      %dma_start3A_79 = arith.constant 0 : i32
      %dma_start3A_80 = tpu.memref_slice %arg12[%add3A_7, %dma_start3A_79] : memref<8192x128xf32, #tpu.memory_space<vmem_shared>> -> memref<128x128xf32, #tpu.memory_space<vmem_shared>>
      %dma_start3A_81 = arith.constant 0 : i32
      %dma_start3A_82 = arith.constant 0 : i32
      %dma_start3A_83 = tpu.memref_slice %arg10[%run_scoped3A, %dma_start3A_81, %dma_start3A_82] : memref<2x128x128xf32, #tpu.memory_space<vmem>> -> memref<1x128x128xf32, #tpu.memory_space<vmem>>
      %dma_start3A_84 = tpu.memref_squeeze %dma_start3A_83 : memref<1x128x128xf32, #tpu.memory_space<vmem>> -> memref<128x128xf32, #tpu.memory_space<vmem>>
      tpu.enqueue_dma source(%dma_start3A_84 : memref<128x128xf32, #tpu.memory_space<vmem>>) target(%dma_start3A_80 : memref<128x128xf32, #tpu.memory_space<vmem_shared>>) target_semaphore(%run_scoped3A_72 : memref<!tpu.dma_semaphore, #tpu.memory_space<semaphore_mem>>)
      %dma_wait3A = arith.constant 0 : i32
      %dma_wait3A_85 = arith.constant 0 : i32
      %dma_wait3A_86 = tpu.memref_slice %arg10[%run_scoped3A, %dma_wait3A, %dma_wait3A_85] : memref<2x128x128xf32, #tpu.memory_space<vmem>> -> memref<1x128x128xf32, #tpu.memory_space<vmem>>
      %dma_wait3A_87 = tpu.memref_squeeze %dma_wait3A_86 : memref<1x128x128xf32, #tpu.memory_space<vmem>> -> memref<128x128xf32, #tpu.memory_space<vmem>>
      %dma_wait3A_88 = arith.constant 0 : i32
      %dma_wait3A_89 = tpu.memref_slice %arg12[%add3A_7, %dma_wait3A_88] : memref<8192x128xf32, #tpu.memory_space<vmem_shared>> -> memref<128x128xf32, #tpu.memory_space<vmem_shared>>
      %dma_wait3A_90 = arith.constant 0 : i32
      %dma_wait3A_91 = tpu.memref_slice %arg12[%add3A_7, %dma_wait3A_90] : memref<8192x128xf32, #tpu.memory_space<vmem_shared>> -> memref<128x128xf32, #tpu.memory_space<vmem_shared>>
      %dma_wait3A_92 = arith.constant 0 : i32
      %dma_wait3A_93 = arith.constant 0 : i32
      %dma_wait3A_94 = tpu.memref_slice %arg10[%run_scoped3A, %dma_wait3A_92, %dma_wait3A_93] : memref<2x128x128xf32, #tpu.memory_space<vmem>> -> memref<1x128x128xf32, #tpu.memory_space<vmem>>
      %dma_wait3A_95 = tpu.memref_squeeze %dma_wait3A_94 : memref<1x128x128xf32, #tpu.memory_space<vmem>> -> memref<128x128xf32, #tpu.memory_space<vmem>>
      tpu.wait_dma2 semaphore(%run_scoped3A_72 : memref<!tpu.dma_semaphore, #tpu.memory_space<semaphore_mem>>) src(%dma_wait3A_95 : memref<128x128xf32, #tpu.memory_space<vmem>>) dst(%dma_wait3A_91 : memref<128x128xf32, #tpu.memory_space<vmem_shared>>)
      tpu.yield
    }) : () -> ()
    %mul3A_8 = arith.constant 512 : i32
    %mul3A_9 = arith.muli %arg1, %mul3A_8 : i32
    %add3A_10 = arith.constant 128 : i32
    %add3A_11 = arith.addi %mul3A_9, %add3A_10 : i32
    %run_scoped3A_12 = arith.constant 0 : i32
    "tpu.region"() ({
      %run_scoped3A_72 = tpu.sem_alloc : memref<!tpu.dma_semaphore, #tpu.memory_space<semaphore_mem>>
      %dma_start3A_73 = arith.constant 0 : i32
      %dma_start3A_74 = arith.constant 0 : i32
      %dma_start3A_75 = tpu.memref_slice %arg10[%run_scoped3A_12, %dma_start3A_73, %dma_start3A_74] : memref<2x128x128xf32, #tpu.memory_space<vmem>> -> memref<1x128x128xf32, #tpu.memory_space<vmem>>
      %dma_start3A_76 = tpu.memref_squeeze %dma_start3A_75 : memref<1x128x128xf32, #tpu.memory_space<vmem>> -> memref<128x128xf32, #tpu.memory_space<vmem>>
      %dma_start3A_77 = arith.constant 0 : i32
      %dma_start3A_78 = tpu.memref_slice %arg12[%add3A_11, %dma_start3A_77] : memref<8192x128xf32, #tpu.memory_space<vmem_shared>> -> memref<128x128xf32, #tpu.memory_space<vmem_shared>>
      %dma_start3A_79 = arith.constant 0 : i32
      %dma_start3A_80 = tpu.memref_slice %arg12[%add3A_11, %dma_start3A_79] : memref<8192x128xf32, #tpu.memory_space<vmem_shared>> -> memref<128x128xf32, #tpu.memory_space<vmem_shared>>
      %dma_start3A_81 = arith.constant 0 : i32
      %dma_start3A_82 = arith.constant 0 : i32
      %dma_start3A_83 = tpu.memref_slice %arg10[%run_scoped3A_12, %dma_start3A_81, %dma_start3A_82] : memref<2x128x128xf32, #tpu.memory_space<vmem>> -> memref<1x128x128xf32, #tpu.memory_space<vmem>>
      %dma_start3A_84 = tpu.memref_squeeze %dma_start3A_83 : memref<1x128x128xf32, #tpu.memory_space<vmem>> -> memref<128x128xf32, #tpu.memory_space<vmem>>
      tpu.enqueue_dma source(%dma_start3A_84 : memref<128x128xf32, #tpu.memory_space<vmem>>) target(%dma_start3A_80 : memref<128x128xf32, #tpu.memory_space<vmem_shared>>) target_semaphore(%run_scoped3A_72 : memref<!tpu.dma_semaphore, #tpu.memory_space<semaphore_mem>>)
      %dma_wait3A = arith.constant 0 : i32
      %dma_wait3A_85 = arith.constant 0 : i32
      %dma_wait3A_86 = tpu.memref_slice %arg10[%run_scoped3A_12, %dma_wait3A, %dma_wait3A_85] : memref<2x128x128xf32, #tpu.memory_space<vmem>> -> memref<1x128x128xf32, #tpu.memory_space<vmem>>
      %dma_wait3A_87 = tpu.memref_squeeze %dma_wait3A_86 : memref<1x128x128xf32, #tpu.memory_space<vmem>> -> memref<128x128xf32, #tpu.memory_space<vmem>>
      %dma_wait3A_88 = arith.constant 0 : i32
      %dma_wait3A_89 = tpu.memref_slice %arg12[%add3A_11, %dma_wait3A_88] : memref<8192x128xf32, #tpu.memory_space<vmem_shared>> -> memref<128x128xf32, #tpu.memory_space<vmem_shared>>
      %dma_wait3A_90 = arith.constant 0 : i32
      %dma_wait3A_91 = tpu.memref_slice %arg12[%add3A_11, %dma_wait3A_90] : memref<8192x128xf32, #tpu.memory_space<vmem_shared>> -> memref<128x128xf32, #tpu.memory_space<vmem_shared>>
      %dma_wait3A_92 = arith.constant 0 : i32
      %dma_wait3A_93 = arith.constant 0 : i32
      %dma_wait3A_94 = tpu.memref_slice %arg10[%run_scoped3A_12, %dma_wait3A_92, %dma_wait3A_93] : memref<2x128x128xf32, #tpu.memory_space<vmem>> -> memref<1x128x128xf32, #tpu.memory_space<vmem>>
      %dma_wait3A_95 = tpu.memref_squeeze %dma_wait3A_94 : memref<1x128x128xf32, #tpu.memory_space<vmem>> -> memref<128x128xf32, #tpu.memory_space<vmem>>
      tpu.wait_dma2 semaphore(%run_scoped3A_72 : memref<!tpu.dma_semaphore, #tpu.memory_space<semaphore_mem>>) src(%dma_wait3A_95 : memref<128x128xf32, #tpu.memory_space<vmem>>) dst(%dma_wait3A_91 : memref<128x128xf32, #tpu.memory_space<vmem_shared>>)
      tpu.yield
    }) : () -> ()
    %mul3A_13 = arith.constant 512 : i32
    %mul3A_14 = arith.muli %arg1, %mul3A_13 : i32
    %add3A_15 = arith.constant 256 : i32
    %add3A_16 = arith.addi %mul3A_14, %add3A_15 : i32
    %run_scoped3A_17 = arith.constant 0 : i32
    "tpu.region"() ({
      %run_scoped3A_72 = tpu.sem_alloc : memref<!tpu.dma_semaphore, #tpu.memory_space<semaphore_mem>>
      %dma_start3A_73 = arith.constant 0 : i32
      %dma_start3A_74 = arith.constant 0 : i32
      %dma_start3A_75 = tpu.memref_slice %arg10[%run_scoped3A_17, %dma_start3A_73, %dma_start3A_74] : memref<2x128x128xf32, #tpu.memory_space<vmem>> -> memref<1x128x128xf32, #tpu.memory_space<vmem>>
      %dma_start3A_76 = tpu.memref_squeeze %dma_start3A_75 : memref<1x128x128xf32, #tpu.memory_space<vmem>> -> memref<128x128xf32, #tpu.memory_space<vmem>>
      %dma_start3A_77 = arith.constant 0 : i32
      %dma_start3A_78 = tpu.memref_slice %arg12[%add3A_16, %dma_start3A_77] : memref<8192x128xf32, #tpu.memory_space<vmem_shared>> -> memref<128x128xf32, #tpu.memory_space<vmem_shared>>
      %dma_start3A_79 = arith.constant 0 : i32
      %dma_start3A_80 = tpu.memref_slice %arg12[%add3A_16, %dma_start3A_79] : memref<8192x128xf32, #tpu.memory_space<vmem_shared>> -> memref<128x128xf32, #tpu.memory_space<vmem_shared>>
      %dma_start3A_81 = arith.constant 0 : i32
      %dma_start3A_82 = arith.constant 0 : i32
      %dma_start3A_83 = tpu.memref_slice %arg10[%run_scoped3A_17, %dma_start3A_81, %dma_start3A_82] : memref<2x128x128xf32, #tpu.memory_space<vmem>> -> memref<1x128x128xf32, #tpu.memory_space<vmem>>
      %dma_start3A_84 = tpu.memref_squeeze %dma_start3A_83 : memref<1x128x128xf32, #tpu.memory_space<vmem>> -> memref<128x128xf32, #tpu.memory_space<vmem>>
      tpu.enqueue_dma source(%dma_start3A_84 : memref<128x128xf32, #tpu.memory_space<vmem>>) target(%dma_start3A_80 : memref<128x128xf32, #tpu.memory_space<vmem_shared>>) target_semaphore(%run_scoped3A_72 : memref<!tpu.dma_semaphore, #tpu.memory_space<semaphore_mem>>)
      %dma_wait3A = arith.constant 0 : i32
      %dma_wait3A_85 = arith.constant 0 : i32
      %dma_wait3A_86 = tpu.memref_slice %arg10[%run_scoped3A_17, %dma_wait3A, %dma_wait3A_85] : memref<2x128x128xf32, #tpu.memory_space<vmem>> -> memref<1x128x128xf32, #tpu.memory_space<vmem>>
      %dma_wait3A_87 = tpu.memref_squeeze %dma_wait3A_86 : memref<1x128x128xf32, #tpu.memory_space<vmem>> -> memref<128x128xf32, #tpu.memory_space<vmem>>
      %dma_wait3A_88 = arith.constant 0 : i32
      %dma_wait3A_89 = tpu.memref_slice %arg12[%add3A_16, %dma_wait3A_88] : memref<8192x128xf32, #tpu.memory_space<vmem_shared>> -> memref<128x128xf32, #tpu.memory_space<vmem_shared>>
      %dma_wait3A_90 = arith.constant 0 : i32
      %dma_wait3A_91 = tpu.memref_slice %arg12[%add3A_16, %dma_wait3A_90] : memref<8192x128xf32, #tpu.memory_space<vmem_shared>> -> memref<128x128xf32, #tpu.memory_space<vmem_shared>>
      %dma_wait3A_92 = arith.constant 0 : i32
      %dma_wait3A_93 = arith.constant 0 : i32
      %dma_wait3A_94 = tpu.memref_slice %arg10[%run_scoped3A_17, %dma_wait3A_92, %dma_wait3A_93] : memref<2x128x128xf32, #tpu.memory_space<vmem>> -> memref<1x128x128xf32, #tpu.memory_space<vmem>>
      %dma_wait3A_95 = tpu.memref_squeeze %dma_wait3A_94 : memref<1x128x128xf32, #tpu.memory_space<vmem>> -> memref<128x128xf32, #tpu.memory_space<vmem>>
      tpu.wait_dma2 semaphore(%run_scoped3A_72 : memref<!tpu.dma_semaphore, #tpu.memory_space<semaphore_mem>>) src(%dma_wait3A_95 : memref<128x128xf32, #tpu.memory_space<vmem>>) dst(%dma_wait3A_91 : memref<128x128xf32, #tpu.memory_space<vmem_shared>>)
      tpu.yield
    }) : () -> ()
    %mul3A_18 = arith.constant 512 : i32
    %mul3A_19 = arith.muli %arg1, %mul3A_18 : i32
    %add3A_20 = arith.constant 384 : i32
    %add3A_21 = arith.addi %mul3A_19, %add3A_20 : i32
    %run_scoped3A_22 = arith.constant 0 : i32
    "tpu.region"() ({
      %run_scoped3A_72 = tpu.sem_alloc : memref<!tpu.dma_semaphore, #tpu.memory_space<semaphore_mem>>
      %dma_start3A_73 = arith.constant 0 : i32
      %dma_start3A_74 = arith.constant 0 : i32
      %dma_start3A_75 = tpu.memref_slice %arg10[%run_scoped3A_22, %dma_start3A_73, %dma_start3A_74] : memref<2x128x128xf32, #tpu.memory_space<vmem>> -> memref<1x128x128xf32, #tpu.memory_space<vmem>>
      %dma_start3A_76 = tpu.memref_squeeze %dma_start3A_75 : memref<1x128x128xf32, #tpu.memory_space<vmem>> -> memref<128x128xf32, #tpu.memory_space<vmem>>
      %dma_start3A_77 = arith.constant 0 : i32
      %dma_start3A_78 = tpu.memref_slice %arg12[%add3A_21, %dma_start3A_77] : memref<8192x128xf32, #tpu.memory_space<vmem_shared>> -> memref<128x128xf32, #tpu.memory_space<vmem_shared>>
      %dma_start3A_79 = arith.constant 0 : i32
      %dma_start3A_80 = tpu.memref_slice %arg12[%add3A_21, %dma_start3A_79] : memref<8192x128xf32, #tpu.memory_space<vmem_shared>> -> memref<128x128xf32, #tpu.memory_space<vmem_shared>>
      %dma_start3A_81 = arith.constant 0 : i32
      %dma_start3A_82 = arith.constant 0 : i32
      %dma_start3A_83 = tpu.memref_slice %arg10[%run_scoped3A_22, %dma_start3A_81, %dma_start3A_82] : memref<2x128x128xf32, #tpu.memory_space<vmem>> -> memref<1x128x128xf32, #tpu.memory_space<vmem>>
      %dma_start3A_84 = tpu.memref_squeeze %dma_start3A_83 : memref<1x128x128xf32, #tpu.memory_space<vmem>> -> memref<128x128xf32, #tpu.memory_space<vmem>>
      tpu.enqueue_dma source(%dma_start3A_84 : memref<128x128xf32, #tpu.memory_space<vmem>>) target(%dma_start3A_80 : memref<128x128xf32, #tpu.memory_space<vmem_shared>>) target_semaphore(%run_scoped3A_72 : memref<!tpu.dma_semaphore, #tpu.memory_space<semaphore_mem>>)
      %dma_wait3A = arith.constant 0 : i32
      %dma_wait3A_85 = arith.constant 0 : i32
      %dma_wait3A_86 = tpu.memref_slice %arg10[%run_scoped3A_22, %dma_wait3A, %dma_wait3A_85] : memref<2x128x128xf32, #tpu.memory_space<vmem>> -> memref<1x128x128xf32, #tpu.memory_space<vmem>>
      %dma_wait3A_87 = tpu.memref_squeeze %dma_wait3A_86 : memref<1x128x128xf32, #tpu.memory_space<vmem>> -> memref<128x128xf32, #tpu.memory_space<vmem>>
      %dma_wait3A_88 = arith.constant 0 : i32
      %dma_wait3A_89 = tpu.memref_slice %arg12[%add3A_21, %dma_wait3A_88] : memref<8192x128xf32, #tpu.memory_space<vmem_shared>> -> memref<128x128xf32, #tpu.memory_space<vmem_shared>>
      %dma_wait3A_90 = arith.constant 0 : i32
      %dma_wait3A_91 = tpu.memref_slice %arg12[%add3A_21, %dma_wait3A_90] : memref<8192x128xf32, #tpu.memory_space<vmem_shared>> -> memref<128x128xf32, #tpu.memory_space<vmem_shared>>
      %dma_wait3A_92 = arith.constant 0 : i32
      %dma_wait3A_93 = arith.constant 0 : i32
      %dma_wait3A_94 = tpu.memref_slice %arg10[%run_scoped3A_22, %dma_wait3A_92, %dma_wait3A_93] : memref<2x128x128xf32, #tpu.memory_space<vmem>> -> memref<1x128x128xf32, #tpu.memory_space<vmem>>
      %dma_wait3A_95 = tpu.memref_squeeze %dma_wait3A_94 : memref<1x128x128xf32, #tpu.memory_space<vmem>> -> memref<128x128xf32, #tpu.memory_space<vmem>>
      tpu.wait_dma2 semaphore(%run_scoped3A_72 : memref<!tpu.dma_semaphore, #tpu.memory_space<semaphore_mem>>) src(%dma_wait3A_95 : memref<128x128xf32, #tpu.memory_space<vmem>>) dst(%dma_wait3A_91 : memref<128x128xf32, #tpu.memory_space<vmem_shared>>)
      tpu.yield
    }) : () -> ()
    %barrier3A = arith.constant 0 : index
    tpu.barrier barrier_id(%barrier3A)
    %iota3A = tpu.iota {dimensions = array<i32: 0>} : vector<16xi32>
    %eq3A = arith.constant 0 : i32
    %eq3A_23 = vector.broadcast %eq3A : i32 to vector<16xi32>
    %eq3A_24 = arith.cmpi eq, %iota3A, %eq3A_23 : vector<16xi32>
    %jit3A = arith.constant 1.000000e+00 : f32
    %jit3A_25 = arith.constant 0.000000e+00 : f32
    %broadcast_in_dim3A_26 = vector.broadcast %jit3A : f32 to vector<16xf32>
    %broadcast_in_dim3A_27 = vector.broadcast %jit3A_25 : f32 to vector<16xf32>
    %select_n3A = arith.select %eq3A_24, %broadcast_in_dim3A_26, %broadcast_in_dim3A_27 : vector<16xi1>, vector<16xf32>
    %eq3A_28 = arith.constant 0 : i32
    %eq3A_29 = arith.cmpi eq, %arg0, %eq3A_28 : i32
    %convert_element_type3A = arith.extui %eq3A_29 : i1 to i32
    %cond3A = arith.constant 0 : i32
    %cond3A_30 = arith.cmpi ne, %convert_element_type3A, %cond3A : i32
    scf.if %cond3A_30 {
      %dma_start3A_72 = arith.constant 0 : i32
      %dma_start3A_73 = arith.constant 0 : i32
      %dma_start3A_74 = arith.constant 0 : i32
      %dma_start3A_75 = arith.constant 0 : i32
      %dma_start3A_76 = tpu.memref_slice %arg10[%dma_start3A_73, %dma_start3A_74, %dma_start3A_75] : memref<2x128x128xf32, #tpu.memory_space<vmem>> -> memref<1x128x128xf32, #tpu.memory_space<vmem>>
      %dma_start3A_77 = tpu.memref_squeeze %dma_start3A_76 : memref<1x128x128xf32, #tpu.memory_space<vmem>> -> memref<128x128xf32, #tpu.memory_space<vmem>>
      %dma_start3A_78 = arith.constant 0 : i32
      %dma_start3A_79 = tpu.memref_slice %arg8[%dma_start3A_72, %dma_start3A_78] : memref<64x128xi32, #tpu.memory_space<vmem>> -> memref<1x128xi32, #tpu.memory_space<vmem>>
      %dma_start3A_80 = tpu.memref_squeeze %dma_start3A_79 : memref<1x128xi32, #tpu.memory_space<vmem>> -> memref<128xi32, #tpu.memory_space<vmem>>
      %dma_start3A_81 = arith.constant 0 : i32
      %dma_start3A_82 = arith.constant 0 : i32
      %dma_start3A_83 = tpu.memref_slice %arg2[%dma_start3A_81, %dma_start3A_82] : memref<50000x128xf32, #tpu.memory_space<hbm>> -> memref<50000x128xf32, #tpu.memory_space<hbm>>
      tpu.enqueue_indirect_dma source(%dma_start3A_83 : memref<50000x128xf32, #tpu.memory_space<hbm>>) target(%dma_start3A_77 : memref<128x128xf32, #tpu.memory_space<vmem>>) offsets(%dma_start3A_80 : memref<128xi32, #tpu.memory_space<vmem>>) semaphore(%arg13 : memref<!tpu.dma_semaphore, #tpu.memory_space<semaphore_mem>>)
    } else {
    }
    %eq3A_31 = arith.constant 1 : i32
    %eq3A_32 = arith.cmpi eq, %arg0, %eq3A_31 : i32
    %convert_element_type3A_33 = arith.extui %eq3A_32 : i1 to i32
    %cond3A_34 = arith.constant 0 : i32
    %cond3A_35 = arith.cmpi ne, %convert_element_type3A_33, %cond3A_34 : i32
    scf.if %cond3A_35 {
      %dma_start3A_72 = arith.constant 0 : i32
      %dma_start3A_73 = arith.constant 0 : i32
      %dma_start3A_74 = arith.constant 0 : i32
      %dma_start3A_75 = arith.constant 0 : i32
      %dma_start3A_76 = tpu.memref_slice %arg10[%dma_start3A_73, %dma_start3A_74, %dma_start3A_75] : memref<2x128x128xf32, #tpu.memory_space<vmem>> -> memref<1x128x128xf32, #tpu.memory_space<vmem>>
      %dma_start3A_77 = tpu.memref_squeeze %dma_start3A_76 : memref<1x128x128xf32, #tpu.memory_space<vmem>> -> memref<128x128xf32, #tpu.memory_space<vmem>>
      %dma_start3A_78 = arith.constant 0 : i32
      %dma_start3A_79 = tpu.memref_slice %arg8[%dma_start3A_72, %dma_start3A_78] : memref<64x128xi32, #tpu.memory_space<vmem>> -> memref<1x128xi32, #tpu.memory_space<vmem>>
      %dma_start3A_80 = tpu.memref_squeeze %dma_start3A_79 : memref<1x128xi32, #tpu.memory_space<vmem>> -> memref<128xi32, #tpu.memory_space<vmem>>
      %dma_start3A_81 = arith.constant 0 : i32
      %dma_start3A_82 = arith.constant 0 : i32
      %dma_start3A_83 = tpu.memref_slice %arg3[%dma_start3A_81, %dma_start3A_82] : memref<50000x128xf32, #tpu.memory_space<hbm>> -> memref<50000x128xf32, #tpu.memory_space<hbm>>
      tpu.enqueue_indirect_dma source(%dma_start3A_83 : memref<50000x128xf32, #tpu.memory_space<hbm>>) target(%dma_start3A_77 : memref<128x128xf32, #tpu.memory_space<vmem>>) offsets(%dma_start3A_80 : memref<128xi32, #tpu.memory_space<vmem>>) semaphore(%arg13 : memref<!tpu.dma_semaphore, #tpu.memory_space<semaphore_mem>>)
    } else {
    }
    %eq3A_36 = arith.constant 0 : i32
    %eq3A_37 = arith.cmpi eq, %arg0, %eq3A_36 : i32
    %convert_element_type3A_38 = arith.extui %eq3A_37 : i1 to i32
    %cond3A_39 = arith.constant 0 : i32
    %cond3A_40 = arith.cmpi ne, %convert_element_type3A_38, %cond3A_39 : i32
    scf.if %cond3A_40 {
      %dma_start3A_72 = arith.constant 1 : i32
      %dma_start3A_73 = arith.constant 1 : i32
      %dma_start3A_74 = arith.constant 0 : i32
      %dma_start3A_75 = arith.constant 0 : i32
      %dma_start3A_76 = tpu.memref_slice %arg10[%dma_start3A_73, %dma_start3A_74, %dma_start3A_75] : memref<2x128x128xf32, #tpu.memory_space<vmem>> -> memref<1x128x128xf32, #tpu.memory_space<vmem>>
      %dma_start3A_77 = tpu.memref_squeeze %dma_start3A_76 : memref<1x128x128xf32, #tpu.memory_space<vmem>> -> memref<128x128xf32, #tpu.memory_space<vmem>>
      %dma_start3A_78 = arith.constant 0 : i32
      %dma_start3A_79 = tpu.memref_slice %arg8[%dma_start3A_72, %dma_start3A_78] : memref<64x128xi32, #tpu.memory_space<vmem>> -> memref<1x128xi32, #tpu.memory_space<vmem>>
      %dma_start3A_80 = tpu.memref_squeeze %dma_start3A_79 : memref<1x128xi32, #tpu.memory_space<vmem>> -> memref<128xi32, #tpu.memory_space<vmem>>
      %dma_start3A_81 = arith.constant 0 : i32
      %dma_start3A_82 = arith.constant 0 : i32
      %dma_start3A_83 = tpu.memref_slice %arg2[%dma_start3A_81, %dma_start3A_82] : memref<50000x128xf32, #tpu.memory_space<hbm>> -> memref<50000x128xf32, #tpu.memory_space<hbm>>
      tpu.enqueue_indirect_dma source(%dma_start3A_83 : memref<50000x128xf32, #tpu.memory_space<hbm>>) target(%dma_start3A_77 : memref<128x128xf32, #tpu.memory_space<vmem>>) offsets(%dma_start3A_80 : memref<128xi32, #tpu.memory_space<vmem>>) semaphore(%arg14 : memref<!tpu.dma_semaphore, #tpu.memory_space<semaphore_mem>>)
    } else {
    }
    %eq3A_41 = arith.constant 1 : i32
    %eq3A_42 = arith.cmpi eq, %arg0, %eq3A_41 : i32
    %convert_element_type3A_43 = arith.extui %eq3A_42 : i1 to i32
    %cond3A_44 = arith.constant 0 : i32
    %cond3A_45 = arith.cmpi ne, %convert_element_type3A_43, %cond3A_44 : i32
    scf.if %cond3A_45 {
      %dma_start3A_72 = arith.constant 1 : i32
      %dma_start3A_73 = arith.constant 1 : i32
      %dma_start3A_74 = arith.constant 0 : i32
      %dma_start3A_75 = arith.constant 0 : i32
      %dma_start3A_76 = tpu.memref_slice %arg10[%dma_start3A_73, %dma_start3A_74, %dma_start3A_75] : memref<2x128x128xf32, #tpu.memory_space<vmem>> -> memref<1x128x128xf32, #tpu.memory_space<vmem>>
      %dma_start3A_77 = tpu.memref_squeeze %dma_start3A_76 : memref<1x128x128xf32, #tpu.memory_space<vmem>> -> memref<128x128xf32, #tpu.memory_space<vmem>>
      %dma_start3A_78 = arith.constant 0 : i32
      %dma_start3A_79 = tpu.memref_slice %arg8[%dma_start3A_72, %dma_start3A_78] : memref<64x128xi32, #tpu.memory_space<vmem>> -> memref<1x128xi32, #tpu.memory_space<vmem>>
      %dma_start3A_80 = tpu.memref_squeeze %dma_start3A_79 : memref<1x128xi32, #tpu.memory_space<vmem>> -> memref<128xi32, #tpu.memory_space<vmem>>
      %dma_start3A_81 = arith.constant 0 : i32
      %dma_start3A_82 = arith.constant 0 : i32
      %dma_start3A_83 = tpu.memref_slice %arg3[%dma_start3A_81, %dma_start3A_82] : memref<50000x128xf32, #tpu.memory_space<hbm>> -> memref<50000x128xf32, #tpu.memory_space<hbm>>
      tpu.enqueue_indirect_dma source(%dma_start3A_83 : memref<50000x128xf32, #tpu.memory_space<hbm>>) target(%dma_start3A_77 : memref<128x128xf32, #tpu.memory_space<vmem>>) offsets(%dma_start3A_80 : memref<128xi32, #tpu.memory_space<vmem>>) semaphore(%arg14 : memref<!tpu.dma_semaphore, #tpu.memory_space<semaphore_mem>>)
    } else {
    }
    %mul3A_46 = arith.constant 64 : i32
    %mul3A_47 = arith.muli %arg1, %mul3A_46 : i32
    %mul3A_48 = arith.constant 128 : i32
    %mul3A_49 = arith.muli %mul3A_47, %mul3A_48 : i32
    %dma_start3A = arith.constant 0 : i32
    %dma_start3A_50 = arith.constant 0 : i32
    %dma_start3A_51 = tpu.memref_slice %arg4[%arg0, %dma_start3A, %dma_start3A_50] : memref<2x131072x112xf32, #tpu.memory_space<hbm>> -> memref<1x131072x112xf32, #tpu.memory_space<hbm>>
    %dma_start3A_52 = tpu.memref_squeeze %dma_start3A_51 : memref<1x131072x112xf32, #tpu.memory_space<hbm>> -> memref<131072x112xf32, #tpu.memory_space<hbm>>
    %dma_start3A_53 = arith.constant 0 : i32
    %dma_start3A_54 = tpu.memref_slice %dma_start3A_52[%mul3A_49, %dma_start3A_53] : memref<131072x112xf32, #tpu.memory_space<hbm>> -> memref<128x112xf32, #tpu.memory_space<hbm>>
    %dma_start3A_55 = arith.constant 0 : i32
    %dma_start3A_56 = arith.constant 0 : i32
    %dma_start3A_57 = tpu.memref_slice %arg4[%arg0, %dma_start3A_55, %dma_start3A_56] : memref<2x131072x112xf32, #tpu.memory_space<hbm>> -> memref<1x131072x112xf32, #tpu.memory_space<hbm>>
    %dma_start3A_58 = tpu.memref_squeeze %dma_start3A_57 : memref<1x131072x112xf32, #tpu.memory_space<hbm>> -> memref<131072x112xf32, #tpu.memory_space<hbm>>
    %dma_start3A_59 = arith.constant 0 : i32
    %dma_start3A_60 = tpu.memref_slice %dma_start3A_58[%mul3A_49, %dma_start3A_59] : memref<131072x112xf32, #tpu.memory_space<hbm>> -> memref<128x112xf32, #tpu.memory_space<hbm>>
    tpu.enqueue_dma source(%dma_start3A_60 : memref<128x112xf32, #tpu.memory_space<hbm>>) target(%arg11 : memref<128x112xf32, #tpu.memory_space<vmem>>) target_semaphore(%arg15 : memref<!tpu.dma_semaphore, #tpu.memory_space<semaphore_mem>>)
    %scan3A_61 = arith.constant 0 : i32
    %scan3A_62 = arith.constant 0 : i32
    %scan3A_63 = arith.constant 32 : i32
    %scan3A_64 = arith.addi %scan3A_62, %scan3A_63 : i32
    %scan3A_65 = arith.constant 1 : i32
    scf.for %scan3A_72 = %scan3A_62 to %scan3A_64 step %scan3A_65  : i32 {
      %mul3A_73 = arith.constant 2 : i32
      %mul3A_74 = arith.muli %mul3A_73, %scan3A_72 : i32
      %add3A_75 = arith.constant 0 : i32
      %add3A_76 = arith.addi %mul3A_74, %add3A_75 : i32
      %dma_wait3A = arith.constant 0 : i32
      %dma_wait3A_77 = arith.constant 0 : i32
      %dma_wait3A_78 = arith.constant 0 : i32
      %dma_wait3A_79 = tpu.memref_slice %arg10[%dma_wait3A, %dma_wait3A_77, %dma_wait3A_78] : memref<2x128x128xf32, #tpu.memory_space<vmem>> -> memref<1x128x128xf32, #tpu.memory_space<vmem>>
      %dma_wait3A_80 = tpu.memref_squeeze %dma_wait3A_79 : memref<1x128x128xf32, #tpu.memory_space<vmem>> -> memref<128x128xf32, #tpu.memory_space<vmem>>
      %dma_wait3A_81 = arith.constant 0 : i32
      %dma_wait3A_82 = tpu.memref_slice %arg8[%add3A_76, %dma_wait3A_81] : memref<64x128xi32, #tpu.memory_space<vmem>> -> memref<1x128xi32, #tpu.memory_space<vmem>>
      %dma_wait3A_83 = tpu.memref_squeeze %dma_wait3A_82 : memref<1x128xi32, #tpu.memory_space<vmem>> -> memref<128xi32, #tpu.memory_space<vmem>>
      %dma_wait3A_84 = arith.constant 0 : i32
      %dma_wait3A_85 = arith.constant 0 : i32
      %dma_wait3A_86 = tpu.memref_slice %arg2[%dma_wait3A_84, %dma_wait3A_85] : memref<50000x128xf32, #tpu.memory_space<hbm>> -> memref<50000x128xf32, #tpu.memory_space<hbm>>
      tpu.wait_indirect_dma semaphore(%arg13 : memref<!tpu.dma_semaphore, #tpu.memory_space<semaphore_mem>>) src(%dma_wait3A_86 : memref<50000x128xf32, #tpu.memory_space<hbm>>) dst(%dma_wait3A_80 : memref<128x128xf32, #tpu.memory_space<vmem>>)
      %mul3A_87 = arith.constant 64 : i32
      %mul3A_88 = arith.muli %arg1, %mul3A_87 : i32
      %mul3A_89 = arith.constant 128 : i32
      %mul3A_90 = arith.muli %mul3A_88, %mul3A_89 : i32
      %mul3A_91 = arith.constant 128 : i32
      %mul3A_92 = arith.muli %add3A_76, %mul3A_91 : i32
      %add3A_93 = arith.addi %mul3A_90, %mul3A_92 : i32
      %dma_wait3A_94 = arith.constant 0 : i32
      %dma_wait3A_95 = arith.constant 0 : i32
      %dma_wait3A_96 = tpu.memref_slice %arg4[%arg0, %dma_wait3A_94, %dma_wait3A_95] : memref<2x131072x112xf32, #tpu.memory_space<hbm>> -> memref<1x131072x112xf32, #tpu.memory_space<hbm>>
      %dma_wait3A_97 = tpu.memref_squeeze %dma_wait3A_96 : memref<1x131072x112xf32, #tpu.memory_space<hbm>> -> memref<131072x112xf32, #tpu.memory_space<hbm>>
      %dma_wait3A_98 = arith.constant 0 : i32
      %dma_wait3A_99 = tpu.memref_slice %dma_wait3A_97[%add3A_93, %dma_wait3A_98] : memref<131072x112xf32, #tpu.memory_space<hbm>> -> memref<128x112xf32, #tpu.memory_space<hbm>>
      %dma_wait3A_100 = arith.constant 0 : i32
      %dma_wait3A_101 = arith.constant 0 : i32
      %dma_wait3A_102 = tpu.memref_slice %arg4[%arg0, %dma_wait3A_100, %dma_wait3A_101] : memref<2x131072x112xf32, #tpu.memory_space<hbm>> -> memref<1x131072x112xf32, #tpu.memory_space<hbm>>
      %dma_wait3A_103 = tpu.memref_squeeze %dma_wait3A_102 : memref<1x131072x112xf32, #tpu.memory_space<hbm>> -> memref<131072x112xf32, #tpu.memory_space<hbm>>
      %dma_wait3A_104 = arith.constant 0 : i32
      %dma_wait3A_105 = tpu.memref_slice %dma_wait3A_103[%add3A_93, %dma_wait3A_104] : memref<131072x112xf32, #tpu.memory_space<hbm>> -> memref<128x112xf32, #tpu.memory_space<hbm>>
      tpu.wait_dma2 semaphore(%arg15 : memref<!tpu.dma_semaphore, #tpu.memory_space<semaphore_mem>>) src(%dma_wait3A_105 : memref<128x112xf32, #tpu.memory_space<hbm>>) dst(%arg11 : memref<128x112xf32, #tpu.memory_space<vmem>>)
      %scan3A_106 = arith.constant 0 : i32
      %scan3A_107 = arith.constant 0 : i32
      %scan3A_108 = arith.constant 128 : i32
      %scan3A_109 = arith.addi %scan3A_107, %scan3A_108 : i32
      %scan3A_110 = arith.constant 1 : i32
      scf.for %scan3A_181 = %scan3A_107 to %scan3A_109 step %scan3A_110  : i32 {
        %get3A = arith.constant 0 : i32
        %get3A_182 = arith.index_cast %get3A : i32 to index
        %get3A_183 = arith.index_cast %scan3A_181 : i32 to index
        %get3A_184 = arith.constant 0 : index
        %get3A_185 = tpu.vector_load %arg10[%get3A_182, %get3A_183, %get3A_184] {strides = array<i32>} : memref<2x128x128xf32, #tpu.memory_space<vmem>>, vector<1x1x16xf32>,
        %get3A_186 = vector.shape_cast %get3A_185 : vector<1x1x16xf32> to vector<16xf32>
        %get3A_187 = arith.index_cast %scan3A_181 : i32 to index
        %get3A_188 = arith.constant 0 : index
        %get3A_189 = tpu.vector_load %arg11[%get3A_187, %get3A_188] {strides = array<i32>} : memref<128x112xf32, #tpu.memory_space<vmem>>, vector<1x16xf32>,
        %get3A_190 = vector.shape_cast %get3A_189 : vector<1x16xf32> to vector<16xf32>
        %mul3A_191 = arith.mulf %get3A_186, %get3A_190 : vector<16xf32>
        %swap3A = arith.constant 0 : i32
        %swap3A_192 = arith.index_cast %swap3A : i32 to index
        %swap3A_193 = arith.index_cast %scan3A_181 : i32 to index
        %swap3A_194 = arith.constant 0 : index
        %swap3A_195 = tpu.vector_load %arg10[%swap3A_192, %swap3A_193, %swap3A_194] {strides = array<i32>} : memref<2x128x128xf32, #tpu.memory_space<vmem>>, vector<1x1x16xf32>,
        %swap3A_196 = vector.shape_cast %swap3A_195 : vector<1x1x16xf32> to vector<16xf32>
        %swap3A_197 = vector.shape_cast %mul3A_191 : vector<16xf32> to vector<1x1x16xf32>
        tpu.vector_store %arg10[%swap3A_192, %swap3A_193, %swap3A_194], %swap3A_197 {strides = array<i32>} : memref<2x128x128xf32, #tpu.memory_space<vmem>>, vector<1x1x16xf32>,
        %get3A_198 = arith.constant 0 : i32
        %get3A_199 = arith.index_cast %get3A_198 : i32 to index
        %get3A_200 = arith.index_cast %scan3A_181 : i32 to index
        %get3A_201 = arith.constant 16 : index
        %get3A_202 = tpu.vector_load %arg10[%get3A_199, %get3A_200, %get3A_201] {strides = array<i32>} : memref<2x128x128xf32, #tpu.memory_space<vmem>>, vector<1x1x16xf32>,
        %get3A_203 = vector.shape_cast %get3A_202 : vector<1x1x16xf32> to vector<16xf32>
        %get3A_204 = arith.index_cast %scan3A_181 : i32 to index
        %get3A_205 = arith.constant 16 : index
        %get3A_206 = tpu.vector_load %arg11[%get3A_204, %get3A_205] {strides = array<i32>} : memref<128x112xf32, #tpu.memory_space<vmem>>, vector<1x16xf32>,
        %get3A_207 = vector.shape_cast %get3A_206 : vector<1x16xf32> to vector<16xf32>
        %mul3A_208 = arith.mulf %get3A_203, %get3A_207 : vector<16xf32>
        %swap3A_209 = arith.constant 0 : i32
        %swap3A_210 = arith.index_cast %swap3A_209 : i32 to index
        %swap3A_211 = arith.index_cast %scan3A_181 : i32 to index
        %swap3A_212 = arith.constant 16 : index
        %swap3A_213 = tpu.vector_load %arg10[%swap3A_210, %swap3A_211, %swap3A_212] {strides = array<i32>} : memref<2x128x128xf32, #tpu.memory_space<vmem>>, vector<1x1x16xf32>,
        %swap3A_214 = vector.shape_cast %swap3A_213 : vector<1x1x16xf32> to vector<16xf32>
        %swap3A_215 = vector.shape_cast %mul3A_208 : vector<16xf32> to vector<1x1x16xf32>
        tpu.vector_store %arg10[%swap3A_210, %swap3A_211, %swap3A_212], %swap3A_215 {strides = array<i32>} : memref<2x128x128xf32, #tpu.memory_space<vmem>>, vector<1x1x16xf32>,
        %get3A_216 = arith.constant 0 : i32
        %get3A_217 = arith.index_cast %get3A_216 : i32 to index
        %get3A_218 = arith.index_cast %scan3A_181 : i32 to index
        %get3A_219 = arith.constant 32 : index
        %get3A_220 = tpu.vector_load %arg10[%get3A_217, %get3A_218, %get3A_219] {strides = array<i32>} : memref<2x128x128xf32, #tpu.memory_space<vmem>>, vector<1x1x16xf32>,
        %get3A_221 = vector.shape_cast %get3A_220 : vector<1x1x16xf32> to vector<16xf32>
        %get3A_222 = arith.index_cast %scan3A_181 : i32 to index
        %get3A_223 = arith.constant 32 : index
        %get3A_224 = tpu.vector_load %arg11[%get3A_222, %get3A_223] {strides = array<i32>} : memref<128x112xf32, #tpu.memory_space<vmem>>, vector<1x16xf32>,
        %get3A_225 = vector.shape_cast %get3A_224 : vector<1x16xf32> to vector<16xf32>
        %mul3A_226 = arith.mulf %get3A_221, %get3A_225 : vector<16xf32>
        %swap3A_227 = arith.constant 0 : i32
        %swap3A_228 = arith.index_cast %swap3A_227 : i32 to index
        %swap3A_229 = arith.index_cast %scan3A_181 : i32 to index
        %swap3A_230 = arith.constant 32 : index
        %swap3A_231 = tpu.vector_load %arg10[%swap3A_228, %swap3A_229, %swap3A_230] {strides = array<i32>} : memref<2x128x128xf32, #tpu.memory_space<vmem>>, vector<1x1x16xf32>,
        %swap3A_232 = vector.shape_cast %swap3A_231 : vector<1x1x16xf32> to vector<16xf32>
        %swap3A_233 = vector.shape_cast %mul3A_226 : vector<16xf32> to vector<1x1x16xf32>
        tpu.vector_store %arg10[%swap3A_228, %swap3A_229, %swap3A_230], %swap3A_233 {strides = array<i32>} : memref<2x128x128xf32, #tpu.memory_space<vmem>>, vector<1x1x16xf32>,
        %get3A_234 = arith.constant 0 : i32
        %get3A_235 = arith.index_cast %get3A_234 : i32 to index
        %get3A_236 = arith.index_cast %scan3A_181 : i32 to index
        %get3A_237 = arith.constant 48 : index
        %get3A_238 = tpu.vector_load %arg10[%get3A_235, %get3A_236, %get3A_237] {strides = array<i32>} : memref<2x128x128xf32, #tpu.memory_space<vmem>>, vector<1x1x16xf32>,
        %get3A_239 = vector.shape_cast %get3A_238 : vector<1x1x16xf32> to vector<16xf32>
        %get3A_240 = arith.index_cast %scan3A_181 : i32 to index
        %get3A_241 = arith.constant 48 : index
        %get3A_242 = tpu.vector_load %arg11[%get3A_240, %get3A_241] {strides = array<i32>} : memref<128x112xf32, #tpu.memory_space<vmem>>, vector<1x16xf32>,
        %get3A_243 = vector.shape_cast %get3A_242 : vector<1x16xf32> to vector<16xf32>
        %mul3A_244 = arith.mulf %get3A_239, %get3A_243 : vector<16xf32>
        %swap3A_245 = arith.constant 0 : i32
        %swap3A_246 = arith.index_cast %swap3A_245 : i32 to index
        %swap3A_247 = arith.index_cast %scan3A_181 : i32 to index
        %swap3A_248 = arith.constant 48 : index
        %swap3A_249 = tpu.vector_load %arg10[%swap3A_246, %swap3A_247, %swap3A_248] {strides = array<i32>} : memref<2x128x128xf32, #tpu.memory_space<vmem>>, vector<1x1x16xf32>,
        %swap3A_250 = vector.shape_cast %swap3A_249 : vector<1x1x16xf32> to vector<16xf32>
        %swap3A_251 = vector.shape_cast %mul3A_244 : vector<16xf32> to vector<1x1x16xf32>
        tpu.vector_store %arg10[%swap3A_246, %swap3A_247, %swap3A_248], %swap3A_251 {strides = array<i32>} : memref<2x128x128xf32, #tpu.memory_space<vmem>>, vector<1x1x16xf32>,
        %get3A_252 = arith.constant 0 : i32
        %get3A_253 = arith.index_cast %get3A_252 : i32 to index
        %get3A_254 = arith.index_cast %scan3A_181 : i32 to index
        %get3A_255 = arith.constant 64 : index
        %get3A_256 = tpu.vector_load %arg10[%get3A_253, %get3A_254, %get3A_255] {strides = array<i32>} : memref<2x128x128xf32, #tpu.memory_space<vmem>>, vector<1x1x16xf32>,
        %get3A_257 = vector.shape_cast %get3A_256 : vector<1x1x16xf32> to vector<16xf32>
        %get3A_258 = arith.index_cast %scan3A_181 : i32 to index
        %get3A_259 = arith.constant 64 : index
        %get3A_260 = tpu.vector_load %arg11[%get3A_258, %get3A_259] {strides = array<i32>} : memref<128x112xf32, #tpu.memory_space<vmem>>, vector<1x16xf32>,
        %get3A_261 = vector.shape_cast %get3A_260 : vector<1x16xf32> to vector<16xf32>
        %mul3A_262 = arith.mulf %get3A_257, %get3A_261 : vector<16xf32>
        %swap3A_263 = arith.constant 0 : i32
        %swap3A_264 = arith.index_cast %swap3A_263 : i32 to index
        %swap3A_265 = arith.index_cast %scan3A_181 : i32 to index
        %swap3A_266 = arith.constant 64 : index
        %swap3A_267 = tpu.vector_load %arg10[%swap3A_264, %swap3A_265, %swap3A_266] {strides = array<i32>} : memref<2x128x128xf32, #tpu.memory_space<vmem>>, vector<1x1x16xf32>,
        %swap3A_268 = vector.shape_cast %swap3A_267 : vector<1x1x16xf32> to vector<16xf32>
        %swap3A_269 = vector.shape_cast %mul3A_262 : vector<16xf32> to vector<1x1x16xf32>
        tpu.vector_store %arg10[%swap3A_264, %swap3A_265, %swap3A_266], %swap3A_269 {strides = array<i32>} : memref<2x128x128xf32, #tpu.memory_space<vmem>>, vector<1x1x16xf32>,
        %get3A_270 = arith.constant 0 : i32
        %get3A_271 = arith.index_cast %get3A_270 : i32 to index
        %get3A_272 = arith.index_cast %scan3A_181 : i32 to index
        %get3A_273 = arith.constant 80 : index
        %get3A_274 = tpu.vector_load %arg10[%get3A_271, %get3A_272, %get3A_273] {strides = array<i32>} : memref<2x128x128xf32, #tpu.memory_space<vmem>>, vector<1x1x16xf32>,
        %get3A_275 = vector.shape_cast %get3A_274 : vector<1x1x16xf32> to vector<16xf32>
        %get3A_276 = arith.index_cast %scan3A_181 : i32 to index
        %get3A_277 = arith.constant 80 : index
        %get3A_278 = tpu.vector_load %arg11[%get3A_276, %get3A_277] {strides = array<i32>} : memref<128x112xf32, #tpu.memory_space<vmem>>, vector<1x16xf32>,
        %get3A_279 = vector.shape_cast %get3A_278 : vector<1x16xf32> to vector<16xf32>
        %mul3A_280 = arith.mulf %get3A_275, %get3A_279 : vector<16xf32>
        %swap3A_281 = arith.constant 0 : i32
        %swap3A_282 = arith.index_cast %swap3A_281 : i32 to index
        %swap3A_283 = arith.index_cast %scan3A_181 : i32 to index
        %swap3A_284 = arith.constant 80 : index
        %swap3A_285 = tpu.vector_load %arg10[%swap3A_282, %swap3A_283, %swap3A_284] {strides = array<i32>} : memref<2x128x128xf32, #tpu.memory_space<vmem>>, vector<1x1x16xf32>,
        %swap3A_286 = vector.shape_cast %swap3A_285 : vector<1x1x16xf32> to vector<16xf32>
        %swap3A_287 = vector.shape_cast %mul3A_280 : vector<16xf32> to vector<1x1x16xf32>
        tpu.vector_store %arg10[%swap3A_282, %swap3A_283, %swap3A_284], %swap3A_287 {strides = array<i32>} : memref<2x128x128xf32, #tpu.memory_space<vmem>>, vector<1x1x16xf32>,
        %get3A_288 = arith.constant 0 : i32
        %get3A_289 = arith.index_cast %get3A_288 : i32 to index
        %get3A_290 = arith.index_cast %scan3A_181 : i32 to index
        %get3A_291 = arith.constant 96 : index
        %get3A_292 = tpu.vector_load %arg10[%get3A_289, %get3A_290, %get3A_291] {strides = array<i32>} : memref<2x128x128xf32, #tpu.memory_space<vmem>>, vector<1x1x16xf32>,
        %get3A_293 = vector.shape_cast %get3A_292 : vector<1x1x16xf32> to vector<16xf32>
        %get3A_294 = arith.index_cast %scan3A_181 : i32 to index
        %get3A_295 = arith.constant 96 : index
        %get3A_296 = tpu.vector_load %arg11[%get3A_294, %get3A_295] {strides = array<i32>} : memref<128x112xf32, #tpu.memory_space<vmem>>, vector<1x16xf32>,
        %get3A_297 = vector.shape_cast %get3A_296 : vector<1x16xf32> to vector<16xf32>
        %mul3A_298 = arith.mulf %get3A_293, %get3A_297 : vector<16xf32>
        %swap3A_299 = arith.constant 0 : i32
        %swap3A_300 = arith.index_cast %swap3A_299 : i32 to index
        %swap3A_301 = arith.index_cast %scan3A_181 : i32 to index
        %swap3A_302 = arith.constant 96 : index
        %swap3A_303 = tpu.vector_load %arg10[%swap3A_300, %swap3A_301, %swap3A_302] {strides = array<i32>} : memref<2x128x128xf32, #tpu.memory_space<vmem>>, vector<1x1x16xf32>,
        %swap3A_304 = vector.shape_cast %swap3A_303 : vector<1x1x16xf32> to vector<16xf32>
        %swap3A_305 = vector.shape_cast %mul3A_298 : vector<16xf32> to vector<1x1x16xf32>
        tpu.vector_store %arg10[%swap3A_300, %swap3A_301, %swap3A_302], %swap3A_305 {strides = array<i32>} : memref<2x128x128xf32, #tpu.memory_space<vmem>>, vector<1x1x16xf32>,
        %swap3A_306 = arith.constant 0 : i32
        %swap3A_307 = arith.index_cast %swap3A_306 : i32 to index
        %swap3A_308 = arith.index_cast %scan3A_181 : i32 to index
        %swap3A_309 = arith.constant 112 : index
        %swap3A_310 = tpu.vector_load %arg10[%swap3A_307, %swap3A_308, %swap3A_309] {strides = array<i32>} : memref<2x128x128xf32, #tpu.memory_space<vmem>>, vector<1x1x16xf32>,
        %swap3A_311 = vector.shape_cast %swap3A_310 : vector<1x1x16xf32> to vector<16xf32>
        %swap3A_312 = vector.shape_cast %select_n3A : vector<16xf32> to vector<1x1x16xf32>
        tpu.vector_store %arg10[%swap3A_307, %swap3A_308, %swap3A_309], %swap3A_312 {strides = array<i32>} : memref<2x128x128xf32, #tpu.memory_space<vmem>>, vector<1x1x16xf32>,
      }
      %scan3A_111 = arith.constant 128 : i32
      %add3A_112 = arith.constant 1 : i32
      %add3A_113 = arith.addi %add3A_76, %add3A_112 : i32
      %lt3A = arith.constant 64 : i32
      %lt3A_114 = arith.cmpi slt, %add3A_113, %lt3A : i32
      %convert_element_type3A_115 = arith.extui %lt3A_114 : i1 to i32
      %cond3A_116 = arith.constant 0 : i32
      %cond3A_117 = arith.cmpi ne, %convert_element_type3A_115, %cond3A_116 : i32
      scf.if %cond3A_117 {
        %mul3A_181 = arith.constant 64 : i32
        %mul3A_182 = arith.muli %arg1, %mul3A_181 : i32
        %mul3A_183 = arith.constant 128 : i32
        %mul3A_184 = arith.muli %mul3A_182, %mul3A_183 : i32
        %add3A_185 = arith.constant 1 : i32
        %add3A_186 = arith.addi %add3A_76, %add3A_185 : i32
        %mul3A_187 = arith.constant 128 : i32
        %mul3A_188 = arith.muli %add3A_186, %mul3A_187 : i32
        %add3A_189 = arith.addi %mul3A_184, %mul3A_188 : i32
        %dma_start3A_190 = arith.constant 0 : i32
        %dma_start3A_191 = arith.constant 0 : i32
        %dma_start3A_192 = tpu.memref_slice %arg4[%arg0, %dma_start3A_190, %dma_start3A_191] : memref<2x131072x112xf32, #tpu.memory_space<hbm>> -> memref<1x131072x112xf32, #tpu.memory_space<hbm>>
        %dma_start3A_193 = tpu.memref_squeeze %dma_start3A_192 : memref<1x131072x112xf32, #tpu.memory_space<hbm>> -> memref<131072x112xf32, #tpu.memory_space<hbm>>
        %dma_start3A_194 = arith.constant 0 : i32
        %dma_start3A_195 = tpu.memref_slice %dma_start3A_193[%add3A_189, %dma_start3A_194] : memref<131072x112xf32, #tpu.memory_space<hbm>> -> memref<128x112xf32, #tpu.memory_space<hbm>>
        %dma_start3A_196 = arith.constant 0 : i32
        %dma_start3A_197 = arith.constant 0 : i32
        %dma_start3A_198 = tpu.memref_slice %arg4[%arg0, %dma_start3A_196, %dma_start3A_197] : memref<2x131072x112xf32, #tpu.memory_space<hbm>> -> memref<1x131072x112xf32, #tpu.memory_space<hbm>>
        %dma_start3A_199 = tpu.memref_squeeze %dma_start3A_198 : memref<1x131072x112xf32, #tpu.memory_space<hbm>> -> memref<131072x112xf32, #tpu.memory_space<hbm>>
        %dma_start3A_200 = arith.constant 0 : i32
        %dma_start3A_201 = tpu.memref_slice %dma_start3A_199[%add3A_189, %dma_start3A_200] : memref<131072x112xf32, #tpu.memory_space<hbm>> -> memref<128x112xf32, #tpu.memory_space<hbm>>
        tpu.enqueue_dma source(%dma_start3A_201 : memref<128x112xf32, #tpu.memory_space<hbm>>) target(%arg11 : memref<128x112xf32, #tpu.memory_space<vmem>>) target_semaphore(%arg15 : memref<!tpu.dma_semaphore, #tpu.memory_space<semaphore_mem>>)
      } else {
      }
      %run_scoped3A_118 = arith.constant 0 : i32
      "tpu.region"() ({
        %run_scoped3A_181 = tpu.sem_alloc : memref<!tpu.dma_semaphore, #tpu.memory_space<semaphore_mem>>
        %dma_start3A_182 = arith.constant 0 : i32
        %dma_start3A_183 = arith.constant 0 : i32
        %dma_start3A_184 = tpu.memref_slice %arg10[%run_scoped3A_118, %dma_start3A_182, %dma_start3A_183] : memref<2x128x128xf32, #tpu.memory_space<vmem>> -> memref<1x128x128xf32, #tpu.memory_space<vmem>>
        %dma_start3A_185 = tpu.memref_squeeze %dma_start3A_184 : memref<1x128x128xf32, #tpu.memory_space<vmem>> -> memref<128x128xf32, #tpu.memory_space<vmem>>
        %dma_start3A_186 = arith.constant 0 : i32
        %dma_start3A_187 = tpu.memref_slice %arg9[%add3A_76, %dma_start3A_186] : memref<64x128xi32, #tpu.memory_space<vmem>> -> memref<1x128xi32, #tpu.memory_space<vmem>>
        %dma_start3A_188 = tpu.memref_squeeze %dma_start3A_187 : memref<1x128xi32, #tpu.memory_space<vmem>> -> memref<128xi32, #tpu.memory_space<vmem>>
        %dma_start3A_189 = arith.constant 0 : i32
        %dma_start3A_190 = arith.constant 0 : i32
        %dma_start3A_191 = tpu.memref_slice %arg12[%dma_start3A_189, %dma_start3A_190] : memref<8192x128xf32, #tpu.memory_space<vmem_shared>> -> memref<8192x128xf32, #tpu.memory_space<vmem_shared>>
        tpu.enqueue_indirect_dma source(%dma_start3A_185 : memref<128x128xf32, #tpu.memory_space<vmem>>) target(%dma_start3A_191 : memref<8192x128xf32, #tpu.memory_space<vmem_shared>>) offsets(%dma_start3A_188 : memref<128xi32, #tpu.memory_space<vmem>>) semaphore(%run_scoped3A_181 : memref<!tpu.dma_semaphore, #tpu.memory_space<semaphore_mem>>) {add = true}
        %dma_wait3A_192 = arith.constant 0 : i32
        %dma_wait3A_193 = arith.constant 0 : i32
        %dma_wait3A_194 = tpu.memref_slice %arg10[%run_scoped3A_118, %dma_wait3A_192, %dma_wait3A_193] : memref<2x128x128xf32, #tpu.memory_space<vmem>> -> memref<1x128x128xf32, #tpu.memory_space<vmem>>
        %dma_wait3A_195 = tpu.memref_squeeze %dma_wait3A_194 : memref<1x128x128xf32, #tpu.memory_space<vmem>> -> memref<128x128xf32, #tpu.memory_space<vmem>>
        %dma_wait3A_196 = arith.constant 0 : i32
        %dma_wait3A_197 = tpu.memref_slice %arg9[%add3A_76, %dma_wait3A_196] : memref<64x128xi32, #tpu.memory_space<vmem>> -> memref<1x128xi32, #tpu.memory_space<vmem>>
        %dma_wait3A_198 = tpu.memref_squeeze %dma_wait3A_197 : memref<1x128xi32, #tpu.memory_space<vmem>> -> memref<128xi32, #tpu.memory_space<vmem>>
        %dma_wait3A_199 = arith.constant 0 : i32
        %dma_wait3A_200 = arith.constant 0 : i32
        %dma_wait3A_201 = tpu.memref_slice %arg12[%dma_wait3A_199, %dma_wait3A_200] : memref<8192x128xf32, #tpu.memory_space<vmem_shared>> -> memref<8192x128xf32, #tpu.memory_space<vmem_shared>>
        tpu.wait_indirect_dma semaphore(%run_scoped3A_181 : memref<!tpu.dma_semaphore, #tpu.memory_space<semaphore_mem>>) src(%dma_wait3A_195 : memref<128x128xf32, #tpu.memory_space<vmem>>) dst(%dma_wait3A_201 : memref<8192x128xf32, #tpu.memory_space<vmem_shared>>)
        tpu.yield
      }) : () -> ()
      %add3A_119 = arith.constant 2 : i32
      %add3A_120 = arith.addi %add3A_76, %add3A_119 : i32
      %lt3A_121 = arith.constant 64 : i32
      %lt3A_122 = arith.cmpi slt, %add3A_120, %lt3A_121 : i32
      %convert_element_type3A_123 = arith.extui %lt3A_122 : i1 to i32
      %cond3A_124 = arith.constant 0 : i32
      %cond3A_125 = arith.cmpi ne, %convert_element_type3A_123, %cond3A_124 : i32
      scf.if %cond3A_125 {
        %eq3A_181 = arith.constant 0 : i32
        %eq3A_182 = arith.cmpi eq, %arg0, %eq3A_181 : i32
        %convert_element_type3A_183 = arith.extui %eq3A_182 : i1 to i32
        %cond3A_184 = arith.constant 0 : i32
        %cond3A_185 = arith.cmpi ne, %convert_element_type3A_183, %cond3A_184 : i32
        scf.if %cond3A_185 {
          %dma_start3A_191 = arith.constant 0 : i32
          %dma_start3A_192 = arith.constant 0 : i32
          %dma_start3A_193 = arith.constant 0 : i32
          %dma_start3A_194 = tpu.memref_slice %arg10[%dma_start3A_191, %dma_start3A_192, %dma_start3A_193] : memref<2x128x128xf32, #tpu.memory_space<vmem>> -> memref<1x128x128xf32, #tpu.memory_space<vmem>>
          %dma_start3A_195 = tpu.memref_squeeze %dma_start3A_194 : memref<1x128x128xf32, #tpu.memory_space<vmem>> -> memref<128x128xf32, #tpu.memory_space<vmem>>
          %dma_start3A_196 = arith.constant 0 : i32
          %dma_start3A_197 = tpu.memref_slice %arg8[%add3A_120, %dma_start3A_196] : memref<64x128xi32, #tpu.memory_space<vmem>> -> memref<1x128xi32, #tpu.memory_space<vmem>>
          %dma_start3A_198 = tpu.memref_squeeze %dma_start3A_197 : memref<1x128xi32, #tpu.memory_space<vmem>> -> memref<128xi32, #tpu.memory_space<vmem>>
          %dma_start3A_199 = arith.constant 0 : i32
          %dma_start3A_200 = arith.constant 0 : i32
          %dma_start3A_201 = tpu.memref_slice %arg2[%dma_start3A_199, %dma_start3A_200] : memref<50000x128xf32, #tpu.memory_space<hbm>> -> memref<50000x128xf32, #tpu.memory_space<hbm>>
          tpu.enqueue_indirect_dma source(%dma_start3A_201 : memref<50000x128xf32, #tpu.memory_space<hbm>>) target(%dma_start3A_195 : memref<128x128xf32, #tpu.memory_space<vmem>>) offsets(%dma_start3A_198 : memref<128xi32, #tpu.memory_space<vmem>>) semaphore(%arg13 : memref<!tpu.dma_semaphore, #tpu.memory_space<semaphore_mem>>)
        } else {
        }
        %eq3A_186 = arith.constant 1 : i32
        %eq3A_187 = arith.cmpi eq, %arg0, %eq3A_186 : i32
        %convert_element_type3A_188 = arith.extui %eq3A_187 : i1 to i32
        %cond3A_189 = arith.constant 0 : i32
        %cond3A_190 = arith.cmpi ne, %convert_element_type3A_188, %cond3A_189 : i32
        scf.if %cond3A_190 {
          %dma_start3A_191 = arith.constant 0 : i32
          %dma_start3A_192 = arith.constant 0 : i32
          %dma_start3A_193 = arith.constant 0 : i32
          %dma_start3A_194 = tpu.memref_slice %arg10[%dma_start3A_191, %dma_start3A_192, %dma_start3A_193] : memref<2x128x128xf32, #tpu.memory_space<vmem>> -> memref<1x128x128xf32, #tpu.memory_space<vmem>>
          %dma_start3A_195 = tpu.memref_squeeze %dma_start3A_194 : memref<1x128x128xf32, #tpu.memory_space<vmem>> -> memref<128x128xf32, #tpu.memory_space<vmem>>
          %dma_start3A_196 = arith.constant 0 : i32
          %dma_start3A_197 = tpu.memref_slice %arg8[%add3A_120, %dma_start3A_196] : memref<64x128xi32, #tpu.memory_space<vmem>> -> memref<1x128xi32, #tpu.memory_space<vmem>>
          %dma_start3A_198 = tpu.memref_squeeze %dma_start3A_197 : memref<1x128xi32, #tpu.memory_space<vmem>> -> memref<128xi32, #tpu.memory_space<vmem>>
          %dma_start3A_199 = arith.constant 0 : i32
          %dma_start3A_200 = arith.constant 0 : i32
          %dma_start3A_201 = tpu.memref_slice %arg3[%dma_start3A_199, %dma_start3A_200] : memref<50000x128xf32, #tpu.memory_space<hbm>> -> memref<50000x128xf32, #tpu.memory_space<hbm>>
          tpu.enqueue_indirect_dma source(%dma_start3A_201 : memref<50000x128xf32, #tpu.memory_space<hbm>>) target(%dma_start3A_195 : memref<128x128xf32, #tpu.memory_space<vmem>>) offsets(%dma_start3A_198 : memref<128xi32, #tpu.memory_space<vmem>>) semaphore(%arg13 : memref<!tpu.dma_semaphore, #tpu.memory_space<semaphore_mem>>)
        } else {
        }
      } else {
      }
      %mul3A_126 = arith.constant 2 : i32
      %mul3A_127 = arith.muli %mul3A_126, %scan3A_72 : i32
      %add3A_128 = arith.constant 1 : i32
      %add3A_129 = arith.addi %mul3A_127, %add3A_128 : i32
      %dma_wait3A_130 = arith.constant 1 : i32
      %dma_wait3A_131 = arith.constant 0 : i32
      %dma_wait3A_132 = arith.constant 0 : i32
      %dma_wait3A_133 = tpu.memref_slice %arg10[%dma_wait3A_130, %dma_wait3A_131, %dma_wait3A_132] : memref<2x128x128xf32, #tpu.memory_space<vmem>> -> memref<1x128x128xf32, #tpu.memory_space<vmem>>
      %dma_wait3A_134 = tpu.memref_squeeze %dma_wait3A_133 : memref<1x128x128xf32, #tpu.memory_space<vmem>> -> memref<128x128xf32, #tpu.memory_space<vmem>>
      %dma_wait3A_135 = arith.constant 0 : i32
      %dma_wait3A_136 = tpu.memref_slice %arg8[%add3A_129, %dma_wait3A_135] : memref<64x128xi32, #tpu.memory_space<vmem>> -> memref<1x128xi32, #tpu.memory_space<vmem>>
      %dma_wait3A_137 = tpu.memref_squeeze %dma_wait3A_136 : memref<1x128xi32, #tpu.memory_space<vmem>> -> memref<128xi32, #tpu.memory_space<vmem>>
      %dma_wait3A_138 = arith.constant 0 : i32
      %dma_wait3A_139 = arith.constant 0 : i32
      %dma_wait3A_140 = tpu.memref_slice %arg2[%dma_wait3A_138, %dma_wait3A_139] : memref<50000x128xf32, #tpu.memory_space<hbm>> -> memref<50000x128xf32, #tpu.memory_space<hbm>>
      tpu.wait_indirect_dma semaphore(%arg14 : memref<!tpu.dma_semaphore, #tpu.memory_space<semaphore_mem>>) src(%dma_wait3A_140 : memref<50000x128xf32, #tpu.memory_space<hbm>>) dst(%dma_wait3A_134 : memref<128x128xf32, #tpu.memory_space<vmem>>)
      %mul3A_141 = arith.constant 64 : i32
      %mul3A_142 = arith.muli %arg1, %mul3A_141 : i32
      %mul3A_143 = arith.constant 128 : i32
      %mul3A_144 = arith.muli %mul3A_142, %mul3A_143 : i32
      %mul3A_145 = arith.constant 128 : i32
      %mul3A_146 = arith.muli %add3A_129, %mul3A_145 : i32
      %add3A_147 = arith.addi %mul3A_144, %mul3A_146 : i32
      %dma_wait3A_148 = arith.constant 0 : i32
      %dma_wait3A_149 = arith.constant 0 : i32
      %dma_wait3A_150 = tpu.memref_slice %arg4[%arg0, %dma_wait3A_148, %dma_wait3A_149] : memref<2x131072x112xf32, #tpu.memory_space<hbm>> -> memref<1x131072x112xf32, #tpu.memory_space<hbm>>
      %dma_wait3A_151 = tpu.memref_squeeze %dma_wait3A_150 : memref<1x131072x112xf32, #tpu.memory_space<hbm>> -> memref<131072x112xf32, #tpu.memory_space<hbm>>
      %dma_wait3A_152 = arith.constant 0 : i32
      %dma_wait3A_153 = tpu.memref_slice %dma_wait3A_151[%add3A_147, %dma_wait3A_152] : memref<131072x112xf32, #tpu.memory_space<hbm>> -> memref<128x112xf32, #tpu.memory_space<hbm>>
      %dma_wait3A_154 = arith.constant 0 : i32
      %dma_wait3A_155 = arith.constant 0 : i32
      %dma_wait3A_156 = tpu.memref_slice %arg4[%arg0, %dma_wait3A_154, %dma_wait3A_155] : memref<2x131072x112xf32, #tpu.memory_space<hbm>> -> memref<1x131072x112xf32, #tpu.memory_space<hbm>>
      %dma_wait3A_157 = tpu.memref_squeeze %dma_wait3A_156 : memref<1x131072x112xf32, #tpu.memory_space<hbm>> -> memref<131072x112xf32, #tpu.memory_space<hbm>>
      %dma_wait3A_158 = arith.constant 0 : i32
      %dma_wait3A_159 = tpu.memref_slice %dma_wait3A_157[%add3A_147, %dma_wait3A_158] : memref<131072x112xf32, #tpu.memory_space<hbm>> -> memref<128x112xf32, #tpu.memory_space<hbm>>
      tpu.wait_dma2 semaphore(%arg15 : memref<!tpu.dma_semaphore, #tpu.memory_space<semaphore_mem>>) src(%dma_wait3A_159 : memref<128x112xf32, #tpu.memory_space<hbm>>) dst(%arg11 : memref<128x112xf32, #tpu.memory_space<vmem>>)
      %scan3A_160 = arith.constant 0 : i32
      %scan3A_161 = arith.constant 0 : i32
      %scan3A_162 = arith.constant 128 : i32
      %scan3A_163 = arith.addi %scan3A_161, %scan3A_162 : i32
      %scan3A_164 = arith.constant 1 : i32
      scf.for %scan3A_181 = %scan3A_161 to %scan3A_163 step %scan3A_164  : i32 {
        %get3A = arith.constant 1 : i32
        %get3A_182 = arith.index_cast %get3A : i32 to index
        %get3A_183 = arith.index_cast %scan3A_181 : i32 to index
        %get3A_184 = arith.constant 0 : index
        %get3A_185 = tpu.vector_load %arg10[%get3A_182, %get3A_183, %get3A_184] {strides = array<i32>} : memref<2x128x128xf32, #tpu.memory_space<vmem>>, vector<1x1x16xf32>,
        %get3A_186 = vector.shape_cast %get3A_185 : vector<1x1x16xf32> to vector<16xf32>
        %get3A_187 = arith.index_cast %scan3A_181 : i32 to index
        %get3A_188 = arith.constant 0 : index
        %get3A_189 = tpu.vector_load %arg11[%get3A_187, %get3A_188] {strides = array<i32>} : memref<128x112xf32, #tpu.memory_space<vmem>>, vector<1x16xf32>,
        %get3A_190 = vector.shape_cast %get3A_189 : vector<1x16xf32> to vector<16xf32>
        %mul3A_191 = arith.mulf %get3A_186, %get3A_190 : vector<16xf32>
        %swap3A = arith.constant 1 : i32
        %swap3A_192 = arith.index_cast %swap3A : i32 to index
        %swap3A_193 = arith.index_cast %scan3A_181 : i32 to index
        %swap3A_194 = arith.constant 0 : index
        %swap3A_195 = tpu.vector_load %arg10[%swap3A_192, %swap3A_193, %swap3A_194] {strides = array<i32>} : memref<2x128x128xf32, #tpu.memory_space<vmem>>, vector<1x1x16xf32>,
        %swap3A_196 = vector.shape_cast %swap3A_195 : vector<1x1x16xf32> to vector<16xf32>
        %swap3A_197 = vector.shape_cast %mul3A_191 : vector<16xf32> to vector<1x1x16xf32>
        tpu.vector_store %arg10[%swap3A_192, %swap3A_193, %swap3A_194], %swap3A_197 {strides = array<i32>} : memref<2x128x128xf32, #tpu.memory_space<vmem>>, vector<1x1x16xf32>,
        %get3A_198 = arith.constant 1 : i32
        %get3A_199 = arith.index_cast %get3A_198 : i32 to index
        %get3A_200 = arith.index_cast %scan3A_181 : i32 to index
        %get3A_201 = arith.constant 16 : index
        %get3A_202 = tpu.vector_load %arg10[%get3A_199, %get3A_200, %get3A_201] {strides = array<i32>} : memref<2x128x128xf32, #tpu.memory_space<vmem>>, vector<1x1x16xf32>,
        %get3A_203 = vector.shape_cast %get3A_202 : vector<1x1x16xf32> to vector<16xf32>
        %get3A_204 = arith.index_cast %scan3A_181 : i32 to index
        %get3A_205 = arith.constant 16 : index
        %get3A_206 = tpu.vector_load %arg11[%get3A_204, %get3A_205] {strides = array<i32>} : memref<128x112xf32, #tpu.memory_space<vmem>>, vector<1x16xf32>,
        %get3A_207 = vector.shape_cast %get3A_206 : vector<1x16xf32> to vector<16xf32>
        %mul3A_208 = arith.mulf %get3A_203, %get3A_207 : vector<16xf32>
        %swap3A_209 = arith.constant 1 : i32
        %swap3A_210 = arith.index_cast %swap3A_209 : i32 to index
        %swap3A_211 = arith.index_cast %scan3A_181 : i32 to index
        %swap3A_212 = arith.constant 16 : index
        %swap3A_213 = tpu.vector_load %arg10[%swap3A_210, %swap3A_211, %swap3A_212] {strides = array<i32>} : memref<2x128x128xf32, #tpu.memory_space<vmem>>, vector<1x1x16xf32>,
        %swap3A_214 = vector.shape_cast %swap3A_213 : vector<1x1x16xf32> to vector<16xf32>
        %swap3A_215 = vector.shape_cast %mul3A_208 : vector<16xf32> to vector<1x1x16xf32>
        tpu.vector_store %arg10[%swap3A_210, %swap3A_211, %swap3A_212], %swap3A_215 {strides = array<i32>} : memref<2x128x128xf32, #tpu.memory_space<vmem>>, vector<1x1x16xf32>,
        %get3A_216 = arith.constant 1 : i32
        %get3A_217 = arith.index_cast %get3A_216 : i32 to index
        %get3A_218 = arith.index_cast %scan3A_181 : i32 to index
        %get3A_219 = arith.constant 32 : index
        %get3A_220 = tpu.vector_load %arg10[%get3A_217, %get3A_218, %get3A_219] {strides = array<i32>} : memref<2x128x128xf32, #tpu.memory_space<vmem>>, vector<1x1x16xf32>,
        %get3A_221 = vector.shape_cast %get3A_220 : vector<1x1x16xf32> to vector<16xf32>
        %get3A_222 = arith.index_cast %scan3A_181 : i32 to index
        %get3A_223 = arith.constant 32 : index
        %get3A_224 = tpu.vector_load %arg11[%get3A_222, %get3A_223] {strides = array<i32>} : memref<128x112xf32, #tpu.memory_space<vmem>>, vector<1x16xf32>,
        %get3A_225 = vector.shape_cast %get3A_224 : vector<1x16xf32> to vector<16xf32>
        %mul3A_226 = arith.mulf %get3A_221, %get3A_225 : vector<16xf32>
        %swap3A_227 = arith.constant 1 : i32
        %swap3A_228 = arith.index_cast %swap3A_227 : i32 to index
        %swap3A_229 = arith.index_cast %scan3A_181 : i32 to index
        %swap3A_230 = arith.constant 32 : index
        %swap3A_231 = tpu.vector_load %arg10[%swap3A_228, %swap3A_229, %swap3A_230] {strides = array<i32>} : memref<2x128x128xf32, #tpu.memory_space<vmem>>, vector<1x1x16xf32>,
        %swap3A_232 = vector.shape_cast %swap3A_231 : vector<1x1x16xf32> to vector<16xf32>
        %swap3A_233 = vector.shape_cast %mul3A_226 : vector<16xf32> to vector<1x1x16xf32>
        tpu.vector_store %arg10[%swap3A_228, %swap3A_229, %swap3A_230], %swap3A_233 {strides = array<i32>} : memref<2x128x128xf32, #tpu.memory_space<vmem>>, vector<1x1x16xf32>,
        %get3A_234 = arith.constant 1 : i32
        %get3A_235 = arith.index_cast %get3A_234 : i32 to index
        %get3A_236 = arith.index_cast %scan3A_181 : i32 to index
        %get3A_237 = arith.constant 48 : index
        %get3A_238 = tpu.vector_load %arg10[%get3A_235, %get3A_236, %get3A_237] {strides = array<i32>} : memref<2x128x128xf32, #tpu.memory_space<vmem>>, vector<1x1x16xf32>,
        %get3A_239 = vector.shape_cast %get3A_238 : vector<1x1x16xf32> to vector<16xf32>
        %get3A_240 = arith.index_cast %scan3A_181 : i32 to index
        %get3A_241 = arith.constant 48 : index
        %get3A_242 = tpu.vector_load %arg11[%get3A_240, %get3A_241] {strides = array<i32>} : memref<128x112xf32, #tpu.memory_space<vmem>>, vector<1x16xf32>,
        %get3A_243 = vector.shape_cast %get3A_242 : vector<1x16xf32> to vector<16xf32>
        %mul3A_244 = arith.mulf %get3A_239, %get3A_243 : vector<16xf32>
        %swap3A_245 = arith.constant 1 : i32
        %swap3A_246 = arith.index_cast %swap3A_245 : i32 to index
        %swap3A_247 = arith.index_cast %scan3A_181 : i32 to index
        %swap3A_248 = arith.constant 48 : index
        %swap3A_249 = tpu.vector_load %arg10[%swap3A_246, %swap3A_247, %swap3A_248] {strides = array<i32>} : memref<2x128x128xf32, #tpu.memory_space<vmem>>, vector<1x1x16xf32>,
        %swap3A_250 = vector.shape_cast %swap3A_249 : vector<1x1x16xf32> to vector<16xf32>
        %swap3A_251 = vector.shape_cast %mul3A_244 : vector<16xf32> to vector<1x1x16xf32>
        tpu.vector_store %arg10[%swap3A_246, %swap3A_247, %swap3A_248], %swap3A_251 {strides = array<i32>} : memref<2x128x128xf32, #tpu.memory_space<vmem>>, vector<1x1x16xf32>,
        %get3A_252 = arith.constant 1 : i32
        %get3A_253 = arith.index_cast %get3A_252 : i32 to index
        %get3A_254 = arith.index_cast %scan3A_181 : i32 to index
        %get3A_255 = arith.constant 64 : index
        %get3A_256 = tpu.vector_load %arg10[%get3A_253, %get3A_254, %get3A_255] {strides = array<i32>} : memref<2x128x128xf32, #tpu.memory_space<vmem>>, vector<1x1x16xf32>,
        %get3A_257 = vector.shape_cast %get3A_256 : vector<1x1x16xf32> to vector<16xf32>
        %get3A_258 = arith.index_cast %scan3A_181 : i32 to index
        %get3A_259 = arith.constant 64 : index
        %get3A_260 = tpu.vector_load %arg11[%get3A_258, %get3A_259] {strides = array<i32>} : memref<128x112xf32, #tpu.memory_space<vmem>>, vector<1x16xf32>,
        %get3A_261 = vector.shape_cast %get3A_260 : vector<1x16xf32> to vector<16xf32>
        %mul3A_262 = arith.mulf %get3A_257, %get3A_261 : vector<16xf32>
        %swap3A_263 = arith.constant 1 : i32
        %swap3A_264 = arith.index_cast %swap3A_263 : i32 to index
        %swap3A_265 = arith.index_cast %scan3A_181 : i32 to index
        %swap3A_266 = arith.constant 64 : index
        %swap3A_267 = tpu.vector_load %arg10[%swap3A_264, %swap3A_265, %swap3A_266] {strides = array<i32>} : memref<2x128x128xf32, #tpu.memory_space<vmem>>, vector<1x1x16xf32>,
        %swap3A_268 = vector.shape_cast %swap3A_267 : vector<1x1x16xf32> to vector<16xf32>
        %swap3A_269 = vector.shape_cast %mul3A_262 : vector<16xf32> to vector<1x1x16xf32>
        tpu.vector_store %arg10[%swap3A_264, %swap3A_265, %swap3A_266], %swap3A_269 {strides = array<i32>} : memref<2x128x128xf32, #tpu.memory_space<vmem>>, vector<1x1x16xf32>,
        %get3A_270 = arith.constant 1 : i32
        %get3A_271 = arith.index_cast %get3A_270 : i32 to index
        %get3A_272 = arith.index_cast %scan3A_181 : i32 to index
        %get3A_273 = arith.constant 80 : index
        %get3A_274 = tpu.vector_load %arg10[%get3A_271, %get3A_272, %get3A_273] {strides = array<i32>} : memref<2x128x128xf32, #tpu.memory_space<vmem>>, vector<1x1x16xf32>,
        %get3A_275 = vector.shape_cast %get3A_274 : vector<1x1x16xf32> to vector<16xf32>
        %get3A_276 = arith.index_cast %scan3A_181 : i32 to index
        %get3A_277 = arith.constant 80 : index
        %get3A_278 = tpu.vector_load %arg11[%get3A_276, %get3A_277] {strides = array<i32>} : memref<128x112xf32, #tpu.memory_space<vmem>>, vector<1x16xf32>,
        %get3A_279 = vector.shape_cast %get3A_278 : vector<1x16xf32> to vector<16xf32>
        %mul3A_280 = arith.mulf %get3A_275, %get3A_279 : vector<16xf32>
        %swap3A_281 = arith.constant 1 : i32
        %swap3A_282 = arith.index_cast %swap3A_281 : i32 to index
        %swap3A_283 = arith.index_cast %scan3A_181 : i32 to index
        %swap3A_284 = arith.constant 80 : index
        %swap3A_285 = tpu.vector_load %arg10[%swap3A_282, %swap3A_283, %swap3A_284] {strides = array<i32>} : memref<2x128x128xf32, #tpu.memory_space<vmem>>, vector<1x1x16xf32>,
        %swap3A_286 = vector.shape_cast %swap3A_285 : vector<1x1x16xf32> to vector<16xf32>
        %swap3A_287 = vector.shape_cast %mul3A_280 : vector<16xf32> to vector<1x1x16xf32>
        tpu.vector_store %arg10[%swap3A_282, %swap3A_283, %swap3A_284], %swap3A_287 {strides = array<i32>} : memref<2x128x128xf32, #tpu.memory_space<vmem>>, vector<1x1x16xf32>,
        %get3A_288 = arith.constant 1 : i32
        %get3A_289 = arith.index_cast %get3A_288 : i32 to index
        %get3A_290 = arith.index_cast %scan3A_181 : i32 to index
        %get3A_291 = arith.constant 96 : index
        %get3A_292 = tpu.vector_load %arg10[%get3A_289, %get3A_290, %get3A_291] {strides = array<i32>} : memref<2x128x128xf32, #tpu.memory_space<vmem>>, vector<1x1x16xf32>,
        %get3A_293 = vector.shape_cast %get3A_292 : vector<1x1x16xf32> to vector<16xf32>
        %get3A_294 = arith.index_cast %scan3A_181 : i32 to index
        %get3A_295 = arith.constant 96 : index
        %get3A_296 = tpu.vector_load %arg11[%get3A_294, %get3A_295] {strides = array<i32>} : memref<128x112xf32, #tpu.memory_space<vmem>>, vector<1x16xf32>,
        %get3A_297 = vector.shape_cast %get3A_296 : vector<1x16xf32> to vector<16xf32>
        %mul3A_298 = arith.mulf %get3A_293, %get3A_297 : vector<16xf32>
        %swap3A_299 = arith.constant 1 : i32
        %swap3A_300 = arith.index_cast %swap3A_299 : i32 to index
        %swap3A_301 = arith.index_cast %scan3A_181 : i32 to index
        %swap3A_302 = arith.constant 96 : index
        %swap3A_303 = tpu.vector_load %arg10[%swap3A_300, %swap3A_301, %swap3A_302] {strides = array<i32>} : memref<2x128x128xf32, #tpu.memory_space<vmem>>, vector<1x1x16xf32>,
        %swap3A_304 = vector.shape_cast %swap3A_303 : vector<1x1x16xf32> to vector<16xf32>
        %swap3A_305 = vector.shape_cast %mul3A_298 : vector<16xf32> to vector<1x1x16xf32>
        tpu.vector_store %arg10[%swap3A_300, %swap3A_301, %swap3A_302], %swap3A_305 {strides = array<i32>} : memref<2x128x128xf32, #tpu.memory_space<vmem>>, vector<1x1x16xf32>,
        %swap3A_306 = arith.constant 1 : i32
        %swap3A_307 = arith.index_cast %swap3A_306 : i32 to index
        %swap3A_308 = arith.index_cast %scan3A_181 : i32 to index
        %swap3A_309 = arith.constant 112 : index
        %swap3A_310 = tpu.vector_load %arg10[%swap3A_307, %swap3A_308, %swap3A_309] {strides = array<i32>} : memref<2x128x128xf32, #tpu.memory_space<vmem>>, vector<1x1x16xf32>,
        %swap3A_311 = vector.shape_cast %swap3A_310 : vector<1x1x16xf32> to vector<16xf32>
        %swap3A_312 = vector.shape_cast %select_n3A : vector<16xf32> to vector<1x1x16xf32>
        tpu.vector_store %arg10[%swap3A_307, %swap3A_308, %swap3A_309], %swap3A_312 {strides = array<i32>} : memref<2x128x128xf32, #tpu.memory_space<vmem>>, vector<1x1x16xf32>,
      }
      %scan3A_165 = arith.constant 128 : i32
      %add3A_166 = arith.constant 1 : i32
      %add3A_167 = arith.addi %add3A_129, %add3A_166 : i32
      %lt3A_168 = arith.constant 64 : i32
      %lt3A_169 = arith.cmpi slt, %add3A_167, %lt3A_168 : i32
      %convert_element_type3A_170 = arith.extui %lt3A_169 : i1 to i32
      %cond3A_171 = arith.constant 0 : i32
      %cond3A_172 = arith.cmpi ne, %convert_element_type3A_170, %cond3A_171 : i32
      scf.if %cond3A_172 {
        %mul3A_181 = arith.constant 64 : i32
        %mul3A_182 = arith.muli %arg1, %mul3A_181 : i32
        %mul3A_183 = arith.constant 128 : i32
        %mul3A_184 = arith.muli %mul3A_182, %mul3A_183 : i32
        %add3A_185 = arith.constant 1 : i32
        %add3A_186 = arith.addi %add3A_129, %add3A_185 : i32
        %mul3A_187 = arith.constant 128 : i32
        %mul3A_188 = arith.muli %add3A_186, %mul3A_187 : i32
        %add3A_189 = arith.addi %mul3A_184, %mul3A_188 : i32
        %dma_start3A_190 = arith.constant 0 : i32
        %dma_start3A_191 = arith.constant 0 : i32
        %dma_start3A_192 = tpu.memref_slice %arg4[%arg0, %dma_start3A_190, %dma_start3A_191] : memref<2x131072x112xf32, #tpu.memory_space<hbm>> -> memref<1x131072x112xf32, #tpu.memory_space<hbm>>
        %dma_start3A_193 = tpu.memref_squeeze %dma_start3A_192 : memref<1x131072x112xf32, #tpu.memory_space<hbm>> -> memref<131072x112xf32, #tpu.memory_space<hbm>>
        %dma_start3A_194 = arith.constant 0 : i32
        %dma_start3A_195 = tpu.memref_slice %dma_start3A_193[%add3A_189, %dma_start3A_194] : memref<131072x112xf32, #tpu.memory_space<hbm>> -> memref<128x112xf32, #tpu.memory_space<hbm>>
        %dma_start3A_196 = arith.constant 0 : i32
        %dma_start3A_197 = arith.constant 0 : i32
        %dma_start3A_198 = tpu.memref_slice %arg4[%arg0, %dma_start3A_196, %dma_start3A_197] : memref<2x131072x112xf32, #tpu.memory_space<hbm>> -> memref<1x131072x112xf32, #tpu.memory_space<hbm>>
        %dma_start3A_199 = tpu.memref_squeeze %dma_start3A_198 : memref<1x131072x112xf32, #tpu.memory_space<hbm>> -> memref<131072x112xf32, #tpu.memory_space<hbm>>
        %dma_start3A_200 = arith.constant 0 : i32
        %dma_start3A_201 = tpu.memref_slice %dma_start3A_199[%add3A_189, %dma_start3A_200] : memref<131072x112xf32, #tpu.memory_space<hbm>> -> memref<128x112xf32, #tpu.memory_space<hbm>>
        tpu.enqueue_dma source(%dma_start3A_201 : memref<128x112xf32, #tpu.memory_space<hbm>>) target(%arg11 : memref<128x112xf32, #tpu.memory_space<vmem>>) target_semaphore(%arg15 : memref<!tpu.dma_semaphore, #tpu.memory_space<semaphore_mem>>)
      } else {
      }
      %run_scoped3A_173 = arith.constant 1 : i32
      "tpu.region"() ({
        %run_scoped3A_181 = tpu.sem_alloc : memref<!tpu.dma_semaphore, #tpu.memory_space<semaphore_mem>>
        %dma_start3A_182 = arith.constant 0 : i32
        %dma_start3A_183 = arith.constant 0 : i32
        %dma_start3A_184 = tpu.memref_slice %arg10[%run_scoped3A_173, %dma_start3A_182, %dma_start3A_183] : memref<2x128x128xf32, #tpu.memory_space<vmem>> -> memref<1x128x128xf32, #tpu.memory_space<vmem>>
        %dma_start3A_185 = tpu.memref_squeeze %dma_start3A_184 : memref<1x128x128xf32, #tpu.memory_space<vmem>> -> memref<128x128xf32, #tpu.memory_space<vmem>>
        %dma_start3A_186 = arith.constant 0 : i32
        %dma_start3A_187 = tpu.memref_slice %arg9[%add3A_129, %dma_start3A_186] : memref<64x128xi32, #tpu.memory_space<vmem>> -> memref<1x128xi32, #tpu.memory_space<vmem>>
        %dma_start3A_188 = tpu.memref_squeeze %dma_start3A_187 : memref<1x128xi32, #tpu.memory_space<vmem>> -> memref<128xi32, #tpu.memory_space<vmem>>
        %dma_start3A_189 = arith.constant 0 : i32
        %dma_start3A_190 = arith.constant 0 : i32
        %dma_start3A_191 = tpu.memref_slice %arg12[%dma_start3A_189, %dma_start3A_190] : memref<8192x128xf32, #tpu.memory_space<vmem_shared>> -> memref<8192x128xf32, #tpu.memory_space<vmem_shared>>
        tpu.enqueue_indirect_dma source(%dma_start3A_185 : memref<128x128xf32, #tpu.memory_space<vmem>>) target(%dma_start3A_191 : memref<8192x128xf32, #tpu.memory_space<vmem_shared>>) offsets(%dma_start3A_188 : memref<128xi32, #tpu.memory_space<vmem>>) semaphore(%run_scoped3A_181 : memref<!tpu.dma_semaphore, #tpu.memory_space<semaphore_mem>>) {add = true}
        %dma_wait3A_192 = arith.constant 0 : i32
        %dma_wait3A_193 = arith.constant 0 : i32
        %dma_wait3A_194 = tpu.memref_slice %arg10[%run_scoped3A_173, %dma_wait3A_192, %dma_wait3A_193] : memref<2x128x128xf32, #tpu.memory_space<vmem>> -> memref<1x128x128xf32, #tpu.memory_space<vmem>>
        %dma_wait3A_195 = tpu.memref_squeeze %dma_wait3A_194 : memref<1x128x128xf32, #tpu.memory_space<vmem>> -> memref<128x128xf32, #tpu.memory_space<vmem>>
        %dma_wait3A_196 = arith.constant 0 : i32
        %dma_wait3A_197 = tpu.memref_slice %arg9[%add3A_129, %dma_wait3A_196] : memref<64x128xi32, #tpu.memory_space<vmem>> -> memref<1x128xi32, #tpu.memory_space<vmem>>
        %dma_wait3A_198 = tpu.memref_squeeze %dma_wait3A_197 : memref<1x128xi32, #tpu.memory_space<vmem>> -> memref<128xi32, #tpu.memory_space<vmem>>
        %dma_wait3A_199 = arith.constant 0 : i32
        %dma_wait3A_200 = arith.constant 0 : i32
        %dma_wait3A_201 = tpu.memref_slice %arg12[%dma_wait3A_199, %dma_wait3A_200] : memref<8192x128xf32, #tpu.memory_space<vmem_shared>> -> memref<8192x128xf32, #tpu.memory_space<vmem_shared>>
        tpu.wait_indirect_dma semaphore(%run_scoped3A_181 : memref<!tpu.dma_semaphore, #tpu.memory_space<semaphore_mem>>) src(%dma_wait3A_195 : memref<128x128xf32, #tpu.memory_space<vmem>>) dst(%dma_wait3A_201 : memref<8192x128xf32, #tpu.memory_space<vmem_shared>>)
        tpu.yield
      }) : () -> ()
      %add3A_174 = arith.constant 2 : i32
      %add3A_175 = arith.addi %add3A_129, %add3A_174 : i32
      %lt3A_176 = arith.constant 64 : i32
      %lt3A_177 = arith.cmpi slt, %add3A_175, %lt3A_176 : i32
      %convert_element_type3A_178 = arith.extui %lt3A_177 : i1 to i32
      %cond3A_179 = arith.constant 0 : i32
      %cond3A_180 = arith.cmpi ne, %convert_element_type3A_178, %cond3A_179 : i32
      scf.if %cond3A_180 {
        %eq3A_181 = arith.constant 0 : i32
        %eq3A_182 = arith.cmpi eq, %arg0, %eq3A_181 : i32
        %convert_element_type3A_183 = arith.extui %eq3A_182 : i1 to i32
        %cond3A_184 = arith.constant 0 : i32
        %cond3A_185 = arith.cmpi ne, %convert_element_type3A_183, %cond3A_184 : i32
        scf.if %cond3A_185 {
          %dma_start3A_191 = arith.constant 1 : i32
          %dma_start3A_192 = arith.constant 0 : i32
          %dma_start3A_193 = arith.constant 0 : i32
          %dma_start3A_194 = tpu.memref_slice %arg10[%dma_start3A_191, %dma_start3A_192, %dma_start3A_193] : memref<2x128x128xf32, #tpu.memory_space<vmem>> -> memref<1x128x128xf32, #tpu.memory_space<vmem>>
          %dma_start3A_195 = tpu.memref_squeeze %dma_start3A_194 : memref<1x128x128xf32, #tpu.memory_space<vmem>> -> memref<128x128xf32, #tpu.memory_space<vmem>>
          %dma_start3A_196 = arith.constant 0 : i32
          %dma_start3A_197 = tpu.memref_slice %arg8[%add3A_175, %dma_start3A_196] : memref<64x128xi32, #tpu.memory_space<vmem>> -> memref<1x128xi32, #tpu.memory_space<vmem>>
          %dma_start3A_198 = tpu.memref_squeeze %dma_start3A_197 : memref<1x128xi32, #tpu.memory_space<vmem>> -> memref<128xi32, #tpu.memory_space<vmem>>
          %dma_start3A_199 = arith.constant 0 : i32
          %dma_start3A_200 = arith.constant 0 : i32
          %dma_start3A_201 = tpu.memref_slice %arg2[%dma_start3A_199, %dma_start3A_200] : memref<50000x128xf32, #tpu.memory_space<hbm>> -> memref<50000x128xf32, #tpu.memory_space<hbm>>
          tpu.enqueue_indirect_dma source(%dma_start3A_201 : memref<50000x128xf32, #tpu.memory_space<hbm>>) target(%dma_start3A_195 : memref<128x128xf32, #tpu.memory_space<vmem>>) offsets(%dma_start3A_198 : memref<128xi32, #tpu.memory_space<vmem>>) semaphore(%arg14 : memref<!tpu.dma_semaphore, #tpu.memory_space<semaphore_mem>>)
        } else {
        }
        %eq3A_186 = arith.constant 1 : i32
        %eq3A_187 = arith.cmpi eq, %arg0, %eq3A_186 : i32
        %convert_element_type3A_188 = arith.extui %eq3A_187 : i1 to i32
        %cond3A_189 = arith.constant 0 : i32
        %cond3A_190 = arith.cmpi ne, %convert_element_type3A_188, %cond3A_189 : i32
        scf.if %cond3A_190 {
          %dma_start3A_191 = arith.constant 1 : i32
          %dma_start3A_192 = arith.constant 0 : i32
          %dma_start3A_193 = arith.constant 0 : i32
          %dma_start3A_194 = tpu.memref_slice %arg10[%dma_start3A_191, %dma_start3A_192, %dma_start3A_193] : memref<2x128x128xf32, #tpu.memory_space<vmem>> -> memref<1x128x128xf32, #tpu.memory_space<vmem>>
          %dma_start3A_195 = tpu.memref_squeeze %dma_start3A_194 : memref<1x128x128xf32, #tpu.memory_space<vmem>> -> memref<128x128xf32, #tpu.memory_space<vmem>>
          %dma_start3A_196 = arith.constant 0 : i32
          %dma_start3A_197 = tpu.memref_slice %arg8[%add3A_175, %dma_start3A_196] : memref<64x128xi32, #tpu.memory_space<vmem>> -> memref<1x128xi32, #tpu.memory_space<vmem>>
          %dma_start3A_198 = tpu.memref_squeeze %dma_start3A_197 : memref<1x128xi32, #tpu.memory_space<vmem>> -> memref<128xi32, #tpu.memory_space<vmem>>
          %dma_start3A_199 = arith.constant 0 : i32
          %dma_start3A_200 = arith.constant 0 : i32
          %dma_start3A_201 = tpu.memref_slice %arg3[%dma_start3A_199, %dma_start3A_200] : memref<50000x128xf32, #tpu.memory_space<hbm>> -> memref<50000x128xf32, #tpu.memory_space<hbm>>
          tpu.enqueue_indirect_dma source(%dma_start3A_201 : memref<50000x128xf32, #tpu.memory_space<hbm>>) target(%dma_start3A_195 : memref<128x128xf32, #tpu.memory_space<vmem>>) offsets(%dma_start3A_198 : memref<128xi32, #tpu.memory_space<vmem>>) semaphore(%arg14 : memref<!tpu.dma_semaphore, #tpu.memory_space<semaphore_mem>>)
        } else {
        }
      } else {
      }
    }
    %scan3A_66 = arith.constant 32 : i32
    %barrier3A_67 = arith.constant 0 : index
    tpu.barrier barrier_id(%barrier3A_67)
    %mul3A_68 = arith.constant 512 : i32
    %mul3A_69 = arith.muli %arg1, %mul3A_68 : i32
    %mul3A_70 = arith.constant 512 : i32
    %mul3A_71 = arith.muli %arg1, %mul3A_70 : i32
    "tpu.region"() ({
      %run_scoped3A_72 = tpu.sem_alloc : memref<!tpu.dma_semaphore, #tpu.memory_space<semaphore_mem>>
      %dma_start3A_73 = arith.constant 0 : i32
      %dma_start3A_74 = tpu.memref_slice %arg7[%arg0, %mul3A_71, %dma_start3A_73] : memref<2x8192x128xf32, #tpu.memory_space<hbm>> -> memref<1x512x128xf32, #tpu.memory_space<hbm>>
      %dma_start3A_75 = tpu.memref_squeeze %dma_start3A_74 : memref<1x512x128xf32, #tpu.memory_space<hbm>> -> memref<512x128xf32, #tpu.memory_space<hbm>>
      %dma_start3A_76 = arith.constant 0 : i32
      %dma_start3A_77 = tpu.memref_slice %arg12[%mul3A_69, %dma_start3A_76] : memref<8192x128xf32, #tpu.memory_space<vmem_shared>> -> memref<512x128xf32, #tpu.memory_space<vmem_shared>>
      tpu.enqueue_dma source(%dma_start3A_77 : memref<512x128xf32, #tpu.memory_space<vmem_shared>>) target(%dma_start3A_75 : memref<512x128xf32, #tpu.memory_space<hbm>>) target_semaphore(%run_scoped3A_72 : memref<!tpu.dma_semaphore, #tpu.memory_space<semaphore_mem>>)
      %dma_wait3A = arith.constant 0 : i32
      %dma_wait3A_78 = tpu.memref_slice %arg7[%arg0, %mul3A_71, %dma_wait3A] : memref<2x8192x128xf32, #tpu.memory_space<hbm>> -> memref<1x512x128xf32, #tpu.memory_space<hbm>>
      %dma_wait3A_79 = tpu.memref_squeeze %dma_wait3A_78 : memref<1x512x128xf32, #tpu.memory_space<hbm>> -> memref<512x128xf32, #tpu.memory_space<hbm>>
      %dma_wait3A_80 = arith.constant 0 : i32
      %dma_wait3A_81 = tpu.memref_slice %arg12[%mul3A_69, %dma_wait3A_80] : memref<8192x128xf32, #tpu.memory_space<vmem_shared>> -> memref<512x128xf32, #tpu.memory_space<vmem_shared>>
      tpu.wait_dma2 semaphore(%run_scoped3A_72 : memref<!tpu.dma_semaphore, #tpu.memory_space<semaphore_mem>>) src(%dma_wait3A_81 : memref<512x128xf32, #tpu.memory_space<vmem_shared>>) dst(%dma_wait3A_79 : memref<512x128xf32, #tpu.memory_space<hbm>>)
      tpu.yield
    }) : () -> ()
    return
  }
}

#map = affine_map<(d0, d1) -> (0)>
#map1 = affine_map<(d0, d1) -> (0, 0, 0, 0)>
module attributes {stable_mosaic.version = 14 : i64} {
  func.func @_stage_b(%arg0: i32, %arg1: i32, %arg2: memref<100000xf32, #tpu.memory_space<hbm>>, %arg3: memref<100000xf32, #tpu.memory_space<hbm>>, %arg4: memref<100000xf32, #tpu.memory_space<hbm>>, %arg5: memref<8192xf32, #tpu.memory_space<hbm>>, %arg6: memref<8192xf32, #tpu.memory_space<hbm>>, %arg7: memref<8192xf32, #tpu.memory_space<hbm>>, %arg8: memref<2x16x64x128xi32, #tpu.memory_space<hbm>>, %arg9: memref<2x16x64x128xi32, #tpu.memory_space<hbm>>, %arg10: memref<2x16x64x128xf32, #tpu.memory_space<hbm>>, %arg11: memref<64x128xi32, #tpu.memory_space<vmem>>, %arg12: memref<64x128xi32, #tpu.memory_space<vmem>>, %arg13: memref<384xf32, #tpu.memory_space<vmem>>, %arg14: memref<384xf32, #tpu.memory_space<vmem>>, %arg15: memref<384xf32, #tpu.memory_space<vmem>>, %arg16: memref<384xf32, #tpu.memory_space<vmem>>, %arg17: memref<64x128xf32, #tpu.memory_space<vmem>>, %arg18: memref<100000xf32, #tpu.memory_space<vmem_shared>>, %arg19: memref<100000xf32, #tpu.memory_space<vmem_shared>>, %arg20: memref<100000xf32, #tpu.memory_space<vmem_shared>>, %arg21: memref<8192xf32, #tpu.memory_space<vmem_shared>>, %arg22: memref<8192xf32, #tpu.memory_space<vmem_shared>>, %arg23: memref<8192xf32, #tpu.memory_space<vmem_shared>>, %arg24: memref<!tpu.dma_semaphore, #tpu.memory_space<semaphore_mem>>, %arg25: memref<!tpu.dma_semaphore, #tpu.memory_space<semaphore_mem>>) attributes {dimension_semantics = [#tpu.dimension_semantics<core_parallel>, #tpu.dimension_semantics<subcore_parallel>], iteration_bounds = array<i64: 2, 16>, scalar_prefetch = 0 : i64, scratch_operands = 15 : i64, tpu.core_type = #tpu.core_type<sc_vector_subcore>, window_params = [{transform_indices = #map}, {transform_indices = #map}, {transform_indices = #map}, {transform_indices = #map}, {transform_indices = #map}, {transform_indices = #map}, {transform_indices = #map1}, {transform_indices = #map1}, {transform_indices = #map1}]} {
    "tpu.region"() ({
      %run_scoped3A = tpu.sem_alloc : memref<!tpu.dma_semaphore, #tpu.memory_space<semaphore_mem>>
      %dma_start3A_102 = arith.constant 0 : i32
      %dma_start3A_103 = arith.constant 0 : i32
      %dma_start3A_104 = tpu.memref_slice %arg8[%arg0, %arg1, %dma_start3A_102, %dma_start3A_103] : memref<2x16x64x128xi32, #tpu.memory_space<hbm>> -> memref<1x1x64x128xi32, #tpu.memory_space<hbm>>
      %dma_start3A_105 = tpu.memref_squeeze %dma_start3A_104 : memref<1x1x64x128xi32, #tpu.memory_space<hbm>> -> memref<64x128xi32, #tpu.memory_space<hbm>>
      %dma_start3A_106 = arith.constant 0 : i32
      %dma_start3A_107 = arith.constant 0 : i32
      %dma_start3A_108 = tpu.memref_slice %arg8[%arg0, %arg1, %dma_start3A_106, %dma_start3A_107] : memref<2x16x64x128xi32, #tpu.memory_space<hbm>> -> memref<1x1x64x128xi32, #tpu.memory_space<hbm>>
      %dma_start3A_109 = tpu.memref_squeeze %dma_start3A_108 : memref<1x1x64x128xi32, #tpu.memory_space<hbm>> -> memref<64x128xi32, #tpu.memory_space<hbm>>
      tpu.enqueue_dma source(%dma_start3A_109 : memref<64x128xi32, #tpu.memory_space<hbm>>) target(%arg11 : memref<64x128xi32, #tpu.memory_space<vmem>>) target_semaphore(%run_scoped3A : memref<!tpu.dma_semaphore, #tpu.memory_space<semaphore_mem>>)
      %dma_wait3A = arith.constant 0 : i32
      %dma_wait3A_110 = arith.constant 0 : i32
      %dma_wait3A_111 = tpu.memref_slice %arg8[%arg0, %arg1, %dma_wait3A, %dma_wait3A_110] : memref<2x16x64x128xi32, #tpu.memory_space<hbm>> -> memref<1x1x64x128xi32, #tpu.memory_space<hbm>>
      %dma_wait3A_112 = tpu.memref_squeeze %dma_wait3A_111 : memref<1x1x64x128xi32, #tpu.memory_space<hbm>> -> memref<64x128xi32, #tpu.memory_space<hbm>>
      %dma_wait3A_113 = arith.constant 0 : i32
      %dma_wait3A_114 = arith.constant 0 : i32
      %dma_wait3A_115 = tpu.memref_slice %arg8[%arg0, %arg1, %dma_wait3A_113, %dma_wait3A_114] : memref<2x16x64x128xi32, #tpu.memory_space<hbm>> -> memref<1x1x64x128xi32, #tpu.memory_space<hbm>>
      %dma_wait3A_116 = tpu.memref_squeeze %dma_wait3A_115 : memref<1x1x64x128xi32, #tpu.memory_space<hbm>> -> memref<64x128xi32, #tpu.memory_space<hbm>>
      tpu.wait_dma2 semaphore(%run_scoped3A : memref<!tpu.dma_semaphore, #tpu.memory_space<semaphore_mem>>) src(%dma_wait3A_116 : memref<64x128xi32, #tpu.memory_space<hbm>>) dst(%arg11 : memref<64x128xi32, #tpu.memory_space<vmem>>)
      tpu.yield
    }) : () -> ()
    "tpu.region"() ({
      %run_scoped3A = tpu.sem_alloc : memref<!tpu.dma_semaphore, #tpu.memory_space<semaphore_mem>>
      %dma_start3A_102 = arith.constant 0 : i32
      %dma_start3A_103 = arith.constant 0 : i32
      %dma_start3A_104 = tpu.memref_slice %arg9[%arg0, %arg1, %dma_start3A_102, %dma_start3A_103] : memref<2x16x64x128xi32, #tpu.memory_space<hbm>> -> memref<1x1x64x128xi32, #tpu.memory_space<hbm>>
      %dma_start3A_105 = tpu.memref_squeeze %dma_start3A_104 : memref<1x1x64x128xi32, #tpu.memory_space<hbm>> -> memref<64x128xi32, #tpu.memory_space<hbm>>
      %dma_start3A_106 = arith.constant 0 : i32
      %dma_start3A_107 = arith.constant 0 : i32
      %dma_start3A_108 = tpu.memref_slice %arg9[%arg0, %arg1, %dma_start3A_106, %dma_start3A_107] : memref<2x16x64x128xi32, #tpu.memory_space<hbm>> -> memref<1x1x64x128xi32, #tpu.memory_space<hbm>>
      %dma_start3A_109 = tpu.memref_squeeze %dma_start3A_108 : memref<1x1x64x128xi32, #tpu.memory_space<hbm>> -> memref<64x128xi32, #tpu.memory_space<hbm>>
      tpu.enqueue_dma source(%dma_start3A_109 : memref<64x128xi32, #tpu.memory_space<hbm>>) target(%arg12 : memref<64x128xi32, #tpu.memory_space<vmem>>) target_semaphore(%run_scoped3A : memref<!tpu.dma_semaphore, #tpu.memory_space<semaphore_mem>>)
      %dma_wait3A = arith.constant 0 : i32
      %dma_wait3A_110 = arith.constant 0 : i32
      %dma_wait3A_111 = tpu.memref_slice %arg9[%arg0, %arg1, %dma_wait3A, %dma_wait3A_110] : memref<2x16x64x128xi32, #tpu.memory_space<hbm>> -> memref<1x1x64x128xi32, #tpu.memory_space<hbm>>
      %dma_wait3A_112 = tpu.memref_squeeze %dma_wait3A_111 : memref<1x1x64x128xi32, #tpu.memory_space<hbm>> -> memref<64x128xi32, #tpu.memory_space<hbm>>
      %dma_wait3A_113 = arith.constant 0 : i32
      %dma_wait3A_114 = arith.constant 0 : i32
      %dma_wait3A_115 = tpu.memref_slice %arg9[%arg0, %arg1, %dma_wait3A_113, %dma_wait3A_114] : memref<2x16x64x128xi32, #tpu.memory_space<hbm>> -> memref<1x1x64x128xi32, #tpu.memory_space<hbm>>
      %dma_wait3A_116 = tpu.memref_squeeze %dma_wait3A_115 : memref<1x1x64x128xi32, #tpu.memory_space<hbm>> -> memref<64x128xi32, #tpu.memory_space<hbm>>
      tpu.wait_dma2 semaphore(%run_scoped3A : memref<!tpu.dma_semaphore, #tpu.memory_space<semaphore_mem>>) src(%dma_wait3A_116 : memref<64x128xi32, #tpu.memory_space<hbm>>) dst(%arg12 : memref<64x128xi32, #tpu.memory_space<vmem>>)
      tpu.yield
    }) : () -> ()
    %eq3A = arith.constant 0 : i32
    %eq3A_0 = arith.cmpi eq, %arg1, %eq3A : i32
    %convert_element_type3A = arith.extui %eq3A_0 : i1 to i32
    %cond3A = arith.constant 0 : i32
    %cond3A_1 = arith.cmpi ne, %convert_element_type3A, %cond3A : i32
    scf.if %cond3A_1 {
      "tpu.region"() ({
        %run_scoped3A = tpu.sem_alloc : memref<!tpu.dma_semaphore, #tpu.memory_space<semaphore_mem>>
        tpu.enqueue_dma source(%arg2 : memref<100000xf32, #tpu.memory_space<hbm>>) target(%arg18 : memref<100000xf32, #tpu.memory_space<vmem_shared>>) target_semaphore(%run_scoped3A : memref<!tpu.dma_semaphore, #tpu.memory_space<semaphore_mem>>)
        tpu.wait_dma2 semaphore(%run_scoped3A : memref<!tpu.dma_semaphore, #tpu.memory_space<semaphore_mem>>) src(%arg2 : memref<100000xf32, #tpu.memory_space<hbm>>) dst(%arg18 : memref<100000xf32, #tpu.memory_space<vmem_shared>>)
        tpu.yield
      }) : () -> ()
      "tpu.region"() ({
        %run_scoped3A = tpu.sem_alloc : memref<!tpu.dma_semaphore, #tpu.memory_space<semaphore_mem>>
        tpu.enqueue_dma source(%arg3 : memref<100000xf32, #tpu.memory_space<hbm>>) target(%arg19 : memref<100000xf32, #tpu.memory_space<vmem_shared>>) target_semaphore(%run_scoped3A : memref<!tpu.dma_semaphore, #tpu.memory_space<semaphore_mem>>)
        tpu.wait_dma2 semaphore(%run_scoped3A : memref<!tpu.dma_semaphore, #tpu.memory_space<semaphore_mem>>) src(%arg3 : memref<100000xf32, #tpu.memory_space<hbm>>) dst(%arg19 : memref<100000xf32, #tpu.memory_space<vmem_shared>>)
        tpu.yield
      }) : () -> ()
      "tpu.region"() ({
        %run_scoped3A = tpu.sem_alloc : memref<!tpu.dma_semaphore, #tpu.memory_space<semaphore_mem>>
        tpu.enqueue_dma source(%arg4 : memref<100000xf32, #tpu.memory_space<hbm>>) target(%arg20 : memref<100000xf32, #tpu.memory_space<vmem_shared>>) target_semaphore(%run_scoped3A : memref<!tpu.dma_semaphore, #tpu.memory_space<semaphore_mem>>)
        tpu.wait_dma2 semaphore(%run_scoped3A : memref<!tpu.dma_semaphore, #tpu.memory_space<semaphore_mem>>) src(%arg4 : memref<100000xf32, #tpu.memory_space<hbm>>) dst(%arg20 : memref<100000xf32, #tpu.memory_space<vmem_shared>>)
        tpu.yield
      }) : () -> ()
      "tpu.region"() ({
        %run_scoped3A = tpu.sem_alloc : memref<!tpu.dma_semaphore, #tpu.memory_space<semaphore_mem>>
        tpu.enqueue_dma source(%arg5 : memref<8192xf32, #tpu.memory_space<hbm>>) target(%arg21 : memref<8192xf32, #tpu.memory_space<vmem_shared>>) target_semaphore(%run_scoped3A : memref<!tpu.dma_semaphore, #tpu.memory_space<semaphore_mem>>)
        tpu.wait_dma2 semaphore(%run_scoped3A : memref<!tpu.dma_semaphore, #tpu.memory_space<semaphore_mem>>) src(%arg5 : memref<8192xf32, #tpu.memory_space<hbm>>) dst(%arg21 : memref<8192xf32, #tpu.memory_space<vmem_shared>>)
        tpu.yield
      }) : () -> ()
      "tpu.region"() ({
        %run_scoped3A = tpu.sem_alloc : memref<!tpu.dma_semaphore, #tpu.memory_space<semaphore_mem>>
        tpu.enqueue_dma source(%arg6 : memref<8192xf32, #tpu.memory_space<hbm>>) target(%arg22 : memref<8192xf32, #tpu.memory_space<vmem_shared>>) target_semaphore(%run_scoped3A : memref<!tpu.dma_semaphore, #tpu.memory_space<semaphore_mem>>)
        tpu.wait_dma2 semaphore(%run_scoped3A : memref<!tpu.dma_semaphore, #tpu.memory_space<semaphore_mem>>) src(%arg6 : memref<8192xf32, #tpu.memory_space<hbm>>) dst(%arg22 : memref<8192xf32, #tpu.memory_space<vmem_shared>>)
        tpu.yield
      }) : () -> ()
      "tpu.region"() ({
        %run_scoped3A = tpu.sem_alloc : memref<!tpu.dma_semaphore, #tpu.memory_space<semaphore_mem>>
        tpu.enqueue_dma source(%arg7 : memref<8192xf32, #tpu.memory_space<hbm>>) target(%arg23 : memref<8192xf32, #tpu.memory_space<vmem_shared>>) target_semaphore(%run_scoped3A : memref<!tpu.dma_semaphore, #tpu.memory_space<semaphore_mem>>)
        tpu.wait_dma2 semaphore(%run_scoped3A : memref<!tpu.dma_semaphore, #tpu.memory_space<semaphore_mem>>) src(%arg7 : memref<8192xf32, #tpu.memory_space<hbm>>) dst(%arg23 : memref<8192xf32, #tpu.memory_space<vmem_shared>>)
        tpu.yield
      }) : () -> ()
    } else {
    }
    %barrier3A = arith.constant 0 : index
    tpu.barrier barrier_id(%barrier3A)
    %dma_start3A = arith.constant 0 : i32
    %dma_start3A_2 = arith.constant 0 : i32
    %dma_start3A_3 = tpu.memref_slice %arg13[%dma_start3A_2] : memref<384xf32, #tpu.memory_space<vmem>> -> memref<128xf32, #tpu.memory_space<vmem>>
    %dma_start3A_4 = arith.constant 0 : i32
    %dma_start3A_5 = tpu.memref_slice %arg11[%dma_start3A, %dma_start3A_4] : memref<64x128xi32, #tpu.memory_space<vmem>> -> memref<1x128xi32, #tpu.memory_space<vmem>>
    %dma_start3A_6 = tpu.memref_squeeze %dma_start3A_5 : memref<1x128xi32, #tpu.memory_space<vmem>> -> memref<128xi32, #tpu.memory_space<vmem>>
    %dma_start3A_7 = arith.constant 0 : i32
    %dma_start3A_8 = tpu.memref_slice %arg18[%dma_start3A_7] : memref<100000xf32, #tpu.memory_space<vmem_shared>> -> memref<100000xf32, #tpu.memory_space<vmem_shared>>
    tpu.enqueue_indirect_dma source(%dma_start3A_8 : memref<100000xf32, #tpu.memory_space<vmem_shared>>) target(%dma_start3A_3 : memref<128xf32, #tpu.memory_space<vmem>>) offsets(%dma_start3A_6 : memref<128xi32, #tpu.memory_space<vmem>>) semaphore(%arg24 : memref<!tpu.dma_semaphore, #tpu.memory_space<semaphore_mem>>)
    %dma_start3A_9 = arith.constant 0 : i32
    %dma_start3A_10 = arith.constant 0 : i32
    %dma_start3A_11 = tpu.memref_slice %arg15[%dma_start3A_10] : memref<384xf32, #tpu.memory_space<vmem>> -> memref<128xf32, #tpu.memory_space<vmem>>
    %dma_start3A_12 = arith.constant 0 : i32
    %dma_start3A_13 = tpu.memref_slice %arg12[%dma_start3A_9, %dma_start3A_12] : memref<64x128xi32, #tpu.memory_space<vmem>> -> memref<1x128xi32, #tpu.memory_space<vmem>>
    %dma_start3A_14 = tpu.memref_squeeze %dma_start3A_13 : memref<1x128xi32, #tpu.memory_space<vmem>> -> memref<128xi32, #tpu.memory_space<vmem>>
    %dma_start3A_15 = arith.constant 0 : i32
    %dma_start3A_16 = tpu.memref_slice %arg21[%dma_start3A_15] : memref<8192xf32, #tpu.memory_space<vmem_shared>> -> memref<8192xf32, #tpu.memory_space<vmem_shared>>
    tpu.enqueue_indirect_dma source(%dma_start3A_16 : memref<8192xf32, #tpu.memory_space<vmem_shared>>) target(%dma_start3A_11 : memref<128xf32, #tpu.memory_space<vmem>>) offsets(%dma_start3A_14 : memref<128xi32, #tpu.memory_space<vmem>>) semaphore(%arg24 : memref<!tpu.dma_semaphore, #tpu.memory_space<semaphore_mem>>)
    %dma_start3A_17 = arith.constant 0 : i32
    %dma_start3A_18 = arith.constant 128 : i32
    %dma_start3A_19 = tpu.memref_slice %arg13[%dma_start3A_18] : memref<384xf32, #tpu.memory_space<vmem>> -> memref<128xf32, #tpu.memory_space<vmem>>
    %dma_start3A_20 = arith.constant 0 : i32
    %dma_start3A_21 = tpu.memref_slice %arg11[%dma_start3A_17, %dma_start3A_20] : memref<64x128xi32, #tpu.memory_space<vmem>> -> memref<1x128xi32, #tpu.memory_space<vmem>>
    %dma_start3A_22 = tpu.memref_squeeze %dma_start3A_21 : memref<1x128xi32, #tpu.memory_space<vmem>> -> memref<128xi32, #tpu.memory_space<vmem>>
    %dma_start3A_23 = arith.constant 0 : i32
    %dma_start3A_24 = tpu.memref_slice %arg19[%dma_start3A_23] : memref<100000xf32, #tpu.memory_space<vmem_shared>> -> memref<100000xf32, #tpu.memory_space<vmem_shared>>
    tpu.enqueue_indirect_dma source(%dma_start3A_24 : memref<100000xf32, #tpu.memory_space<vmem_shared>>) target(%dma_start3A_19 : memref<128xf32, #tpu.memory_space<vmem>>) offsets(%dma_start3A_22 : memref<128xi32, #tpu.memory_space<vmem>>) semaphore(%arg24 : memref<!tpu.dma_semaphore, #tpu.memory_space<semaphore_mem>>)
    %dma_start3A_25 = arith.constant 0 : i32
    %dma_start3A_26 = arith.constant 128 : i32
    %dma_start3A_27 = tpu.memref_slice %arg15[%dma_start3A_26] : memref<384xf32, #tpu.memory_space<vmem>> -> memref<128xf32, #tpu.memory_space<vmem>>
    %dma_start3A_28 = arith.constant 0 : i32
    %dma_start3A_29 = tpu.memref_slice %arg12[%dma_start3A_25, %dma_start3A_28] : memref<64x128xi32, #tpu.memory_space<vmem>> -> memref<1x128xi32, #tpu.memory_space<vmem>>
    %dma_start3A_30 = tpu.memref_squeeze %dma_start3A_29 : memref<1x128xi32, #tpu.memory_space<vmem>> -> memref<128xi32, #tpu.memory_space<vmem>>
    %dma_start3A_31 = arith.constant 0 : i32
    %dma_start3A_32 = tpu.memref_slice %arg22[%dma_start3A_31] : memref<8192xf32, #tpu.memory_space<vmem_shared>> -> memref<8192xf32, #tpu.memory_space<vmem_shared>>
    tpu.enqueue_indirect_dma source(%dma_start3A_32 : memref<8192xf32, #tpu.memory_space<vmem_shared>>) target(%dma_start3A_27 : memref<128xf32, #tpu.memory_space<vmem>>) offsets(%dma_start3A_30 : memref<128xi32, #tpu.memory_space<vmem>>) semaphore(%arg24 : memref<!tpu.dma_semaphore, #tpu.memory_space<semaphore_mem>>)
    %dma_start3A_33 = arith.constant 0 : i32
    %dma_start3A_34 = arith.constant 256 : i32
    %dma_start3A_35 = tpu.memref_slice %arg13[%dma_start3A_34] : memref<384xf32, #tpu.memory_space<vmem>> -> memref<128xf32, #tpu.memory_space<vmem>>
    %dma_start3A_36 = arith.constant 0 : i32
    %dma_start3A_37 = tpu.memref_slice %arg11[%dma_start3A_33, %dma_start3A_36] : memref<64x128xi32, #tpu.memory_space<vmem>> -> memref<1x128xi32, #tpu.memory_space<vmem>>
    %dma_start3A_38 = tpu.memref_squeeze %dma_start3A_37 : memref<1x128xi32, #tpu.memory_space<vmem>> -> memref<128xi32, #tpu.memory_space<vmem>>
    %dma_start3A_39 = arith.constant 0 : i32
    %dma_start3A_40 = tpu.memref_slice %arg20[%dma_start3A_39] : memref<100000xf32, #tpu.memory_space<vmem_shared>> -> memref<100000xf32, #tpu.memory_space<vmem_shared>>
    tpu.enqueue_indirect_dma source(%dma_start3A_40 : memref<100000xf32, #tpu.memory_space<vmem_shared>>) target(%dma_start3A_35 : memref<128xf32, #tpu.memory_space<vmem>>) offsets(%dma_start3A_38 : memref<128xi32, #tpu.memory_space<vmem>>) semaphore(%arg24 : memref<!tpu.dma_semaphore, #tpu.memory_space<semaphore_mem>>)
    %dma_start3A_41 = arith.constant 0 : i32
    %dma_start3A_42 = arith.constant 256 : i32
    %dma_start3A_43 = tpu.memref_slice %arg15[%dma_start3A_42] : memref<384xf32, #tpu.memory_space<vmem>> -> memref<128xf32, #tpu.memory_space<vmem>>
    %dma_start3A_44 = arith.constant 0 : i32
    %dma_start3A_45 = tpu.memref_slice %arg12[%dma_start3A_41, %dma_start3A_44] : memref<64x128xi32, #tpu.memory_space<vmem>> -> memref<1x128xi32, #tpu.memory_space<vmem>>
    %dma_start3A_46 = tpu.memref_squeeze %dma_start3A_45 : memref<1x128xi32, #tpu.memory_space<vmem>> -> memref<128xi32, #tpu.memory_space<vmem>>
    %dma_start3A_47 = arith.constant 0 : i32
    %dma_start3A_48 = tpu.memref_slice %arg23[%dma_start3A_47] : memref<8192xf32, #tpu.memory_space<vmem_shared>> -> memref<8192xf32, #tpu.memory_space<vmem_shared>>
    tpu.enqueue_indirect_dma source(%dma_start3A_48 : memref<8192xf32, #tpu.memory_space<vmem_shared>>) target(%dma_start3A_43 : memref<128xf32, #tpu.memory_space<vmem>>) offsets(%dma_start3A_46 : memref<128xi32, #tpu.memory_space<vmem>>) semaphore(%arg24 : memref<!tpu.dma_semaphore, #tpu.memory_space<semaphore_mem>>)
    %dma_start3A_49 = arith.constant 1 : i32
    %dma_start3A_50 = arith.constant 0 : i32
    %dma_start3A_51 = tpu.memref_slice %arg14[%dma_start3A_50] : memref<384xf32, #tpu.memory_space<vmem>> -> memref<128xf32, #tpu.memory_space<vmem>>
    %dma_start3A_52 = arith.constant 0 : i32
    %dma_start3A_53 = tpu.memref_slice %arg11[%dma_start3A_49, %dma_start3A_52] : memref<64x128xi32, #tpu.memory_space<vmem>> -> memref<1x128xi32, #tpu.memory_space<vmem>>
    %dma_start3A_54 = tpu.memref_squeeze %dma_start3A_53 : memref<1x128xi32, #tpu.memory_space<vmem>> -> memref<128xi32, #tpu.memory_space<vmem>>
    %dma_start3A_55 = arith.constant 0 : i32
    %dma_start3A_56 = tpu.memref_slice %arg18[%dma_start3A_55] : memref<100000xf32, #tpu.memory_space<vmem_shared>> -> memref<100000xf32, #tpu.memory_space<vmem_shared>>
    tpu.enqueue_indirect_dma source(%dma_start3A_56 : memref<100000xf32, #tpu.memory_space<vmem_shared>>) target(%dma_start3A_51 : memref<128xf32, #tpu.memory_space<vmem>>) offsets(%dma_start3A_54 : memref<128xi32, #tpu.memory_space<vmem>>) semaphore(%arg25 : memref<!tpu.dma_semaphore, #tpu.memory_space<semaphore_mem>>)
    %dma_start3A_57 = arith.constant 1 : i32
    %dma_start3A_58 = arith.constant 0 : i32
    %dma_start3A_59 = tpu.memref_slice %arg16[%dma_start3A_58] : memref<384xf32, #tpu.memory_space<vmem>> -> memref<128xf32, #tpu.memory_space<vmem>>
    %dma_start3A_60 = arith.constant 0 : i32
    %dma_start3A_61 = tpu.memref_slice %arg12[%dma_start3A_57, %dma_start3A_60] : memref<64x128xi32, #tpu.memory_space<vmem>> -> memref<1x128xi32, #tpu.memory_space<vmem>>
    %dma_start3A_62 = tpu.memref_squeeze %dma_start3A_61 : memref<1x128xi32, #tpu.memory_space<vmem>> -> memref<128xi32, #tpu.memory_space<vmem>>
    %dma_start3A_63 = arith.constant 0 : i32
    %dma_start3A_64 = tpu.memref_slice %arg21[%dma_start3A_63] : memref<8192xf32, #tpu.memory_space<vmem_shared>> -> memref<8192xf32, #tpu.memory_space<vmem_shared>>
    tpu.enqueue_indirect_dma source(%dma_start3A_64 : memref<8192xf32, #tpu.memory_space<vmem_shared>>) target(%dma_start3A_59 : memref<128xf32, #tpu.memory_space<vmem>>) offsets(%dma_start3A_62 : memref<128xi32, #tpu.memory_space<vmem>>) semaphore(%arg25 : memref<!tpu.dma_semaphore, #tpu.memory_space<semaphore_mem>>)
    %dma_start3A_65 = arith.constant 1 : i32
    %dma_start3A_66 = arith.constant 128 : i32
    %dma_start3A_67 = tpu.memref_slice %arg14[%dma_start3A_66] : memref<384xf32, #tpu.memory_space<vmem>> -> memref<128xf32, #tpu.memory_space<vmem>>
    %dma_start3A_68 = arith.constant 0 : i32
    %dma_start3A_69 = tpu.memref_slice %arg11[%dma_start3A_65, %dma_start3A_68] : memref<64x128xi32, #tpu.memory_space<vmem>> -> memref<1x128xi32, #tpu.memory_space<vmem>>
    %dma_start3A_70 = tpu.memref_squeeze %dma_start3A_69 : memref<1x128xi32, #tpu.memory_space<vmem>> -> memref<128xi32, #tpu.memory_space<vmem>>
    %dma_start3A_71 = arith.constant 0 : i32
    %dma_start3A_72 = tpu.memref_slice %arg19[%dma_start3A_71] : memref<100000xf32, #tpu.memory_space<vmem_shared>> -> memref<100000xf32, #tpu.memory_space<vmem_shared>>
    tpu.enqueue_indirect_dma source(%dma_start3A_72 : memref<100000xf32, #tpu.memory_space<vmem_shared>>) target(%dma_start3A_67 : memref<128xf32, #tpu.memory_space<vmem>>) offsets(%dma_start3A_70 : memref<128xi32, #tpu.memory_space<vmem>>) semaphore(%arg25 : memref<!tpu.dma_semaphore, #tpu.memory_space<semaphore_mem>>)
    %dma_start3A_73 = arith.constant 1 : i32
    %dma_start3A_74 = arith.constant 128 : i32
    %dma_start3A_75 = tpu.memref_slice %arg16[%dma_start3A_74] : memref<384xf32, #tpu.memory_space<vmem>> -> memref<128xf32, #tpu.memory_space<vmem>>
    %dma_start3A_76 = arith.constant 0 : i32
    %dma_start3A_77 = tpu.memref_slice %arg12[%dma_start3A_73, %dma_start3A_76] : memref<64x128xi32, #tpu.memory_space<vmem>> -> memref<1x128xi32, #tpu.memory_space<vmem>>
    %dma_start3A_78 = tpu.memref_squeeze %dma_start3A_77 : memref<1x128xi32, #tpu.memory_space<vmem>> -> memref<128xi32, #tpu.memory_space<vmem>>
    %dma_start3A_79 = arith.constant 0 : i32
    %dma_start3A_80 = tpu.memref_slice %arg22[%dma_start3A_79] : memref<8192xf32, #tpu.memory_space<vmem_shared>> -> memref<8192xf32, #tpu.memory_space<vmem_shared>>
    tpu.enqueue_indirect_dma source(%dma_start3A_80 : memref<8192xf32, #tpu.memory_space<vmem_shared>>) target(%dma_start3A_75 : memref<128xf32, #tpu.memory_space<vmem>>) offsets(%dma_start3A_78 : memref<128xi32, #tpu.memory_space<vmem>>) semaphore(%arg25 : memref<!tpu.dma_semaphore, #tpu.memory_space<semaphore_mem>>)
    %dma_start3A_81 = arith.constant 1 : i32
    %dma_start3A_82 = arith.constant 256 : i32
    %dma_start3A_83 = tpu.memref_slice %arg14[%dma_start3A_82] : memref<384xf32, #tpu.memory_space<vmem>> -> memref<128xf32, #tpu.memory_space<vmem>>
    %dma_start3A_84 = arith.constant 0 : i32
    %dma_start3A_85 = tpu.memref_slice %arg11[%dma_start3A_81, %dma_start3A_84] : memref<64x128xi32, #tpu.memory_space<vmem>> -> memref<1x128xi32, #tpu.memory_space<vmem>>
    %dma_start3A_86 = tpu.memref_squeeze %dma_start3A_85 : memref<1x128xi32, #tpu.memory_space<vmem>> -> memref<128xi32, #tpu.memory_space<vmem>>
    %dma_start3A_87 = arith.constant 0 : i32
    %dma_start3A_88 = tpu.memref_slice %arg20[%dma_start3A_87] : memref<100000xf32, #tpu.memory_space<vmem_shared>> -> memref<100000xf32, #tpu.memory_space<vmem_shared>>
    tpu.enqueue_indirect_dma source(%dma_start3A_88 : memref<100000xf32, #tpu.memory_space<vmem_shared>>) target(%dma_start3A_83 : memref<128xf32, #tpu.memory_space<vmem>>) offsets(%dma_start3A_86 : memref<128xi32, #tpu.memory_space<vmem>>) semaphore(%arg25 : memref<!tpu.dma_semaphore, #tpu.memory_space<semaphore_mem>>)
    %dma_start3A_89 = arith.constant 1 : i32
    %dma_start3A_90 = arith.constant 256 : i32
    %dma_start3A_91 = tpu.memref_slice %arg16[%dma_start3A_90] : memref<384xf32, #tpu.memory_space<vmem>> -> memref<128xf32, #tpu.memory_space<vmem>>
    %dma_start3A_92 = arith.constant 0 : i32
    %dma_start3A_93 = tpu.memref_slice %arg12[%dma_start3A_89, %dma_start3A_92] : memref<64x128xi32, #tpu.memory_space<vmem>> -> memref<1x128xi32, #tpu.memory_space<vmem>>
    %dma_start3A_94 = tpu.memref_squeeze %dma_start3A_93 : memref<1x128xi32, #tpu.memory_space<vmem>> -> memref<128xi32, #tpu.memory_space<vmem>>
    %dma_start3A_95 = arith.constant 0 : i32
    %dma_start3A_96 = tpu.memref_slice %arg23[%dma_start3A_95] : memref<8192xf32, #tpu.memory_space<vmem_shared>> -> memref<8192xf32, #tpu.memory_space<vmem_shared>>
    tpu.enqueue_indirect_dma source(%dma_start3A_96 : memref<8192xf32, #tpu.memory_space<vmem_shared>>) target(%dma_start3A_91 : memref<128xf32, #tpu.memory_space<vmem>>) offsets(%dma_start3A_94 : memref<128xi32, #tpu.memory_space<vmem>>) semaphore(%arg25 : memref<!tpu.dma_semaphore, #tpu.memory_space<semaphore_mem>>)
    %scan3A = arith.constant 0 : i32
    %scan3A_97 = arith.constant 0 : i32
    %scan3A_98 = arith.constant 32 : i32
    %scan3A_99 = arith.addi %scan3A_97, %scan3A_98 : i32
    %scan3A_100 = arith.constant 1 : i32
    scf.for %scan3A_102 = %scan3A_97 to %scan3A_99 step %scan3A_100  : i32 {
      %mul3A = arith.constant 2 : i32
      %mul3A_103 = arith.muli %mul3A, %scan3A_102 : i32
      %add3A = arith.constant 0 : i32
      %add3A_104 = arith.addi %mul3A_103, %add3A : i32
      %dma_wait3A = arith.constant 0 : i32
      %dma_wait3A_105 = tpu.memref_slice %arg13[%dma_wait3A] : memref<384xf32, #tpu.memory_space<vmem>> -> memref<128xf32, #tpu.memory_space<vmem>>
      %dma_wait3A_106 = arith.constant 0 : i32
      %dma_wait3A_107 = tpu.memref_slice %arg11[%add3A_104, %dma_wait3A_106] : memref<64x128xi32, #tpu.memory_space<vmem>> -> memref<1x128xi32, #tpu.memory_space<vmem>>
      %dma_wait3A_108 = tpu.memref_squeeze %dma_wait3A_107 : memref<1x128xi32, #tpu.memory_space<vmem>> -> memref<128xi32, #tpu.memory_space<vmem>>
      %dma_wait3A_109 = arith.constant 0 : i32
      %dma_wait3A_110 = tpu.memref_slice %arg18[%dma_wait3A_109] : memref<100000xf32, #tpu.memory_space<vmem_shared>> -> memref<100000xf32, #tpu.memory_space<vmem_shared>>
      tpu.wait_indirect_dma semaphore(%arg24 : memref<!tpu.dma_semaphore, #tpu.memory_space<semaphore_mem>>) src(%dma_wait3A_110 : memref<100000xf32, #tpu.memory_space<vmem_shared>>) dst(%dma_wait3A_105 : memref<128xf32, #tpu.memory_space<vmem>>)
      %dma_wait3A_111 = arith.constant 0 : i32
      %dma_wait3A_112 = tpu.memref_slice %arg15[%dma_wait3A_111] : memref<384xf32, #tpu.memory_space<vmem>> -> memref<128xf32, #tpu.memory_space<vmem>>
      %dma_wait3A_113 = arith.constant 0 : i32
      %dma_wait3A_114 = tpu.memref_slice %arg12[%add3A_104, %dma_wait3A_113] : memref<64x128xi32, #tpu.memory_space<vmem>> -> memref<1x128xi32, #tpu.memory_space<vmem>>
      %dma_wait3A_115 = tpu.memref_squeeze %dma_wait3A_114 : memref<1x128xi32, #tpu.memory_space<vmem>> -> memref<128xi32, #tpu.memory_space<vmem>>
      %dma_wait3A_116 = arith.constant 0 : i32
      %dma_wait3A_117 = tpu.memref_slice %arg21[%dma_wait3A_116] : memref<8192xf32, #tpu.memory_space<vmem_shared>> -> memref<8192xf32, #tpu.memory_space<vmem_shared>>
      tpu.wait_indirect_dma semaphore(%arg24 : memref<!tpu.dma_semaphore, #tpu.memory_space<semaphore_mem>>) src(%dma_wait3A_117 : memref<8192xf32, #tpu.memory_space<vmem_shared>>) dst(%dma_wait3A_112 : memref<128xf32, #tpu.memory_space<vmem>>)
      %dma_wait3A_118 = arith.constant 128 : i32
      %dma_wait3A_119 = tpu.memref_slice %arg13[%dma_wait3A_118] : memref<384xf32, #tpu.memory_space<vmem>> -> memref<128xf32, #tpu.memory_space<vmem>>
      %dma_wait3A_120 = arith.constant 0 : i32
      %dma_wait3A_121 = tpu.memref_slice %arg11[%add3A_104, %dma_wait3A_120] : memref<64x128xi32, #tpu.memory_space<vmem>> -> memref<1x128xi32, #tpu.memory_space<vmem>>
      %dma_wait3A_122 = tpu.memref_squeeze %dma_wait3A_121 : memref<1x128xi32, #tpu.memory_space<vmem>> -> memref<128xi32, #tpu.memory_space<vmem>>
      %dma_wait3A_123 = arith.constant 0 : i32
      %dma_wait3A_124 = tpu.memref_slice %arg19[%dma_wait3A_123] : memref<100000xf32, #tpu.memory_space<vmem_shared>> -> memref<100000xf32, #tpu.memory_space<vmem_shared>>
      tpu.wait_indirect_dma semaphore(%arg24 : memref<!tpu.dma_semaphore, #tpu.memory_space<semaphore_mem>>) src(%dma_wait3A_124 : memref<100000xf32, #tpu.memory_space<vmem_shared>>) dst(%dma_wait3A_119 : memref<128xf32, #tpu.memory_space<vmem>>)
      %dma_wait3A_125 = arith.constant 128 : i32
      %dma_wait3A_126 = tpu.memref_slice %arg15[%dma_wait3A_125] : memref<384xf32, #tpu.memory_space<vmem>> -> memref<128xf32, #tpu.memory_space<vmem>>
      %dma_wait3A_127 = arith.constant 0 : i32
      %dma_wait3A_128 = tpu.memref_slice %arg12[%add3A_104, %dma_wait3A_127] : memref<64x128xi32, #tpu.memory_space<vmem>> -> memref<1x128xi32, #tpu.memory_space<vmem>>
      %dma_wait3A_129 = tpu.memref_squeeze %dma_wait3A_128 : memref<1x128xi32, #tpu.memory_space<vmem>> -> memref<128xi32, #tpu.memory_space<vmem>>
      %dma_wait3A_130 = arith.constant 0 : i32
      %dma_wait3A_131 = tpu.memref_slice %arg22[%dma_wait3A_130] : memref<8192xf32, #tpu.memory_space<vmem_shared>> -> memref<8192xf32, #tpu.memory_space<vmem_shared>>
      tpu.wait_indirect_dma semaphore(%arg24 : memref<!tpu.dma_semaphore, #tpu.memory_space<semaphore_mem>>) src(%dma_wait3A_131 : memref<8192xf32, #tpu.memory_space<vmem_shared>>) dst(%dma_wait3A_126 : memref<128xf32, #tpu.memory_space<vmem>>)
      %dma_wait3A_132 = arith.constant 256 : i32
      %dma_wait3A_133 = tpu.memref_slice %arg13[%dma_wait3A_132] : memref<384xf32, #tpu.memory_space<vmem>> -> memref<128xf32, #tpu.memory_space<vmem>>
      %dma_wait3A_134 = arith.constant 0 : i32
      %dma_wait3A_135 = tpu.memref_slice %arg11[%add3A_104, %dma_wait3A_134] : memref<64x128xi32, #tpu.memory_space<vmem>> -> memref<1x128xi32, #tpu.memory_space<vmem>>
      %dma_wait3A_136 = tpu.memref_squeeze %dma_wait3A_135 : memref<1x128xi32, #tpu.memory_space<vmem>> -> memref<128xi32, #tpu.memory_space<vmem>>
      %dma_wait3A_137 = arith.constant 0 : i32
      %dma_wait3A_138 = tpu.memref_slice %arg20[%dma_wait3A_137] : memref<100000xf32, #tpu.memory_space<vmem_shared>> -> memref<100000xf32, #tpu.memory_space<vmem_shared>>
      tpu.wait_indirect_dma semaphore(%arg24 : memref<!tpu.dma_semaphore, #tpu.memory_space<semaphore_mem>>) src(%dma_wait3A_138 : memref<100000xf32, #tpu.memory_space<vmem_shared>>) dst(%dma_wait3A_133 : memref<128xf32, #tpu.memory_space<vmem>>)
      %dma_wait3A_139 = arith.constant 256 : i32
      %dma_wait3A_140 = tpu.memref_slice %arg15[%dma_wait3A_139] : memref<384xf32, #tpu.memory_space<vmem>> -> memref<128xf32, #tpu.memory_space<vmem>>
      %dma_wait3A_141 = arith.constant 0 : i32
      %dma_wait3A_142 = tpu.memref_slice %arg12[%add3A_104, %dma_wait3A_141] : memref<64x128xi32, #tpu.memory_space<vmem>> -> memref<1x128xi32, #tpu.memory_space<vmem>>
      %dma_wait3A_143 = tpu.memref_squeeze %dma_wait3A_142 : memref<1x128xi32, #tpu.memory_space<vmem>> -> memref<128xi32, #tpu.memory_space<vmem>>
      %dma_wait3A_144 = arith.constant 0 : i32
      %dma_wait3A_145 = tpu.memref_slice %arg23[%dma_wait3A_144] : memref<8192xf32, #tpu.memory_space<vmem_shared>> -> memref<8192xf32, #tpu.memory_space<vmem_shared>>
      tpu.wait_indirect_dma semaphore(%arg24 : memref<!tpu.dma_semaphore, #tpu.memory_space<semaphore_mem>>) src(%dma_wait3A_145 : memref<8192xf32, #tpu.memory_space<vmem_shared>>) dst(%dma_wait3A_140 : memref<128xf32, #tpu.memory_space<vmem>>)
      %get3A = arith.constant 0 : index
      %get3A_146 = tpu.vector_load %arg13[%get3A] {strides = array<i32>} : memref<384xf32, #tpu.memory_space<vmem>>, vector<16xf32>,
      %get3A_147 = vector.shape_cast %get3A_146 : vector<16xf32> to vector<16xf32>
      %get3A_148 = arith.constant 0 : index
      %get3A_149 = tpu.vector_load %arg15[%get3A_148] {strides = array<i32>} : memref<384xf32, #tpu.memory_space<vmem>>, vector<16xf32>,
      %get3A_150 = vector.shape_cast %get3A_149 : vector<16xf32> to vector<16xf32>
      %sub3A = arith.subf %get3A_147, %get3A_150 : vector<16xf32>
      %get3A_151 = arith.constant 128 : index
      %get3A_152 = tpu.vector_load %arg13[%get3A_151] {strides = array<i32>} : memref<384xf32, #tpu.memory_space<vmem>>, vector<16xf32>,
      %get3A_153 = vector.shape_cast %get3A_152 : vector<16xf32> to vector<16xf32>
      %get3A_154 = arith.constant 128 : index
      %get3A_155 = tpu.vector_load %arg15[%get3A_154] {strides = array<i32>} : memref<384xf32, #tpu.memory_space<vmem>>, vector<16xf32>,
      %get3A_156 = vector.shape_cast %get3A_155 : vector<16xf32> to vector<16xf32>
      %sub3A_157 = arith.subf %get3A_153, %get3A_156 : vector<16xf32>
      %get3A_158 = arith.constant 256 : index
      %get3A_159 = tpu.vector_load %arg13[%get3A_158] {strides = array<i32>} : memref<384xf32, #tpu.memory_space<vmem>>, vector<16xf32>,
      %get3A_160 = vector.shape_cast %get3A_159 : vector<16xf32> to vector<16xf32>
      %get3A_161 = arith.constant 256 : index
      %get3A_162 = tpu.vector_load %arg15[%get3A_161] {strides = array<i32>} : memref<384xf32, #tpu.memory_space<vmem>>, vector<16xf32>,
      %get3A_163 = vector.shape_cast %get3A_162 : vector<16xf32> to vector<16xf32>
      %sub3A_164 = arith.subf %get3A_160, %get3A_163 : vector<16xf32>
      %mul3A_165 = arith.mulf %sub3A, %sub3A : vector<16xf32>
      %mul3A_166 = arith.mulf %sub3A_157, %sub3A_157 : vector<16xf32>
      %add3A_167 = arith.addf %mul3A_165, %mul3A_166 : vector<16xf32>
      %mul3A_168 = arith.mulf %sub3A_164, %sub3A_164 : vector<16xf32>
      %add3A_169 = arith.addf %add3A_167, %mul3A_168 : vector<16xf32>
      %swap3A = arith.index_cast %add3A_104 : i32 to index
      %swap3A_170 = arith.constant 0 : index
      %swap3A_171 = tpu.vector_load %arg17[%swap3A, %swap3A_170] {strides = array<i32>} : memref<64x128xf32, #tpu.memory_space<vmem>>, vector<1x16xf32>,
      %swap3A_172 = vector.shape_cast %swap3A_171 : vector<1x16xf32> to vector<16xf32>
      %swap3A_173 = vector.shape_cast %add3A_169 : vector<16xf32> to vector<1x16xf32>
      tpu.vector_store %arg17[%swap3A, %swap3A_170], %swap3A_173 {strides = array<i32>} : memref<64x128xf32, #tpu.memory_space<vmem>>, vector<1x16xf32>,
      %get3A_174 = arith.constant 16 : index
      %get3A_175 = tpu.vector_load %arg13[%get3A_174] {strides = array<i32>} : memref<384xf32, #tpu.memory_space<vmem>>, vector<16xf32>,
      %get3A_176 = vector.shape_cast %get3A_175 : vector<16xf32> to vector<16xf32>
      %get3A_177 = arith.constant 16 : index
      %get3A_178 = tpu.vector_load %arg15[%get3A_177] {strides = array<i32>} : memref<384xf32, #tpu.memory_space<vmem>>, vector<16xf32>,
      %get3A_179 = vector.shape_cast %get3A_178 : vector<16xf32> to vector<16xf32>
      %sub3A_180 = arith.subf %get3A_176, %get3A_179 : vector<16xf32>
      %get3A_181 = arith.constant 144 : index
      %get3A_182 = tpu.vector_load %arg13[%get3A_181] {strides = array<i32>} : memref<384xf32, #tpu.memory_space<vmem>>, vector<16xf32>,
      %get3A_183 = vector.shape_cast %get3A_182 : vector<16xf32> to vector<16xf32>
      %get3A_184 = arith.constant 144 : index
      %get3A_185 = tpu.vector_load %arg15[%get3A_184] {strides = array<i32>} : memref<384xf32, #tpu.memory_space<vmem>>, vector<16xf32>,
      %get3A_186 = vector.shape_cast %get3A_185 : vector<16xf32> to vector<16xf32>
      %sub3A_187 = arith.subf %get3A_183, %get3A_186 : vector<16xf32>
      %get3A_188 = arith.constant 272 : index
      %get3A_189 = tpu.vector_load %arg13[%get3A_188] {strides = array<i32>} : memref<384xf32, #tpu.memory_space<vmem>>, vector<16xf32>,
      %get3A_190 = vector.shape_cast %get3A_189 : vector<16xf32> to vector<16xf32>
      %get3A_191 = arith.constant 272 : index
      %get3A_192 = tpu.vector_load %arg15[%get3A_191] {strides = array<i32>} : memref<384xf32, #tpu.memory_space<vmem>>, vector<16xf32>,
      %get3A_193 = vector.shape_cast %get3A_192 : vector<16xf32> to vector<16xf32>
      %sub3A_194 = arith.subf %get3A_190, %get3A_193 : vector<16xf32>
      %mul3A_195 = arith.mulf %sub3A_180, %sub3A_180 : vector<16xf32>
      %mul3A_196 = arith.mulf %sub3A_187, %sub3A_187 : vector<16xf32>
      %add3A_197 = arith.addf %mul3A_195, %mul3A_196 : vector<16xf32>
      %mul3A_198 = arith.mulf %sub3A_194, %sub3A_194 : vector<16xf32>
      %add3A_199 = arith.addf %add3A_197, %mul3A_198 : vector<16xf32>
      %swap3A_200 = arith.index_cast %add3A_104 : i32 to index
      %swap3A_201 = arith.constant 16 : index
      %swap3A_202 = tpu.vector_load %arg17[%swap3A_200, %swap3A_201] {strides = array<i32>} : memref<64x128xf32, #tpu.memory_space<vmem>>, vector<1x16xf32>,
      %swap3A_203 = vector.shape_cast %swap3A_202 : vector<1x16xf32> to vector<16xf32>
      %swap3A_204 = vector.shape_cast %add3A_199 : vector<16xf32> to vector<1x16xf32>
      tpu.vector_store %arg17[%swap3A_200, %swap3A_201], %swap3A_204 {strides = array<i32>} : memref<64x128xf32, #tpu.memory_space<vmem>>, vector<1x16xf32>,
      %get3A_205 = arith.constant 32 : index
      %get3A_206 = tpu.vector_load %arg13[%get3A_205] {strides = array<i32>} : memref<384xf32, #tpu.memory_space<vmem>>, vector<16xf32>,
      %get3A_207 = vector.shape_cast %get3A_206 : vector<16xf32> to vector<16xf32>
      %get3A_208 = arith.constant 32 : index
      %get3A_209 = tpu.vector_load %arg15[%get3A_208] {strides = array<i32>} : memref<384xf32, #tpu.memory_space<vmem>>, vector<16xf32>,
      %get3A_210 = vector.shape_cast %get3A_209 : vector<16xf32> to vector<16xf32>
      %sub3A_211 = arith.subf %get3A_207, %get3A_210 : vector<16xf32>
      %get3A_212 = arith.constant 160 : index
      %get3A_213 = tpu.vector_load %arg13[%get3A_212] {strides = array<i32>} : memref<384xf32, #tpu.memory_space<vmem>>, vector<16xf32>,
      %get3A_214 = vector.shape_cast %get3A_213 : vector<16xf32> to vector<16xf32>
      %get3A_215 = arith.constant 160 : index
      %get3A_216 = tpu.vector_load %arg15[%get3A_215] {strides = array<i32>} : memref<384xf32, #tpu.memory_space<vmem>>, vector<16xf32>,
      %get3A_217 = vector.shape_cast %get3A_216 : vector<16xf32> to vector<16xf32>
      %sub3A_218 = arith.subf %get3A_214, %get3A_217 : vector<16xf32>
      %get3A_219 = arith.constant 288 : index
      %get3A_220 = tpu.vector_load %arg13[%get3A_219] {strides = array<i32>} : memref<384xf32, #tpu.memory_space<vmem>>, vector<16xf32>,
      %get3A_221 = vector.shape_cast %get3A_220 : vector<16xf32> to vector<16xf32>
      %get3A_222 = arith.constant 288 : index
      %get3A_223 = tpu.vector_load %arg15[%get3A_222] {strides = array<i32>} : memref<384xf32, #tpu.memory_space<vmem>>, vector<16xf32>,
      %get3A_224 = vector.shape_cast %get3A_223 : vector<16xf32> to vector<16xf32>
      %sub3A_225 = arith.subf %get3A_221, %get3A_224 : vector<16xf32>
      %mul3A_226 = arith.mulf %sub3A_211, %sub3A_211 : vector<16xf32>
      %mul3A_227 = arith.mulf %sub3A_218, %sub3A_218 : vector<16xf32>
      %add3A_228 = arith.addf %mul3A_226, %mul3A_227 : vector<16xf32>
      %mul3A_229 = arith.mulf %sub3A_225, %sub3A_225 : vector<16xf32>
      %add3A_230 = arith.addf %add3A_228, %mul3A_229 : vector<16xf32>
      %swap3A_231 = arith.index_cast %add3A_104 : i32 to index
      %swap3A_232 = arith.constant 32 : index
      %swap3A_233 = tpu.vector_load %arg17[%swap3A_231, %swap3A_232] {strides = array<i32>} : memref<64x128xf32, #tpu.memory_space<vmem>>, vector<1x16xf32>,
      %swap3A_234 = vector.shape_cast %swap3A_233 : vector<1x16xf32> to vector<16xf32>
      %swap3A_235 = vector.shape_cast %add3A_230 : vector<16xf32> to vector<1x16xf32>
      tpu.vector_store %arg17[%swap3A_231, %swap3A_232], %swap3A_235 {strides = array<i32>} : memref<64x128xf32, #tpu.memory_space<vmem>>, vector<1x16xf32>,
      %get3A_236 = arith.constant 48 : index
      %get3A_237 = tpu.vector_load %arg13[%get3A_236] {strides = array<i32>} : memref<384xf32, #tpu.memory_space<vmem>>, vector<16xf32>,
      %get3A_238 = vector.shape_cast %get3A_237 : vector<16xf32> to vector<16xf32>
      %get3A_239 = arith.constant 48 : index
      %get3A_240 = tpu.vector_load %arg15[%get3A_239] {strides = array<i32>} : memref<384xf32, #tpu.memory_space<vmem>>, vector<16xf32>,
      %get3A_241 = vector.shape_cast %get3A_240 : vector<16xf32> to vector<16xf32>
      %sub3A_242 = arith.subf %get3A_238, %get3A_241 : vector<16xf32>
      %get3A_243 = arith.constant 176 : index
      %get3A_244 = tpu.vector_load %arg13[%get3A_243] {strides = array<i32>} : memref<384xf32, #tpu.memory_space<vmem>>, vector<16xf32>,
      %get3A_245 = vector.shape_cast %get3A_244 : vector<16xf32> to vector<16xf32>
      %get3A_246 = arith.constant 176 : index
      %get3A_247 = tpu.vector_load %arg15[%get3A_246] {strides = array<i32>} : memref<384xf32, #tpu.memory_space<vmem>>, vector<16xf32>,
      %get3A_248 = vector.shape_cast %get3A_247 : vector<16xf32> to vector<16xf32>
      %sub3A_249 = arith.subf %get3A_245, %get3A_248 : vector<16xf32>
      %get3A_250 = arith.constant 304 : index
      %get3A_251 = tpu.vector_load %arg13[%get3A_250] {strides = array<i32>} : memref<384xf32, #tpu.memory_space<vmem>>, vector<16xf32>,
      %get3A_252 = vector.shape_cast %get3A_251 : vector<16xf32> to vector<16xf32>
      %get3A_253 = arith.constant 304 : index
      %get3A_254 = tpu.vector_load %arg15[%get3A_253] {strides = array<i32>} : memref<384xf32, #tpu.memory_space<vmem>>, vector<16xf32>,
      %get3A_255 = vector.shape_cast %get3A_254 : vector<16xf32> to vector<16xf32>
      %sub3A_256 = arith.subf %get3A_252, %get3A_255 : vector<16xf32>
      %mul3A_257 = arith.mulf %sub3A_242, %sub3A_242 : vector<16xf32>
      %mul3A_258 = arith.mulf %sub3A_249, %sub3A_249 : vector<16xf32>
      %add3A_259 = arith.addf %mul3A_257, %mul3A_258 : vector<16xf32>
      %mul3A_260 = arith.mulf %sub3A_256, %sub3A_256 : vector<16xf32>
      %add3A_261 = arith.addf %add3A_259, %mul3A_260 : vector<16xf32>
      %swap3A_262 = arith.index_cast %add3A_104 : i32 to index
      %swap3A_263 = arith.constant 48 : index
      %swap3A_264 = tpu.vector_load %arg17[%swap3A_262, %swap3A_263] {strides = array<i32>} : memref<64x128xf32, #tpu.memory_space<vmem>>, vector<1x16xf32>,
      %swap3A_265 = vector.shape_cast %swap3A_264 : vector<1x16xf32> to vector<16xf32>
      %swap3A_266 = vector.shape_cast %add3A_261 : vector<16xf32> to vector<1x16xf32>
      tpu.vector_store %arg17[%swap3A_262, %swap3A_263], %swap3A_266 {strides = array<i32>} : memref<64x128xf32, #tpu.memory_space<vmem>>, vector<1x16xf32>,
      %get3A_267 = arith.constant 64 : index
      %get3A_268 = tpu.vector_load %arg13[%get3A_267] {strides = array<i32>} : memref<384xf32, #tpu.memory_space<vmem>>, vector<16xf32>,
      %get3A_269 = vector.shape_cast %get3A_268 : vector<16xf32> to vector<16xf32>
      %get3A_270 = arith.constant 64 : index
      %get3A_271 = tpu.vector_load %arg15[%get3A_270] {strides = array<i32>} : memref<384xf32, #tpu.memory_space<vmem>>, vector<16xf32>,
      %get3A_272 = vector.shape_cast %get3A_271 : vector<16xf32> to vector<16xf32>
      %sub3A_273 = arith.subf %get3A_269, %get3A_272 : vector<16xf32>
      %get3A_274 = arith.constant 192 : index
      %get3A_275 = tpu.vector_load %arg13[%get3A_274] {strides = array<i32>} : memref<384xf32, #tpu.memory_space<vmem>>, vector<16xf32>,
      %get3A_276 = vector.shape_cast %get3A_275 : vector<16xf32> to vector<16xf32>
      %get3A_277 = arith.constant 192 : index
      %get3A_278 = tpu.vector_load %arg15[%get3A_277] {strides = array<i32>} : memref<384xf32, #tpu.memory_space<vmem>>, vector<16xf32>,
      %get3A_279 = vector.shape_cast %get3A_278 : vector<16xf32> to vector<16xf32>
      %sub3A_280 = arith.subf %get3A_276, %get3A_279 : vector<16xf32>
      %get3A_281 = arith.constant 320 : index
      %get3A_282 = tpu.vector_load %arg13[%get3A_281] {strides = array<i32>} : memref<384xf32, #tpu.memory_space<vmem>>, vector<16xf32>,
      %get3A_283 = vector.shape_cast %get3A_282 : vector<16xf32> to vector<16xf32>
      %get3A_284 = arith.constant 320 : index
      %get3A_285 = tpu.vector_load %arg15[%get3A_284] {strides = array<i32>} : memref<384xf32, #tpu.memory_space<vmem>>, vector<16xf32>,
      %get3A_286 = vector.shape_cast %get3A_285 : vector<16xf32> to vector<16xf32>
      %sub3A_287 = arith.subf %get3A_283, %get3A_286 : vector<16xf32>
      %mul3A_288 = arith.mulf %sub3A_273, %sub3A_273 : vector<16xf32>
      %mul3A_289 = arith.mulf %sub3A_280, %sub3A_280 : vector<16xf32>
      %add3A_290 = arith.addf %mul3A_288, %mul3A_289 : vector<16xf32>
      %mul3A_291 = arith.mulf %sub3A_287, %sub3A_287 : vector<16xf32>
      %add3A_292 = arith.addf %add3A_290, %mul3A_291 : vector<16xf32>
      %swap3A_293 = arith.index_cast %add3A_104 : i32 to index
      %swap3A_294 = arith.constant 64 : index
      %swap3A_295 = tpu.vector_load %arg17[%swap3A_293, %swap3A_294] {strides = array<i32>} : memref<64x128xf32, #tpu.memory_space<vmem>>, vector<1x16xf32>,
      %swap3A_296 = vector.shape_cast %swap3A_295 : vector<1x16xf32> to vector<16xf32>
      %swap3A_297 = vector.shape_cast %add3A_292 : vector<16xf32> to vector<1x16xf32>
      tpu.vector_store %arg17[%swap3A_293, %swap3A_294], %swap3A_297 {strides = array<i32>} : memref<64x128xf32, #tpu.memory_space<vmem>>, vector<1x16xf32>,
      %get3A_298 = arith.constant 80 : index
      %get3A_299 = tpu.vector_load %arg13[%get3A_298] {strides = array<i32>} : memref<384xf32, #tpu.memory_space<vmem>>, vector<16xf32>,
      %get3A_300 = vector.shape_cast %get3A_299 : vector<16xf32> to vector<16xf32>
      %get3A_301 = arith.constant 80 : index
      %get3A_302 = tpu.vector_load %arg15[%get3A_301] {strides = array<i32>} : memref<384xf32, #tpu.memory_space<vmem>>, vector<16xf32>,
      %get3A_303 = vector.shape_cast %get3A_302 : vector<16xf32> to vector<16xf32>
      %sub3A_304 = arith.subf %get3A_300, %get3A_303 : vector<16xf32>
      %get3A_305 = arith.constant 208 : index
      %get3A_306 = tpu.vector_load %arg13[%get3A_305] {strides = array<i32>} : memref<384xf32, #tpu.memory_space<vmem>>, vector<16xf32>,
      %get3A_307 = vector.shape_cast %get3A_306 : vector<16xf32> to vector<16xf32>
      %get3A_308 = arith.constant 208 : index
      %get3A_309 = tpu.vector_load %arg15[%get3A_308] {strides = array<i32>} : memref<384xf32, #tpu.memory_space<vmem>>, vector<16xf32>,
      %get3A_310 = vector.shape_cast %get3A_309 : vector<16xf32> to vector<16xf32>
      %sub3A_311 = arith.subf %get3A_307, %get3A_310 : vector<16xf32>
      %get3A_312 = arith.constant 336 : index
      %get3A_313 = tpu.vector_load %arg13[%get3A_312] {strides = array<i32>} : memref<384xf32, #tpu.memory_space<vmem>>, vector<16xf32>,
      %get3A_314 = vector.shape_cast %get3A_313 : vector<16xf32> to vector<16xf32>
      %get3A_315 = arith.constant 336 : index
      %get3A_316 = tpu.vector_load %arg15[%get3A_315] {strides = array<i32>} : memref<384xf32, #tpu.memory_space<vmem>>, vector<16xf32>,
      %get3A_317 = vector.shape_cast %get3A_316 : vector<16xf32> to vector<16xf32>
      %sub3A_318 = arith.subf %get3A_314, %get3A_317 : vector<16xf32>
      %mul3A_319 = arith.mulf %sub3A_304, %sub3A_304 : vector<16xf32>
      %mul3A_320 = arith.mulf %sub3A_311, %sub3A_311 : vector<16xf32>
      %add3A_321 = arith.addf %mul3A_319, %mul3A_320 : vector<16xf32>
      %mul3A_322 = arith.mulf %sub3A_318, %sub3A_318 : vector<16xf32>
      %add3A_323 = arith.addf %add3A_321, %mul3A_322 : vector<16xf32>
      %swap3A_324 = arith.index_cast %add3A_104 : i32 to index
      %swap3A_325 = arith.constant 80 : index
      %swap3A_326 = tpu.vector_load %arg17[%swap3A_324, %swap3A_325] {strides = array<i32>} : memref<64x128xf32, #tpu.memory_space<vmem>>, vector<1x16xf32>,
      %swap3A_327 = vector.shape_cast %swap3A_326 : vector<1x16xf32> to vector<16xf32>
      %swap3A_328 = vector.shape_cast %add3A_323 : vector<16xf32> to vector<1x16xf32>
      tpu.vector_store %arg17[%swap3A_324, %swap3A_325], %swap3A_328 {strides = array<i32>} : memref<64x128xf32, #tpu.memory_space<vmem>>, vector<1x16xf32>,
      %get3A_329 = arith.constant 96 : index
      %get3A_330 = tpu.vector_load %arg13[%get3A_329] {strides = array<i32>} : memref<384xf32, #tpu.memory_space<vmem>>, vector<16xf32>,
      %get3A_331 = vector.shape_cast %get3A_330 : vector<16xf32> to vector<16xf32>
      %get3A_332 = arith.constant 96 : index
      %get3A_333 = tpu.vector_load %arg15[%get3A_332] {strides = array<i32>} : memref<384xf32, #tpu.memory_space<vmem>>, vector<16xf32>,
      %get3A_334 = vector.shape_cast %get3A_333 : vector<16xf32> to vector<16xf32>
      %sub3A_335 = arith.subf %get3A_331, %get3A_334 : vector<16xf32>
      %get3A_336 = arith.constant 224 : index
      %get3A_337 = tpu.vector_load %arg13[%get3A_336] {strides = array<i32>} : memref<384xf32, #tpu.memory_space<vmem>>, vector<16xf32>,
      %get3A_338 = vector.shape_cast %get3A_337 : vector<16xf32> to vector<16xf32>
      %get3A_339 = arith.constant 224 : index
      %get3A_340 = tpu.vector_load %arg15[%get3A_339] {strides = array<i32>} : memref<384xf32, #tpu.memory_space<vmem>>, vector<16xf32>,
      %get3A_341 = vector.shape_cast %get3A_340 : vector<16xf32> to vector<16xf32>
      %sub3A_342 = arith.subf %get3A_338, %get3A_341 : vector<16xf32>
      %get3A_343 = arith.constant 352 : index
      %get3A_344 = tpu.vector_load %arg13[%get3A_343] {strides = array<i32>} : memref<384xf32, #tpu.memory_space<vmem>>, vector<16xf32>,
      %get3A_345 = vector.shape_cast %get3A_344 : vector<16xf32> to vector<16xf32>
      %get3A_346 = arith.constant 352 : index
      %get3A_347 = tpu.vector_load %arg15[%get3A_346] {strides = array<i32>} : memref<384xf32, #tpu.memory_space<vmem>>, vector<16xf32>,
      %get3A_348 = vector.shape_cast %get3A_347 : vector<16xf32> to vector<16xf32>
      %sub3A_349 = arith.subf %get3A_345, %get3A_348 : vector<16xf32>
      %mul3A_350 = arith.mulf %sub3A_335, %sub3A_335 : vector<16xf32>
      %mul3A_351 = arith.mulf %sub3A_342, %sub3A_342 : vector<16xf32>
      %add3A_352 = arith.addf %mul3A_350, %mul3A_351 : vector<16xf32>
      %mul3A_353 = arith.mulf %sub3A_349, %sub3A_349 : vector<16xf32>
      %add3A_354 = arith.addf %add3A_352, %mul3A_353 : vector<16xf32>
      %swap3A_355 = arith.index_cast %add3A_104 : i32 to index
      %swap3A_356 = arith.constant 96 : index
      %swap3A_357 = tpu.vector_load %arg17[%swap3A_355, %swap3A_356] {strides = array<i32>} : memref<64x128xf32, #tpu.memory_space<vmem>>, vector<1x16xf32>,
      %swap3A_358 = vector.shape_cast %swap3A_357 : vector<1x16xf32> to vector<16xf32>
      %swap3A_359 = vector.shape_cast %add3A_354 : vector<16xf32> to vector<1x16xf32>
      tpu.vector_store %arg17[%swap3A_355, %swap3A_356], %swap3A_359 {strides = array<i32>} : memref<64x128xf32, #tpu.memory_space<vmem>>, vector<1x16xf32>,
      %get3A_360 = arith.constant 112 : index
      %get3A_361 = tpu.vector_load %arg13[%get3A_360] {strides = array<i32>} : memref<384xf32, #tpu.memory_space<vmem>>, vector<16xf32>,
      %get3A_362 = vector.shape_cast %get3A_361 : vector<16xf32> to vector<16xf32>
      %get3A_363 = arith.constant 112 : index
      %get3A_364 = tpu.vector_load %arg15[%get3A_363] {strides = array<i32>} : memref<384xf32, #tpu.memory_space<vmem>>, vector<16xf32>,
      %get3A_365 = vector.shape_cast %get3A_364 : vector<16xf32> to vector<16xf32>
      %sub3A_366 = arith.subf %get3A_362, %get3A_365 : vector<16xf32>
      %get3A_367 = arith.constant 240 : index
      %get3A_368 = tpu.vector_load %arg13[%get3A_367] {strides = array<i32>} : memref<384xf32, #tpu.memory_space<vmem>>, vector<16xf32>,
      %get3A_369 = vector.shape_cast %get3A_368 : vector<16xf32> to vector<16xf32>
      %get3A_370 = arith.constant 240 : index
      %get3A_371 = tpu.vector_load %arg15[%get3A_370] {strides = array<i32>} : memref<384xf32, #tpu.memory_space<vmem>>, vector<16xf32>,
      %get3A_372 = vector.shape_cast %get3A_371 : vector<16xf32> to vector<16xf32>
      %sub3A_373 = arith.subf %get3A_369, %get3A_372 : vector<16xf32>
      %get3A_374 = arith.constant 368 : index
      %get3A_375 = tpu.vector_load %arg13[%get3A_374] {strides = array<i32>} : memref<384xf32, #tpu.memory_space<vmem>>, vector<16xf32>,
      %get3A_376 = vector.shape_cast %get3A_375 : vector<16xf32> to vector<16xf32>
      %get3A_377 = arith.constant 368 : index
      %get3A_378 = tpu.vector_load %arg15[%get3A_377] {strides = array<i32>} : memref<384xf32, #tpu.memory_space<vmem>>, vector<16xf32>,
      %get3A_379 = vector.shape_cast %get3A_378 : vector<16xf32> to vector<16xf32>
      %sub3A_380 = arith.subf %get3A_376, %get3A_379 : vector<16xf32>
      %mul3A_381 = arith.mulf %sub3A_366, %sub3A_366 : vector<16xf32>
      %mul3A_382 = arith.mulf %sub3A_373, %sub3A_373 : vector<16xf32>
      %add3A_383 = arith.addf %mul3A_381, %mul3A_382 : vector<16xf32>
      %mul3A_384 = arith.mulf %sub3A_380, %sub3A_380 : vector<16xf32>
      %add3A_385 = arith.addf %add3A_383, %mul3A_384 : vector<16xf32>
      %swap3A_386 = arith.index_cast %add3A_104 : i32 to index
      %swap3A_387 = arith.constant 112 : index
      %swap3A_388 = tpu.vector_load %arg17[%swap3A_386, %swap3A_387] {strides = array<i32>} : memref<64x128xf32, #tpu.memory_space<vmem>>, vector<1x16xf32>,
      %swap3A_389 = vector.shape_cast %swap3A_388 : vector<1x16xf32> to vector<16xf32>
      %swap3A_390 = vector.shape_cast %add3A_385 : vector<16xf32> to vector<1x16xf32>
      tpu.vector_store %arg17[%swap3A_386, %swap3A_387], %swap3A_390 {strides = array<i32>} : memref<64x128xf32, #tpu.memory_space<vmem>>, vector<1x16xf32>,
      %add3A_391 = arith.constant 2 : i32
      %add3A_392 = arith.addi %add3A_104, %add3A_391 : i32
      %lt3A = arith.constant 64 : i32
      %lt3A_393 = arith.cmpi slt, %add3A_392, %lt3A : i32
      %convert_element_type3A_394 = arith.extui %lt3A_393 : i1 to i32
      %cond3A_395 = arith.constant 0 : i32
      %cond3A_396 = arith.cmpi ne, %convert_element_type3A_394, %cond3A_395 : i32
      scf.if %cond3A_396 {
        %dma_start3A_698 = arith.constant 0 : i32
        %dma_start3A_699 = tpu.memref_slice %arg13[%dma_start3A_698] : memref<384xf32, #tpu.memory_space<vmem>> -> memref<128xf32, #tpu.memory_space<vmem>>
        %dma_start3A_700 = arith.constant 0 : i32
        %dma_start3A_701 = tpu.memref_slice %arg11[%add3A_392, %dma_start3A_700] : memref<64x128xi32, #tpu.memory_space<vmem>> -> memref<1x128xi32, #tpu.memory_space<vmem>>
        %dma_start3A_702 = tpu.memref_squeeze %dma_start3A_701 : memref<1x128xi32, #tpu.memory_space<vmem>> -> memref<128xi32, #tpu.memory_space<vmem>>
        %dma_start3A_703 = arith.constant 0 : i32
        %dma_start3A_704 = tpu.memref_slice %arg18[%dma_start3A_703] : memref<100000xf32, #tpu.memory_space<vmem_shared>> -> memref<100000xf32, #tpu.memory_space<vmem_shared>>
        tpu.enqueue_indirect_dma source(%dma_start3A_704 : memref<100000xf32, #tpu.memory_space<vmem_shared>>) target(%dma_start3A_699 : memref<128xf32, #tpu.memory_space<vmem>>) offsets(%dma_start3A_702 : memref<128xi32, #tpu.memory_space<vmem>>) semaphore(%arg24 : memref<!tpu.dma_semaphore, #tpu.memory_space<semaphore_mem>>)
        %dma_start3A_705 = arith.constant 0 : i32
        %dma_start3A_706 = tpu.memref_slice %arg15[%dma_start3A_705] : memref<384xf32, #tpu.memory_space<vmem>> -> memref<128xf32, #tpu.memory_space<vmem>>
        %dma_start3A_707 = arith.constant 0 : i32
        %dma_start3A_708 = tpu.memref_slice %arg12[%add3A_392, %dma_start3A_707] : memref<64x128xi32, #tpu.memory_space<vmem>> -> memref<1x128xi32, #tpu.memory_space<vmem>>
        %dma_start3A_709 = tpu.memref_squeeze %dma_start3A_708 : memref<1x128xi32, #tpu.memory_space<vmem>> -> memref<128xi32, #tpu.memory_space<vmem>>
        %dma_start3A_710 = arith.constant 0 : i32
        %dma_start3A_711 = tpu.memref_slice %arg21[%dma_start3A_710] : memref<8192xf32, #tpu.memory_space<vmem_shared>> -> memref<8192xf32, #tpu.memory_space<vmem_shared>>
        tpu.enqueue_indirect_dma source(%dma_start3A_711 : memref<8192xf32, #tpu.memory_space<vmem_shared>>) target(%dma_start3A_706 : memref<128xf32, #tpu.memory_space<vmem>>) offsets(%dma_start3A_709 : memref<128xi32, #tpu.memory_space<vmem>>) semaphore(%arg24 : memref<!tpu.dma_semaphore, #tpu.memory_space<semaphore_mem>>)
        %dma_start3A_712 = arith.constant 128 : i32
        %dma_start3A_713 = tpu.memref_slice %arg13[%dma_start3A_712] : memref<384xf32, #tpu.memory_space<vmem>> -> memref<128xf32, #tpu.memory_space<vmem>>
        %dma_start3A_714 = arith.constant 0 : i32
        %dma_start3A_715 = tpu.memref_slice %arg11[%add3A_392, %dma_start3A_714] : memref<64x128xi32, #tpu.memory_space<vmem>> -> memref<1x128xi32, #tpu.memory_space<vmem>>
        %dma_start3A_716 = tpu.memref_squeeze %dma_start3A_715 : memref<1x128xi32, #tpu.memory_space<vmem>> -> memref<128xi32, #tpu.memory_space<vmem>>
        %dma_start3A_717 = arith.constant 0 : i32
        %dma_start3A_718 = tpu.memref_slice %arg19[%dma_start3A_717] : memref<100000xf32, #tpu.memory_space<vmem_shared>> -> memref<100000xf32, #tpu.memory_space<vmem_shared>>
        tpu.enqueue_indirect_dma source(%dma_start3A_718 : memref<100000xf32, #tpu.memory_space<vmem_shared>>) target(%dma_start3A_713 : memref<128xf32, #tpu.memory_space<vmem>>) offsets(%dma_start3A_716 : memref<128xi32, #tpu.memory_space<vmem>>) semaphore(%arg24 : memref<!tpu.dma_semaphore, #tpu.memory_space<semaphore_mem>>)
        %dma_start3A_719 = arith.constant 128 : i32
        %dma_start3A_720 = tpu.memref_slice %arg15[%dma_start3A_719] : memref<384xf32, #tpu.memory_space<vmem>> -> memref<128xf32, #tpu.memory_space<vmem>>
        %dma_start3A_721 = arith.constant 0 : i32
        %dma_start3A_722 = tpu.memref_slice %arg12[%add3A_392, %dma_start3A_721] : memref<64x128xi32, #tpu.memory_space<vmem>> -> memref<1x128xi32, #tpu.memory_space<vmem>>
        %dma_start3A_723 = tpu.memref_squeeze %dma_start3A_722 : memref<1x128xi32, #tpu.memory_space<vmem>> -> memref<128xi32, #tpu.memory_space<vmem>>
        %dma_start3A_724 = arith.constant 0 : i32
        %dma_start3A_725 = tpu.memref_slice %arg22[%dma_start3A_724] : memref<8192xf32, #tpu.memory_space<vmem_shared>> -> memref<8192xf32, #tpu.memory_space<vmem_shared>>
        tpu.enqueue_indirect_dma source(%dma_start3A_725 : memref<8192xf32, #tpu.memory_space<vmem_shared>>) target(%dma_start3A_720 : memref<128xf32, #tpu.memory_space<vmem>>) offsets(%dma_start3A_723 : memref<128xi32, #tpu.memory_space<vmem>>) semaphore(%arg24 : memref<!tpu.dma_semaphore, #tpu.memory_space<semaphore_mem>>)
        %dma_start3A_726 = arith.constant 256 : i32
        %dma_start3A_727 = tpu.memref_slice %arg13[%dma_start3A_726] : memref<384xf32, #tpu.memory_space<vmem>> -> memref<128xf32, #tpu.memory_space<vmem>>
        %dma_start3A_728 = arith.constant 0 : i32
        %dma_start3A_729 = tpu.memref_slice %arg11[%add3A_392, %dma_start3A_728] : memref<64x128xi32, #tpu.memory_space<vmem>> -> memref<1x128xi32, #tpu.memory_space<vmem>>
        %dma_start3A_730 = tpu.memref_squeeze %dma_start3A_729 : memref<1x128xi32, #tpu.memory_space<vmem>> -> memref<128xi32, #tpu.memory_space<vmem>>
        %dma_start3A_731 = arith.constant 0 : i32
        %dma_start3A_732 = tpu.memref_slice %arg20[%dma_start3A_731] : memref<100000xf32, #tpu.memory_space<vmem_shared>> -> memref<100000xf32, #tpu.memory_space<vmem_shared>>
        tpu.enqueue_indirect_dma source(%dma_start3A_732 : memref<100000xf32, #tpu.memory_space<vmem_shared>>) target(%dma_start3A_727 : memref<128xf32, #tpu.memory_space<vmem>>) offsets(%dma_start3A_730 : memref<128xi32, #tpu.memory_space<vmem>>) semaphore(%arg24 : memref<!tpu.dma_semaphore, #tpu.memory_space<semaphore_mem>>)
        %dma_start3A_733 = arith.constant 256 : i32
        %dma_start3A_734 = tpu.memref_slice %arg15[%dma_start3A_733] : memref<384xf32, #tpu.memory_space<vmem>> -> memref<128xf32, #tpu.memory_space<vmem>>
        %dma_start3A_735 = arith.constant 0 : i32
        %dma_start3A_736 = tpu.memref_slice %arg12[%add3A_392, %dma_start3A_735] : memref<64x128xi32, #tpu.memory_space<vmem>> -> memref<1x128xi32, #tpu.memory_space<vmem>>
        %dma_start3A_737 = tpu.memref_squeeze %dma_start3A_736 : memref<1x128xi32, #tpu.memory_space<vmem>> -> memref<128xi32, #tpu.memory_space<vmem>>
        %dma_start3A_738 = arith.constant 0 : i32
        %dma_start3A_739 = tpu.memref_slice %arg23[%dma_start3A_738] : memref<8192xf32, #tpu.memory_space<vmem_shared>> -> memref<8192xf32, #tpu.memory_space<vmem_shared>>
        tpu.enqueue_indirect_dma source(%dma_start3A_739 : memref<8192xf32, #tpu.memory_space<vmem_shared>>) target(%dma_start3A_734 : memref<128xf32, #tpu.memory_space<vmem>>) offsets(%dma_start3A_737 : memref<128xi32, #tpu.memory_space<vmem>>) semaphore(%arg24 : memref<!tpu.dma_semaphore, #tpu.memory_space<semaphore_mem>>)
      } else {
      }
      %mul3A_397 = arith.constant 2 : i32
      %mul3A_398 = arith.muli %mul3A_397, %scan3A_102 : i32
      %add3A_399 = arith.constant 1 : i32
      %add3A_400 = arith.addi %mul3A_398, %add3A_399 : i32
      %dma_wait3A_401 = arith.constant 0 : i32
      %dma_wait3A_402 = tpu.memref_slice %arg14[%dma_wait3A_401] : memref<384xf32, #tpu.memory_space<vmem>> -> memref<128xf32, #tpu.memory_space<vmem>>
      %dma_wait3A_403 = arith.constant 0 : i32
      %dma_wait3A_404 = tpu.memref_slice %arg11[%add3A_400, %dma_wait3A_403] : memref<64x128xi32, #tpu.memory_space<vmem>> -> memref<1x128xi32, #tpu.memory_space<vmem>>
      %dma_wait3A_405 = tpu.memref_squeeze %dma_wait3A_404 : memref<1x128xi32, #tpu.memory_space<vmem>> -> memref<128xi32, #tpu.memory_space<vmem>>
      %dma_wait3A_406 = arith.constant 0 : i32
      %dma_wait3A_407 = tpu.memref_slice %arg18[%dma_wait3A_406] : memref<100000xf32, #tpu.memory_space<vmem_shared>> -> memref<100000xf32, #tpu.memory_space<vmem_shared>>
      tpu.wait_indirect_dma semaphore(%arg25 : memref<!tpu.dma_semaphore, #tpu.memory_space<semaphore_mem>>) src(%dma_wait3A_407 : memref<100000xf32, #tpu.memory_space<vmem_shared>>) dst(%dma_wait3A_402 : memref<128xf32, #tpu.memory_space<vmem>>)
      %dma_wait3A_408 = arith.constant 0 : i32
      %dma_wait3A_409 = tpu.memref_slice %arg16[%dma_wait3A_408] : memref<384xf32, #tpu.memory_space<vmem>> -> memref<128xf32, #tpu.memory_space<vmem>>
      %dma_wait3A_410 = arith.constant 0 : i32
      %dma_wait3A_411 = tpu.memref_slice %arg12[%add3A_400, %dma_wait3A_410] : memref<64x128xi32, #tpu.memory_space<vmem>> -> memref<1x128xi32, #tpu.memory_space<vmem>>
      %dma_wait3A_412 = tpu.memref_squeeze %dma_wait3A_411 : memref<1x128xi32, #tpu.memory_space<vmem>> -> memref<128xi32, #tpu.memory_space<vmem>>
      %dma_wait3A_413 = arith.constant 0 : i32
      %dma_wait3A_414 = tpu.memref_slice %arg21[%dma_wait3A_413] : memref<8192xf32, #tpu.memory_space<vmem_shared>> -> memref<8192xf32, #tpu.memory_space<vmem_shared>>
      tpu.wait_indirect_dma semaphore(%arg25 : memref<!tpu.dma_semaphore, #tpu.memory_space<semaphore_mem>>) src(%dma_wait3A_414 : memref<8192xf32, #tpu.memory_space<vmem_shared>>) dst(%dma_wait3A_409 : memref<128xf32, #tpu.memory_space<vmem>>)
      %dma_wait3A_415 = arith.constant 128 : i32
      %dma_wait3A_416 = tpu.memref_slice %arg14[%dma_wait3A_415] : memref<384xf32, #tpu.memory_space<vmem>> -> memref<128xf32, #tpu.memory_space<vmem>>
      %dma_wait3A_417 = arith.constant 0 : i32
      %dma_wait3A_418 = tpu.memref_slice %arg11[%add3A_400, %dma_wait3A_417] : memref<64x128xi32, #tpu.memory_space<vmem>> -> memref<1x128xi32, #tpu.memory_space<vmem>>
      %dma_wait3A_419 = tpu.memref_squeeze %dma_wait3A_418 : memref<1x128xi32, #tpu.memory_space<vmem>> -> memref<128xi32, #tpu.memory_space<vmem>>
      %dma_wait3A_420 = arith.constant 0 : i32
      %dma_wait3A_421 = tpu.memref_slice %arg19[%dma_wait3A_420] : memref<100000xf32, #tpu.memory_space<vmem_shared>> -> memref<100000xf32, #tpu.memory_space<vmem_shared>>
      tpu.wait_indirect_dma semaphore(%arg25 : memref<!tpu.dma_semaphore, #tpu.memory_space<semaphore_mem>>) src(%dma_wait3A_421 : memref<100000xf32, #tpu.memory_space<vmem_shared>>) dst(%dma_wait3A_416 : memref<128xf32, #tpu.memory_space<vmem>>)
      %dma_wait3A_422 = arith.constant 128 : i32
      %dma_wait3A_423 = tpu.memref_slice %arg16[%dma_wait3A_422] : memref<384xf32, #tpu.memory_space<vmem>> -> memref<128xf32, #tpu.memory_space<vmem>>
      %dma_wait3A_424 = arith.constant 0 : i32
      %dma_wait3A_425 = tpu.memref_slice %arg12[%add3A_400, %dma_wait3A_424] : memref<64x128xi32, #tpu.memory_space<vmem>> -> memref<1x128xi32, #tpu.memory_space<vmem>>
      %dma_wait3A_426 = tpu.memref_squeeze %dma_wait3A_425 : memref<1x128xi32, #tpu.memory_space<vmem>> -> memref<128xi32, #tpu.memory_space<vmem>>
      %dma_wait3A_427 = arith.constant 0 : i32
      %dma_wait3A_428 = tpu.memref_slice %arg22[%dma_wait3A_427] : memref<8192xf32, #tpu.memory_space<vmem_shared>> -> memref<8192xf32, #tpu.memory_space<vmem_shared>>
      tpu.wait_indirect_dma semaphore(%arg25 : memref<!tpu.dma_semaphore, #tpu.memory_space<semaphore_mem>>) src(%dma_wait3A_428 : memref<8192xf32, #tpu.memory_space<vmem_shared>>) dst(%dma_wait3A_423 : memref<128xf32, #tpu.memory_space<vmem>>)
      %dma_wait3A_429 = arith.constant 256 : i32
      %dma_wait3A_430 = tpu.memref_slice %arg14[%dma_wait3A_429] : memref<384xf32, #tpu.memory_space<vmem>> -> memref<128xf32, #tpu.memory_space<vmem>>
      %dma_wait3A_431 = arith.constant 0 : i32
      %dma_wait3A_432 = tpu.memref_slice %arg11[%add3A_400, %dma_wait3A_431] : memref<64x128xi32, #tpu.memory_space<vmem>> -> memref<1x128xi32, #tpu.memory_space<vmem>>
      %dma_wait3A_433 = tpu.memref_squeeze %dma_wait3A_432 : memref<1x128xi32, #tpu.memory_space<vmem>> -> memref<128xi32, #tpu.memory_space<vmem>>
      %dma_wait3A_434 = arith.constant 0 : i32
      %dma_wait3A_435 = tpu.memref_slice %arg20[%dma_wait3A_434] : memref<100000xf32, #tpu.memory_space<vmem_shared>> -> memref<100000xf32, #tpu.memory_space<vmem_shared>>
      tpu.wait_indirect_dma semaphore(%arg25 : memref<!tpu.dma_semaphore, #tpu.memory_space<semaphore_mem>>) src(%dma_wait3A_435 : memref<100000xf32, #tpu.memory_space<vmem_shared>>) dst(%dma_wait3A_430 : memref<128xf32, #tpu.memory_space<vmem>>)
      %dma_wait3A_436 = arith.constant 256 : i32
      %dma_wait3A_437 = tpu.memref_slice %arg16[%dma_wait3A_436] : memref<384xf32, #tpu.memory_space<vmem>> -> memref<128xf32, #tpu.memory_space<vmem>>
      %dma_wait3A_438 = arith.constant 0 : i32
      %dma_wait3A_439 = tpu.memref_slice %arg12[%add3A_400, %dma_wait3A_438] : memref<64x128xi32, #tpu.memory_space<vmem>> -> memref<1x128xi32, #tpu.memory_space<vmem>>
      %dma_wait3A_440 = tpu.memref_squeeze %dma_wait3A_439 : memref<1x128xi32, #tpu.memory_space<vmem>> -> memref<128xi32, #tpu.memory_space<vmem>>
      %dma_wait3A_441 = arith.constant 0 : i32
      %dma_wait3A_442 = tpu.memref_slice %arg23[%dma_wait3A_441] : memref<8192xf32, #tpu.memory_space<vmem_shared>> -> memref<8192xf32, #tpu.memory_space<vmem_shared>>
      tpu.wait_indirect_dma semaphore(%arg25 : memref<!tpu.dma_semaphore, #tpu.memory_space<semaphore_mem>>) src(%dma_wait3A_442 : memref<8192xf32, #tpu.memory_space<vmem_shared>>) dst(%dma_wait3A_437 : memref<128xf32, #tpu.memory_space<vmem>>)
      %get3A_443 = arith.constant 0 : index
      %get3A_444 = tpu.vector_load %arg14[%get3A_443] {strides = array<i32>} : memref<384xf32, #tpu.memory_space<vmem>>, vector<16xf32>,
      %get3A_445 = vector.shape_cast %get3A_444 : vector<16xf32> to vector<16xf32>
      %get3A_446 = arith.constant 0 : index
      %get3A_447 = tpu.vector_load %arg16[%get3A_446] {strides = array<i32>} : memref<384xf32, #tpu.memory_space<vmem>>, vector<16xf32>,
      %get3A_448 = vector.shape_cast %get3A_447 : vector<16xf32> to vector<16xf32>
      %sub3A_449 = arith.subf %get3A_445, %get3A_448 : vector<16xf32>
      %get3A_450 = arith.constant 128 : index
      %get3A_451 = tpu.vector_load %arg14[%get3A_450] {strides = array<i32>} : memref<384xf32, #tpu.memory_space<vmem>>, vector<16xf32>,
      %get3A_452 = vector.shape_cast %get3A_451 : vector<16xf32> to vector<16xf32>
      %get3A_453 = arith.constant 128 : index
      %get3A_454 = tpu.vector_load %arg16[%get3A_453] {strides = array<i32>} : memref<384xf32, #tpu.memory_space<vmem>>, vector<16xf32>,
      %get3A_455 = vector.shape_cast %get3A_454 : vector<16xf32> to vector<16xf32>
      %sub3A_456 = arith.subf %get3A_452, %get3A_455 : vector<16xf32>
      %get3A_457 = arith.constant 256 : index
      %get3A_458 = tpu.vector_load %arg14[%get3A_457] {strides = array<i32>} : memref<384xf32, #tpu.memory_space<vmem>>, vector<16xf32>,
      %get3A_459 = vector.shape_cast %get3A_458 : vector<16xf32> to vector<16xf32>
      %get3A_460 = arith.constant 256 : index
      %get3A_461 = tpu.vector_load %arg16[%get3A_460] {strides = array<i32>} : memref<384xf32, #tpu.memory_space<vmem>>, vector<16xf32>,
      %get3A_462 = vector.shape_cast %get3A_461 : vector<16xf32> to vector<16xf32>
      %sub3A_463 = arith.subf %get3A_459, %get3A_462 : vector<16xf32>
      %mul3A_464 = arith.mulf %sub3A_449, %sub3A_449 : vector<16xf32>
      %mul3A_465 = arith.mulf %sub3A_456, %sub3A_456 : vector<16xf32>
      %add3A_466 = arith.addf %mul3A_464, %mul3A_465 : vector<16xf32>
      %mul3A_467 = arith.mulf %sub3A_463, %sub3A_463 : vector<16xf32>
      %add3A_468 = arith.addf %add3A_466, %mul3A_467 : vector<16xf32>
      %swap3A_469 = arith.index_cast %add3A_400 : i32 to index
      %swap3A_470 = arith.constant 0 : index
      %swap3A_471 = tpu.vector_load %arg17[%swap3A_469, %swap3A_470] {strides = array<i32>} : memref<64x128xf32, #tpu.memory_space<vmem>>, vector<1x16xf32>,
      %swap3A_472 = vector.shape_cast %swap3A_471 : vector<1x16xf32> to vector<16xf32>
      %swap3A_473 = vector.shape_cast %add3A_468 : vector<16xf32> to vector<1x16xf32>
      tpu.vector_store %arg17[%swap3A_469, %swap3A_470], %swap3A_473 {strides = array<i32>} : memref<64x128xf32, #tpu.memory_space<vmem>>, vector<1x16xf32>,
      %get3A_474 = arith.constant 16 : index
      %get3A_475 = tpu.vector_load %arg14[%get3A_474] {strides = array<i32>} : memref<384xf32, #tpu.memory_space<vmem>>, vector<16xf32>,
      %get3A_476 = vector.shape_cast %get3A_475 : vector<16xf32> to vector<16xf32>
      %get3A_477 = arith.constant 16 : index
      %get3A_478 = tpu.vector_load %arg16[%get3A_477] {strides = array<i32>} : memref<384xf32, #tpu.memory_space<vmem>>, vector<16xf32>,
      %get3A_479 = vector.shape_cast %get3A_478 : vector<16xf32> to vector<16xf32>
      %sub3A_480 = arith.subf %get3A_476, %get3A_479 : vector<16xf32>
      %get3A_481 = arith.constant 144 : index
      %get3A_482 = tpu.vector_load %arg14[%get3A_481] {strides = array<i32>} : memref<384xf32, #tpu.memory_space<vmem>>, vector<16xf32>,
      %get3A_483 = vector.shape_cast %get3A_482 : vector<16xf32> to vector<16xf32>
      %get3A_484 = arith.constant 144 : index
      %get3A_485 = tpu.vector_load %arg16[%get3A_484] {strides = array<i32>} : memref<384xf32, #tpu.memory_space<vmem>>, vector<16xf32>,
      %get3A_486 = vector.shape_cast %get3A_485 : vector<16xf32> to vector<16xf32>
      %sub3A_487 = arith.subf %get3A_483, %get3A_486 : vector<16xf32>
      %get3A_488 = arith.constant 272 : index
      %get3A_489 = tpu.vector_load %arg14[%get3A_488] {strides = array<i32>} : memref<384xf32, #tpu.memory_space<vmem>>, vector<16xf32>,
      %get3A_490 = vector.shape_cast %get3A_489 : vector<16xf32> to vector<16xf32>
      %get3A_491 = arith.constant 272 : index
      %get3A_492 = tpu.vector_load %arg16[%get3A_491] {strides = array<i32>} : memref<384xf32, #tpu.memory_space<vmem>>, vector<16xf32>,
      %get3A_493 = vector.shape_cast %get3A_492 : vector<16xf32> to vector<16xf32>
      %sub3A_494 = arith.subf %get3A_490, %get3A_493 : vector<16xf32>
      %mul3A_495 = arith.mulf %sub3A_480, %sub3A_480 : vector<16xf32>
      %mul3A_496 = arith.mulf %sub3A_487, %sub3A_487 : vector<16xf32>
      %add3A_497 = arith.addf %mul3A_495, %mul3A_496 : vector<16xf32>
      %mul3A_498 = arith.mulf %sub3A_494, %sub3A_494 : vector<16xf32>
      %add3A_499 = arith.addf %add3A_497, %mul3A_498 : vector<16xf32>
      %swap3A_500 = arith.index_cast %add3A_400 : i32 to index
      %swap3A_501 = arith.constant 16 : index
      %swap3A_502 = tpu.vector_load %arg17[%swap3A_500, %swap3A_501] {strides = array<i32>} : memref<64x128xf32, #tpu.memory_space<vmem>>, vector<1x16xf32>,
      %swap3A_503 = vector.shape_cast %swap3A_502 : vector<1x16xf32> to vector<16xf32>
      %swap3A_504 = vector.shape_cast %add3A_499 : vector<16xf32> to vector<1x16xf32>
      tpu.vector_store %arg17[%swap3A_500, %swap3A_501], %swap3A_504 {strides = array<i32>} : memref<64x128xf32, #tpu.memory_space<vmem>>, vector<1x16xf32>,
      %get3A_505 = arith.constant 32 : index
      %get3A_506 = tpu.vector_load %arg14[%get3A_505] {strides = array<i32>} : memref<384xf32, #tpu.memory_space<vmem>>, vector<16xf32>,
      %get3A_507 = vector.shape_cast %get3A_506 : vector<16xf32> to vector<16xf32>
      %get3A_508 = arith.constant 32 : index
      %get3A_509 = tpu.vector_load %arg16[%get3A_508] {strides = array<i32>} : memref<384xf32, #tpu.memory_space<vmem>>, vector<16xf32>,
      %get3A_510 = vector.shape_cast %get3A_509 : vector<16xf32> to vector<16xf32>
      %sub3A_511 = arith.subf %get3A_507, %get3A_510 : vector<16xf32>
      %get3A_512 = arith.constant 160 : index
      %get3A_513 = tpu.vector_load %arg14[%get3A_512] {strides = array<i32>} : memref<384xf32, #tpu.memory_space<vmem>>, vector<16xf32>,
      %get3A_514 = vector.shape_cast %get3A_513 : vector<16xf32> to vector<16xf32>
      %get3A_515 = arith.constant 160 : index
      %get3A_516 = tpu.vector_load %arg16[%get3A_515] {strides = array<i32>} : memref<384xf32, #tpu.memory_space<vmem>>, vector<16xf32>,
      %get3A_517 = vector.shape_cast %get3A_516 : vector<16xf32> to vector<16xf32>
      %sub3A_518 = arith.subf %get3A_514, %get3A_517 : vector<16xf32>
      %get3A_519 = arith.constant 288 : index
      %get3A_520 = tpu.vector_load %arg14[%get3A_519] {strides = array<i32>} : memref<384xf32, #tpu.memory_space<vmem>>, vector<16xf32>,
      %get3A_521 = vector.shape_cast %get3A_520 : vector<16xf32> to vector<16xf32>
      %get3A_522 = arith.constant 288 : index
      %get3A_523 = tpu.vector_load %arg16[%get3A_522] {strides = array<i32>} : memref<384xf32, #tpu.memory_space<vmem>>, vector<16xf32>,
      %get3A_524 = vector.shape_cast %get3A_523 : vector<16xf32> to vector<16xf32>
      %sub3A_525 = arith.subf %get3A_521, %get3A_524 : vector<16xf32>
      %mul3A_526 = arith.mulf %sub3A_511, %sub3A_511 : vector<16xf32>
      %mul3A_527 = arith.mulf %sub3A_518, %sub3A_518 : vector<16xf32>
      %add3A_528 = arith.addf %mul3A_526, %mul3A_527 : vector<16xf32>
      %mul3A_529 = arith.mulf %sub3A_525, %sub3A_525 : vector<16xf32>
      %add3A_530 = arith.addf %add3A_528, %mul3A_529 : vector<16xf32>
      %swap3A_531 = arith.index_cast %add3A_400 : i32 to index
      %swap3A_532 = arith.constant 32 : index
      %swap3A_533 = tpu.vector_load %arg17[%swap3A_531, %swap3A_532] {strides = array<i32>} : memref<64x128xf32, #tpu.memory_space<vmem>>, vector<1x16xf32>,
      %swap3A_534 = vector.shape_cast %swap3A_533 : vector<1x16xf32> to vector<16xf32>
      %swap3A_535 = vector.shape_cast %add3A_530 : vector<16xf32> to vector<1x16xf32>
      tpu.vector_store %arg17[%swap3A_531, %swap3A_532], %swap3A_535 {strides = array<i32>} : memref<64x128xf32, #tpu.memory_space<vmem>>, vector<1x16xf32>,
      %get3A_536 = arith.constant 48 : index
      %get3A_537 = tpu.vector_load %arg14[%get3A_536] {strides = array<i32>} : memref<384xf32, #tpu.memory_space<vmem>>, vector<16xf32>,
      %get3A_538 = vector.shape_cast %get3A_537 : vector<16xf32> to vector<16xf32>
      %get3A_539 = arith.constant 48 : index
      %get3A_540 = tpu.vector_load %arg16[%get3A_539] {strides = array<i32>} : memref<384xf32, #tpu.memory_space<vmem>>, vector<16xf32>,
      %get3A_541 = vector.shape_cast %get3A_540 : vector<16xf32> to vector<16xf32>
      %sub3A_542 = arith.subf %get3A_538, %get3A_541 : vector<16xf32>
      %get3A_543 = arith.constant 176 : index
      %get3A_544 = tpu.vector_load %arg14[%get3A_543] {strides = array<i32>} : memref<384xf32, #tpu.memory_space<vmem>>, vector<16xf32>,
      %get3A_545 = vector.shape_cast %get3A_544 : vector<16xf32> to vector<16xf32>
      %get3A_546 = arith.constant 176 : index
      %get3A_547 = tpu.vector_load %arg16[%get3A_546] {strides = array<i32>} : memref<384xf32, #tpu.memory_space<vmem>>, vector<16xf32>,
      %get3A_548 = vector.shape_cast %get3A_547 : vector<16xf32> to vector<16xf32>
      %sub3A_549 = arith.subf %get3A_545, %get3A_548 : vector<16xf32>
      %get3A_550 = arith.constant 304 : index
      %get3A_551 = tpu.vector_load %arg14[%get3A_550] {strides = array<i32>} : memref<384xf32, #tpu.memory_space<vmem>>, vector<16xf32>,
      %get3A_552 = vector.shape_cast %get3A_551 : vector<16xf32> to vector<16xf32>
      %get3A_553 = arith.constant 304 : index
      %get3A_554 = tpu.vector_load %arg16[%get3A_553] {strides = array<i32>} : memref<384xf32, #tpu.memory_space<vmem>>, vector<16xf32>,
      %get3A_555 = vector.shape_cast %get3A_554 : vector<16xf32> to vector<16xf32>
      %sub3A_556 = arith.subf %get3A_552, %get3A_555 : vector<16xf32>
      %mul3A_557 = arith.mulf %sub3A_542, %sub3A_542 : vector<16xf32>
      %mul3A_558 = arith.mulf %sub3A_549, %sub3A_549 : vector<16xf32>
      %add3A_559 = arith.addf %mul3A_557, %mul3A_558 : vector<16xf32>
      %mul3A_560 = arith.mulf %sub3A_556, %sub3A_556 : vector<16xf32>
      %add3A_561 = arith.addf %add3A_559, %mul3A_560 : vector<16xf32>
      %swap3A_562 = arith.index_cast %add3A_400 : i32 to index
      %swap3A_563 = arith.constant 48 : index
      %swap3A_564 = tpu.vector_load %arg17[%swap3A_562, %swap3A_563] {strides = array<i32>} : memref<64x128xf32, #tpu.memory_space<vmem>>, vector<1x16xf32>,
      %swap3A_565 = vector.shape_cast %swap3A_564 : vector<1x16xf32> to vector<16xf32>
      %swap3A_566 = vector.shape_cast %add3A_561 : vector<16xf32> to vector<1x16xf32>
      tpu.vector_store %arg17[%swap3A_562, %swap3A_563], %swap3A_566 {strides = array<i32>} : memref<64x128xf32, #tpu.memory_space<vmem>>, vector<1x16xf32>,
      %get3A_567 = arith.constant 64 : index
      %get3A_568 = tpu.vector_load %arg14[%get3A_567] {strides = array<i32>} : memref<384xf32, #tpu.memory_space<vmem>>, vector<16xf32>,
      %get3A_569 = vector.shape_cast %get3A_568 : vector<16xf32> to vector<16xf32>
      %get3A_570 = arith.constant 64 : index
      %get3A_571 = tpu.vector_load %arg16[%get3A_570] {strides = array<i32>} : memref<384xf32, #tpu.memory_space<vmem>>, vector<16xf32>,
      %get3A_572 = vector.shape_cast %get3A_571 : vector<16xf32> to vector<16xf32>
      %sub3A_573 = arith.subf %get3A_569, %get3A_572 : vector<16xf32>
      %get3A_574 = arith.constant 192 : index
      %get3A_575 = tpu.vector_load %arg14[%get3A_574] {strides = array<i32>} : memref<384xf32, #tpu.memory_space<vmem>>, vector<16xf32>,
      %get3A_576 = vector.shape_cast %get3A_575 : vector<16xf32> to vector<16xf32>
      %get3A_577 = arith.constant 192 : index
      %get3A_578 = tpu.vector_load %arg16[%get3A_577] {strides = array<i32>} : memref<384xf32, #tpu.memory_space<vmem>>, vector<16xf32>,
      %get3A_579 = vector.shape_cast %get3A_578 : vector<16xf32> to vector<16xf32>
      %sub3A_580 = arith.subf %get3A_576, %get3A_579 : vector<16xf32>
      %get3A_581 = arith.constant 320 : index
      %get3A_582 = tpu.vector_load %arg14[%get3A_581] {strides = array<i32>} : memref<384xf32, #tpu.memory_space<vmem>>, vector<16xf32>,
      %get3A_583 = vector.shape_cast %get3A_582 : vector<16xf32> to vector<16xf32>
      %get3A_584 = arith.constant 320 : index
      %get3A_585 = tpu.vector_load %arg16[%get3A_584] {strides = array<i32>} : memref<384xf32, #tpu.memory_space<vmem>>, vector<16xf32>,
      %get3A_586 = vector.shape_cast %get3A_585 : vector<16xf32> to vector<16xf32>
      %sub3A_587 = arith.subf %get3A_583, %get3A_586 : vector<16xf32>
      %mul3A_588 = arith.mulf %sub3A_573, %sub3A_573 : vector<16xf32>
      %mul3A_589 = arith.mulf %sub3A_580, %sub3A_580 : vector<16xf32>
      %add3A_590 = arith.addf %mul3A_588, %mul3A_589 : vector<16xf32>
      %mul3A_591 = arith.mulf %sub3A_587, %sub3A_587 : vector<16xf32>
      %add3A_592 = arith.addf %add3A_590, %mul3A_591 : vector<16xf32>
      %swap3A_593 = arith.index_cast %add3A_400 : i32 to index
      %swap3A_594 = arith.constant 64 : index
      %swap3A_595 = tpu.vector_load %arg17[%swap3A_593, %swap3A_594] {strides = array<i32>} : memref<64x128xf32, #tpu.memory_space<vmem>>, vector<1x16xf32>,
      %swap3A_596 = vector.shape_cast %swap3A_595 : vector<1x16xf32> to vector<16xf32>
      %swap3A_597 = vector.shape_cast %add3A_592 : vector<16xf32> to vector<1x16xf32>
      tpu.vector_store %arg17[%swap3A_593, %swap3A_594], %swap3A_597 {strides = array<i32>} : memref<64x128xf32, #tpu.memory_space<vmem>>, vector<1x16xf32>,
      %get3A_598 = arith.constant 80 : index
      %get3A_599 = tpu.vector_load %arg14[%get3A_598] {strides = array<i32>} : memref<384xf32, #tpu.memory_space<vmem>>, vector<16xf32>,
      %get3A_600 = vector.shape_cast %get3A_599 : vector<16xf32> to vector<16xf32>
      %get3A_601 = arith.constant 80 : index
      %get3A_602 = tpu.vector_load %arg16[%get3A_601] {strides = array<i32>} : memref<384xf32, #tpu.memory_space<vmem>>, vector<16xf32>,
      %get3A_603 = vector.shape_cast %get3A_602 : vector<16xf32> to vector<16xf32>
      %sub3A_604 = arith.subf %get3A_600, %get3A_603 : vector<16xf32>
      %get3A_605 = arith.constant 208 : index
      %get3A_606 = tpu.vector_load %arg14[%get3A_605] {strides = array<i32>} : memref<384xf32, #tpu.memory_space<vmem>>, vector<16xf32>,
      %get3A_607 = vector.shape_cast %get3A_606 : vector<16xf32> to vector<16xf32>
      %get3A_608 = arith.constant 208 : index
      %get3A_609 = tpu.vector_load %arg16[%get3A_608] {strides = array<i32>} : memref<384xf32, #tpu.memory_space<vmem>>, vector<16xf32>,
      %get3A_610 = vector.shape_cast %get3A_609 : vector<16xf32> to vector<16xf32>
      %sub3A_611 = arith.subf %get3A_607, %get3A_610 : vector<16xf32>
      %get3A_612 = arith.constant 336 : index
      %get3A_613 = tpu.vector_load %arg14[%get3A_612] {strides = array<i32>} : memref<384xf32, #tpu.memory_space<vmem>>, vector<16xf32>,
      %get3A_614 = vector.shape_cast %get3A_613 : vector<16xf32> to vector<16xf32>
      %get3A_615 = arith.constant 336 : index
      %get3A_616 = tpu.vector_load %arg16[%get3A_615] {strides = array<i32>} : memref<384xf32, #tpu.memory_space<vmem>>, vector<16xf32>,
      %get3A_617 = vector.shape_cast %get3A_616 : vector<16xf32> to vector<16xf32>
      %sub3A_618 = arith.subf %get3A_614, %get3A_617 : vector<16xf32>
      %mul3A_619 = arith.mulf %sub3A_604, %sub3A_604 : vector<16xf32>
      %mul3A_620 = arith.mulf %sub3A_611, %sub3A_611 : vector<16xf32>
      %add3A_621 = arith.addf %mul3A_619, %mul3A_620 : vector<16xf32>
      %mul3A_622 = arith.mulf %sub3A_618, %sub3A_618 : vector<16xf32>
      %add3A_623 = arith.addf %add3A_621, %mul3A_622 : vector<16xf32>
      %swap3A_624 = arith.index_cast %add3A_400 : i32 to index
      %swap3A_625 = arith.constant 80 : index
      %swap3A_626 = tpu.vector_load %arg17[%swap3A_624, %swap3A_625] {strides = array<i32>} : memref<64x128xf32, #tpu.memory_space<vmem>>, vector<1x16xf32>,
      %swap3A_627 = vector.shape_cast %swap3A_626 : vector<1x16xf32> to vector<16xf32>
      %swap3A_628 = vector.shape_cast %add3A_623 : vector<16xf32> to vector<1x16xf32>
      tpu.vector_store %arg17[%swap3A_624, %swap3A_625], %swap3A_628 {strides = array<i32>} : memref<64x128xf32, #tpu.memory_space<vmem>>, vector<1x16xf32>,
      %get3A_629 = arith.constant 96 : index
      %get3A_630 = tpu.vector_load %arg14[%get3A_629] {strides = array<i32>} : memref<384xf32, #tpu.memory_space<vmem>>, vector<16xf32>,
      %get3A_631 = vector.shape_cast %get3A_630 : vector<16xf32> to vector<16xf32>
      %get3A_632 = arith.constant 96 : index
      %get3A_633 = tpu.vector_load %arg16[%get3A_632] {strides = array<i32>} : memref<384xf32, #tpu.memory_space<vmem>>, vector<16xf32>,
      %get3A_634 = vector.shape_cast %get3A_633 : vector<16xf32> to vector<16xf32>
      %sub3A_635 = arith.subf %get3A_631, %get3A_634 : vector<16xf32>
      %get3A_636 = arith.constant 224 : index
      %get3A_637 = tpu.vector_load %arg14[%get3A_636] {strides = array<i32>} : memref<384xf32, #tpu.memory_space<vmem>>, vector<16xf32>,
      %get3A_638 = vector.shape_cast %get3A_637 : vector<16xf32> to vector<16xf32>
      %get3A_639 = arith.constant 224 : index
      %get3A_640 = tpu.vector_load %arg16[%get3A_639] {strides = array<i32>} : memref<384xf32, #tpu.memory_space<vmem>>, vector<16xf32>,
      %get3A_641 = vector.shape_cast %get3A_640 : vector<16xf32> to vector<16xf32>
      %sub3A_642 = arith.subf %get3A_638, %get3A_641 : vector<16xf32>
      %get3A_643 = arith.constant 352 : index
      %get3A_644 = tpu.vector_load %arg14[%get3A_643] {strides = array<i32>} : memref<384xf32, #tpu.memory_space<vmem>>, vector<16xf32>,
      %get3A_645 = vector.shape_cast %get3A_644 : vector<16xf32> to vector<16xf32>
      %get3A_646 = arith.constant 352 : index
      %get3A_647 = tpu.vector_load %arg16[%get3A_646] {strides = array<i32>} : memref<384xf32, #tpu.memory_space<vmem>>, vector<16xf32>,
      %get3A_648 = vector.shape_cast %get3A_647 : vector<16xf32> to vector<16xf32>
      %sub3A_649 = arith.subf %get3A_645, %get3A_648 : vector<16xf32>
      %mul3A_650 = arith.mulf %sub3A_635, %sub3A_635 : vector<16xf32>
      %mul3A_651 = arith.mulf %sub3A_642, %sub3A_642 : vector<16xf32>
      %add3A_652 = arith.addf %mul3A_650, %mul3A_651 : vector<16xf32>
      %mul3A_653 = arith.mulf %sub3A_649, %sub3A_649 : vector<16xf32>
      %add3A_654 = arith.addf %add3A_652, %mul3A_653 : vector<16xf32>
      %swap3A_655 = arith.index_cast %add3A_400 : i32 to index
      %swap3A_656 = arith.constant 96 : index
      %swap3A_657 = tpu.vector_load %arg17[%swap3A_655, %swap3A_656] {strides = array<i32>} : memref<64x128xf32, #tpu.memory_space<vmem>>, vector<1x16xf32>,
      %swap3A_658 = vector.shape_cast %swap3A_657 : vector<1x16xf32> to vector<16xf32>
      %swap3A_659 = vector.shape_cast %add3A_654 : vector<16xf32> to vector<1x16xf32>
      tpu.vector_store %arg17[%swap3A_655, %swap3A_656], %swap3A_659 {strides = array<i32>} : memref<64x128xf32, #tpu.memory_space<vmem>>, vector<1x16xf32>,
      %get3A_660 = arith.constant 112 : index
      %get3A_661 = tpu.vector_load %arg14[%get3A_660] {strides = array<i32>} : memref<384xf32, #tpu.memory_space<vmem>>, vector<16xf32>,
      %get3A_662 = vector.shape_cast %get3A_661 : vector<16xf32> to vector<16xf32>
      %get3A_663 = arith.constant 112 : index
      %get3A_664 = tpu.vector_load %arg16[%get3A_663] {strides = array<i32>} : memref<384xf32, #tpu.memory_space<vmem>>, vector<16xf32>,
      %get3A_665 = vector.shape_cast %get3A_664 : vector<16xf32> to vector<16xf32>
      %sub3A_666 = arith.subf %get3A_662, %get3A_665 : vector<16xf32>
      %get3A_667 = arith.constant 240 : index
      %get3A_668 = tpu.vector_load %arg14[%get3A_667] {strides = array<i32>} : memref<384xf32, #tpu.memory_space<vmem>>, vector<16xf32>,
      %get3A_669 = vector.shape_cast %get3A_668 : vector<16xf32> to vector<16xf32>
      %get3A_670 = arith.constant 240 : index
      %get3A_671 = tpu.vector_load %arg16[%get3A_670] {strides = array<i32>} : memref<384xf32, #tpu.memory_space<vmem>>, vector<16xf32>,
      %get3A_672 = vector.shape_cast %get3A_671 : vector<16xf32> to vector<16xf32>
      %sub3A_673 = arith.subf %get3A_669, %get3A_672 : vector<16xf32>
      %get3A_674 = arith.constant 368 : index
      %get3A_675 = tpu.vector_load %arg14[%get3A_674] {strides = array<i32>} : memref<384xf32, #tpu.memory_space<vmem>>, vector<16xf32>,
      %get3A_676 = vector.shape_cast %get3A_675 : vector<16xf32> to vector<16xf32>
      %get3A_677 = arith.constant 368 : index
      %get3A_678 = tpu.vector_load %arg16[%get3A_677] {strides = array<i32>} : memref<384xf32, #tpu.memory_space<vmem>>, vector<16xf32>,
      %get3A_679 = vector.shape_cast %get3A_678 : vector<16xf32> to vector<16xf32>
      %sub3A_680 = arith.subf %get3A_676, %get3A_679 : vector<16xf32>
      %mul3A_681 = arith.mulf %sub3A_666, %sub3A_666 : vector<16xf32>
      %mul3A_682 = arith.mulf %sub3A_673, %sub3A_673 : vector<16xf32>
      %add3A_683 = arith.addf %mul3A_681, %mul3A_682 : vector<16xf32>
      %mul3A_684 = arith.mulf %sub3A_680, %sub3A_680 : vector<16xf32>
      %add3A_685 = arith.addf %add3A_683, %mul3A_684 : vector<16xf32>
      %swap3A_686 = arith.index_cast %add3A_400 : i32 to index
      %swap3A_687 = arith.constant 112 : index
      %swap3A_688 = tpu.vector_load %arg17[%swap3A_686, %swap3A_687] {strides = array<i32>} : memref<64x128xf32, #tpu.memory_space<vmem>>, vector<1x16xf32>,
      %swap3A_689 = vector.shape_cast %swap3A_688 : vector<1x16xf32> to vector<16xf32>
      %swap3A_690 = vector.shape_cast %add3A_685 : vector<16xf32> to vector<1x16xf32>
      tpu.vector_store %arg17[%swap3A_686, %swap3A_687], %swap3A_690 {strides = array<i32>} : memref<64x128xf32, #tpu.memory_space<vmem>>, vector<1x16xf32>,
      %add3A_691 = arith.constant 2 : i32
      %add3A_692 = arith.addi %add3A_400, %add3A_691 : i32
      %lt3A_693 = arith.constant 64 : i32
      %lt3A_694 = arith.cmpi slt, %add3A_692, %lt3A_693 : i32
      %convert_element_type3A_695 = arith.extui %lt3A_694 : i1 to i32
      %cond3A_696 = arith.constant 0 : i32
      %cond3A_697 = arith.cmpi ne, %convert_element_type3A_695, %cond3A_696 : i32
      scf.if %cond3A_697 {
        %dma_start3A_698 = arith.constant 0 : i32
        %dma_start3A_699 = tpu.memref_slice %arg14[%dma_start3A_698] : memref<384xf32, #tpu.memory_space<vmem>> -> memref<128xf32, #tpu.memory_space<vmem>>
        %dma_start3A_700 = arith.constant 0 : i32
        %dma_start3A_701 = tpu.memref_slice %arg11[%add3A_692, %dma_start3A_700] : memref<64x128xi32, #tpu.memory_space<vmem>> -> memref<1x128xi32, #tpu.memory_space<vmem>>
        %dma_start3A_702 = tpu.memref_squeeze %dma_start3A_701 : memref<1x128xi32, #tpu.memory_space<vmem>> -> memref<128xi32, #tpu.memory_space<vmem>>
        %dma_start3A_703 = arith.constant 0 : i32
        %dma_start3A_704 = tpu.memref_slice %arg18[%dma_start3A_703] : memref<100000xf32, #tpu.memory_space<vmem_shared>> -> memref<100000xf32, #tpu.memory_space<vmem_shared>>
        tpu.enqueue_indirect_dma source(%dma_start3A_704 : memref<100000xf32, #tpu.memory_space<vmem_shared>>) target(%dma_start3A_699 : memref<128xf32, #tpu.memory_space<vmem>>) offsets(%dma_start3A_702 : memref<128xi32, #tpu.memory_space<vmem>>) semaphore(%arg25 : memref<!tpu.dma_semaphore, #tpu.memory_space<semaphore_mem>>)
        %dma_start3A_705 = arith.constant 0 : i32
        %dma_start3A_706 = tpu.memref_slice %arg16[%dma_start3A_705] : memref<384xf32, #tpu.memory_space<vmem>> -> memref<128xf32, #tpu.memory_space<vmem>>
        %dma_start3A_707 = arith.constant 0 : i32
        %dma_start3A_708 = tpu.memref_slice %arg12[%add3A_692, %dma_start3A_707] : memref<64x128xi32, #tpu.memory_space<vmem>> -> memref<1x128xi32, #tpu.memory_space<vmem>>
        %dma_start3A_709 = tpu.memref_squeeze %dma_start3A_708 : memref<1x128xi32, #tpu.memory_space<vmem>> -> memref<128xi32, #tpu.memory_space<vmem>>
        %dma_start3A_710 = arith.constant 0 : i32
        %dma_start3A_711 = tpu.memref_slice %arg21[%dma_start3A_710] : memref<8192xf32, #tpu.memory_space<vmem_shared>> -> memref<8192xf32, #tpu.memory_space<vmem_shared>>
        tpu.enqueue_indirect_dma source(%dma_start3A_711 : memref<8192xf32, #tpu.memory_space<vmem_shared>>) target(%dma_start3A_706 : memref<128xf32, #tpu.memory_space<vmem>>) offsets(%dma_start3A_709 : memref<128xi32, #tpu.memory_space<vmem>>) semaphore(%arg25 : memref<!tpu.dma_semaphore, #tpu.memory_space<semaphore_mem>>)
        %dma_start3A_712 = arith.constant 128 : i32
        %dma_start3A_713 = tpu.memref_slice %arg14[%dma_start3A_712] : memref<384xf32, #tpu.memory_space<vmem>> -> memref<128xf32, #tpu.memory_space<vmem>>
        %dma_start3A_714 = arith.constant 0 : i32
        %dma_start3A_715 = tpu.memref_slice %arg11[%add3A_692, %dma_start3A_714] : memref<64x128xi32, #tpu.memory_space<vmem>> -> memref<1x128xi32, #tpu.memory_space<vmem>>
        %dma_start3A_716 = tpu.memref_squeeze %dma_start3A_715 : memref<1x128xi32, #tpu.memory_space<vmem>> -> memref<128xi32, #tpu.memory_space<vmem>>
        %dma_start3A_717 = arith.constant 0 : i32
        %dma_start3A_718 = tpu.memref_slice %arg19[%dma_start3A_717] : memref<100000xf32, #tpu.memory_space<vmem_shared>> -> memref<100000xf32, #tpu.memory_space<vmem_shared>>
        tpu.enqueue_indirect_dma source(%dma_start3A_718 : memref<100000xf32, #tpu.memory_space<vmem_shared>>) target(%dma_start3A_713 : memref<128xf32, #tpu.memory_space<vmem>>) offsets(%dma_start3A_716 : memref<128xi32, #tpu.memory_space<vmem>>) semaphore(%arg25 : memref<!tpu.dma_semaphore, #tpu.memory_space<semaphore_mem>>)
        %dma_start3A_719 = arith.constant 128 : i32
        %dma_start3A_720 = tpu.memref_slice %arg16[%dma_start3A_719] : memref<384xf32, #tpu.memory_space<vmem>> -> memref<128xf32, #tpu.memory_space<vmem>>
        %dma_start3A_721 = arith.constant 0 : i32
        %dma_start3A_722 = tpu.memref_slice %arg12[%add3A_692, %dma_start3A_721] : memref<64x128xi32, #tpu.memory_space<vmem>> -> memref<1x128xi32, #tpu.memory_space<vmem>>
        %dma_start3A_723 = tpu.memref_squeeze %dma_start3A_722 : memref<1x128xi32, #tpu.memory_space<vmem>> -> memref<128xi32, #tpu.memory_space<vmem>>
        %dma_start3A_724 = arith.constant 0 : i32
        %dma_start3A_725 = tpu.memref_slice %arg22[%dma_start3A_724] : memref<8192xf32, #tpu.memory_space<vmem_shared>> -> memref<8192xf32, #tpu.memory_space<vmem_shared>>
        tpu.enqueue_indirect_dma source(%dma_start3A_725 : memref<8192xf32, #tpu.memory_space<vmem_shared>>) target(%dma_start3A_720 : memref<128xf32, #tpu.memory_space<vmem>>) offsets(%dma_start3A_723 : memref<128xi32, #tpu.memory_space<vmem>>) semaphore(%arg25 : memref<!tpu.dma_semaphore, #tpu.memory_space<semaphore_mem>>)
        %dma_start3A_726 = arith.constant 256 : i32
        %dma_start3A_727 = tpu.memref_slice %arg14[%dma_start3A_726] : memref<384xf32, #tpu.memory_space<vmem>> -> memref<128xf32, #tpu.memory_space<vmem>>
        %dma_start3A_728 = arith.constant 0 : i32
        %dma_start3A_729 = tpu.memref_slice %arg11[%add3A_692, %dma_start3A_728] : memref<64x128xi32, #tpu.memory_space<vmem>> -> memref<1x128xi32, #tpu.memory_space<vmem>>
        %dma_start3A_730 = tpu.memref_squeeze %dma_start3A_729 : memref<1x128xi32, #tpu.memory_space<vmem>> -> memref<128xi32, #tpu.memory_space<vmem>>
        %dma_start3A_731 = arith.constant 0 : i32
        %dma_start3A_732 = tpu.memref_slice %arg20[%dma_start3A_731] : memref<100000xf32, #tpu.memory_space<vmem_shared>> -> memref<100000xf32, #tpu.memory_space<vmem_shared>>
        tpu.enqueue_indirect_dma source(%dma_start3A_732 : memref<100000xf32, #tpu.memory_space<vmem_shared>>) target(%dma_start3A_727 : memref<128xf32, #tpu.memory_space<vmem>>) offsets(%dma_start3A_730 : memref<128xi32, #tpu.memory_space<vmem>>) semaphore(%arg25 : memref<!tpu.dma_semaphore, #tpu.memory_space<semaphore_mem>>)
        %dma_start3A_733 = arith.constant 256 : i32
        %dma_start3A_734 = tpu.memref_slice %arg16[%dma_start3A_733] : memref<384xf32, #tpu.memory_space<vmem>> -> memref<128xf32, #tpu.memory_space<vmem>>
        %dma_start3A_735 = arith.constant 0 : i32
        %dma_start3A_736 = tpu.memref_slice %arg12[%add3A_692, %dma_start3A_735] : memref<64x128xi32, #tpu.memory_space<vmem>> -> memref<1x128xi32, #tpu.memory_space<vmem>>
        %dma_start3A_737 = tpu.memref_squeeze %dma_start3A_736 : memref<1x128xi32, #tpu.memory_space<vmem>> -> memref<128xi32, #tpu.memory_space<vmem>>
        %dma_start3A_738 = arith.constant 0 : i32
        %dma_start3A_739 = tpu.memref_slice %arg23[%dma_start3A_738] : memref<8192xf32, #tpu.memory_space<vmem_shared>> -> memref<8192xf32, #tpu.memory_space<vmem_shared>>
        tpu.enqueue_indirect_dma source(%dma_start3A_739 : memref<8192xf32, #tpu.memory_space<vmem_shared>>) target(%dma_start3A_734 : memref<128xf32, #tpu.memory_space<vmem>>) offsets(%dma_start3A_737 : memref<128xi32, #tpu.memory_space<vmem>>) semaphore(%arg25 : memref<!tpu.dma_semaphore, #tpu.memory_space<semaphore_mem>>)
      } else {
      }
    }
    %scan3A_101 = arith.constant 32 : i32
    "tpu.region"() ({
      %run_scoped3A = tpu.sem_alloc : memref<!tpu.dma_semaphore, #tpu.memory_space<semaphore_mem>>
      %dma_start3A_102 = arith.constant 0 : i32
      %dma_start3A_103 = arith.constant 0 : i32
      %dma_start3A_104 = tpu.memref_slice %arg10[%arg0, %arg1, %dma_start3A_102, %dma_start3A_103] : memref<2x16x64x128xf32, #tpu.memory_space<hbm>> -> memref<1x1x64x128xf32, #tpu.memory_space<hbm>>
      %dma_start3A_105 = tpu.memref_squeeze %dma_start3A_104 : memref<1x1x64x128xf32, #tpu.memory_space<hbm>> -> memref<64x128xf32, #tpu.memory_space<hbm>>
      %dma_start3A_106 = arith.constant 0 : i32
      %dma_start3A_107 = arith.constant 0 : i32
      %dma_start3A_108 = tpu.memref_slice %arg10[%arg0, %arg1, %dma_start3A_106, %dma_start3A_107] : memref<2x16x64x128xf32, #tpu.memory_space<hbm>> -> memref<1x1x64x128xf32, #tpu.memory_space<hbm>>
      %dma_start3A_109 = tpu.memref_squeeze %dma_start3A_108 : memref<1x1x64x128xf32, #tpu.memory_space<hbm>> -> memref<64x128xf32, #tpu.memory_space<hbm>>
      tpu.enqueue_dma source(%arg17 : memref<64x128xf32, #tpu.memory_space<vmem>>) target(%dma_start3A_109 : memref<64x128xf32, #tpu.memory_space<hbm>>) target_semaphore(%run_scoped3A : memref<!tpu.dma_semaphore, #tpu.memory_space<semaphore_mem>>)
      %dma_wait3A = arith.constant 0 : i32
      %dma_wait3A_110 = arith.constant 0 : i32
      %dma_wait3A_111 = tpu.memref_slice %arg10[%arg0, %arg1, %dma_wait3A, %dma_wait3A_110] : memref<2x16x64x128xf32, #tpu.memory_space<hbm>> -> memref<1x1x64x128xf32, #tpu.memory_space<hbm>>
      %dma_wait3A_112 = tpu.memref_squeeze %dma_wait3A_111 : memref<1x1x64x128xf32, #tpu.memory_space<hbm>> -> memref<64x128xf32, #tpu.memory_space<hbm>>
      %dma_wait3A_113 = arith.constant 0 : i32
      %dma_wait3A_114 = arith.constant 0 : i32
      %dma_wait3A_115 = tpu.memref_slice %arg10[%arg0, %arg1, %dma_wait3A_113, %dma_wait3A_114] : memref<2x16x64x128xf32, #tpu.memory_space<hbm>> -> memref<1x1x64x128xf32, #tpu.memory_space<hbm>>
      %dma_wait3A_116 = tpu.memref_squeeze %dma_wait3A_115 : memref<1x1x64x128xf32, #tpu.memory_space<hbm>> -> memref<64x128xf32, #tpu.memory_space<hbm>>
      tpu.wait_dma2 semaphore(%run_scoped3A : memref<!tpu.dma_semaphore, #tpu.memory_space<semaphore_mem>>) src(%arg17 : memref<64x128xf32, #tpu.memory_space<vmem>>) dst(%dma_wait3A_116 : memref<64x128xf32, #tpu.memory_space<hbm>>)
      tpu.yield
    }) : () -> ()
    return
  }
}

module attributes {stable_mosaic.version = 14 : i64} {
  func.func @_stage_a(%arg0: memref<16x7xf32, #tpu.memory_space<vmem>>, %arg1: memref<16x1xf32, #tpu.memory_space<vmem>>, %arg2: memref<3x512xf32, #tpu.memory_space<vmem>>, %arg3: memref<3x8x512xf32, #tpu.memory_space<vmem>>, %arg4: memref<128x128xf32, #tpu.memory_space<vmem>>, %arg5: memref<1x128xf32, #tpu.memory_space<vmem>>, %arg6: memref<128x112xf32, #tpu.memory_space<vmem>>, %arg7: memref<1x112xf32, #tpu.memory_space<vmem>>, %arg8: memref<1x64xf32, #tpu.memory_space<vmem>>, %arg9: memref<16x4xf32, #tpu.memory_space<vmem>>, %arg10: memref<3x16x512xf32, #tpu.memory_space<vmem>>, %arg11: memref<3x8x16x512xf32, #tpu.memory_space<vmem>>, %arg12: memref<16x112xf32, #tpu.memory_space<vmem>>) attributes {dimension_semantics = [], scalar_prefetch = 0 : i64, scratch_operands = 0 : i64, tpu.core_type = #tpu.core_type<tc>} {
    %get3A = arith.constant 0 : index
    %get3A_0 = arith.constant 0 : index
    %get3A_1 = vector.load %arg0[%get3A, %get3A_0] : memref<16x7xf32, #tpu.memory_space<vmem>>, vector<16x4xf32>
    %mul3A = arith.mulf %get3A_1, %get3A_1 : vector<16x4xf32>
    %reduce_sum3A = arith.constant dense<0.000000e+00> : vector<16xf32>
    %reduce_sum3A_2 = vector.multi_reduction <add>, %mul3A, %reduce_sum3A [1] : vector<16x4xf32> to vector<16xf32>
    %broadcast_in_dim3A = vector.shape_cast %reduce_sum3A_2 : vector<16xf32> to vector<16x1xf32>
    %sqrt3A = math.sqrt %broadcast_in_dim3A : vector<16x1xf32>
    %add3A = arith.constant 9.99999993E-9 : f32
    %add3A_3 = vector.broadcast %add3A : f32 to vector<16x1xf32>
    %add3A_4 = arith.addf %sqrt3A, %add3A_3 : vector<16x1xf32>
    %div3A = vector.broadcast %add3A_4 : vector<16x1xf32> to vector<16x4xf32>
    %div3A_5 = arith.divf %get3A_1, %div3A : vector<16x4xf32>
    %swap3A = arith.constant 0 : index
    %swap3A_6 = arith.constant 0 : index
    %swap3A_7 = vector.load %arg9[%swap3A, %swap3A_6] : memref<16x4xf32, #tpu.memory_space<vmem>>, vector<16x4xf32>
    tpu.vector_store %arg9[%swap3A, %swap3A_6], %div3A_5 {strides = array<i32>} : memref<16x4xf32, #tpu.memory_space<vmem>>, vector<16x4xf32>,
    %slice3A = vector.extract_strided_slice %div3A_5 {offsets = [0, 0], sizes = [16, 1], strides = [1, 1]} : vector<16x4xf32> to vector<16x1xf32>
    %slice3A_8 = vector.extract_strided_slice %div3A_5 {offsets = [0, 1], sizes = [16, 1], strides = [1, 1]} : vector<16x4xf32> to vector<16x1xf32>
    %slice3A_9 = vector.extract_strided_slice %div3A_5 {offsets = [0, 2], sizes = [16, 1], strides = [1, 1]} : vector<16x4xf32> to vector<16x1xf32>
    %slice3A_10 = vector.extract_strided_slice %div3A_5 {offsets = [0, 3], sizes = [16, 1], strides = [1, 1]} : vector<16x4xf32> to vector<16x1xf32>
    %get3A_11 = arith.constant 0 : index
    %get3A_12 = arith.constant 0 : index
    %get3A_13 = vector.load %arg1[%get3A_11, %get3A_12] : memref<16x1xf32, #tpu.memory_space<vmem>>, vector<16x1xf32>
    %get3A_14 = arith.constant 0 : index
    %get3A_15 = arith.constant 0 : index
    %get3A_16 = vector.load %arg8[%get3A_14, %get3A_15] : memref<1x64xf32, #tpu.memory_space<vmem>>, vector<1x64xf32>
    %mul3A_17 = vector.broadcast %get3A_13 : vector<16x1xf32> to vector<16x64xf32>
    %mul3A_18 = vector.broadcast %get3A_16 : vector<1x64xf32> to vector<16x64xf32>
    %mul3A_19 = arith.mulf %mul3A_17, %mul3A_18 : vector<16x64xf32>
    %sin3A = math.sin %mul3A_19 : vector<16x64xf32>
    %cos3A = math.cos %mul3A_19 : vector<16x64xf32>
    %concatenate3A = tpu.concatenate %sin3A, %cos3A in 1 : vector<16x64xf32>, vector<16x64xf32> -> vector<16x128xf32>
    %get3A_20 = arith.constant 0 : index
    %get3A_21 = arith.constant 0 : index
    %get3A_22 = vector.load %arg4[%get3A_20, %get3A_21] : memref<128x128xf32, #tpu.memory_space<vmem>>, vector<128x128xf32>
    %dot_general3A = arith.constant dense<0.000000e+00> : vector<16x128xf32>
    %dot_general3A_23 = tpu.matmul %concatenate3A, %get3A_22, %dot_general3A {dimension_numbers = #tpu.dot_dimension_numbers<[1], [0], [0], [1], [0, 0, 1, 1], [], []>, transpose_lhs_hint = false} : vector<16x128xf32>, vector<128x128xf32>, vector<16x128xf32> -> vector<16x128xf32>
    %get3A_24 = arith.constant 0 : index
    %get3A_25 = arith.constant 0 : index
    %get3A_26 = vector.load %arg5[%get3A_24, %get3A_25] : memref<1x128xf32, #tpu.memory_space<vmem>>, vector<1x128xf32>
    %add3A_27 = vector.broadcast %get3A_26 : vector<1x128xf32> to vector<16x128xf32>
    %add3A_28 = arith.addf %dot_general3A_23, %add3A_27 : vector<16x128xf32>
    %get3A_29 = arith.constant 0 : index
    %get3A_30 = arith.constant 0 : index
    %get3A_31 = vector.load %arg6[%get3A_29, %get3A_30] : memref<128x112xf32, #tpu.memory_space<vmem>>, vector<128x112xf32>
    %dot_general3A_32 = arith.constant dense<0.000000e+00> : vector<16x112xf32>
    %dot_general3A_33 = tpu.matmul %add3A_28, %get3A_31, %dot_general3A_32 {dimension_numbers = #tpu.dot_dimension_numbers<[1], [0], [0], [1], [0, 0, 1, 1], [], []>, transpose_lhs_hint = false} : vector<16x128xf32>, vector<128x112xf32>, vector<16x112xf32> -> vector<16x112xf32>
    %get3A_34 = arith.constant 0 : index
    %get3A_35 = arith.constant 0 : index
    %get3A_36 = vector.load %arg7[%get3A_34, %get3A_35] : memref<1x112xf32, #tpu.memory_space<vmem>>, vector<1x112xf32>
    %add3A_37 = vector.broadcast %get3A_36 : vector<1x112xf32> to vector<16x112xf32>
    %add3A_38 = arith.addf %dot_general3A_33, %add3A_37 : vector<16x112xf32>
    %swap3A_39 = arith.constant 0 : index
    %swap3A_40 = arith.constant 0 : index
    %swap3A_41 = vector.load %arg12[%swap3A_39, %swap3A_40] : memref<16x112xf32, #tpu.memory_space<vmem>>, vector<16x112xf32>
    tpu.vector_store %arg12[%swap3A_39, %swap3A_40], %add3A_38 {strides = array<i32>} : memref<16x112xf32, #tpu.memory_space<vmem>>, vector<16x112xf32>,
    %get3A_42 = arith.constant 0 : index
    %get3A_43 = arith.constant 0 : index
    %get3A_44 = vector.load %arg2[%get3A_42, %get3A_43] : memref<3x512xf32, #tpu.memory_space<vmem>>, vector<1x512xf32>
    %get3A_45 = arith.constant 1 : index
    %get3A_46 = arith.constant 0 : index
    %get3A_47 = vector.load %arg2[%get3A_45, %get3A_46] : memref<3x512xf32, #tpu.memory_space<vmem>>, vector<1x512xf32>
    %get3A_48 = arith.constant 2 : index
    %get3A_49 = arith.constant 0 : index
    %get3A_50 = vector.load %arg2[%get3A_48, %get3A_49] : memref<3x512xf32, #tpu.memory_space<vmem>>, vector<1x512xf32>
    %mul3A_51 = vector.broadcast %slice3A_9 : vector<16x1xf32> to vector<16x512xf32>
    %mul3A_52 = vector.broadcast %get3A_50 : vector<1x512xf32> to vector<16x512xf32>
    %mul3A_53 = arith.mulf %mul3A_51, %mul3A_52 : vector<16x512xf32>
    %mul3A_54 = vector.broadcast %slice3A_10 : vector<16x1xf32> to vector<16x512xf32>
    %mul3A_55 = vector.broadcast %get3A_47 : vector<1x512xf32> to vector<16x512xf32>
    %mul3A_56 = arith.mulf %mul3A_54, %mul3A_55 : vector<16x512xf32>
    %sub3A = arith.subf %mul3A_53, %mul3A_56 : vector<16x512xf32>
    %mul3A_57 = arith.constant 2.000000e+00 : f32
    %mul3A_58 = vector.broadcast %mul3A_57 : f32 to vector<16x512xf32>
    %mul3A_59 = arith.mulf %mul3A_58, %sub3A : vector<16x512xf32>
    %mul3A_60 = vector.broadcast %slice3A_10 : vector<16x1xf32> to vector<16x512xf32>
    %mul3A_61 = vector.broadcast %get3A_44 : vector<1x512xf32> to vector<16x512xf32>
    %mul3A_62 = arith.mulf %mul3A_60, %mul3A_61 : vector<16x512xf32>
    %mul3A_63 = vector.broadcast %slice3A_8 : vector<16x1xf32> to vector<16x512xf32>
    %mul3A_64 = vector.broadcast %get3A_50 : vector<1x512xf32> to vector<16x512xf32>
    %mul3A_65 = arith.mulf %mul3A_63, %mul3A_64 : vector<16x512xf32>
    %sub3A_66 = arith.subf %mul3A_62, %mul3A_65 : vector<16x512xf32>
    %mul3A_67 = arith.constant 2.000000e+00 : f32
    %mul3A_68 = vector.broadcast %mul3A_67 : f32 to vector<16x512xf32>
    %mul3A_69 = arith.mulf %mul3A_68, %sub3A_66 : vector<16x512xf32>
    %mul3A_70 = vector.broadcast %slice3A_8 : vector<16x1xf32> to vector<16x512xf32>
    %mul3A_71 = vector.broadcast %get3A_47 : vector<1x512xf32> to vector<16x512xf32>
    %mul3A_72 = arith.mulf %mul3A_70, %mul3A_71 : vector<16x512xf32>
    %mul3A_73 = vector.broadcast %slice3A_9 : vector<16x1xf32> to vector<16x512xf32>
    %mul3A_74 = vector.broadcast %get3A_44 : vector<1x512xf32> to vector<16x512xf32>
    %mul3A_75 = arith.mulf %mul3A_73, %mul3A_74 : vector<16x512xf32>
    %sub3A_76 = arith.subf %mul3A_72, %mul3A_75 : vector<16x512xf32>
    %mul3A_77 = arith.constant 2.000000e+00 : f32
    %mul3A_78 = vector.broadcast %mul3A_77 : f32 to vector<16x512xf32>
    %mul3A_79 = arith.mulf %mul3A_78, %sub3A_76 : vector<16x512xf32>
    %mul3A_80 = vector.broadcast %slice3A : vector<16x1xf32> to vector<16x512xf32>
    %mul3A_81 = arith.mulf %mul3A_80, %mul3A_59 : vector<16x512xf32>
    %add3A_82 = vector.broadcast %get3A_44 : vector<1x512xf32> to vector<16x512xf32>
    %add3A_83 = arith.addf %add3A_82, %mul3A_81 : vector<16x512xf32>
    %mul3A_84 = vector.broadcast %slice3A_9 : vector<16x1xf32> to vector<16x512xf32>
    %mul3A_85 = arith.mulf %mul3A_84, %mul3A_79 : vector<16x512xf32>
    %mul3A_86 = vector.broadcast %slice3A_10 : vector<16x1xf32> to vector<16x512xf32>
    %mul3A_87 = arith.mulf %mul3A_86, %mul3A_69 : vector<16x512xf32>
    %sub3A_88 = arith.subf %mul3A_85, %mul3A_87 : vector<16x512xf32>
    %add3A_89 = arith.addf %add3A_83, %sub3A_88 : vector<16x512xf32>
    %mul3A_90 = vector.broadcast %slice3A : vector<16x1xf32> to vector<16x512xf32>
    %mul3A_91 = arith.mulf %mul3A_90, %mul3A_69 : vector<16x512xf32>
    %add3A_92 = vector.broadcast %get3A_47 : vector<1x512xf32> to vector<16x512xf32>
    %add3A_93 = arith.addf %add3A_92, %mul3A_91 : vector<16x512xf32>
    %mul3A_94 = vector.broadcast %slice3A_10 : vector<16x1xf32> to vector<16x512xf32>
    %mul3A_95 = arith.mulf %mul3A_94, %mul3A_59 : vector<16x512xf32>
    %mul3A_96 = vector.broadcast %slice3A_8 : vector<16x1xf32> to vector<16x512xf32>
    %mul3A_97 = arith.mulf %mul3A_96, %mul3A_79 : vector<16x512xf32>
    %sub3A_98 = arith.subf %mul3A_95, %mul3A_97 : vector<16x512xf32>
    %add3A_99 = arith.addf %add3A_93, %sub3A_98 : vector<16x512xf32>
    %mul3A_100 = vector.broadcast %slice3A : vector<16x1xf32> to vector<16x512xf32>
    %mul3A_101 = arith.mulf %mul3A_100, %mul3A_79 : vector<16x512xf32>
    %add3A_102 = vector.broadcast %get3A_50 : vector<1x512xf32> to vector<16x512xf32>
    %add3A_103 = arith.addf %add3A_102, %mul3A_101 : vector<16x512xf32>
    %mul3A_104 = vector.broadcast %slice3A_8 : vector<16x1xf32> to vector<16x512xf32>
    %mul3A_105 = arith.mulf %mul3A_104, %mul3A_69 : vector<16x512xf32>
    %mul3A_106 = vector.broadcast %slice3A_9 : vector<16x1xf32> to vector<16x512xf32>
    %mul3A_107 = arith.mulf %mul3A_106, %mul3A_59 : vector<16x512xf32>
    %sub3A_108 = arith.subf %mul3A_105, %mul3A_107 : vector<16x512xf32>
    %add3A_109 = arith.addf %add3A_103, %sub3A_108 : vector<16x512xf32>
    %get3A_110 = arith.constant 0 : index
    %get3A_111 = arith.constant 4 : index
    %get3A_112 = vector.load %arg0[%get3A_110, %get3A_111] : memref<16x7xf32, #tpu.memory_space<vmem>>, vector<16x1xf32>
    %add3A_113 = vector.broadcast %get3A_112 : vector<16x1xf32> to vector<16x512xf32>
    %add3A_114 = arith.addf %add3A_89, %add3A_113 : vector<16x512xf32>
    %swap3A_115 = arith.constant 0 : index
    %swap3A_116 = arith.constant 0 : index
    %swap3A_117 = arith.constant 0 : index
    %swap3A_118 = vector.load %arg10[%swap3A_115, %swap3A_116, %swap3A_117] : memref<3x16x512xf32, #tpu.memory_space<vmem>>, vector<1x16x512xf32>
    %swap3A_119 = vector.shape_cast %swap3A_118 : vector<1x16x512xf32> to vector<16x512xf32>
    %swap3A_120 = vector.shape_cast %add3A_114 : vector<16x512xf32> to vector<1x16x512xf32>
    tpu.vector_store %arg10[%swap3A_115, %swap3A_116, %swap3A_117], %swap3A_120 {strides = array<i32>} : memref<3x16x512xf32, #tpu.memory_space<vmem>>, vector<1x16x512xf32>,
    %get3A_121 = arith.constant 0 : index
    %get3A_122 = arith.constant 5 : index
    %get3A_123 = vector.load %arg0[%get3A_121, %get3A_122] : memref<16x7xf32, #tpu.memory_space<vmem>>, vector<16x1xf32>
    %add3A_124 = vector.broadcast %get3A_123 : vector<16x1xf32> to vector<16x512xf32>
    %add3A_125 = arith.addf %add3A_99, %add3A_124 : vector<16x512xf32>
    %swap3A_126 = arith.constant 1 : index
    %swap3A_127 = arith.constant 0 : index
    %swap3A_128 = arith.constant 0 : index
    %swap3A_129 = vector.load %arg10[%swap3A_126, %swap3A_127, %swap3A_128] : memref<3x16x512xf32, #tpu.memory_space<vmem>>, vector<1x16x512xf32>
    %swap3A_130 = vector.shape_cast %swap3A_129 : vector<1x16x512xf32> to vector<16x512xf32>
    %swap3A_131 = vector.shape_cast %add3A_125 : vector<16x512xf32> to vector<1x16x512xf32>
    tpu.vector_store %arg10[%swap3A_126, %swap3A_127, %swap3A_128], %swap3A_131 {strides = array<i32>} : memref<3x16x512xf32, #tpu.memory_space<vmem>>, vector<1x16x512xf32>,
    %get3A_132 = arith.constant 0 : index
    %get3A_133 = arith.constant 6 : index
    %get3A_134 = vector.load %arg0[%get3A_132, %get3A_133] : memref<16x7xf32, #tpu.memory_space<vmem>>, vector<16x1xf32>
    %add3A_135 = vector.broadcast %get3A_134 : vector<16x1xf32> to vector<16x512xf32>
    %add3A_136 = arith.addf %add3A_109, %add3A_135 : vector<16x512xf32>
    %swap3A_137 = arith.constant 2 : index
    %swap3A_138 = arith.constant 0 : index
    %swap3A_139 = arith.constant 0 : index
    %swap3A_140 = vector.load %arg10[%swap3A_137, %swap3A_138, %swap3A_139] : memref<3x16x512xf32, #tpu.memory_space<vmem>>, vector<1x16x512xf32>
    %swap3A_141 = vector.shape_cast %swap3A_140 : vector<1x16x512xf32> to vector<16x512xf32>
    %swap3A_142 = vector.shape_cast %add3A_136 : vector<16x512xf32> to vector<1x16x512xf32>
    tpu.vector_store %arg10[%swap3A_137, %swap3A_138, %swap3A_139], %swap3A_142 {strides = array<i32>} : memref<3x16x512xf32, #tpu.memory_space<vmem>>, vector<1x16x512xf32>,
    %get3A_143 = arith.constant 0 : index
    %get3A_144 = arith.constant 0 : index
    %get3A_145 = arith.constant 0 : index
    %get3A_146 = vector.load %arg3[%get3A_143, %get3A_144, %get3A_145] : memref<3x8x512xf32, #tpu.memory_space<vmem>>, vector<1x1x512xf32>
    %get3A_147 = vector.shape_cast %get3A_146 : vector<1x1x512xf32> to vector<1x512xf32>
    %get3A_148 = arith.constant 1 : index
    %get3A_149 = arith.constant 0 : index
    %get3A_150 = arith.constant 0 : index
    %get3A_151 = vector.load %arg3[%get3A_148, %get3A_149, %get3A_150] : memref<3x8x512xf32, #tpu.memory_space<vmem>>, vector<1x1x512xf32>
    %get3A_152 = vector.shape_cast %get3A_151 : vector<1x1x512xf32> to vector<1x512xf32>
    %get3A_153 = arith.constant 2 : index
    %get3A_154 = arith.constant 0 : index
    %get3A_155 = arith.constant 0 : index
    %get3A_156 = vector.load %arg3[%get3A_153, %get3A_154, %get3A_155] : memref<3x8x512xf32, #tpu.memory_space<vmem>>, vector<1x1x512xf32>
    %get3A_157 = vector.shape_cast %get3A_156 : vector<1x1x512xf32> to vector<1x512xf32>
    %mul3A_158 = vector.broadcast %slice3A_9 : vector<16x1xf32> to vector<16x512xf32>
    %mul3A_159 = vector.broadcast %get3A_157 : vector<1x512xf32> to vector<16x512xf32>
    %mul3A_160 = arith.mulf %mul3A_158, %mul3A_159 : vector<16x512xf32>
    %mul3A_161 = vector.broadcast %slice3A_10 : vector<16x1xf32> to vector<16x512xf32>
    %mul3A_162 = vector.broadcast %get3A_152 : vector<1x512xf32> to vector<16x512xf32>
    %mul3A_163 = arith.mulf %mul3A_161, %mul3A_162 : vector<16x512xf32>
    %sub3A_164 = arith.subf %mul3A_160, %mul3A_163 : vector<16x512xf32>
    %mul3A_165 = arith.constant 2.000000e+00 : f32
    %mul3A_166 = vector.broadcast %mul3A_165 : f32 to vector<16x512xf32>
    %mul3A_167 = arith.mulf %mul3A_166, %sub3A_164 : vector<16x512xf32>
    %mul3A_168 = vector.broadcast %slice3A_10 : vector<16x1xf32> to vector<16x512xf32>
    %mul3A_169 = vector.broadcast %get3A_147 : vector<1x512xf32> to vector<16x512xf32>
    %mul3A_170 = arith.mulf %mul3A_168, %mul3A_169 : vector<16x512xf32>
    %mul3A_171 = vector.broadcast %slice3A_8 : vector<16x1xf32> to vector<16x512xf32>
    %mul3A_172 = vector.broadcast %get3A_157 : vector<1x512xf32> to vector<16x512xf32>
    %mul3A_173 = arith.mulf %mul3A_171, %mul3A_172 : vector<16x512xf32>
    %sub3A_174 = arith.subf %mul3A_170, %mul3A_173 : vector<16x512xf32>
    %mul3A_175 = arith.constant 2.000000e+00 : f32
    %mul3A_176 = vector.broadcast %mul3A_175 : f32 to vector<16x512xf32>
    %mul3A_177 = arith.mulf %mul3A_176, %sub3A_174 : vector<16x512xf32>
    %mul3A_178 = vector.broadcast %slice3A_8 : vector<16x1xf32> to vector<16x512xf32>
    %mul3A_179 = vector.broadcast %get3A_152 : vector<1x512xf32> to vector<16x512xf32>
    %mul3A_180 = arith.mulf %mul3A_178, %mul3A_179 : vector<16x512xf32>
    %mul3A_181 = vector.broadcast %slice3A_9 : vector<16x1xf32> to vector<16x512xf32>
    %mul3A_182 = vector.broadcast %get3A_147 : vector<1x512xf32> to vector<16x512xf32>
    %mul3A_183 = arith.mulf %mul3A_181, %mul3A_182 : vector<16x512xf32>
    %sub3A_184 = arith.subf %mul3A_180, %mul3A_183 : vector<16x512xf32>
    %mul3A_185 = arith.constant 2.000000e+00 : f32
    %mul3A_186 = vector.broadcast %mul3A_185 : f32 to vector<16x512xf32>
    %mul3A_187 = arith.mulf %mul3A_186, %sub3A_184 : vector<16x512xf32>
    %mul3A_188 = vector.broadcast %slice3A : vector<16x1xf32> to vector<16x512xf32>
    %mul3A_189 = arith.mulf %mul3A_188, %mul3A_167 : vector<16x512xf32>
    %add3A_190 = vector.broadcast %get3A_147 : vector<1x512xf32> to vector<16x512xf32>
    %add3A_191 = arith.addf %add3A_190, %mul3A_189 : vector<16x512xf32>
    %mul3A_192 = vector.broadcast %slice3A_9 : vector<16x1xf32> to vector<16x512xf32>
    %mul3A_193 = arith.mulf %mul3A_192, %mul3A_187 : vector<16x512xf32>
    %mul3A_194 = vector.broadcast %slice3A_10 : vector<16x1xf32> to vector<16x512xf32>
    %mul3A_195 = arith.mulf %mul3A_194, %mul3A_177 : vector<16x512xf32>
    %sub3A_196 = arith.subf %mul3A_193, %mul3A_195 : vector<16x512xf32>
    %add3A_197 = arith.addf %add3A_191, %sub3A_196 : vector<16x512xf32>
    %mul3A_198 = vector.broadcast %slice3A : vector<16x1xf32> to vector<16x512xf32>
    %mul3A_199 = arith.mulf %mul3A_198, %mul3A_177 : vector<16x512xf32>
    %add3A_200 = vector.broadcast %get3A_152 : vector<1x512xf32> to vector<16x512xf32>
    %add3A_201 = arith.addf %add3A_200, %mul3A_199 : vector<16x512xf32>
    %mul3A_202 = vector.broadcast %slice3A_10 : vector<16x1xf32> to vector<16x512xf32>
    %mul3A_203 = arith.mulf %mul3A_202, %mul3A_167 : vector<16x512xf32>
    %mul3A_204 = vector.broadcast %slice3A_8 : vector<16x1xf32> to vector<16x512xf32>
    %mul3A_205 = arith.mulf %mul3A_204, %mul3A_187 : vector<16x512xf32>
    %sub3A_206 = arith.subf %mul3A_203, %mul3A_205 : vector<16x512xf32>
    %add3A_207 = arith.addf %add3A_201, %sub3A_206 : vector<16x512xf32>
    %mul3A_208 = vector.broadcast %slice3A : vector<16x1xf32> to vector<16x512xf32>
    %mul3A_209 = arith.mulf %mul3A_208, %mul3A_187 : vector<16x512xf32>
    %add3A_210 = vector.broadcast %get3A_157 : vector<1x512xf32> to vector<16x512xf32>
    %add3A_211 = arith.addf %add3A_210, %mul3A_209 : vector<16x512xf32>
    %mul3A_212 = vector.broadcast %slice3A_8 : vector<16x1xf32> to vector<16x512xf32>
    %mul3A_213 = arith.mulf %mul3A_212, %mul3A_177 : vector<16x512xf32>
    %mul3A_214 = vector.broadcast %slice3A_9 : vector<16x1xf32> to vector<16x512xf32>
    %mul3A_215 = arith.mulf %mul3A_214, %mul3A_167 : vector<16x512xf32>
    %sub3A_216 = arith.subf %mul3A_213, %mul3A_215 : vector<16x512xf32>
    %add3A_217 = arith.addf %add3A_211, %sub3A_216 : vector<16x512xf32>
    %swap3A_218 = arith.constant 0 : index
    %swap3A_219 = arith.constant 0 : index
    %swap3A_220 = arith.constant 0 : index
    %swap3A_221 = arith.constant 0 : index
    %swap3A_222 = vector.load %arg11[%swap3A_218, %swap3A_219, %swap3A_220, %swap3A_221] : memref<3x8x16x512xf32, #tpu.memory_space<vmem>>, vector<1x1x16x512xf32>
    %swap3A_223 = vector.shape_cast %swap3A_222 : vector<1x1x16x512xf32> to vector<16x512xf32>
    %swap3A_224 = vector.shape_cast %add3A_197 : vector<16x512xf32> to vector<1x1x16x512xf32>
    tpu.vector_store %arg11[%swap3A_218, %swap3A_219, %swap3A_220, %swap3A_221], %swap3A_224 {strides = array<i32>} : memref<3x8x16x512xf32, #tpu.memory_space<vmem>>, vector<1x1x16x512xf32>,
    %swap3A_225 = arith.constant 1 : index
    %swap3A_226 = arith.constant 0 : index
    %swap3A_227 = arith.constant 0 : index
    %swap3A_228 = arith.constant 0 : index
    %swap3A_229 = vector.load %arg11[%swap3A_225, %swap3A_226, %swap3A_227, %swap3A_228] : memref<3x8x16x512xf32, #tpu.memory_space<vmem>>, vector<1x1x16x512xf32>
    %swap3A_230 = vector.shape_cast %swap3A_229 : vector<1x1x16x512xf32> to vector<16x512xf32>
    %swap3A_231 = vector.shape_cast %add3A_207 : vector<16x512xf32> to vector<1x1x16x512xf32>
    tpu.vector_store %arg11[%swap3A_225, %swap3A_226, %swap3A_227, %swap3A_228], %swap3A_231 {strides = array<i32>} : memref<3x8x16x512xf32, #tpu.memory_space<vmem>>, vector<1x1x16x512xf32>,
    %swap3A_232 = arith.constant 2 : index
    %swap3A_233 = arith.constant 0 : index
    %swap3A_234 = arith.constant 0 : index
    %swap3A_235 = arith.constant 0 : index
    %swap3A_236 = vector.load %arg11[%swap3A_232, %swap3A_233, %swap3A_234, %swap3A_235] : memref<3x8x16x512xf32, #tpu.memory_space<vmem>>, vector<1x1x16x512xf32>
    %swap3A_237 = vector.shape_cast %swap3A_236 : vector<1x1x16x512xf32> to vector<16x512xf32>
    %swap3A_238 = vector.shape_cast %add3A_217 : vector<16x512xf32> to vector<1x1x16x512xf32>
    tpu.vector_store %arg11[%swap3A_232, %swap3A_233, %swap3A_234, %swap3A_235], %swap3A_238 {strides = array<i32>} : memref<3x8x16x512xf32, #tpu.memory_space<vmem>>, vector<1x1x16x512xf32>,
    %get3A_239 = arith.constant 0 : index
    %get3A_240 = arith.constant 1 : index
    %get3A_241 = arith.constant 0 : index
    %get3A_242 = vector.load %arg3[%get3A_239, %get3A_240, %get3A_241] : memref<3x8x512xf32, #tpu.memory_space<vmem>>, vector<1x1x512xf32>
    %get3A_243 = vector.shape_cast %get3A_242 : vector<1x1x512xf32> to vector<1x512xf32>
    %get3A_244 = arith.constant 1 : index
    %get3A_245 = arith.constant 1 : index
    %get3A_246 = arith.constant 0 : index
    %get3A_247 = vector.load %arg3[%get3A_244, %get3A_245, %get3A_246] : memref<3x8x512xf32, #tpu.memory_space<vmem>>, vector<1x1x512xf32>
    %get3A_248 = vector.shape_cast %get3A_247 : vector<1x1x512xf32> to vector<1x512xf32>
    %get3A_249 = arith.constant 2 : index
    %get3A_250 = arith.constant 1 : index
    %get3A_251 = arith.constant 0 : index
    %get3A_252 = vector.load %arg3[%get3A_249, %get3A_250, %get3A_251] : memref<3x8x512xf32, #tpu.memory_space<vmem>>, vector<1x1x512xf32>
    %get3A_253 = vector.shape_cast %get3A_252 : vector<1x1x512xf32> to vector<1x512xf32>
    %mul3A_254 = vector.broadcast %slice3A_9 : vector<16x1xf32> to vector<16x512xf32>
    %mul3A_255 = vector.broadcast %get3A_253 : vector<1x512xf32> to vector<16x512xf32>
    %mul3A_256 = arith.mulf %mul3A_254, %mul3A_255 : vector<16x512xf32>
    %mul3A_257 = vector.broadcast %slice3A_10 : vector<16x1xf32> to vector<16x512xf32>
    %mul3A_258 = vector.broadcast %get3A_248 : vector<1x512xf32> to vector<16x512xf32>
    %mul3A_259 = arith.mulf %mul3A_257, %mul3A_258 : vector<16x512xf32>
    %sub3A_260 = arith.subf %mul3A_256, %mul3A_259 : vector<16x512xf32>
    %mul3A_261 = arith.constant 2.000000e+00 : f32
    %mul3A_262 = vector.broadcast %mul3A_261 : f32 to vector<16x512xf32>
    %mul3A_263 = arith.mulf %mul3A_262, %sub3A_260 : vector<16x512xf32>
    %mul3A_264 = vector.broadcast %slice3A_10 : vector<16x1xf32> to vector<16x512xf32>
    %mul3A_265 = vector.broadcast %get3A_243 : vector<1x512xf32> to vector<16x512xf32>
    %mul3A_266 = arith.mulf %mul3A_264, %mul3A_265 : vector<16x512xf32>
    %mul3A_267 = vector.broadcast %slice3A_8 : vector<16x1xf32> to vector<16x512xf32>
    %mul3A_268 = vector.broadcast %get3A_253 : vector<1x512xf32> to vector<16x512xf32>
    %mul3A_269 = arith.mulf %mul3A_267, %mul3A_268 : vector<16x512xf32>
    %sub3A_270 = arith.subf %mul3A_266, %mul3A_269 : vector<16x512xf32>
    %mul3A_271 = arith.constant 2.000000e+00 : f32
    %mul3A_272 = vector.broadcast %mul3A_271 : f32 to vector<16x512xf32>
    %mul3A_273 = arith.mulf %mul3A_272, %sub3A_270 : vector<16x512xf32>
    %mul3A_274 = vector.broadcast %slice3A_8 : vector<16x1xf32> to vector<16x512xf32>
    %mul3A_275 = vector.broadcast %get3A_248 : vector<1x512xf32> to vector<16x512xf32>
    %mul3A_276 = arith.mulf %mul3A_274, %mul3A_275 : vector<16x512xf32>
    %mul3A_277 = vector.broadcast %slice3A_9 : vector<16x1xf32> to vector<16x512xf32>
    %mul3A_278 = vector.broadcast %get3A_243 : vector<1x512xf32> to vector<16x512xf32>
    %mul3A_279 = arith.mulf %mul3A_277, %mul3A_278 : vector<16x512xf32>
    %sub3A_280 = arith.subf %mul3A_276, %mul3A_279 : vector<16x512xf32>
    %mul3A_281 = arith.constant 2.000000e+00 : f32
    %mul3A_282 = vector.broadcast %mul3A_281 : f32 to vector<16x512xf32>
    %mul3A_283 = arith.mulf %mul3A_282, %sub3A_280 : vector<16x512xf32>
    %mul3A_284 = vector.broadcast %slice3A : vector<16x1xf32> to vector<16x512xf32>
    %mul3A_285 = arith.mulf %mul3A_284, %mul3A_263 : vector<16x512xf32>
    %add3A_286 = vector.broadcast %get3A_243 : vector<1x512xf32> to vector<16x512xf32>
    %add3A_287 = arith.addf %add3A_286, %mul3A_285 : vector<16x512xf32>
    %mul3A_288 = vector.broadcast %slice3A_9 : vector<16x1xf32> to vector<16x512xf32>
    %mul3A_289 = arith.mulf %mul3A_288, %mul3A_283 : vector<16x512xf32>
    %mul3A_290 = vector.broadcast %slice3A_10 : vector<16x1xf32> to vector<16x512xf32>
    %mul3A_291 = arith.mulf %mul3A_290, %mul3A_273 : vector<16x512xf32>
    %sub3A_292 = arith.subf %mul3A_289, %mul3A_291 : vector<16x512xf32>
    %add3A_293 = arith.addf %add3A_287, %sub3A_292 : vector<16x512xf32>
    %mul3A_294 = vector.broadcast %slice3A : vector<16x1xf32> to vector<16x512xf32>
    %mul3A_295 = arith.mulf %mul3A_294, %mul3A_273 : vector<16x512xf32>
    %add3A_296 = vector.broadcast %get3A_248 : vector<1x512xf32> to vector<16x512xf32>
    %add3A_297 = arith.addf %add3A_296, %mul3A_295 : vector<16x512xf32>
    %mul3A_298 = vector.broadcast %slice3A_10 : vector<16x1xf32> to vector<16x512xf32>
    %mul3A_299 = arith.mulf %mul3A_298, %mul3A_263 : vector<16x512xf32>
    %mul3A_300 = vector.broadcast %slice3A_8 : vector<16x1xf32> to vector<16x512xf32>
    %mul3A_301 = arith.mulf %mul3A_300, %mul3A_283 : vector<16x512xf32>
    %sub3A_302 = arith.subf %mul3A_299, %mul3A_301 : vector<16x512xf32>
    %add3A_303 = arith.addf %add3A_297, %sub3A_302 : vector<16x512xf32>
    %mul3A_304 = vector.broadcast %slice3A : vector<16x1xf32> to vector<16x512xf32>
    %mul3A_305 = arith.mulf %mul3A_304, %mul3A_283 : vector<16x512xf32>
    %add3A_306 = vector.broadcast %get3A_253 : vector<1x512xf32> to vector<16x512xf32>
    %add3A_307 = arith.addf %add3A_306, %mul3A_305 : vector<16x512xf32>
    %mul3A_308 = vector.broadcast %slice3A_8 : vector<16x1xf32> to vector<16x512xf32>
    %mul3A_309 = arith.mulf %mul3A_308, %mul3A_273 : vector<16x512xf32>
    %mul3A_310 = vector.broadcast %slice3A_9 : vector<16x1xf32> to vector<16x512xf32>
    %mul3A_311 = arith.mulf %mul3A_310, %mul3A_263 : vector<16x512xf32>
    %sub3A_312 = arith.subf %mul3A_309, %mul3A_311 : vector<16x512xf32>
    %add3A_313 = arith.addf %add3A_307, %sub3A_312 : vector<16x512xf32>
    %swap3A_314 = arith.constant 0 : index
    %swap3A_315 = arith.constant 1 : index
    %swap3A_316 = arith.constant 0 : index
    %swap3A_317 = arith.constant 0 : index
    %swap3A_318 = vector.load %arg11[%swap3A_314, %swap3A_315, %swap3A_316, %swap3A_317] : memref<3x8x16x512xf32, #tpu.memory_space<vmem>>, vector<1x1x16x512xf32>
    %swap3A_319 = vector.shape_cast %swap3A_318 : vector<1x1x16x512xf32> to vector<16x512xf32>
    %swap3A_320 = vector.shape_cast %add3A_293 : vector<16x512xf32> to vector<1x1x16x512xf32>
    tpu.vector_store %arg11[%swap3A_314, %swap3A_315, %swap3A_316, %swap3A_317], %swap3A_320 {strides = array<i32>} : memref<3x8x16x512xf32, #tpu.memory_space<vmem>>, vector<1x1x16x512xf32>,
    %swap3A_321 = arith.constant 1 : index
    %swap3A_322 = arith.constant 1 : index
    %swap3A_323 = arith.constant 0 : index
    %swap3A_324 = arith.constant 0 : index
    %swap3A_325 = vector.load %arg11[%swap3A_321, %swap3A_322, %swap3A_323, %swap3A_324] : memref<3x8x16x512xf32, #tpu.memory_space<vmem>>, vector<1x1x16x512xf32>
    %swap3A_326 = vector.shape_cast %swap3A_325 : vector<1x1x16x512xf32> to vector<16x512xf32>
    %swap3A_327 = vector.shape_cast %add3A_303 : vector<16x512xf32> to vector<1x1x16x512xf32>
    tpu.vector_store %arg11[%swap3A_321, %swap3A_322, %swap3A_323, %swap3A_324], %swap3A_327 {strides = array<i32>} : memref<3x8x16x512xf32, #tpu.memory_space<vmem>>, vector<1x1x16x512xf32>,
    %swap3A_328 = arith.constant 2 : index
    %swap3A_329 = arith.constant 1 : index
    %swap3A_330 = arith.constant 0 : index
    %swap3A_331 = arith.constant 0 : index
    %swap3A_332 = vector.load %arg11[%swap3A_328, %swap3A_329, %swap3A_330, %swap3A_331] : memref<3x8x16x512xf32, #tpu.memory_space<vmem>>, vector<1x1x16x512xf32>
    %swap3A_333 = vector.shape_cast %swap3A_332 : vector<1x1x16x512xf32> to vector<16x512xf32>
    %swap3A_334 = vector.shape_cast %add3A_313 : vector<16x512xf32> to vector<1x1x16x512xf32>
    tpu.vector_store %arg11[%swap3A_328, %swap3A_329, %swap3A_330, %swap3A_331], %swap3A_334 {strides = array<i32>} : memref<3x8x16x512xf32, #tpu.memory_space<vmem>>, vector<1x1x16x512xf32>,
    %get3A_335 = arith.constant 0 : index
    %get3A_336 = arith.constant 2 : index
    %get3A_337 = arith.constant 0 : index
    %get3A_338 = vector.load %arg3[%get3A_335, %get3A_336, %get3A_337] : memref<3x8x512xf32, #tpu.memory_space<vmem>>, vector<1x1x512xf32>
    %get3A_339 = vector.shape_cast %get3A_338 : vector<1x1x512xf32> to vector<1x512xf32>
    %get3A_340 = arith.constant 1 : index
    %get3A_341 = arith.constant 2 : index
    %get3A_342 = arith.constant 0 : index
    %get3A_343 = vector.load %arg3[%get3A_340, %get3A_341, %get3A_342] : memref<3x8x512xf32, #tpu.memory_space<vmem>>, vector<1x1x512xf32>
    %get3A_344 = vector.shape_cast %get3A_343 : vector<1x1x512xf32> to vector<1x512xf32>
    %get3A_345 = arith.constant 2 : index
    %get3A_346 = arith.constant 2 : index
    %get3A_347 = arith.constant 0 : index
    %get3A_348 = vector.load %arg3[%get3A_345, %get3A_346, %get3A_347] : memref<3x8x512xf32, #tpu.memory_space<vmem>>, vector<1x1x512xf32>
    %get3A_349 = vector.shape_cast %get3A_348 : vector<1x1x512xf32> to vector<1x512xf32>
    %mul3A_350 = vector.broadcast %slice3A_9 : vector<16x1xf32> to vector<16x512xf32>
    %mul3A_351 = vector.broadcast %get3A_349 : vector<1x512xf32> to vector<16x512xf32>
    %mul3A_352 = arith.mulf %mul3A_350, %mul3A_351 : vector<16x512xf32>
    %mul3A_353 = vector.broadcast %slice3A_10 : vector<16x1xf32> to vector<16x512xf32>
    %mul3A_354 = vector.broadcast %get3A_344 : vector<1x512xf32> to vector<16x512xf32>
    %mul3A_355 = arith.mulf %mul3A_353, %mul3A_354 : vector<16x512xf32>
    %sub3A_356 = arith.subf %mul3A_352, %mul3A_355 : vector<16x512xf32>
    %mul3A_357 = arith.constant 2.000000e+00 : f32
    %mul3A_358 = vector.broadcast %mul3A_357 : f32 to vector<16x512xf32>
    %mul3A_359 = arith.mulf %mul3A_358, %sub3A_356 : vector<16x512xf32>
    %mul3A_360 = vector.broadcast %slice3A_10 : vector<16x1xf32> to vector<16x512xf32>
    %mul3A_361 = vector.broadcast %get3A_339 : vector<1x512xf32> to vector<16x512xf32>
    %mul3A_362 = arith.mulf %mul3A_360, %mul3A_361 : vector<16x512xf32>
    %mul3A_363 = vector.broadcast %slice3A_8 : vector<16x1xf32> to vector<16x512xf32>
    %mul3A_364 = vector.broadcast %get3A_349 : vector<1x512xf32> to vector<16x512xf32>
    %mul3A_365 = arith.mulf %mul3A_363, %mul3A_364 : vector<16x512xf32>
    %sub3A_366 = arith.subf %mul3A_362, %mul3A_365 : vector<16x512xf32>
    %mul3A_367 = arith.constant 2.000000e+00 : f32
    %mul3A_368 = vector.broadcast %mul3A_367 : f32 to vector<16x512xf32>
    %mul3A_369 = arith.mulf %mul3A_368, %sub3A_366 : vector<16x512xf32>
    %mul3A_370 = vector.broadcast %slice3A_8 : vector<16x1xf32> to vector<16x512xf32>
    %mul3A_371 = vector.broadcast %get3A_344 : vector<1x512xf32> to vector<16x512xf32>
    %mul3A_372 = arith.mulf %mul3A_370, %mul3A_371 : vector<16x512xf32>
    %mul3A_373 = vector.broadcast %slice3A_9 : vector<16x1xf32> to vector<16x512xf32>
    %mul3A_374 = vector.broadcast %get3A_339 : vector<1x512xf32> to vector<16x512xf32>
    %mul3A_375 = arith.mulf %mul3A_373, %mul3A_374 : vector<16x512xf32>
    %sub3A_376 = arith.subf %mul3A_372, %mul3A_375 : vector<16x512xf32>
    %mul3A_377 = arith.constant 2.000000e+00 : f32
    %mul3A_378 = vector.broadcast %mul3A_377 : f32 to vector<16x512xf32>
    %mul3A_379 = arith.mulf %mul3A_378, %sub3A_376 : vector<16x512xf32>
    %mul3A_380 = vector.broadcast %slice3A : vector<16x1xf32> to vector<16x512xf32>
    %mul3A_381 = arith.mulf %mul3A_380, %mul3A_359 : vector<16x512xf32>
    %add3A_382 = vector.broadcast %get3A_339 : vector<1x512xf32> to vector<16x512xf32>
    %add3A_383 = arith.addf %add3A_382, %mul3A_381 : vector<16x512xf32>
    %mul3A_384 = vector.broadcast %slice3A_9 : vector<16x1xf32> to vector<16x512xf32>
    %mul3A_385 = arith.mulf %mul3A_384, %mul3A_379 : vector<16x512xf32>
    %mul3A_386 = vector.broadcast %slice3A_10 : vector<16x1xf32> to vector<16x512xf32>
    %mul3A_387 = arith.mulf %mul3A_386, %mul3A_369 : vector<16x512xf32>
    %sub3A_388 = arith.subf %mul3A_385, %mul3A_387 : vector<16x512xf32>
    %add3A_389 = arith.addf %add3A_383, %sub3A_388 : vector<16x512xf32>
    %mul3A_390 = vector.broadcast %slice3A : vector<16x1xf32> to vector<16x512xf32>
    %mul3A_391 = arith.mulf %mul3A_390, %mul3A_369 : vector<16x512xf32>
    %add3A_392 = vector.broadcast %get3A_344 : vector<1x512xf32> to vector<16x512xf32>
    %add3A_393 = arith.addf %add3A_392, %mul3A_391 : vector<16x512xf32>
    %mul3A_394 = vector.broadcast %slice3A_10 : vector<16x1xf32> to vector<16x512xf32>
    %mul3A_395 = arith.mulf %mul3A_394, %mul3A_359 : vector<16x512xf32>
    %mul3A_396 = vector.broadcast %slice3A_8 : vector<16x1xf32> to vector<16x512xf32>
    %mul3A_397 = arith.mulf %mul3A_396, %mul3A_379 : vector<16x512xf32>
    %sub3A_398 = arith.subf %mul3A_395, %mul3A_397 : vector<16x512xf32>
    %add3A_399 = arith.addf %add3A_393, %sub3A_398 : vector<16x512xf32>
    %mul3A_400 = vector.broadcast %slice3A : vector<16x1xf32> to vector<16x512xf32>
    %mul3A_401 = arith.mulf %mul3A_400, %mul3A_379 : vector<16x512xf32>
    %add3A_402 = vector.broadcast %get3A_349 : vector<1x512xf32> to vector<16x512xf32>
    %add3A_403 = arith.addf %add3A_402, %mul3A_401 : vector<16x512xf32>
    %mul3A_404 = vector.broadcast %slice3A_8 : vector<16x1xf32> to vector<16x512xf32>
    %mul3A_405 = arith.mulf %mul3A_404, %mul3A_369 : vector<16x512xf32>
    %mul3A_406 = vector.broadcast %slice3A_9 : vector<16x1xf32> to vector<16x512xf32>
    %mul3A_407 = arith.mulf %mul3A_406, %mul3A_359 : vector<16x512xf32>
    %sub3A_408 = arith.subf %mul3A_405, %mul3A_407 : vector<16x512xf32>
    %add3A_409 = arith.addf %add3A_403, %sub3A_408 : vector<16x512xf32>
    %swap3A_410 = arith.constant 0 : index
    %swap3A_411 = arith.constant 2 : index
    %swap3A_412 = arith.constant 0 : index
    %swap3A_413 = arith.constant 0 : index
    %swap3A_414 = vector.load %arg11[%swap3A_410, %swap3A_411, %swap3A_412, %swap3A_413] : memref<3x8x16x512xf32, #tpu.memory_space<vmem>>, vector<1x1x16x512xf32>
    %swap3A_415 = vector.shape_cast %swap3A_414 : vector<1x1x16x512xf32> to vector<16x512xf32>
    %swap3A_416 = vector.shape_cast %add3A_389 : vector<16x512xf32> to vector<1x1x16x512xf32>
    tpu.vector_store %arg11[%swap3A_410, %swap3A_411, %swap3A_412, %swap3A_413], %swap3A_416 {strides = array<i32>} : memref<3x8x16x512xf32, #tpu.memory_space<vmem>>, vector<1x1x16x512xf32>,
    %swap3A_417 = arith.constant 1 : index
    %swap3A_418 = arith.constant 2 : index
    %swap3A_419 = arith.constant 0 : index
    %swap3A_420 = arith.constant 0 : index
    %swap3A_421 = vector.load %arg11[%swap3A_417, %swap3A_418, %swap3A_419, %swap3A_420] : memref<3x8x16x512xf32, #tpu.memory_space<vmem>>, vector<1x1x16x512xf32>
    %swap3A_422 = vector.shape_cast %swap3A_421 : vector<1x1x16x512xf32> to vector<16x512xf32>
    %swap3A_423 = vector.shape_cast %add3A_399 : vector<16x512xf32> to vector<1x1x16x512xf32>
    tpu.vector_store %arg11[%swap3A_417, %swap3A_418, %swap3A_419, %swap3A_420], %swap3A_423 {strides = array<i32>} : memref<3x8x16x512xf32, #tpu.memory_space<vmem>>, vector<1x1x16x512xf32>,
    %swap3A_424 = arith.constant 2 : index
    %swap3A_425 = arith.constant 2 : index
    %swap3A_426 = arith.constant 0 : index
    %swap3A_427 = arith.constant 0 : index
    %swap3A_428 = vector.load %arg11[%swap3A_424, %swap3A_425, %swap3A_426, %swap3A_427] : memref<3x8x16x512xf32, #tpu.memory_space<vmem>>, vector<1x1x16x512xf32>
    %swap3A_429 = vector.shape_cast %swap3A_428 : vector<1x1x16x512xf32> to vector<16x512xf32>
    %swap3A_430 = vector.shape_cast %add3A_409 : vector<16x512xf32> to vector<1x1x16x512xf32>
    tpu.vector_store %arg11[%swap3A_424, %swap3A_425, %swap3A_426, %swap3A_427], %swap3A_430 {strides = array<i32>} : memref<3x8x16x512xf32, #tpu.memory_space<vmem>>, vector<1x1x16x512xf32>,
    %get3A_431 = arith.constant 0 : index
    %get3A_432 = arith.constant 3 : index
    %get3A_433 = arith.constant 0 : index
    %get3A_434 = vector.load %arg3[%get3A_431, %get3A_432, %get3A_433] : memref<3x8x512xf32, #tpu.memory_space<vmem>>, vector<1x1x512xf32>
    %get3A_435 = vector.shape_cast %get3A_434 : vector<1x1x512xf32> to vector<1x512xf32>
    %get3A_436 = arith.constant 1 : index
    %get3A_437 = arith.constant 3 : index
    %get3A_438 = arith.constant 0 : index
    %get3A_439 = vector.load %arg3[%get3A_436, %get3A_437, %get3A_438] : memref<3x8x512xf32, #tpu.memory_space<vmem>>, vector<1x1x512xf32>
    %get3A_440 = vector.shape_cast %get3A_439 : vector<1x1x512xf32> to vector<1x512xf32>
    %get3A_441 = arith.constant 2 : index
    %get3A_442 = arith.constant 3 : index
    %get3A_443 = arith.constant 0 : index
    %get3A_444 = vector.load %arg3[%get3A_441, %get3A_442, %get3A_443] : memref<3x8x512xf32, #tpu.memory_space<vmem>>, vector<1x1x512xf32>
    %get3A_445 = vector.shape_cast %get3A_444 : vector<1x1x512xf32> to vector<1x512xf32>
    %mul3A_446 = vector.broadcast %slice3A_9 : vector<16x1xf32> to vector<16x512xf32>
    %mul3A_447 = vector.broadcast %get3A_445 : vector<1x512xf32> to vector<16x512xf32>
    %mul3A_448 = arith.mulf %mul3A_446, %mul3A_447 : vector<16x512xf32>
    %mul3A_449 = vector.broadcast %slice3A_10 : vector<16x1xf32> to vector<16x512xf32>
    %mul3A_450 = vector.broadcast %get3A_440 : vector<1x512xf32> to vector<16x512xf32>
    %mul3A_451 = arith.mulf %mul3A_449, %mul3A_450 : vector<16x512xf32>
    %sub3A_452 = arith.subf %mul3A_448, %mul3A_451 : vector<16x512xf32>
    %mul3A_453 = arith.constant 2.000000e+00 : f32
    %mul3A_454 = vector.broadcast %mul3A_453 : f32 to vector<16x512xf32>
    %mul3A_455 = arith.mulf %mul3A_454, %sub3A_452 : vector<16x512xf32>
    %mul3A_456 = vector.broadcast %slice3A_10 : vector<16x1xf32> to vector<16x512xf32>
    %mul3A_457 = vector.broadcast %get3A_435 : vector<1x512xf32> to vector<16x512xf32>
    %mul3A_458 = arith.mulf %mul3A_456, %mul3A_457 : vector<16x512xf32>
    %mul3A_459 = vector.broadcast %slice3A_8 : vector<16x1xf32> to vector<16x512xf32>
    %mul3A_460 = vector.broadcast %get3A_445 : vector<1x512xf32> to vector<16x512xf32>
    %mul3A_461 = arith.mulf %mul3A_459, %mul3A_460 : vector<16x512xf32>
    %sub3A_462 = arith.subf %mul3A_458, %mul3A_461 : vector<16x512xf32>
    %mul3A_463 = arith.constant 2.000000e+00 : f32
    %mul3A_464 = vector.broadcast %mul3A_463 : f32 to vector<16x512xf32>
    %mul3A_465 = arith.mulf %mul3A_464, %sub3A_462 : vector<16x512xf32>
    %mul3A_466 = vector.broadcast %slice3A_8 : vector<16x1xf32> to vector<16x512xf32>
    %mul3A_467 = vector.broadcast %get3A_440 : vector<1x512xf32> to vector<16x512xf32>
    %mul3A_468 = arith.mulf %mul3A_466, %mul3A_467 : vector<16x512xf32>
    %mul3A_469 = vector.broadcast %slice3A_9 : vector<16x1xf32> to vector<16x512xf32>
    %mul3A_470 = vector.broadcast %get3A_435 : vector<1x512xf32> to vector<16x512xf32>
    %mul3A_471 = arith.mulf %mul3A_469, %mul3A_470 : vector<16x512xf32>
    %sub3A_472 = arith.subf %mul3A_468, %mul3A_471 : vector<16x512xf32>
    %mul3A_473 = arith.constant 2.000000e+00 : f32
    %mul3A_474 = vector.broadcast %mul3A_473 : f32 to vector<16x512xf32>
    %mul3A_475 = arith.mulf %mul3A_474, %sub3A_472 : vector<16x512xf32>
    %mul3A_476 = vector.broadcast %slice3A : vector<16x1xf32> to vector<16x512xf32>
    %mul3A_477 = arith.mulf %mul3A_476, %mul3A_455 : vector<16x512xf32>
    %add3A_478 = vector.broadcast %get3A_435 : vector<1x512xf32> to vector<16x512xf32>
    %add3A_479 = arith.addf %add3A_478, %mul3A_477 : vector<16x512xf32>
    %mul3A_480 = vector.broadcast %slice3A_9 : vector<16x1xf32> to vector<16x512xf32>
    %mul3A_481 = arith.mulf %mul3A_480, %mul3A_475 : vector<16x512xf32>
    %mul3A_482 = vector.broadcast %slice3A_10 : vector<16x1xf32> to vector<16x512xf32>
    %mul3A_483 = arith.mulf %mul3A_482, %mul3A_465 : vector<16x512xf32>
    %sub3A_484 = arith.subf %mul3A_481, %mul3A_483 : vector<16x512xf32>
    %add3A_485 = arith.addf %add3A_479, %sub3A_484 : vector<16x512xf32>
    %mul3A_486 = vector.broadcast %slice3A : vector<16x1xf32> to vector<16x512xf32>
    %mul3A_487 = arith.mulf %mul3A_486, %mul3A_465 : vector<16x512xf32>
    %add3A_488 = vector.broadcast %get3A_440 : vector<1x512xf32> to vector<16x512xf32>
    %add3A_489 = arith.addf %add3A_488, %mul3A_487 : vector<16x512xf32>
    %mul3A_490 = vector.broadcast %slice3A_10 : vector<16x1xf32> to vector<16x512xf32>
    %mul3A_491 = arith.mulf %mul3A_490, %mul3A_455 : vector<16x512xf32>
    %mul3A_492 = vector.broadcast %slice3A_8 : vector<16x1xf32> to vector<16x512xf32>
    %mul3A_493 = arith.mulf %mul3A_492, %mul3A_475 : vector<16x512xf32>
    %sub3A_494 = arith.subf %mul3A_491, %mul3A_493 : vector<16x512xf32>
    %add3A_495 = arith.addf %add3A_489, %sub3A_494 : vector<16x512xf32>
    %mul3A_496 = vector.broadcast %slice3A : vector<16x1xf32> to vector<16x512xf32>
    %mul3A_497 = arith.mulf %mul3A_496, %mul3A_475 : vector<16x512xf32>
    %add3A_498 = vector.broadcast %get3A_445 : vector<1x512xf32> to vector<16x512xf32>
    %add3A_499 = arith.addf %add3A_498, %mul3A_497 : vector<16x512xf32>
    %mul3A_500 = vector.broadcast %slice3A_8 : vector<16x1xf32> to vector<16x512xf32>
    %mul3A_501 = arith.mulf %mul3A_500, %mul3A_465 : vector<16x512xf32>
    %mul3A_502 = vector.broadcast %slice3A_9 : vector<16x1xf32> to vector<16x512xf32>
    %mul3A_503 = arith.mulf %mul3A_502, %mul3A_455 : vector<16x512xf32>
    %sub3A_504 = arith.subf %mul3A_501, %mul3A_503 : vector<16x512xf32>
    %add3A_505 = arith.addf %add3A_499, %sub3A_504 : vector<16x512xf32>
    %swap3A_506 = arith.constant 0 : index
    %swap3A_507 = arith.constant 3 : index
    %swap3A_508 = arith.constant 0 : index
    %swap3A_509 = arith.constant 0 : index
    %swap3A_510 = vector.load %arg11[%swap3A_506, %swap3A_507, %swap3A_508, %swap3A_509] : memref<3x8x16x512xf32, #tpu.memory_space<vmem>>, vector<1x1x16x512xf32>
    %swap3A_511 = vector.shape_cast %swap3A_510 : vector<1x1x16x512xf32> to vector<16x512xf32>
    %swap3A_512 = vector.shape_cast %add3A_485 : vector<16x512xf32> to vector<1x1x16x512xf32>
    tpu.vector_store %arg11[%swap3A_506, %swap3A_507, %swap3A_508, %swap3A_509], %swap3A_512 {strides = array<i32>} : memref<3x8x16x512xf32, #tpu.memory_space<vmem>>, vector<1x1x16x512xf32>,
    %swap3A_513 = arith.constant 1 : index
    %swap3A_514 = arith.constant 3 : index
    %swap3A_515 = arith.constant 0 : index
    %swap3A_516 = arith.constant 0 : index
    %swap3A_517 = vector.load %arg11[%swap3A_513, %swap3A_514, %swap3A_515, %swap3A_516] : memref<3x8x16x512xf32, #tpu.memory_space<vmem>>, vector<1x1x16x512xf32>
    %swap3A_518 = vector.shape_cast %swap3A_517 : vector<1x1x16x512xf32> to vector<16x512xf32>
    %swap3A_519 = vector.shape_cast %add3A_495 : vector<16x512xf32> to vector<1x1x16x512xf32>
    tpu.vector_store %arg11[%swap3A_513, %swap3A_514, %swap3A_515, %swap3A_516], %swap3A_519 {strides = array<i32>} : memref<3x8x16x512xf32, #tpu.memory_space<vmem>>, vector<1x1x16x512xf32>,
    %swap3A_520 = arith.constant 2 : index
    %swap3A_521 = arith.constant 3 : index
    %swap3A_522 = arith.constant 0 : index
    %swap3A_523 = arith.constant 0 : index
    %swap3A_524 = vector.load %arg11[%swap3A_520, %swap3A_521, %swap3A_522, %swap3A_523] : memref<3x8x16x512xf32, #tpu.memory_space<vmem>>, vector<1x1x16x512xf32>
    %swap3A_525 = vector.shape_cast %swap3A_524 : vector<1x1x16x512xf32> to vector<16x512xf32>
    %swap3A_526 = vector.shape_cast %add3A_505 : vector<16x512xf32> to vector<1x1x16x512xf32>
    tpu.vector_store %arg11[%swap3A_520, %swap3A_521, %swap3A_522, %swap3A_523], %swap3A_526 {strides = array<i32>} : memref<3x8x16x512xf32, #tpu.memory_space<vmem>>, vector<1x1x16x512xf32>,
    %get3A_527 = arith.constant 0 : index
    %get3A_528 = arith.constant 4 : index
    %get3A_529 = arith.constant 0 : index
    %get3A_530 = vector.load %arg3[%get3A_527, %get3A_528, %get3A_529] : memref<3x8x512xf32, #tpu.memory_space<vmem>>, vector<1x1x512xf32>
    %get3A_531 = vector.shape_cast %get3A_530 : vector<1x1x512xf32> to vector<1x512xf32>
    %get3A_532 = arith.constant 1 : index
    %get3A_533 = arith.constant 4 : index
    %get3A_534 = arith.constant 0 : index
    %get3A_535 = vector.load %arg3[%get3A_532, %get3A_533, %get3A_534] : memref<3x8x512xf32, #tpu.memory_space<vmem>>, vector<1x1x512xf32>
    %get3A_536 = vector.shape_cast %get3A_535 : vector<1x1x512xf32> to vector<1x512xf32>
    %get3A_537 = arith.constant 2 : index
    %get3A_538 = arith.constant 4 : index
    %get3A_539 = arith.constant 0 : index
    %get3A_540 = vector.load %arg3[%get3A_537, %get3A_538, %get3A_539] : memref<3x8x512xf32, #tpu.memory_space<vmem>>, vector<1x1x512xf32>
    %get3A_541 = vector.shape_cast %get3A_540 : vector<1x1x512xf32> to vector<1x512xf32>
    %mul3A_542 = vector.broadcast %slice3A_9 : vector<16x1xf32> to vector<16x512xf32>
    %mul3A_543 = vector.broadcast %get3A_541 : vector<1x512xf32> to vector<16x512xf32>
    %mul3A_544 = arith.mulf %mul3A_542, %mul3A_543 : vector<16x512xf32>
    %mul3A_545 = vector.broadcast %slice3A_10 : vector<16x1xf32> to vector<16x512xf32>
    %mul3A_546 = vector.broadcast %get3A_536 : vector<1x512xf32> to vector<16x512xf32>
    %mul3A_547 = arith.mulf %mul3A_545, %mul3A_546 : vector<16x512xf32>
    %sub3A_548 = arith.subf %mul3A_544, %mul3A_547 : vector<16x512xf32>
    %mul3A_549 = arith.constant 2.000000e+00 : f32
    %mul3A_550 = vector.broadcast %mul3A_549 : f32 to vector<16x512xf32>
    %mul3A_551 = arith.mulf %mul3A_550, %sub3A_548 : vector<16x512xf32>
    %mul3A_552 = vector.broadcast %slice3A_10 : vector<16x1xf32> to vector<16x512xf32>
    %mul3A_553 = vector.broadcast %get3A_531 : vector<1x512xf32> to vector<16x512xf32>
    %mul3A_554 = arith.mulf %mul3A_552, %mul3A_553 : vector<16x512xf32>
    %mul3A_555 = vector.broadcast %slice3A_8 : vector<16x1xf32> to vector<16x512xf32>
    %mul3A_556 = vector.broadcast %get3A_541 : vector<1x512xf32> to vector<16x512xf32>
    %mul3A_557 = arith.mulf %mul3A_555, %mul3A_556 : vector<16x512xf32>
    %sub3A_558 = arith.subf %mul3A_554, %mul3A_557 : vector<16x512xf32>
    %mul3A_559 = arith.constant 2.000000e+00 : f32
    %mul3A_560 = vector.broadcast %mul3A_559 : f32 to vector<16x512xf32>
    %mul3A_561 = arith.mulf %mul3A_560, %sub3A_558 : vector<16x512xf32>
    %mul3A_562 = vector.broadcast %slice3A_8 : vector<16x1xf32> to vector<16x512xf32>
    %mul3A_563 = vector.broadcast %get3A_536 : vector<1x512xf32> to vector<16x512xf32>
    %mul3A_564 = arith.mulf %mul3A_562, %mul3A_563 : vector<16x512xf32>
    %mul3A_565 = vector.broadcast %slice3A_9 : vector<16x1xf32> to vector<16x512xf32>
    %mul3A_566 = vector.broadcast %get3A_531 : vector<1x512xf32> to vector<16x512xf32>
    %mul3A_567 = arith.mulf %mul3A_565, %mul3A_566 : vector<16x512xf32>
    %sub3A_568 = arith.subf %mul3A_564, %mul3A_567 : vector<16x512xf32>
    %mul3A_569 = arith.constant 2.000000e+00 : f32
    %mul3A_570 = vector.broadcast %mul3A_569 : f32 to vector<16x512xf32>
    %mul3A_571 = arith.mulf %mul3A_570, %sub3A_568 : vector<16x512xf32>
    %mul3A_572 = vector.broadcast %slice3A : vector<16x1xf32> to vector<16x512xf32>
    %mul3A_573 = arith.mulf %mul3A_572, %mul3A_551 : vector<16x512xf32>
    %add3A_574 = vector.broadcast %get3A_531 : vector<1x512xf32> to vector<16x512xf32>
    %add3A_575 = arith.addf %add3A_574, %mul3A_573 : vector<16x512xf32>
    %mul3A_576 = vector.broadcast %slice3A_9 : vector<16x1xf32> to vector<16x512xf32>
    %mul3A_577 = arith.mulf %mul3A_576, %mul3A_571 : vector<16x512xf32>
    %mul3A_578 = vector.broadcast %slice3A_10 : vector<16x1xf32> to vector<16x512xf32>
    %mul3A_579 = arith.mulf %mul3A_578, %mul3A_561 : vector<16x512xf32>
    %sub3A_580 = arith.subf %mul3A_577, %mul3A_579 : vector<16x512xf32>
    %add3A_581 = arith.addf %add3A_575, %sub3A_580 : vector<16x512xf32>
    %mul3A_582 = vector.broadcast %slice3A : vector<16x1xf32> to vector<16x512xf32>
    %mul3A_583 = arith.mulf %mul3A_582, %mul3A_561 : vector<16x512xf32>
    %add3A_584 = vector.broadcast %get3A_536 : vector<1x512xf32> to vector<16x512xf32>
    %add3A_585 = arith.addf %add3A_584, %mul3A_583 : vector<16x512xf32>
    %mul3A_586 = vector.broadcast %slice3A_10 : vector<16x1xf32> to vector<16x512xf32>
    %mul3A_587 = arith.mulf %mul3A_586, %mul3A_551 : vector<16x512xf32>
    %mul3A_588 = vector.broadcast %slice3A_8 : vector<16x1xf32> to vector<16x512xf32>
    %mul3A_589 = arith.mulf %mul3A_588, %mul3A_571 : vector<16x512xf32>
    %sub3A_590 = arith.subf %mul3A_587, %mul3A_589 : vector<16x512xf32>
    %add3A_591 = arith.addf %add3A_585, %sub3A_590 : vector<16x512xf32>
    %mul3A_592 = vector.broadcast %slice3A : vector<16x1xf32> to vector<16x512xf32>
    %mul3A_593 = arith.mulf %mul3A_592, %mul3A_571 : vector<16x512xf32>
    %add3A_594 = vector.broadcast %get3A_541 : vector<1x512xf32> to vector<16x512xf32>
    %add3A_595 = arith.addf %add3A_594, %mul3A_593 : vector<16x512xf32>
    %mul3A_596 = vector.broadcast %slice3A_8 : vector<16x1xf32> to vector<16x512xf32>
    %mul3A_597 = arith.mulf %mul3A_596, %mul3A_561 : vector<16x512xf32>
    %mul3A_598 = vector.broadcast %slice3A_9 : vector<16x1xf32> to vector<16x512xf32>
    %mul3A_599 = arith.mulf %mul3A_598, %mul3A_551 : vector<16x512xf32>
    %sub3A_600 = arith.subf %mul3A_597, %mul3A_599 : vector<16x512xf32>
    %add3A_601 = arith.addf %add3A_595, %sub3A_600 : vector<16x512xf32>
    %swap3A_602 = arith.constant 0 : index
    %swap3A_603 = arith.constant 4 : index
    %swap3A_604 = arith.constant 0 : index
    %swap3A_605 = arith.constant 0 : index
    %swap3A_606 = vector.load %arg11[%swap3A_602, %swap3A_603, %swap3A_604, %swap3A_605] : memref<3x8x16x512xf32, #tpu.memory_space<vmem>>, vector<1x1x16x512xf32>
    %swap3A_607 = vector.shape_cast %swap3A_606 : vector<1x1x16x512xf32> to vector<16x512xf32>
    %swap3A_608 = vector.shape_cast %add3A_581 : vector<16x512xf32> to vector<1x1x16x512xf32>
    tpu.vector_store %arg11[%swap3A_602, %swap3A_603, %swap3A_604, %swap3A_605], %swap3A_608 {strides = array<i32>} : memref<3x8x16x512xf32, #tpu.memory_space<vmem>>, vector<1x1x16x512xf32>,
    %swap3A_609 = arith.constant 1 : index
    %swap3A_610 = arith.constant 4 : index
    %swap3A_611 = arith.constant 0 : index
    %swap3A_612 = arith.constant 0 : index
    %swap3A_613 = vector.load %arg11[%swap3A_609, %swap3A_610, %swap3A_611, %swap3A_612] : memref<3x8x16x512xf32, #tpu.memory_space<vmem>>, vector<1x1x16x512xf32>
    %swap3A_614 = vector.shape_cast %swap3A_613 : vector<1x1x16x512xf32> to vector<16x512xf32>
    %swap3A_615 = vector.shape_cast %add3A_591 : vector<16x512xf32> to vector<1x1x16x512xf32>
    tpu.vector_store %arg11[%swap3A_609, %swap3A_610, %swap3A_611, %swap3A_612], %swap3A_615 {strides = array<i32>} : memref<3x8x16x512xf32, #tpu.memory_space<vmem>>, vector<1x1x16x512xf32>,
    %swap3A_616 = arith.constant 2 : index
    %swap3A_617 = arith.constant 4 : index
    %swap3A_618 = arith.constant 0 : index
    %swap3A_619 = arith.constant 0 : index
    %swap3A_620 = vector.load %arg11[%swap3A_616, %swap3A_617, %swap3A_618, %swap3A_619] : memref<3x8x16x512xf32, #tpu.memory_space<vmem>>, vector<1x1x16x512xf32>
    %swap3A_621 = vector.shape_cast %swap3A_620 : vector<1x1x16x512xf32> to vector<16x512xf32>
    %swap3A_622 = vector.shape_cast %add3A_601 : vector<16x512xf32> to vector<1x1x16x512xf32>
    tpu.vector_store %arg11[%swap3A_616, %swap3A_617, %swap3A_618, %swap3A_619], %swap3A_622 {strides = array<i32>} : memref<3x8x16x512xf32, #tpu.memory_space<vmem>>, vector<1x1x16x512xf32>,
    %get3A_623 = arith.constant 0 : index
    %get3A_624 = arith.constant 5 : index
    %get3A_625 = arith.constant 0 : index
    %get3A_626 = vector.load %arg3[%get3A_623, %get3A_624, %get3A_625] : memref<3x8x512xf32, #tpu.memory_space<vmem>>, vector<1x1x512xf32>
    %get3A_627 = vector.shape_cast %get3A_626 : vector<1x1x512xf32> to vector<1x512xf32>
    %get3A_628 = arith.constant 1 : index
    %get3A_629 = arith.constant 5 : index
    %get3A_630 = arith.constant 0 : index
    %get3A_631 = vector.load %arg3[%get3A_628, %get3A_629, %get3A_630] : memref<3x8x512xf32, #tpu.memory_space<vmem>>, vector<1x1x512xf32>
    %get3A_632 = vector.shape_cast %get3A_631 : vector<1x1x512xf32> to vector<1x512xf32>
    %get3A_633 = arith.constant 2 : index
    %get3A_634 = arith.constant 5 : index
    %get3A_635 = arith.constant 0 : index
    %get3A_636 = vector.load %arg3[%get3A_633, %get3A_634, %get3A_635] : memref<3x8x512xf32, #tpu.memory_space<vmem>>, vector<1x1x512xf32>
    %get3A_637 = vector.shape_cast %get3A_636 : vector<1x1x512xf32> to vector<1x512xf32>
    %mul3A_638 = vector.broadcast %slice3A_9 : vector<16x1xf32> to vector<16x512xf32>
    %mul3A_639 = vector.broadcast %get3A_637 : vector<1x512xf32> to vector<16x512xf32>
    %mul3A_640 = arith.mulf %mul3A_638, %mul3A_639 : vector<16x512xf32>
    %mul3A_641 = vector.broadcast %slice3A_10 : vector<16x1xf32> to vector<16x512xf32>
    %mul3A_642 = vector.broadcast %get3A_632 : vector<1x512xf32> to vector<16x512xf32>
    %mul3A_643 = arith.mulf %mul3A_641, %mul3A_642 : vector<16x512xf32>
    %sub3A_644 = arith.subf %mul3A_640, %mul3A_643 : vector<16x512xf32>
    %mul3A_645 = arith.constant 2.000000e+00 : f32
    %mul3A_646 = vector.broadcast %mul3A_645 : f32 to vector<16x512xf32>
    %mul3A_647 = arith.mulf %mul3A_646, %sub3A_644 : vector<16x512xf32>
    %mul3A_648 = vector.broadcast %slice3A_10 : vector<16x1xf32> to vector<16x512xf32>
    %mul3A_649 = vector.broadcast %get3A_627 : vector<1x512xf32> to vector<16x512xf32>
    %mul3A_650 = arith.mulf %mul3A_648, %mul3A_649 : vector<16x512xf32>
    %mul3A_651 = vector.broadcast %slice3A_8 : vector<16x1xf32> to vector<16x512xf32>
    %mul3A_652 = vector.broadcast %get3A_637 : vector<1x512xf32> to vector<16x512xf32>
    %mul3A_653 = arith.mulf %mul3A_651, %mul3A_652 : vector<16x512xf32>
    %sub3A_654 = arith.subf %mul3A_650, %mul3A_653 : vector<16x512xf32>
    %mul3A_655 = arith.constant 2.000000e+00 : f32
    %mul3A_656 = vector.broadcast %mul3A_655 : f32 to vector<16x512xf32>
    %mul3A_657 = arith.mulf %mul3A_656, %sub3A_654 : vector<16x512xf32>
    %mul3A_658 = vector.broadcast %slice3A_8 : vector<16x1xf32> to vector<16x512xf32>
    %mul3A_659 = vector.broadcast %get3A_632 : vector<1x512xf32> to vector<16x512xf32>
    %mul3A_660 = arith.mulf %mul3A_658, %mul3A_659 : vector<16x512xf32>
    %mul3A_661 = vector.broadcast %slice3A_9 : vector<16x1xf32> to vector<16x512xf32>
    %mul3A_662 = vector.broadcast %get3A_627 : vector<1x512xf32> to vector<16x512xf32>
    %mul3A_663 = arith.mulf %mul3A_661, %mul3A_662 : vector<16x512xf32>
    %sub3A_664 = arith.subf %mul3A_660, %mul3A_663 : vector<16x512xf32>
    %mul3A_665 = arith.constant 2.000000e+00 : f32
    %mul3A_666 = vector.broadcast %mul3A_665 : f32 to vector<16x512xf32>
    %mul3A_667 = arith.mulf %mul3A_666, %sub3A_664 : vector<16x512xf32>
    %mul3A_668 = vector.broadcast %slice3A : vector<16x1xf32> to vector<16x512xf32>
    %mul3A_669 = arith.mulf %mul3A_668, %mul3A_647 : vector<16x512xf32>
    %add3A_670 = vector.broadcast %get3A_627 : vector<1x512xf32> to vector<16x512xf32>
    %add3A_671 = arith.addf %add3A_670, %mul3A_669 : vector<16x512xf32>
    %mul3A_672 = vector.broadcast %slice3A_9 : vector<16x1xf32> to vector<16x512xf32>
    %mul3A_673 = arith.mulf %mul3A_672, %mul3A_667 : vector<16x512xf32>
    %mul3A_674 = vector.broadcast %slice3A_10 : vector<16x1xf32> to vector<16x512xf32>
    %mul3A_675 = arith.mulf %mul3A_674, %mul3A_657 : vector<16x512xf32>
    %sub3A_676 = arith.subf %mul3A_673, %mul3A_675 : vector<16x512xf32>
    %add3A_677 = arith.addf %add3A_671, %sub3A_676 : vector<16x512xf32>
    %mul3A_678 = vector.broadcast %slice3A : vector<16x1xf32> to vector<16x512xf32>
    %mul3A_679 = arith.mulf %mul3A_678, %mul3A_657 : vector<16x512xf32>
    %add3A_680 = vector.broadcast %get3A_632 : vector<1x512xf32> to vector<16x512xf32>
    %add3A_681 = arith.addf %add3A_680, %mul3A_679 : vector<16x512xf32>
    %mul3A_682 = vector.broadcast %slice3A_10 : vector<16x1xf32> to vector<16x512xf32>
    %mul3A_683 = arith.mulf %mul3A_682, %mul3A_647 : vector<16x512xf32>
    %mul3A_684 = vector.broadcast %slice3A_8 : vector<16x1xf32> to vector<16x512xf32>
    %mul3A_685 = arith.mulf %mul3A_684, %mul3A_667 : vector<16x512xf32>
    %sub3A_686 = arith.subf %mul3A_683, %mul3A_685 : vector<16x512xf32>
    %add3A_687 = arith.addf %add3A_681, %sub3A_686 : vector<16x512xf32>
    %mul3A_688 = vector.broadcast %slice3A : vector<16x1xf32> to vector<16x512xf32>
    %mul3A_689 = arith.mulf %mul3A_688, %mul3A_667 : vector<16x512xf32>
    %add3A_690 = vector.broadcast %get3A_637 : vector<1x512xf32> to vector<16x512xf32>
    %add3A_691 = arith.addf %add3A_690, %mul3A_689 : vector<16x512xf32>
    %mul3A_692 = vector.broadcast %slice3A_8 : vector<16x1xf32> to vector<16x512xf32>
    %mul3A_693 = arith.mulf %mul3A_692, %mul3A_657 : vector<16x512xf32>
    %mul3A_694 = vector.broadcast %slice3A_9 : vector<16x1xf32> to vector<16x512xf32>
    %mul3A_695 = arith.mulf %mul3A_694, %mul3A_647 : vector<16x512xf32>
    %sub3A_696 = arith.subf %mul3A_693, %mul3A_695 : vector<16x512xf32>
    %add3A_697 = arith.addf %add3A_691, %sub3A_696 : vector<16x512xf32>
    %swap3A_698 = arith.constant 0 : index
    %swap3A_699 = arith.constant 5 : index
    %swap3A_700 = arith.constant 0 : index
    %swap3A_701 = arith.constant 0 : index
    %swap3A_702 = vector.load %arg11[%swap3A_698, %swap3A_699, %swap3A_700, %swap3A_701] : memref<3x8x16x512xf32, #tpu.memory_space<vmem>>, vector<1x1x16x512xf32>
    %swap3A_703 = vector.shape_cast %swap3A_702 : vector<1x1x16x512xf32> to vector<16x512xf32>
    %swap3A_704 = vector.shape_cast %add3A_677 : vector<16x512xf32> to vector<1x1x16x512xf32>
    tpu.vector_store %arg11[%swap3A_698, %swap3A_699, %swap3A_700, %swap3A_701], %swap3A_704 {strides = array<i32>} : memref<3x8x16x512xf32, #tpu.memory_space<vmem>>, vector<1x1x16x512xf32>,
    %swap3A_705 = arith.constant 1 : index
    %swap3A_706 = arith.constant 5 : index
    %swap3A_707 = arith.constant 0 : index
    %swap3A_708 = arith.constant 0 : index
    %swap3A_709 = vector.load %arg11[%swap3A_705, %swap3A_706, %swap3A_707, %swap3A_708] : memref<3x8x16x512xf32, #tpu.memory_space<vmem>>, vector<1x1x16x512xf32>
    %swap3A_710 = vector.shape_cast %swap3A_709 : vector<1x1x16x512xf32> to vector<16x512xf32>
    %swap3A_711 = vector.shape_cast %add3A_687 : vector<16x512xf32> to vector<1x1x16x512xf32>
    tpu.vector_store %arg11[%swap3A_705, %swap3A_706, %swap3A_707, %swap3A_708], %swap3A_711 {strides = array<i32>} : memref<3x8x16x512xf32, #tpu.memory_space<vmem>>, vector<1x1x16x512xf32>,
    %swap3A_712 = arith.constant 2 : index
    %swap3A_713 = arith.constant 5 : index
    %swap3A_714 = arith.constant 0 : index
    %swap3A_715 = arith.constant 0 : index
    %swap3A_716 = vector.load %arg11[%swap3A_712, %swap3A_713, %swap3A_714, %swap3A_715] : memref<3x8x16x512xf32, #tpu.memory_space<vmem>>, vector<1x1x16x512xf32>
    %swap3A_717 = vector.shape_cast %swap3A_716 : vector<1x1x16x512xf32> to vector<16x512xf32>
    %swap3A_718 = vector.shape_cast %add3A_697 : vector<16x512xf32> to vector<1x1x16x512xf32>
    tpu.vector_store %arg11[%swap3A_712, %swap3A_713, %swap3A_714, %swap3A_715], %swap3A_718 {strides = array<i32>} : memref<3x8x16x512xf32, #tpu.memory_space<vmem>>, vector<1x1x16x512xf32>,
    %get3A_719 = arith.constant 0 : index
    %get3A_720 = arith.constant 6 : index
    %get3A_721 = arith.constant 0 : index
    %get3A_722 = vector.load %arg3[%get3A_719, %get3A_720, %get3A_721] : memref<3x8x512xf32, #tpu.memory_space<vmem>>, vector<1x1x512xf32>
    %get3A_723 = vector.shape_cast %get3A_722 : vector<1x1x512xf32> to vector<1x512xf32>
    %get3A_724 = arith.constant 1 : index
    %get3A_725 = arith.constant 6 : index
    %get3A_726 = arith.constant 0 : index
    %get3A_727 = vector.load %arg3[%get3A_724, %get3A_725, %get3A_726] : memref<3x8x512xf32, #tpu.memory_space<vmem>>, vector<1x1x512xf32>
    %get3A_728 = vector.shape_cast %get3A_727 : vector<1x1x512xf32> to vector<1x512xf32>
    %get3A_729 = arith.constant 2 : index
    %get3A_730 = arith.constant 6 : index
    %get3A_731 = arith.constant 0 : index
    %get3A_732 = vector.load %arg3[%get3A_729, %get3A_730, %get3A_731] : memref<3x8x512xf32, #tpu.memory_space<vmem>>, vector<1x1x512xf32>
    %get3A_733 = vector.shape_cast %get3A_732 : vector<1x1x512xf32> to vector<1x512xf32>
    %mul3A_734 = vector.broadcast %slice3A_9 : vector<16x1xf32> to vector<16x512xf32>
    %mul3A_735 = vector.broadcast %get3A_733 : vector<1x512xf32> to vector<16x512xf32>
    %mul3A_736 = arith.mulf %mul3A_734, %mul3A_735 : vector<16x512xf32>
    %mul3A_737 = vector.broadcast %slice3A_10 : vector<16x1xf32> to vector<16x512xf32>
    %mul3A_738 = vector.broadcast %get3A_728 : vector<1x512xf32> to vector<16x512xf32>
    %mul3A_739 = arith.mulf %mul3A_737, %mul3A_738 : vector<16x512xf32>
    %sub3A_740 = arith.subf %mul3A_736, %mul3A_739 : vector<16x512xf32>
    %mul3A_741 = arith.constant 2.000000e+00 : f32
    %mul3A_742 = vector.broadcast %mul3A_741 : f32 to vector<16x512xf32>
    %mul3A_743 = arith.mulf %mul3A_742, %sub3A_740 : vector<16x512xf32>
    %mul3A_744 = vector.broadcast %slice3A_10 : vector<16x1xf32> to vector<16x512xf32>
    %mul3A_745 = vector.broadcast %get3A_723 : vector<1x512xf32> to vector<16x512xf32>
    %mul3A_746 = arith.mulf %mul3A_744, %mul3A_745 : vector<16x512xf32>
    %mul3A_747 = vector.broadcast %slice3A_8 : vector<16x1xf32> to vector<16x512xf32>
    %mul3A_748 = vector.broadcast %get3A_733 : vector<1x512xf32> to vector<16x512xf32>
    %mul3A_749 = arith.mulf %mul3A_747, %mul3A_748 : vector<16x512xf32>
    %sub3A_750 = arith.subf %mul3A_746, %mul3A_749 : vector<16x512xf32>
    %mul3A_751 = arith.constant 2.000000e+00 : f32
    %mul3A_752 = vector.broadcast %mul3A_751 : f32 to vector<16x512xf32>
    %mul3A_753 = arith.mulf %mul3A_752, %sub3A_750 : vector<16x512xf32>
    %mul3A_754 = vector.broadcast %slice3A_8 : vector<16x1xf32> to vector<16x512xf32>
    %mul3A_755 = vector.broadcast %get3A_728 : vector<1x512xf32> to vector<16x512xf32>
    %mul3A_756 = arith.mulf %mul3A_754, %mul3A_755 : vector<16x512xf32>
    %mul3A_757 = vector.broadcast %slice3A_9 : vector<16x1xf32> to vector<16x512xf32>
    %mul3A_758 = vector.broadcast %get3A_723 : vector<1x512xf32> to vector<16x512xf32>
    %mul3A_759 = arith.mulf %mul3A_757, %mul3A_758 : vector<16x512xf32>
    %sub3A_760 = arith.subf %mul3A_756, %mul3A_759 : vector<16x512xf32>
    %mul3A_761 = arith.constant 2.000000e+00 : f32
    %mul3A_762 = vector.broadcast %mul3A_761 : f32 to vector<16x512xf32>
    %mul3A_763 = arith.mulf %mul3A_762, %sub3A_760 : vector<16x512xf32>
    %mul3A_764 = vector.broadcast %slice3A : vector<16x1xf32> to vector<16x512xf32>
    %mul3A_765 = arith.mulf %mul3A_764, %mul3A_743 : vector<16x512xf32>
    %add3A_766 = vector.broadcast %get3A_723 : vector<1x512xf32> to vector<16x512xf32>
    %add3A_767 = arith.addf %add3A_766, %mul3A_765 : vector<16x512xf32>
    %mul3A_768 = vector.broadcast %slice3A_9 : vector<16x1xf32> to vector<16x512xf32>
    %mul3A_769 = arith.mulf %mul3A_768, %mul3A_763 : vector<16x512xf32>
    %mul3A_770 = vector.broadcast %slice3A_10 : vector<16x1xf32> to vector<16x512xf32>
    %mul3A_771 = arith.mulf %mul3A_770, %mul3A_753 : vector<16x512xf32>
    %sub3A_772 = arith.subf %mul3A_769, %mul3A_771 : vector<16x512xf32>
    %add3A_773 = arith.addf %add3A_767, %sub3A_772 : vector<16x512xf32>
    %mul3A_774 = vector.broadcast %slice3A : vector<16x1xf32> to vector<16x512xf32>
    %mul3A_775 = arith.mulf %mul3A_774, %mul3A_753 : vector<16x512xf32>
    %add3A_776 = vector.broadcast %get3A_728 : vector<1x512xf32> to vector<16x512xf32>
    %add3A_777 = arith.addf %add3A_776, %mul3A_775 : vector<16x512xf32>
    %mul3A_778 = vector.broadcast %slice3A_10 : vector<16x1xf32> to vector<16x512xf32>
    %mul3A_779 = arith.mulf %mul3A_778, %mul3A_743 : vector<16x512xf32>
    %mul3A_780 = vector.broadcast %slice3A_8 : vector<16x1xf32> to vector<16x512xf32>
    %mul3A_781 = arith.mulf %mul3A_780, %mul3A_763 : vector<16x512xf32>
    %sub3A_782 = arith.subf %mul3A_779, %mul3A_781 : vector<16x512xf32>
    %add3A_783 = arith.addf %add3A_777, %sub3A_782 : vector<16x512xf32>
    %mul3A_784 = vector.broadcast %slice3A : vector<16x1xf32> to vector<16x512xf32>
    %mul3A_785 = arith.mulf %mul3A_784, %mul3A_763 : vector<16x512xf32>
    %add3A_786 = vector.broadcast %get3A_733 : vector<1x512xf32> to vector<16x512xf32>
    %add3A_787 = arith.addf %add3A_786, %mul3A_785 : vector<16x512xf32>
    %mul3A_788 = vector.broadcast %slice3A_8 : vector<16x1xf32> to vector<16x512xf32>
    %mul3A_789 = arith.mulf %mul3A_788, %mul3A_753 : vector<16x512xf32>
    %mul3A_790 = vector.broadcast %slice3A_9 : vector<16x1xf32> to vector<16x512xf32>
    %mul3A_791 = arith.mulf %mul3A_790, %mul3A_743 : vector<16x512xf32>
    %sub3A_792 = arith.subf %mul3A_789, %mul3A_791 : vector<16x512xf32>
    %add3A_793 = arith.addf %add3A_787, %sub3A_792 : vector<16x512xf32>
    %swap3A_794 = arith.constant 0 : index
    %swap3A_795 = arith.constant 6 : index
    %swap3A_796 = arith.constant 0 : index
    %swap3A_797 = arith.constant 0 : index
    %swap3A_798 = vector.load %arg11[%swap3A_794, %swap3A_795, %swap3A_796, %swap3A_797] : memref<3x8x16x512xf32, #tpu.memory_space<vmem>>, vector<1x1x16x512xf32>
    %swap3A_799 = vector.shape_cast %swap3A_798 : vector<1x1x16x512xf32> to vector<16x512xf32>
    %swap3A_800 = vector.shape_cast %add3A_773 : vector<16x512xf32> to vector<1x1x16x512xf32>
    tpu.vector_store %arg11[%swap3A_794, %swap3A_795, %swap3A_796, %swap3A_797], %swap3A_800 {strides = array<i32>} : memref<3x8x16x512xf32, #tpu.memory_space<vmem>>, vector<1x1x16x512xf32>,
    %swap3A_801 = arith.constant 1 : index
    %swap3A_802 = arith.constant 6 : index
    %swap3A_803 = arith.constant 0 : index
    %swap3A_804 = arith.constant 0 : index
    %swap3A_805 = vector.load %arg11[%swap3A_801, %swap3A_802, %swap3A_803, %swap3A_804] : memref<3x8x16x512xf32, #tpu.memory_space<vmem>>, vector<1x1x16x512xf32>
    %swap3A_806 = vector.shape_cast %swap3A_805 : vector<1x1x16x512xf32> to vector<16x512xf32>
    %swap3A_807 = vector.shape_cast %add3A_783 : vector<16x512xf32> to vector<1x1x16x512xf32>
    tpu.vector_store %arg11[%swap3A_801, %swap3A_802, %swap3A_803, %swap3A_804], %swap3A_807 {strides = array<i32>} : memref<3x8x16x512xf32, #tpu.memory_space<vmem>>, vector<1x1x16x512xf32>,
    %swap3A_808 = arith.constant 2 : index
    %swap3A_809 = arith.constant 6 : index
    %swap3A_810 = arith.constant 0 : index
    %swap3A_811 = arith.constant 0 : index
    %swap3A_812 = vector.load %arg11[%swap3A_808, %swap3A_809, %swap3A_810, %swap3A_811] : memref<3x8x16x512xf32, #tpu.memory_space<vmem>>, vector<1x1x16x512xf32>
    %swap3A_813 = vector.shape_cast %swap3A_812 : vector<1x1x16x512xf32> to vector<16x512xf32>
    %swap3A_814 = vector.shape_cast %add3A_793 : vector<16x512xf32> to vector<1x1x16x512xf32>
    tpu.vector_store %arg11[%swap3A_808, %swap3A_809, %swap3A_810, %swap3A_811], %swap3A_814 {strides = array<i32>} : memref<3x8x16x512xf32, #tpu.memory_space<vmem>>, vector<1x1x16x512xf32>,
    %get3A_815 = arith.constant 0 : index
    %get3A_816 = arith.constant 7 : index
    %get3A_817 = arith.constant 0 : index
    %get3A_818 = vector.load %arg3[%get3A_815, %get3A_816, %get3A_817] : memref<3x8x512xf32, #tpu.memory_space<vmem>>, vector<1x1x512xf32>
    %get3A_819 = vector.shape_cast %get3A_818 : vector<1x1x512xf32> to vector<1x512xf32>
    %get3A_820 = arith.constant 1 : index
    %get3A_821 = arith.constant 7 : index
    %get3A_822 = arith.constant 0 : index
    %get3A_823 = vector.load %arg3[%get3A_820, %get3A_821, %get3A_822] : memref<3x8x512xf32, #tpu.memory_space<vmem>>, vector<1x1x512xf32>
    %get3A_824 = vector.shape_cast %get3A_823 : vector<1x1x512xf32> to vector<1x512xf32>
    %get3A_825 = arith.constant 2 : index
    %get3A_826 = arith.constant 7 : index
    %get3A_827 = arith.constant 0 : index
    %get3A_828 = vector.load %arg3[%get3A_825, %get3A_826, %get3A_827] : memref<3x8x512xf32, #tpu.memory_space<vmem>>, vector<1x1x512xf32>
    %get3A_829 = vector.shape_cast %get3A_828 : vector<1x1x512xf32> to vector<1x512xf32>
    %mul3A_830 = vector.broadcast %slice3A_9 : vector<16x1xf32> to vector<16x512xf32>
    %mul3A_831 = vector.broadcast %get3A_829 : vector<1x512xf32> to vector<16x512xf32>
    %mul3A_832 = arith.mulf %mul3A_830, %mul3A_831 : vector<16x512xf32>
    %mul3A_833 = vector.broadcast %slice3A_10 : vector<16x1xf32> to vector<16x512xf32>
    %mul3A_834 = vector.broadcast %get3A_824 : vector<1x512xf32> to vector<16x512xf32>
    %mul3A_835 = arith.mulf %mul3A_833, %mul3A_834 : vector<16x512xf32>
    %sub3A_836 = arith.subf %mul3A_832, %mul3A_835 : vector<16x512xf32>
    %mul3A_837 = arith.constant 2.000000e+00 : f32
    %mul3A_838 = vector.broadcast %mul3A_837 : f32 to vector<16x512xf32>
    %mul3A_839 = arith.mulf %mul3A_838, %sub3A_836 : vector<16x512xf32>
    %mul3A_840 = vector.broadcast %slice3A_10 : vector<16x1xf32> to vector<16x512xf32>
    %mul3A_841 = vector.broadcast %get3A_819 : vector<1x512xf32> to vector<16x512xf32>
    %mul3A_842 = arith.mulf %mul3A_840, %mul3A_841 : vector<16x512xf32>
    %mul3A_843 = vector.broadcast %slice3A_8 : vector<16x1xf32> to vector<16x512xf32>
    %mul3A_844 = vector.broadcast %get3A_829 : vector<1x512xf32> to vector<16x512xf32>
    %mul3A_845 = arith.mulf %mul3A_843, %mul3A_844 : vector<16x512xf32>
    %sub3A_846 = arith.subf %mul3A_842, %mul3A_845 : vector<16x512xf32>
    %mul3A_847 = arith.constant 2.000000e+00 : f32
    %mul3A_848 = vector.broadcast %mul3A_847 : f32 to vector<16x512xf32>
    %mul3A_849 = arith.mulf %mul3A_848, %sub3A_846 : vector<16x512xf32>
    %mul3A_850 = vector.broadcast %slice3A_8 : vector<16x1xf32> to vector<16x512xf32>
    %mul3A_851 = vector.broadcast %get3A_824 : vector<1x512xf32> to vector<16x512xf32>
    %mul3A_852 = arith.mulf %mul3A_850, %mul3A_851 : vector<16x512xf32>
    %mul3A_853 = vector.broadcast %slice3A_9 : vector<16x1xf32> to vector<16x512xf32>
    %mul3A_854 = vector.broadcast %get3A_819 : vector<1x512xf32> to vector<16x512xf32>
    %mul3A_855 = arith.mulf %mul3A_853, %mul3A_854 : vector<16x512xf32>
    %sub3A_856 = arith.subf %mul3A_852, %mul3A_855 : vector<16x512xf32>
    %mul3A_857 = arith.constant 2.000000e+00 : f32
    %mul3A_858 = vector.broadcast %mul3A_857 : f32 to vector<16x512xf32>
    %mul3A_859 = arith.mulf %mul3A_858, %sub3A_856 : vector<16x512xf32>
    %mul3A_860 = vector.broadcast %slice3A : vector<16x1xf32> to vector<16x512xf32>
    %mul3A_861 = arith.mulf %mul3A_860, %mul3A_839 : vector<16x512xf32>
    %add3A_862 = vector.broadcast %get3A_819 : vector<1x512xf32> to vector<16x512xf32>
    %add3A_863 = arith.addf %add3A_862, %mul3A_861 : vector<16x512xf32>
    %mul3A_864 = vector.broadcast %slice3A_9 : vector<16x1xf32> to vector<16x512xf32>
    %mul3A_865 = arith.mulf %mul3A_864, %mul3A_859 : vector<16x512xf32>
    %mul3A_866 = vector.broadcast %slice3A_10 : vector<16x1xf32> to vector<16x512xf32>
    %mul3A_867 = arith.mulf %mul3A_866, %mul3A_849 : vector<16x512xf32>
    %sub3A_868 = arith.subf %mul3A_865, %mul3A_867 : vector<16x512xf32>
    %add3A_869 = arith.addf %add3A_863, %sub3A_868 : vector<16x512xf32>
    %mul3A_870 = vector.broadcast %slice3A : vector<16x1xf32> to vector<16x512xf32>
    %mul3A_871 = arith.mulf %mul3A_870, %mul3A_849 : vector<16x512xf32>
    %add3A_872 = vector.broadcast %get3A_824 : vector<1x512xf32> to vector<16x512xf32>
    %add3A_873 = arith.addf %add3A_872, %mul3A_871 : vector<16x512xf32>
    %mul3A_874 = vector.broadcast %slice3A_10 : vector<16x1xf32> to vector<16x512xf32>
    %mul3A_875 = arith.mulf %mul3A_874, %mul3A_839 : vector<16x512xf32>
    %mul3A_876 = vector.broadcast %slice3A_8 : vector<16x1xf32> to vector<16x512xf32>
    %mul3A_877 = arith.mulf %mul3A_876, %mul3A_859 : vector<16x512xf32>
    %sub3A_878 = arith.subf %mul3A_875, %mul3A_877 : vector<16x512xf32>
    %add3A_879 = arith.addf %add3A_873, %sub3A_878 : vector<16x512xf32>
    %mul3A_880 = vector.broadcast %slice3A : vector<16x1xf32> to vector<16x512xf32>
    %mul3A_881 = arith.mulf %mul3A_880, %mul3A_859 : vector<16x512xf32>
    %add3A_882 = vector.broadcast %get3A_829 : vector<1x512xf32> to vector<16x512xf32>
    %add3A_883 = arith.addf %add3A_882, %mul3A_881 : vector<16x512xf32>
    %mul3A_884 = vector.broadcast %slice3A_8 : vector<16x1xf32> to vector<16x512xf32>
    %mul3A_885 = arith.mulf %mul3A_884, %mul3A_849 : vector<16x512xf32>
    %mul3A_886 = vector.broadcast %slice3A_9 : vector<16x1xf32> to vector<16x512xf32>
    %mul3A_887 = arith.mulf %mul3A_886, %mul3A_839 : vector<16x512xf32>
    %sub3A_888 = arith.subf %mul3A_885, %mul3A_887 : vector<16x512xf32>
    %add3A_889 = arith.addf %add3A_883, %sub3A_888 : vector<16x512xf32>
    %swap3A_890 = arith.constant 0 : index
    %swap3A_891 = arith.constant 7 : index
    %swap3A_892 = arith.constant 0 : index
    %swap3A_893 = arith.constant 0 : index
    %swap3A_894 = vector.load %arg11[%swap3A_890, %swap3A_891, %swap3A_892, %swap3A_893] : memref<3x8x16x512xf32, #tpu.memory_space<vmem>>, vector<1x1x16x512xf32>
    %swap3A_895 = vector.shape_cast %swap3A_894 : vector<1x1x16x512xf32> to vector<16x512xf32>
    %swap3A_896 = vector.shape_cast %add3A_869 : vector<16x512xf32> to vector<1x1x16x512xf32>
    tpu.vector_store %arg11[%swap3A_890, %swap3A_891, %swap3A_892, %swap3A_893], %swap3A_896 {strides = array<i32>} : memref<3x8x16x512xf32, #tpu.memory_space<vmem>>, vector<1x1x16x512xf32>,
    %swap3A_897 = arith.constant 1 : index
    %swap3A_898 = arith.constant 7 : index
    %swap3A_899 = arith.constant 0 : index
    %swap3A_900 = arith.constant 0 : index
    %swap3A_901 = vector.load %arg11[%swap3A_897, %swap3A_898, %swap3A_899, %swap3A_900] : memref<3x8x16x512xf32, #tpu.memory_space<vmem>>, vector<1x1x16x512xf32>
    %swap3A_902 = vector.shape_cast %swap3A_901 : vector<1x1x16x512xf32> to vector<16x512xf32>
    %swap3A_903 = vector.shape_cast %add3A_879 : vector<16x512xf32> to vector<1x1x16x512xf32>
    tpu.vector_store %arg11[%swap3A_897, %swap3A_898, %swap3A_899, %swap3A_900], %swap3A_903 {strides = array<i32>} : memref<3x8x16x512xf32, #tpu.memory_space<vmem>>, vector<1x1x16x512xf32>,
    %swap3A_904 = arith.constant 2 : index
    %swap3A_905 = arith.constant 7 : index
    %swap3A_906 = arith.constant 0 : index
    %swap3A_907 = arith.constant 0 : index
    %swap3A_908 = vector.load %arg11[%swap3A_904, %swap3A_905, %swap3A_906, %swap3A_907] : memref<3x8x16x512xf32, #tpu.memory_space<vmem>>, vector<1x1x16x512xf32>
    %swap3A_909 = vector.shape_cast %swap3A_908 : vector<1x1x16x512xf32> to vector<16x512xf32>
    %swap3A_910 = vector.shape_cast %add3A_889 : vector<16x512xf32> to vector<1x1x16x512xf32>
    tpu.vector_store %arg11[%swap3A_904, %swap3A_905, %swap3A_906, %swap3A_907], %swap3A_910 {strides = array<i32>} : memref<3x8x16x512xf32, #tpu.memory_space<vmem>>, vector<1x1x16x512xf32>,
    return
  }
}

module attributes {stable_mosaic.version = 14 : i64} {
  func.func @_stage_ak(%arg0: i32, %arg1: memref<2000x128xf32, #tpu.memory_space<vmem>>, %arg2: memref<2000x128xf32, #tpu.memory_space<vmem>>, %arg3: memref<2x128x112xf32, #tpu.memory_space<vmem>>, %arg4: memref<2000x128xf32, #tpu.memory_space<vmem>>, %arg5: memref<2000x128xf32, #tpu.memory_space<vmem>>) attributes {dimension_semantics = [#tpu.dimension_semantics<arbitrary>], iteration_bounds = array<i64: 25>, scalar_prefetch = 0 : i64, scratch_operands = 0 : i64, tpu.core_type = #tpu.core_type<tc>, window_params = [{transform_indices = @transform_0, window_bounds = array<i64: 2000, 128>}, {transform_indices = @transform_1, window_bounds = array<i64: 2000, 128>}, {pipeline_mode = #tpu.pipeline_mode<synchronous>, transform_indices = @transform_2, window_bounds = array<i64: 2, 128, 112>}, {transform_indices = @transform_3, window_bounds = array<i64: 2000, 128>}, {transform_indices = @transform_4, window_bounds = array<i64: 2000, 128>}]} {
    %broadcast_in_dim3A = arith.constant 0.000000e+00 : f32
    %broadcast_in_dim3A_0 = vector.broadcast %broadcast_in_dim3A : f32 to vector<2000x16xf32>
    %get3A = arith.constant 0 : index
    %get3A_1 = arith.constant 0 : index
    %get3A_2 = vector.load %arg1[%get3A, %get3A_1] : memref<2000x128xf32, #tpu.memory_space<vmem>>, vector<2000x128xf32>
    %get3A_3 = arith.constant 0 : index
    %get3A_4 = arith.constant 0 : index
    %get3A_5 = arith.constant 0 : index
    %get3A_6 = vector.load %arg3[%get3A_3, %get3A_4, %get3A_5] : memref<2x128x112xf32, #tpu.memory_space<vmem>>, vector<1x128x112xf32>
    %get3A_7 = vector.shape_cast %get3A_6 : vector<1x128x112xf32> to vector<128x112xf32>
    %dot_general3A = arith.constant dense<0.000000e+00> : vector<2000x112xf32>
    %dot_general3A_8 = tpu.matmul %get3A_2, %get3A_7, %dot_general3A {dimension_numbers = #tpu.dot_dimension_numbers<[1], [0], [0], [1], [0, 0, 1, 1], [], []>, transpose_lhs_hint = false} : vector<2000x128xf32>, vector<128x112xf32>, vector<2000x112xf32> -> vector<2000x112xf32>
    %concatenate3A = tpu.concatenate %dot_general3A_8, %broadcast_in_dim3A_0 in 1 : vector<2000x112xf32>, vector<2000x16xf32> -> vector<2000x128xf32>
    %swap3A = arith.constant 0 : index
    %swap3A_9 = arith.constant 0 : index
    %swap3A_10 = vector.load %arg4[%swap3A, %swap3A_9] : memref<2000x128xf32, #tpu.memory_space<vmem>>, vector<2000x128xf32>
    tpu.vector_store %arg4[%swap3A, %swap3A_9], %concatenate3A {strides = array<i32>} : memref<2000x128xf32, #tpu.memory_space<vmem>>, vector<2000x128xf32>,
    %get3A_11 = arith.constant 0 : index
    %get3A_12 = arith.constant 0 : index
    %get3A_13 = vector.load %arg2[%get3A_11, %get3A_12] : memref<2000x128xf32, #tpu.memory_space<vmem>>, vector<2000x128xf32>
    %get3A_14 = arith.constant 1 : index
    %get3A_15 = arith.constant 0 : index
    %get3A_16 = arith.constant 0 : index
    %get3A_17 = vector.load %arg3[%get3A_14, %get3A_15, %get3A_16] : memref<2x128x112xf32, #tpu.memory_space<vmem>>, vector<1x128x112xf32>
    %get3A_18 = vector.shape_cast %get3A_17 : vector<1x128x112xf32> to vector<128x112xf32>
    %dot_general3A_19 = arith.constant dense<0.000000e+00> : vector<2000x112xf32>
    %dot_general3A_20 = tpu.matmul %get3A_13, %get3A_18, %dot_general3A_19 {dimension_numbers = #tpu.dot_dimension_numbers<[1], [0], [0], [1], [0, 0, 1, 1], [], []>, transpose_lhs_hint = false} : vector<2000x128xf32>, vector<128x112xf32>, vector<2000x112xf32> -> vector<2000x112xf32>
    %concatenate3A_21 = tpu.concatenate %dot_general3A_20, %broadcast_in_dim3A_0 in 1 : vector<2000x112xf32>, vector<2000x16xf32> -> vector<2000x128xf32>
    %swap3A_22 = arith.constant 0 : index
    %swap3A_23 = arith.constant 0 : index
    %swap3A_24 = vector.load %arg5[%swap3A_22, %swap3A_23] : memref<2000x128xf32, #tpu.memory_space<vmem>>, vector<2000x128xf32>
    tpu.vector_store %arg5[%swap3A_22, %swap3A_23], %concatenate3A_21 {strides = array<i32>} : memref<2000x128xf32, #tpu.memory_space<vmem>>, vector<2000x128xf32>,
    return
  }
  func.func @transform_0(%arg0: i32) -> (i32, i32) {
    %c0_i32 = arith.constant 0 : i32
    %c0_i32_0 = arith.constant 0 : i32
    return %arg0, %c0_i32 : i32, i32
  }
  func.func @transform_1(%arg0: i32) -> (i32, i32) {
    %c0_i32 = arith.constant 0 : i32
    %c0_i32_0 = arith.constant 0 : i32
    return %arg0, %c0_i32 : i32, i32
  }
  func.func @transform_2(%arg0: i32) -> (i32, i32, i32) {
    %c0_i32 = arith.constant 0 : i32
    %c0_i32_0 = arith.constant 0 : i32
    %c0_i32_1 = arith.constant 0 : i32
    %c0_i32_2 = arith.constant 0 : i32
    return %c0_i32, %c0_i32_0, %c0_i32_1 : i32, i32, i32
  }
  func.func @transform_3(%arg0: i32) -> (i32, i32) {
    %c0_i32 = arith.constant 0 : i32
    %c0_i32_0 = arith.constant 0 : i32
    return %arg0, %c0_i32 : i32, i32
  }
  func.func @transform_4(%arg0: i32) -> (i32, i32) {
    %c0_i32 = arith.constant 0 : i32
    %c0_i32_0 = arith.constant 0 : i32
    return %arg0, %c0_i32 : i32, i32
  }
}

module attributes {stable_mosaic.version = 14 : i64} {
  func.func @_stage_c(%arg0: i32, %arg1: i32, %arg2: memref<1x1x1x8192xf32, #tpu.memory_space<vmem>>, %arg3: memref<1x16x112xf32, #tpu.memory_space<vmem>>, %arg4: memref<1x16x1xf32, #tpu.memory_space<vmem>>, %arg5: memref<1x1x1xf32, #tpu.memory_space<vmem>>, %arg6: memref<1x8192x112xf32, #tpu.memory_space<vmem>>) attributes {dimension_semantics = [#tpu.dimension_semantics<arbitrary>, #tpu.dimension_semantics<arbitrary>], iteration_bounds = array<i64: 2, 16>, scalar_prefetch = 0 : i64, scratch_operands = 0 : i64, tpu.core_type = #tpu.core_type<tc>, window_params = [{transform_indices = @transform_0, window_bounds = array<i64: 1, 1, 1, 8192>}, {transform_indices = @transform_1, window_bounds = array<i64: 1, 16, 112>}, {transform_indices = @transform_2, window_bounds = array<i64: 1, 16, 1>}, {transform_indices = @transform_3, window_bounds = array<i64: 1, 1, 1>}, {transform_indices = @transform_4, window_bounds = array<i64: 1, 8192, 112>}]} {
    %get3A = arith.constant 0 : index
    %get3A_0 = arith.constant 0 : index
    %get3A_1 = arith.constant 0 : index
    %get3A_2 = arith.constant 0 : index
    %get3A_3 = vector.load %arg2[%get3A, %get3A_0, %get3A_1, %get3A_2] : memref<1x1x1x8192xf32, #tpu.memory_space<vmem>>, vector<1x1x1x8192xf32>
    %get3A_4 = vector.shape_cast %get3A_3 : vector<1x1x1x8192xf32> to vector<1x8192xf32>
    %sqrt3A = math.sqrt %get3A_4 : vector<1x8192xf32>
    %get3A_5 = arith.constant 0 : index
    %get3A_6 = arith.constant 0 : index
    %get3A_7 = arith.constant 0 : index
    %get3A_8 = vector.load %arg5[%get3A_5, %get3A_6, %get3A_7] : memref<1x1x1xf32, #tpu.memory_space<vmem>>, vector<1x1x1xf32>
    %get3A_9 = vector.shape_cast %get3A_8 : vector<1x1x1xf32> to vector<1x1xf32>
    %mul3A = vector.broadcast %get3A_9 : vector<1x1xf32> to vector<1x8192xf32>
    %mul3A_10 = arith.mulf %sqrt3A, %mul3A : vector<1x8192xf32>
    %get3A_11 = arith.constant 0 : index
    %get3A_12 = arith.constant 0 : index
    %get3A_13 = arith.constant 0 : index
    %get3A_14 = vector.load %arg4[%get3A_11, %get3A_12, %get3A_13] : memref<1x16x1xf32, #tpu.memory_space<vmem>>, vector<1x16x1xf32>
    %get3A_15 = vector.shape_cast %get3A_14 : vector<1x16x1xf32> to vector<16x1xf32>
    %sub3A = vector.broadcast %mul3A_10 : vector<1x8192xf32> to vector<16x8192xf32>
    %sub3A_16 = vector.broadcast %get3A_15 : vector<16x1xf32> to vector<16x8192xf32>
    %sub3A_17 = arith.subf %sub3A, %sub3A_16 : vector<16x8192xf32>
    %mul3A_18 = arith.constant -5.000000e-01 : f32
    %mul3A_19 = vector.broadcast %mul3A_18 : f32 to vector<16x8192xf32>
    %mul3A_20 = arith.mulf %mul3A_19, %sub3A_17 : vector<16x8192xf32>
    %mul3A_21 = arith.mulf %mul3A_20, %sub3A_17 : vector<16x8192xf32>
    %exp3A = math.exp %mul3A_21 : vector<16x8192xf32>
    %get3A_22 = arith.constant 0 : index
    %get3A_23 = arith.constant 0 : index
    %get3A_24 = arith.constant 0 : index
    %get3A_25 = vector.load %arg3[%get3A_22, %get3A_23, %get3A_24] : memref<1x16x112xf32, #tpu.memory_space<vmem>>, vector<1x16x112xf32>
    %get3A_26 = vector.shape_cast %get3A_25 : vector<1x16x112xf32> to vector<16x112xf32>
    %dot_general3A = arith.constant dense<0.000000e+00> : vector<8192x112xf32>
    %dot_general3A_27 = tpu.matmul %exp3A, %get3A_26, %dot_general3A {dimension_numbers = #tpu.dot_dimension_numbers<[0], [0], [1], [1], [0, 1, 1, 1], [], []>, transpose_lhs_hint = false} : vector<16x8192xf32>, vector<16x112xf32>, vector<8192x112xf32> -> vector<8192x112xf32>
    %swap3A = arith.constant 0 : index
    %swap3A_28 = arith.constant 0 : index
    %swap3A_29 = arith.constant 0 : index
    %swap3A_30 = vector.load %arg6[%swap3A, %swap3A_28, %swap3A_29] : memref<1x8192x112xf32, #tpu.memory_space<vmem>>, vector<1x8192x112xf32>
    %swap3A_31 = vector.shape_cast %swap3A_30 : vector<1x8192x112xf32> to vector<8192x112xf32>
    %swap3A_32 = vector.shape_cast %dot_general3A_27 : vector<8192x112xf32> to vector<1x8192x112xf32>
    tpu.vector_store %arg6[%swap3A, %swap3A_28, %swap3A_29], %swap3A_32 {strides = array<i32>} : memref<1x8192x112xf32, #tpu.memory_space<vmem>>, vector<1x8192x112xf32>,
    return
  }
  func.func @transform_0(%arg0: i32, %arg1: i32) -> (i32, i32, i32, i32) {
    %c0_i32 = arith.constant 0 : i32
    %c0_i32_0 = arith.constant 0 : i32
    %c0_i32_1 = arith.constant 0 : i32
    return %arg0, %arg1, %c0_i32, %c0_i32_0 : i32, i32, i32, i32
  }
  func.func @transform_1(%arg0: i32, %arg1: i32) -> (i32, i32, i32) {
    %c0_i32 = arith.constant 0 : i32
    %c0_i32_0 = arith.constant 0 : i32
    %c0_i32_1 = arith.constant 0 : i32
    return %arg0, %c0_i32, %c0_i32_0 : i32, i32, i32
  }
  func.func @transform_2(%arg0: i32, %arg1: i32) -> (i32, i32, i32) {
    %c0_i32 = arith.constant 0 : i32
    %c0_i32_0 = arith.constant 0 : i32
    %c0_i32_1 = arith.constant 0 : i32
    return %arg0, %c0_i32, %c0_i32_0 : i32, i32, i32
  }
  func.func @transform_3(%arg0: i32, %arg1: i32) -> (i32, i32, i32) {
    %c0_i32 = arith.constant 0 : i32
    %c0_i32_0 = arith.constant 0 : i32
    %c0_i32_1 = arith.constant 0 : i32
    return %arg0, %c0_i32, %c0_i32_0 : i32, i32, i32
  }
  func.func @transform_4(%arg0: i32, %arg1: i32) -> (i32, i32, i32) {
    %c0_i32 = arith.constant 0 : i32
    %c0_i32_0 = arith.constant 0 : i32
    return %arg0, %arg1, %c0_i32 : i32, i32, i32
  }
}

module attributes {stable_mosaic.version = 14 : i64} {
  func.func @_stage_e1(%arg0: i32, %arg1: memref<2x512x128xf32, #tpu.memory_space<vmem>>, %arg2: memref<1x1x112xf32, #tpu.memory_space<vmem>>, %arg3: memref<512x32xf32, #tpu.memory_space<vmem>>, %arg4: memref<1x512x24xf32, #tpu.memory_space<vmem>>, %arg5: memref<168x128xf32, #tpu.memory_space<vmem>>, %arg6: memref<1x128xf32, #tpu.memory_space<vmem>>, %arg7: memref<128x3xf32, #tpu.memory_space<vmem>>, %arg8: memref<1x3xf32, #tpu.memory_space<vmem>>, %arg9: memref<168x128xf32, #tpu.memory_space<vmem>>, %arg10: memref<1x128xf32, #tpu.memory_space<vmem>>, %arg11: memref<128x3xf32, #tpu.memory_space<vmem>>, %arg12: memref<1x3xf32, #tpu.memory_space<vmem>>, %arg13: memref<1x512x3xf32, #tpu.memory_space<vmem>>, %arg14: memref<1x512x3xf32, #tpu.memory_space<vmem>>) attributes {dimension_semantics = [#tpu.dimension_semantics<arbitrary>], iteration_bounds = array<i64: 16>, scalar_prefetch = 0 : i64, scratch_operands = 0 : i64, tpu.core_type = #tpu.core_type<tc>, window_params = [{transform_indices = @transform_0, window_bounds = array<i64: 2, 512, 128>}, {transform_indices = @transform_1, window_bounds = array<i64: 1, 1, 112>}, {pipeline_mode = #tpu.pipeline_mode<synchronous>, transform_indices = @transform_2, window_bounds = array<i64: 512, 32>}, {transform_indices = @transform_3, window_bounds = array<i64: 1, 512, 24>}, {pipeline_mode = #tpu.pipeline_mode<synchronous>, transform_indices = @transform_4, window_bounds = array<i64: 168, 128>}, {pipeline_mode = #tpu.pipeline_mode<synchronous>, transform_indices = @transform_5, window_bounds = array<i64: 1, 128>}, {pipeline_mode = #tpu.pipeline_mode<synchronous>, transform_indices = @transform_6, window_bounds = array<i64: 128, 3>}, {pipeline_mode = #tpu.pipeline_mode<synchronous>, transform_indices = @transform_7, window_bounds = array<i64: 1, 3>}, {pipeline_mode = #tpu.pipeline_mode<synchronous>, transform_indices = @transform_8, window_bounds = array<i64: 168, 128>}, {pipeline_mode = #tpu.pipeline_mode<synchronous>, transform_indices = @transform_9, window_bounds = array<i64: 1, 128>}, {pipeline_mode = #tpu.pipeline_mode<synchronous>, transform_indices = @transform_10, window_bounds = array<i64: 128, 3>}, {pipeline_mode = #tpu.pipeline_mode<synchronous>, transform_indices = @transform_11, window_bounds = array<i64: 1, 3>}, {transform_indices = @transform_12, window_bounds = array<i64: 1, 512, 3>}, {transform_indices = @transform_13, window_bounds = array<i64: 1, 512, 3>}]} {
    %get3A = arith.constant 0 : index
    %get3A_0 = arith.constant 0 : index
    %get3A_1 = arith.constant 0 : index
    %get3A_2 = vector.load %arg1[%get3A, %get3A_0, %get3A_1] : memref<2x512x128xf32, #tpu.memory_space<vmem>>, vector<1x512x128xf32>
    %get3A_3 = vector.shape_cast %get3A_2 : vector<1x512x128xf32> to vector<512x128xf32>
    %get3A_4 = arith.constant 1 : index
    %get3A_5 = arith.constant 0 : index
    %get3A_6 = arith.constant 0 : index
    %get3A_7 = vector.load %arg1[%get3A_4, %get3A_5, %get3A_6] : memref<2x512x128xf32, #tpu.memory_space<vmem>>, vector<1x512x128xf32>
    %get3A_8 = vector.shape_cast %get3A_7 : vector<1x512x128xf32> to vector<512x128xf32>
    %slice3A = vector.extract_strided_slice %get3A_3 {offsets = [0, 0], sizes = [512, 112], strides = [1, 1]} : vector<512x128xf32> to vector<512x112xf32>
    %slice3A_9 = vector.extract_strided_slice %get3A_3 {offsets = [0, 112], sizes = [512, 1], strides = [1, 1]} : vector<512x128xf32> to vector<512x1xf32>
    %add3A = arith.constant 9.99999997E-7 : f32
    %add3A_10 = vector.broadcast %add3A : f32 to vector<512x1xf32>
    %add3A_11 = arith.addf %slice3A_9, %add3A_10 : vector<512x1xf32>
    %div3A = vector.broadcast %add3A_11 : vector<512x1xf32> to vector<512x112xf32>
    %div3A_12 = arith.divf %slice3A, %div3A : vector<512x112xf32>
    %slice3A_13 = vector.extract_strided_slice %get3A_8 {offsets = [0, 0], sizes = [512, 112], strides = [1, 1]} : vector<512x128xf32> to vector<512x112xf32>
    %slice3A_14 = vector.extract_strided_slice %get3A_8 {offsets = [0, 112], sizes = [512, 1], strides = [1, 1]} : vector<512x128xf32> to vector<512x1xf32>
    %add3A_15 = arith.constant 9.99999997E-7 : f32
    %add3A_16 = vector.broadcast %add3A_15 : f32 to vector<512x1xf32>
    %add3A_17 = arith.addf %slice3A_14, %add3A_16 : vector<512x1xf32>
    %div3A_18 = vector.broadcast %add3A_17 : vector<512x1xf32> to vector<512x112xf32>
    %div3A_19 = arith.divf %slice3A_13, %div3A_18 : vector<512x112xf32>
    %add3A_20 = arith.addf %div3A_12, %div3A_19 : vector<512x112xf32>
    %get3A_21 = arith.constant 0 : index
    %get3A_22 = arith.constant 0 : index
    %get3A_23 = arith.constant 0 : index
    %get3A_24 = vector.load %arg2[%get3A_21, %get3A_22, %get3A_23] : memref<1x1x112xf32, #tpu.memory_space<vmem>>, vector<1x1x112xf32>
    %get3A_25 = vector.shape_cast %get3A_24 : vector<1x1x112xf32> to vector<1x112xf32>
    %add3A_26 = vector.broadcast %get3A_25 : vector<1x112xf32> to vector<512x112xf32>
    %add3A_27 = arith.addf %add3A_20, %add3A_26 : vector<512x112xf32>
    %neg3A = arith.constant 0.000000e+00 : f32
    %neg3A_28 = vector.broadcast %neg3A : f32 to vector<512x112xf32>
    %neg3A_29 = arith.subf %neg3A_28, %add3A_27 : vector<512x112xf32>
    %exp3A = math.exp %neg3A_29 : vector<512x112xf32>
    %add3A_30 = arith.constant 1.000000e+00 : f32
    %add3A_31 = vector.broadcast %add3A_30 : f32 to vector<512x112xf32>
    %add3A_32 = arith.addf %add3A_31, %exp3A : vector<512x112xf32>
    %div3A_33 = arith.constant 1.000000e+00 : f32
    %div3A_34 = vector.broadcast %div3A_33 : f32 to vector<512x112xf32>
    %div3A_35 = arith.divf %div3A_34, %add3A_32 : vector<512x112xf32>
    %mul3A = arith.mulf %add3A_27, %div3A_35 : vector<512x112xf32>
    %get3A_36 = arith.constant 0 : index
    %get3A_37 = arith.constant 0 : index
    %get3A_38 = vector.load %arg3[%get3A_36, %get3A_37] : memref<512x32xf32, #tpu.memory_space<vmem>>, vector<512x32xf32>
    %get3A_39 = arith.constant 0 : index
    %get3A_40 = arith.constant 0 : index
    %get3A_41 = arith.constant 0 : index
    %get3A_42 = vector.load %arg4[%get3A_39, %get3A_40, %get3A_41] : memref<1x512x24xf32, #tpu.memory_space<vmem>>, vector<1x512x24xf32>
    %get3A_43 = vector.shape_cast %get3A_42 : vector<1x512x24xf32> to vector<512x24xf32>
    %concatenate3A = tpu.concatenate %mul3A, %get3A_38, %get3A_43 in 1 : vector<512x112xf32>, vector<512x32xf32>, vector<512x24xf32> -> vector<512x168xf32>
    %get3A_44 = arith.constant 0 : index
    %get3A_45 = arith.constant 0 : index
    %get3A_46 = vector.load %arg5[%get3A_44, %get3A_45] : memref<168x128xf32, #tpu.memory_space<vmem>>, vector<168x128xf32>
    %dot_general3A = arith.constant dense<0.000000e+00> : vector<512x128xf32>
    %dot_general3A_47 = tpu.matmul %concatenate3A, %get3A_46, %dot_general3A {dimension_numbers = #tpu.dot_dimension_numbers<[1], [0], [0], [1], [0, 0, 1, 1], [], []>, transpose_lhs_hint = false} : vector<512x168xf32>, vector<168x128xf32>, vector<512x128xf32> -> vector<512x128xf32>
    %get3A_48 = arith.constant 0 : index
    %get3A_49 = arith.constant 0 : index
    %get3A_50 = vector.load %arg6[%get3A_48, %get3A_49] : memref<1x128xf32, #tpu.memory_space<vmem>>, vector<1x128xf32>
    %add3A_51 = vector.broadcast %get3A_50 : vector<1x128xf32> to vector<512x128xf32>
    %add3A_52 = arith.addf %dot_general3A_47, %add3A_51 : vector<512x128xf32>
    %neg3A_53 = arith.constant 0.000000e+00 : f32
    %neg3A_54 = vector.broadcast %neg3A_53 : f32 to vector<512x128xf32>
    %neg3A_55 = arith.subf %neg3A_54, %add3A_52 : vector<512x128xf32>
    %exp3A_56 = math.exp %neg3A_55 : vector<512x128xf32>
    %add3A_57 = arith.constant 1.000000e+00 : f32
    %add3A_58 = vector.broadcast %add3A_57 : f32 to vector<512x128xf32>
    %add3A_59 = arith.addf %add3A_58, %exp3A_56 : vector<512x128xf32>
    %div3A_60 = arith.constant 1.000000e+00 : f32
    %div3A_61 = vector.broadcast %div3A_60 : f32 to vector<512x128xf32>
    %div3A_62 = arith.divf %div3A_61, %add3A_59 : vector<512x128xf32>
    %mul3A_63 = arith.mulf %add3A_52, %div3A_62 : vector<512x128xf32>
    %get3A_64 = arith.constant 0 : index
    %get3A_65 = arith.constant 0 : index
    %get3A_66 = vector.load %arg7[%get3A_64, %get3A_65] : memref<128x3xf32, #tpu.memory_space<vmem>>, vector<128x3xf32>
    %dot_general3A_67 = arith.constant dense<0.000000e+00> : vector<512x3xf32>
    %dot_general3A_68 = tpu.matmul %mul3A_63, %get3A_66, %dot_general3A_67 {dimension_numbers = #tpu.dot_dimension_numbers<[1], [0], [0], [1], [0, 0, 1, 1], [], []>, transpose_lhs_hint = false} : vector<512x128xf32>, vector<128x3xf32>, vector<512x3xf32> -> vector<512x3xf32>
    %get3A_69 = arith.constant 0 : index
    %get3A_70 = arith.constant 0 : index
    %get3A_71 = vector.load %arg8[%get3A_69, %get3A_70] : memref<1x3xf32, #tpu.memory_space<vmem>>, vector<1x3xf32>
    %add3A_72 = vector.broadcast %get3A_71 : vector<1x3xf32> to vector<512x3xf32>
    %add3A_73 = arith.addf %dot_general3A_68, %add3A_72 : vector<512x3xf32>
    %swap3A = arith.constant 0 : index
    %swap3A_74 = arith.constant 0 : index
    %swap3A_75 = arith.constant 0 : index
    %swap3A_76 = vector.load %arg13[%swap3A, %swap3A_74, %swap3A_75] : memref<1x512x3xf32, #tpu.memory_space<vmem>>, vector<1x512x3xf32>
    %swap3A_77 = vector.shape_cast %swap3A_76 : vector<1x512x3xf32> to vector<512x3xf32>
    %swap3A_78 = vector.shape_cast %add3A_73 : vector<512x3xf32> to vector<1x512x3xf32>
    tpu.vector_store %arg13[%swap3A, %swap3A_74, %swap3A_75], %swap3A_78 {strides = array<i32>} : memref<1x512x3xf32, #tpu.memory_space<vmem>>, vector<1x512x3xf32>,
    %get3A_79 = arith.constant 0 : index
    %get3A_80 = arith.constant 0 : index
    %get3A_81 = vector.load %arg9[%get3A_79, %get3A_80] : memref<168x128xf32, #tpu.memory_space<vmem>>, vector<168x128xf32>
    %dot_general3A_82 = arith.constant dense<0.000000e+00> : vector<512x128xf32>
    %dot_general3A_83 = tpu.matmul %concatenate3A, %get3A_81, %dot_general3A_82 {dimension_numbers = #tpu.dot_dimension_numbers<[1], [0], [0], [1], [0, 0, 1, 1], [], []>, transpose_lhs_hint = false} : vector<512x168xf32>, vector<168x128xf32>, vector<512x128xf32> -> vector<512x128xf32>
    %get3A_84 = arith.constant 0 : index
    %get3A_85 = arith.constant 0 : index
    %get3A_86 = vector.load %arg10[%get3A_84, %get3A_85] : memref<1x128xf32, #tpu.memory_space<vmem>>, vector<1x128xf32>
    %add3A_87 = vector.broadcast %get3A_86 : vector<1x128xf32> to vector<512x128xf32>
    %add3A_88 = arith.addf %dot_general3A_83, %add3A_87 : vector<512x128xf32>
    %neg3A_89 = arith.constant 0.000000e+00 : f32
    %neg3A_90 = vector.broadcast %neg3A_89 : f32 to vector<512x128xf32>
    %neg3A_91 = arith.subf %neg3A_90, %add3A_88 : vector<512x128xf32>
    %exp3A_92 = math.exp %neg3A_91 : vector<512x128xf32>
    %add3A_93 = arith.constant 1.000000e+00 : f32
    %add3A_94 = vector.broadcast %add3A_93 : f32 to vector<512x128xf32>
    %add3A_95 = arith.addf %add3A_94, %exp3A_92 : vector<512x128xf32>
    %div3A_96 = arith.constant 1.000000e+00 : f32
    %div3A_97 = vector.broadcast %div3A_96 : f32 to vector<512x128xf32>
    %div3A_98 = arith.divf %div3A_97, %add3A_95 : vector<512x128xf32>
    %mul3A_99 = arith.mulf %add3A_88, %div3A_98 : vector<512x128xf32>
    %get3A_100 = arith.constant 0 : index
    %get3A_101 = arith.constant 0 : index
    %get3A_102 = vector.load %arg11[%get3A_100, %get3A_101] : memref<128x3xf32, #tpu.memory_space<vmem>>, vector<128x3xf32>
    %dot_general3A_103 = arith.constant dense<0.000000e+00> : vector<512x3xf32>
    %dot_general3A_104 = tpu.matmul %mul3A_99, %get3A_102, %dot_general3A_103 {dimension_numbers = #tpu.dot_dimension_numbers<[1], [0], [0], [1], [0, 0, 1, 1], [], []>, transpose_lhs_hint = false} : vector<512x128xf32>, vector<128x3xf32>, vector<512x3xf32> -> vector<512x3xf32>
    %get3A_105 = arith.constant 0 : index
    %get3A_106 = arith.constant 0 : index
    %get3A_107 = vector.load %arg12[%get3A_105, %get3A_106] : memref<1x3xf32, #tpu.memory_space<vmem>>, vector<1x3xf32>
    %add3A_108 = vector.broadcast %get3A_107 : vector<1x3xf32> to vector<512x3xf32>
    %add3A_109 = arith.addf %dot_general3A_104, %add3A_108 : vector<512x3xf32>
    %swap3A_110 = arith.constant 0 : index
    %swap3A_111 = arith.constant 0 : index
    %swap3A_112 = arith.constant 0 : index
    %swap3A_113 = vector.load %arg14[%swap3A_110, %swap3A_111, %swap3A_112] : memref<1x512x3xf32, #tpu.memory_space<vmem>>, vector<1x512x3xf32>
    %swap3A_114 = vector.shape_cast %swap3A_113 : vector<1x512x3xf32> to vector<512x3xf32>
    %swap3A_115 = vector.shape_cast %add3A_109 : vector<512x3xf32> to vector<1x512x3xf32>
    tpu.vector_store %arg14[%swap3A_110, %swap3A_111, %swap3A_112], %swap3A_115 {strides = array<i32>} : memref<1x512x3xf32, #tpu.memory_space<vmem>>, vector<1x512x3xf32>,
    return
  }
  func.func @transform_0(%arg0: i32) -> (i32, i32, i32) {
    %c0_i32 = arith.constant 0 : i32
    %c0_i32_0 = arith.constant 0 : i32
    %c0_i32_1 = arith.constant 0 : i32
    return %c0_i32, %arg0, %c0_i32_0 : i32, i32, i32
  }
  func.func @transform_1(%arg0: i32) -> (i32, i32, i32) {
    %c0_i32 = arith.constant 0 : i32
    %c0_i32_0 = arith.constant 0 : i32
    %c0_i32_1 = arith.constant 0 : i32
    return %arg0, %c0_i32, %c0_i32_0 : i32, i32, i32
  }
  func.func @transform_2(%arg0: i32) -> (i32, i32) {
    %c0_i32 = arith.constant 0 : i32
    %c0_i32_0 = arith.constant 0 : i32
    %c0_i32_1 = arith.constant 0 : i32
    return %c0_i32, %c0_i32_0 : i32, i32
  }
  func.func @transform_3(%arg0: i32) -> (i32, i32, i32) {
    %c0_i32 = arith.constant 0 : i32
    %c0_i32_0 = arith.constant 0 : i32
    %c0_i32_1 = arith.constant 0 : i32
    return %arg0, %c0_i32, %c0_i32_0 : i32, i32, i32
  }
  func.func @transform_4(%arg0: i32) -> (i32, i32) {
    %c0_i32 = arith.constant 0 : i32
    %c0_i32_0 = arith.constant 0 : i32
    %c0_i32_1 = arith.constant 0 : i32
    return %c0_i32, %c0_i32_0 : i32, i32
  }
  func.func @transform_5(%arg0: i32) -> (i32, i32) {
    %c0_i32 = arith.constant 0 : i32
    %c0_i32_0 = arith.constant 0 : i32
    %c0_i32_1 = arith.constant 0 : i32
    return %c0_i32, %c0_i32_0 : i32, i32
  }
  func.func @transform_6(%arg0: i32) -> (i32, i32) {
    %c0_i32 = arith.constant 0 : i32
    %c0_i32_0 = arith.constant 0 : i32
    %c0_i32_1 = arith.constant 0 : i32
    return %c0_i32, %c0_i32_0 : i32, i32
  }
  func.func @transform_7(%arg0: i32) -> (i32, i32) {
    %c0_i32 = arith.constant 0 : i32
    %c0_i32_0 = arith.constant 0 : i32
    %c0_i32_1 = arith.constant 0 : i32
    return %c0_i32, %c0_i32_0 : i32, i32
  }
  func.func @transform_8(%arg0: i32) -> (i32, i32) {
    %c0_i32 = arith.constant 0 : i32
    %c0_i32_0 = arith.constant 0 : i32
    %c0_i32_1 = arith.constant 0 : i32
    return %c0_i32, %c0_i32_0 : i32, i32
  }
  func.func @transform_9(%arg0: i32) -> (i32, i32) {
    %c0_i32 = arith.constant 0 : i32
    %c0_i32_0 = arith.constant 0 : i32
    %c0_i32_1 = arith.constant 0 : i32
    return %c0_i32, %c0_i32_0 : i32, i32
  }
  func.func @transform_10(%arg0: i32) -> (i32, i32) {
    %c0_i32 = arith.constant 0 : i32
    %c0_i32_0 = arith.constant 0 : i32
    %c0_i32_1 = arith.constant 0 : i32
    return %c0_i32, %c0_i32_0 : i32, i32
  }
  func.func @transform_11(%arg0: i32) -> (i32, i32) {
    %c0_i32 = arith.constant 0 : i32
    %c0_i32_0 = arith.constant 0 : i32
    %c0_i32_1 = arith.constant 0 : i32
    return %c0_i32, %c0_i32_0 : i32, i32
  }
  func.func @transform_12(%arg0: i32) -> (i32, i32, i32) {
    %c0_i32 = arith.constant 0 : i32
    %c0_i32_0 = arith.constant 0 : i32
    %c0_i32_1 = arith.constant 0 : i32
    return %arg0, %c0_i32, %c0_i32_0 : i32, i32, i32
  }
  func.func @transform_13(%arg0: i32) -> (i32, i32, i32) {
    %c0_i32 = arith.constant 0 : i32
    %c0_i32_0 = arith.constant 0 : i32
    %c0_i32_1 = arith.constant 0 : i32
    return %arg0, %c0_i32, %c0_i32_0 : i32, i32, i32
  }
}

module attributes {stable_mosaic.version = 14 : i64} {
  func.func @_stage_e2(%arg0: memref<3x16x512xf32, #tpu.memory_space<vmem>>, %arg1: memref<3x16x512xf32, #tpu.memory_space<vmem>>, %arg2: memref<16x4xf32, #tpu.memory_space<vmem>>, %arg3: memref<3x512xf32, #tpu.memory_space<vmem>>, %arg4: memref<1x512xf32, #tpu.memory_space<vmem>>, %arg5: memref<16x3xf32, #tpu.memory_space<vmem>>, %arg6: memref<16x3xf32, #tpu.memory_space<vmem>>) attributes {dimension_semantics = [], scalar_prefetch = 0 : i64, scratch_operands = 0 : i64, tpu.core_type = #tpu.core_type<tc>} {
    %get3A = arith.constant 0 : index
    %get3A_0 = arith.constant 0 : index
    %get3A_1 = vector.load %arg2[%get3A, %get3A_0] : memref<16x4xf32, #tpu.memory_space<vmem>>, vector<16x1xf32>
    %get3A_2 = arith.constant 0 : index
    %get3A_3 = arith.constant 1 : index
    %get3A_4 = vector.load %arg2[%get3A_2, %get3A_3] : memref<16x4xf32, #tpu.memory_space<vmem>>, vector<16x1xf32>
    %get3A_5 = arith.constant 0 : index
    %get3A_6 = arith.constant 2 : index
    %get3A_7 = vector.load %arg2[%get3A_5, %get3A_6] : memref<16x4xf32, #tpu.memory_space<vmem>>, vector<16x1xf32>
    %get3A_8 = arith.constant 0 : index
    %get3A_9 = arith.constant 3 : index
    %get3A_10 = vector.load %arg2[%get3A_8, %get3A_9] : memref<16x4xf32, #tpu.memory_space<vmem>>, vector<16x1xf32>
    %get3A_11 = arith.constant 0 : index
    %get3A_12 = arith.constant 0 : index
    %get3A_13 = arith.constant 0 : index
    %get3A_14 = vector.load %arg0[%get3A_11, %get3A_12, %get3A_13] : memref<3x16x512xf32, #tpu.memory_space<vmem>>, vector<1x16x512xf32>
    %get3A_15 = vector.shape_cast %get3A_14 : vector<1x16x512xf32> to vector<16x512xf32>
    %get3A_16 = arith.constant 1 : index
    %get3A_17 = arith.constant 0 : index
    %get3A_18 = arith.constant 0 : index
    %get3A_19 = vector.load %arg0[%get3A_16, %get3A_17, %get3A_18] : memref<3x16x512xf32, #tpu.memory_space<vmem>>, vector<1x16x512xf32>
    %get3A_20 = vector.shape_cast %get3A_19 : vector<1x16x512xf32> to vector<16x512xf32>
    %get3A_21 = arith.constant 2 : index
    %get3A_22 = arith.constant 0 : index
    %get3A_23 = arith.constant 0 : index
    %get3A_24 = vector.load %arg0[%get3A_21, %get3A_22, %get3A_23] : memref<3x16x512xf32, #tpu.memory_space<vmem>>, vector<1x16x512xf32>
    %get3A_25 = vector.shape_cast %get3A_24 : vector<1x16x512xf32> to vector<16x512xf32>
    %mul3A = vector.broadcast %get3A_7 : vector<16x1xf32> to vector<16x512xf32>
    %mul3A_26 = arith.mulf %mul3A, %get3A_25 : vector<16x512xf32>
    %mul3A_27 = vector.broadcast %get3A_10 : vector<16x1xf32> to vector<16x512xf32>
    %mul3A_28 = arith.mulf %mul3A_27, %get3A_20 : vector<16x512xf32>
    %sub3A = arith.subf %mul3A_26, %mul3A_28 : vector<16x512xf32>
    %mul3A_29 = arith.constant 2.000000e+00 : f32
    %mul3A_30 = vector.broadcast %mul3A_29 : f32 to vector<16x512xf32>
    %mul3A_31 = arith.mulf %mul3A_30, %sub3A : vector<16x512xf32>
    %mul3A_32 = vector.broadcast %get3A_10 : vector<16x1xf32> to vector<16x512xf32>
    %mul3A_33 = arith.mulf %mul3A_32, %get3A_15 : vector<16x512xf32>
    %mul3A_34 = vector.broadcast %get3A_4 : vector<16x1xf32> to vector<16x512xf32>
    %mul3A_35 = arith.mulf %mul3A_34, %get3A_25 : vector<16x512xf32>
    %sub3A_36 = arith.subf %mul3A_33, %mul3A_35 : vector<16x512xf32>
    %mul3A_37 = arith.constant 2.000000e+00 : f32
    %mul3A_38 = vector.broadcast %mul3A_37 : f32 to vector<16x512xf32>
    %mul3A_39 = arith.mulf %mul3A_38, %sub3A_36 : vector<16x512xf32>
    %mul3A_40 = vector.broadcast %get3A_4 : vector<16x1xf32> to vector<16x512xf32>
    %mul3A_41 = arith.mulf %mul3A_40, %get3A_20 : vector<16x512xf32>
    %mul3A_42 = vector.broadcast %get3A_7 : vector<16x1xf32> to vector<16x512xf32>
    %mul3A_43 = arith.mulf %mul3A_42, %get3A_15 : vector<16x512xf32>
    %sub3A_44 = arith.subf %mul3A_41, %mul3A_43 : vector<16x512xf32>
    %mul3A_45 = arith.constant 2.000000e+00 : f32
    %mul3A_46 = vector.broadcast %mul3A_45 : f32 to vector<16x512xf32>
    %mul3A_47 = arith.mulf %mul3A_46, %sub3A_44 : vector<16x512xf32>
    %mul3A_48 = vector.broadcast %get3A_1 : vector<16x1xf32> to vector<16x512xf32>
    %mul3A_49 = arith.mulf %mul3A_48, %mul3A_31 : vector<16x512xf32>
    %sub3A_50 = arith.subf %get3A_15, %mul3A_49 : vector<16x512xf32>
    %mul3A_51 = vector.broadcast %get3A_7 : vector<16x1xf32> to vector<16x512xf32>
    %mul3A_52 = arith.mulf %mul3A_51, %mul3A_47 : vector<16x512xf32>
    %mul3A_53 = vector.broadcast %get3A_10 : vector<16x1xf32> to vector<16x512xf32>
    %mul3A_54 = arith.mulf %mul3A_53, %mul3A_39 : vector<16x512xf32>
    %sub3A_55 = arith.subf %mul3A_52, %mul3A_54 : vector<16x512xf32>
    %add3A = arith.addf %sub3A_50, %sub3A_55 : vector<16x512xf32>
    %mul3A_56 = vector.broadcast %get3A_1 : vector<16x1xf32> to vector<16x512xf32>
    %mul3A_57 = arith.mulf %mul3A_56, %mul3A_39 : vector<16x512xf32>
    %sub3A_58 = arith.subf %get3A_20, %mul3A_57 : vector<16x512xf32>
    %mul3A_59 = vector.broadcast %get3A_10 : vector<16x1xf32> to vector<16x512xf32>
    %mul3A_60 = arith.mulf %mul3A_59, %mul3A_31 : vector<16x512xf32>
    %mul3A_61 = vector.broadcast %get3A_4 : vector<16x1xf32> to vector<16x512xf32>
    %mul3A_62 = arith.mulf %mul3A_61, %mul3A_47 : vector<16x512xf32>
    %sub3A_63 = arith.subf %mul3A_60, %mul3A_62 : vector<16x512xf32>
    %add3A_64 = arith.addf %sub3A_58, %sub3A_63 : vector<16x512xf32>
    %mul3A_65 = vector.broadcast %get3A_1 : vector<16x1xf32> to vector<16x512xf32>
    %mul3A_66 = arith.mulf %mul3A_65, %mul3A_47 : vector<16x512xf32>
    %sub3A_67 = arith.subf %get3A_25, %mul3A_66 : vector<16x512xf32>
    %mul3A_68 = vector.broadcast %get3A_4 : vector<16x1xf32> to vector<16x512xf32>
    %mul3A_69 = arith.mulf %mul3A_68, %mul3A_39 : vector<16x512xf32>
    %mul3A_70 = vector.broadcast %get3A_7 : vector<16x1xf32> to vector<16x512xf32>
    %mul3A_71 = arith.mulf %mul3A_70, %mul3A_31 : vector<16x512xf32>
    %sub3A_72 = arith.subf %mul3A_69, %mul3A_71 : vector<16x512xf32>
    %add3A_73 = arith.addf %sub3A_67, %sub3A_72 : vector<16x512xf32>
    %get3A_74 = arith.constant 0 : index
    %get3A_75 = arith.constant 0 : index
    %get3A_76 = arith.constant 0 : index
    %get3A_77 = vector.load %arg1[%get3A_74, %get3A_75, %get3A_76] : memref<3x16x512xf32, #tpu.memory_space<vmem>>, vector<1x16x512xf32>
    %get3A_78 = vector.shape_cast %get3A_77 : vector<1x16x512xf32> to vector<16x512xf32>
    %get3A_79 = arith.constant 1 : index
    %get3A_80 = arith.constant 0 : index
    %get3A_81 = arith.constant 0 : index
    %get3A_82 = vector.load %arg1[%get3A_79, %get3A_80, %get3A_81] : memref<3x16x512xf32, #tpu.memory_space<vmem>>, vector<1x16x512xf32>
    %get3A_83 = vector.shape_cast %get3A_82 : vector<1x16x512xf32> to vector<16x512xf32>
    %get3A_84 = arith.constant 2 : index
    %get3A_85 = arith.constant 0 : index
    %get3A_86 = arith.constant 0 : index
    %get3A_87 = vector.load %arg1[%get3A_84, %get3A_85, %get3A_86] : memref<3x16x512xf32, #tpu.memory_space<vmem>>, vector<1x16x512xf32>
    %get3A_88 = vector.shape_cast %get3A_87 : vector<1x16x512xf32> to vector<16x512xf32>
    %mul3A_89 = vector.broadcast %get3A_7 : vector<16x1xf32> to vector<16x512xf32>
    %mul3A_90 = arith.mulf %mul3A_89, %get3A_88 : vector<16x512xf32>
    %mul3A_91 = vector.broadcast %get3A_10 : vector<16x1xf32> to vector<16x512xf32>
    %mul3A_92 = arith.mulf %mul3A_91, %get3A_83 : vector<16x512xf32>
    %sub3A_93 = arith.subf %mul3A_90, %mul3A_92 : vector<16x512xf32>
    %mul3A_94 = arith.constant 2.000000e+00 : f32
    %mul3A_95 = vector.broadcast %mul3A_94 : f32 to vector<16x512xf32>
    %mul3A_96 = arith.mulf %mul3A_95, %sub3A_93 : vector<16x512xf32>
    %mul3A_97 = vector.broadcast %get3A_10 : vector<16x1xf32> to vector<16x512xf32>
    %mul3A_98 = arith.mulf %mul3A_97, %get3A_78 : vector<16x512xf32>
    %mul3A_99 = vector.broadcast %get3A_4 : vector<16x1xf32> to vector<16x512xf32>
    %mul3A_100 = arith.mulf %mul3A_99, %get3A_88 : vector<16x512xf32>
    %sub3A_101 = arith.subf %mul3A_98, %mul3A_100 : vector<16x512xf32>
    %mul3A_102 = arith.constant 2.000000e+00 : f32
    %mul3A_103 = vector.broadcast %mul3A_102 : f32 to vector<16x512xf32>
    %mul3A_104 = arith.mulf %mul3A_103, %sub3A_101 : vector<16x512xf32>
    %mul3A_105 = vector.broadcast %get3A_4 : vector<16x1xf32> to vector<16x512xf32>
    %mul3A_106 = arith.mulf %mul3A_105, %get3A_83 : vector<16x512xf32>
    %mul3A_107 = vector.broadcast %get3A_7 : vector<16x1xf32> to vector<16x512xf32>
    %mul3A_108 = arith.mulf %mul3A_107, %get3A_78 : vector<16x512xf32>
    %sub3A_109 = arith.subf %mul3A_106, %mul3A_108 : vector<16x512xf32>
    %mul3A_110 = arith.constant 2.000000e+00 : f32
    %mul3A_111 = vector.broadcast %mul3A_110 : f32 to vector<16x512xf32>
    %mul3A_112 = arith.mulf %mul3A_111, %sub3A_109 : vector<16x512xf32>
    %mul3A_113 = vector.broadcast %get3A_1 : vector<16x1xf32> to vector<16x512xf32>
    %mul3A_114 = arith.mulf %mul3A_113, %mul3A_96 : vector<16x512xf32>
    %sub3A_115 = arith.subf %get3A_78, %mul3A_114 : vector<16x512xf32>
    %mul3A_116 = vector.broadcast %get3A_7 : vector<16x1xf32> to vector<16x512xf32>
    %mul3A_117 = arith.mulf %mul3A_116, %mul3A_112 : vector<16x512xf32>
    %mul3A_118 = vector.broadcast %get3A_10 : vector<16x1xf32> to vector<16x512xf32>
    %mul3A_119 = arith.mulf %mul3A_118, %mul3A_104 : vector<16x512xf32>
    %sub3A_120 = arith.subf %mul3A_117, %mul3A_119 : vector<16x512xf32>
    %add3A_121 = arith.addf %sub3A_115, %sub3A_120 : vector<16x512xf32>
    %mul3A_122 = vector.broadcast %get3A_1 : vector<16x1xf32> to vector<16x512xf32>
    %mul3A_123 = arith.mulf %mul3A_122, %mul3A_104 : vector<16x512xf32>
    %sub3A_124 = arith.subf %get3A_83, %mul3A_123 : vector<16x512xf32>
    %mul3A_125 = vector.broadcast %get3A_10 : vector<16x1xf32> to vector<16x512xf32>
    %mul3A_126 = arith.mulf %mul3A_125, %mul3A_96 : vector<16x512xf32>
    %mul3A_127 = vector.broadcast %get3A_4 : vector<16x1xf32> to vector<16x512xf32>
    %mul3A_128 = arith.mulf %mul3A_127, %mul3A_112 : vector<16x512xf32>
    %sub3A_129 = arith.subf %mul3A_126, %mul3A_128 : vector<16x512xf32>
    %add3A_130 = arith.addf %sub3A_124, %sub3A_129 : vector<16x512xf32>
    %mul3A_131 = vector.broadcast %get3A_1 : vector<16x1xf32> to vector<16x512xf32>
    %mul3A_132 = arith.mulf %mul3A_131, %mul3A_112 : vector<16x512xf32>
    %sub3A_133 = arith.subf %get3A_88, %mul3A_132 : vector<16x512xf32>
    %mul3A_134 = vector.broadcast %get3A_4 : vector<16x1xf32> to vector<16x512xf32>
    %mul3A_135 = arith.mulf %mul3A_134, %mul3A_104 : vector<16x512xf32>
    %mul3A_136 = vector.broadcast %get3A_7 : vector<16x1xf32> to vector<16x512xf32>
    %mul3A_137 = arith.mulf %mul3A_136, %mul3A_96 : vector<16x512xf32>
    %sub3A_138 = arith.subf %mul3A_135, %mul3A_137 : vector<16x512xf32>
    %add3A_139 = arith.addf %sub3A_133, %sub3A_138 : vector<16x512xf32>
    %get3A_140 = arith.constant 0 : index
    %get3A_141 = arith.constant 0 : index
    %get3A_142 = vector.load %arg3[%get3A_140, %get3A_141] : memref<3x512xf32, #tpu.memory_space<vmem>>, vector<1x512xf32>
    %get3A_143 = arith.constant 1 : index
    %get3A_144 = arith.constant 0 : index
    %get3A_145 = vector.load %arg3[%get3A_143, %get3A_144] : memref<3x512xf32, #tpu.memory_space<vmem>>, vector<1x512xf32>
    %get3A_146 = arith.constant 2 : index
    %get3A_147 = arith.constant 0 : index
    %get3A_148 = vector.load %arg3[%get3A_146, %get3A_147] : memref<3x512xf32, #tpu.memory_space<vmem>>, vector<1x512xf32>
    %mul3A_149 = vector.broadcast %get3A_145 : vector<1x512xf32> to vector<16x512xf32>
    %mul3A_150 = arith.mulf %mul3A_149, %add3A_73 : vector<16x512xf32>
    %mul3A_151 = vector.broadcast %get3A_148 : vector<1x512xf32> to vector<16x512xf32>
    %mul3A_152 = arith.mulf %mul3A_151, %add3A_64 : vector<16x512xf32>
    %sub3A_153 = arith.subf %mul3A_150, %mul3A_152 : vector<16x512xf32>
    %mul3A_154 = vector.broadcast %get3A_148 : vector<1x512xf32> to vector<16x512xf32>
    %mul3A_155 = arith.mulf %mul3A_154, %add3A : vector<16x512xf32>
    %mul3A_156 = vector.broadcast %get3A_142 : vector<1x512xf32> to vector<16x512xf32>
    %mul3A_157 = arith.mulf %mul3A_156, %add3A_73 : vector<16x512xf32>
    %sub3A_158 = arith.subf %mul3A_155, %mul3A_157 : vector<16x512xf32>
    %mul3A_159 = vector.broadcast %get3A_142 : vector<1x512xf32> to vector<16x512xf32>
    %mul3A_160 = arith.mulf %mul3A_159, %add3A_64 : vector<16x512xf32>
    %mul3A_161 = vector.broadcast %get3A_145 : vector<1x512xf32> to vector<16x512xf32>
    %mul3A_162 = arith.mulf %mul3A_161, %add3A : vector<16x512xf32>
    %sub3A_163 = arith.subf %mul3A_160, %mul3A_162 : vector<16x512xf32>
    %get3A_164 = arith.constant 0 : index
    %get3A_165 = arith.constant 0 : index
    %get3A_166 = vector.load %arg4[%get3A_164, %get3A_165] : memref<1x512xf32, #tpu.memory_space<vmem>>, vector<1x512xf32>
    %mul3A_167 = vector.broadcast %get3A_166 : vector<1x512xf32> to vector<16x512xf32>
    %mul3A_168 = arith.mulf %mul3A_167, %add3A : vector<16x512xf32>
    %reduce_sum3A = arith.constant dense<0.000000e+00> : vector<16xf32>
    %reduce_sum3A_169 = vector.multi_reduction <add>, %mul3A_168, %reduce_sum3A [1] : vector<16x512xf32> to vector<16xf32>
    %broadcast_in_dim3A = vector.shape_cast %reduce_sum3A_169 : vector<16xf32> to vector<16x1xf32>
    %swap3A = arith.constant 0 : index
    %swap3A_170 = arith.constant 0 : index
    %swap3A_171 = vector.load %arg6[%swap3A, %swap3A_170] : memref<16x3xf32, #tpu.memory_space<vmem>>, vector<16x1xf32>
    tpu.vector_store %arg6[%swap3A, %swap3A_170], %broadcast_in_dim3A {strides = array<i32>} : memref<16x3xf32, #tpu.memory_space<vmem>>, vector<16x1xf32>,
    %mul3A_172 = vector.broadcast %get3A_166 : vector<1x512xf32> to vector<16x512xf32>
    %mul3A_173 = arith.mulf %mul3A_172, %add3A_64 : vector<16x512xf32>
    %reduce_sum3A_174 = arith.constant dense<0.000000e+00> : vector<16xf32>
    %reduce_sum3A_175 = vector.multi_reduction <add>, %mul3A_173, %reduce_sum3A_174 [1] : vector<16x512xf32> to vector<16xf32>
    %broadcast_in_dim3A_176 = vector.shape_cast %reduce_sum3A_175 : vector<16xf32> to vector<16x1xf32>
    %swap3A_177 = arith.constant 0 : index
    %swap3A_178 = arith.constant 1 : index
    %swap3A_179 = vector.load %arg6[%swap3A_177, %swap3A_178] : memref<16x3xf32, #tpu.memory_space<vmem>>, vector<16x1xf32>
    tpu.vector_store %arg6[%swap3A_177, %swap3A_178], %broadcast_in_dim3A_176 {strides = array<i32>} : memref<16x3xf32, #tpu.memory_space<vmem>>, vector<16x1xf32>,
    %mul3A_180 = vector.broadcast %get3A_166 : vector<1x512xf32> to vector<16x512xf32>
    %mul3A_181 = arith.mulf %mul3A_180, %add3A_73 : vector<16x512xf32>
    %reduce_sum3A_182 = arith.constant dense<0.000000e+00> : vector<16xf32>
    %reduce_sum3A_183 = vector.multi_reduction <add>, %mul3A_181, %reduce_sum3A_182 [1] : vector<16x512xf32> to vector<16xf32>
    %broadcast_in_dim3A_184 = vector.shape_cast %reduce_sum3A_183 : vector<16xf32> to vector<16x1xf32>
    %swap3A_185 = arith.constant 0 : index
    %swap3A_186 = arith.constant 2 : index
    %swap3A_187 = vector.load %arg6[%swap3A_185, %swap3A_186] : memref<16x3xf32, #tpu.memory_space<vmem>>, vector<16x1xf32>
    tpu.vector_store %arg6[%swap3A_185, %swap3A_186], %broadcast_in_dim3A_184 {strides = array<i32>} : memref<16x3xf32, #tpu.memory_space<vmem>>, vector<16x1xf32>,
    %add3A_188 = arith.addf %add3A_121, %sub3A_153 : vector<16x512xf32>
    %mul3A_189 = vector.broadcast %get3A_166 : vector<1x512xf32> to vector<16x512xf32>
    %mul3A_190 = arith.mulf %mul3A_189, %add3A_188 : vector<16x512xf32>
    %reduce_sum3A_191 = arith.constant dense<0.000000e+00> : vector<16xf32>
    %reduce_sum3A_192 = vector.multi_reduction <add>, %mul3A_190, %reduce_sum3A_191 [1] : vector<16x512xf32> to vector<16xf32>
    %broadcast_in_dim3A_193 = vector.shape_cast %reduce_sum3A_192 : vector<16xf32> to vector<16x1xf32>
    %swap3A_194 = arith.constant 0 : index
    %swap3A_195 = arith.constant 0 : index
    %swap3A_196 = vector.load %arg5[%swap3A_194, %swap3A_195] : memref<16x3xf32, #tpu.memory_space<vmem>>, vector<16x1xf32>
    tpu.vector_store %arg5[%swap3A_194, %swap3A_195], %broadcast_in_dim3A_193 {strides = array<i32>} : memref<16x3xf32, #tpu.memory_space<vmem>>, vector<16x1xf32>,
    %add3A_197 = arith.addf %add3A_130, %sub3A_158 : vector<16x512xf32>
    %mul3A_198 = vector.broadcast %get3A_166 : vector<1x512xf32> to vector<16x512xf32>
    %mul3A_199 = arith.mulf %mul3A_198, %add3A_197 : vector<16x512xf32>
    %reduce_sum3A_200 = arith.constant dense<0.000000e+00> : vector<16xf32>
    %reduce_sum3A_201 = vector.multi_reduction <add>, %mul3A_199, %reduce_sum3A_200 [1] : vector<16x512xf32> to vector<16xf32>
    %broadcast_in_dim3A_202 = vector.shape_cast %reduce_sum3A_201 : vector<16xf32> to vector<16x1xf32>
    %swap3A_203 = arith.constant 0 : index
    %swap3A_204 = arith.constant 1 : index
    %swap3A_205 = vector.load %arg5[%swap3A_203, %swap3A_204] : memref<16x3xf32, #tpu.memory_space<vmem>>, vector<16x1xf32>
    tpu.vector_store %arg5[%swap3A_203, %swap3A_204], %broadcast_in_dim3A_202 {strides = array<i32>} : memref<16x3xf32, #tpu.memory_space<vmem>>, vector<16x1xf32>,
    %add3A_206 = arith.addf %add3A_139, %sub3A_163 : vector<16x512xf32>
    %mul3A_207 = vector.broadcast %get3A_166 : vector<1x512xf32> to vector<16x512xf32>
    %mul3A_208 = arith.mulf %mul3A_207, %add3A_206 : vector<16x512xf32>
    %reduce_sum3A_209 = arith.constant dense<0.000000e+00> : vector<16xf32>
    %reduce_sum3A_210 = vector.multi_reduction <add>, %mul3A_208, %reduce_sum3A_209 [1] : vector<16x512xf32> to vector<16xf32>
    %broadcast_in_dim3A_211 = vector.shape_cast %reduce_sum3A_210 : vector<16xf32> to vector<16x1xf32>
    %swap3A_212 = arith.constant 0 : index
    %swap3A_213 = arith.constant 2 : index
    %swap3A_214 = vector.load %arg5[%swap3A_212, %swap3A_213] : memref<16x3xf32, #tpu.memory_space<vmem>>, vector<16x1xf32>
    tpu.vector_store %arg5[%swap3A_212, %swap3A_213], %broadcast_in_dim3A_211 {strides = array<i32>} : memref<16x3xf32, #tpu.memory_space<vmem>>, vector<16x1xf32>,
    return
  }
}

</mosaic_0001>

<sc_bundles>
// kernel: kernel.12.cloned.1.call-start
scs
__scs_entry_jumppad:
0x0: {  	(pc) =	sbr.rel $0x88, $3  }
0x1: {  	(tag) =	ssettag $0x0;
	lr =	simm.s32 $0x1  }
0x2: {  	[smem:$0x3F84] =	sst lr;
	_ =	strace $0xD0000000  }
0x3: {  	_ = 	snop  }
0x4: {  	_ = 	snop  }
0x5: {  	_ = 	snop  }
0x6: {  	_ = 	snop  }
0x7: {  	_ = 	snop  }
__scs_overlays_trampoline_lowered:
0x8: {  	[smem:$0x3F93] =	sst s0  }
0x9: {  	[smem:$0x3F94] =	sst s1  }
0xa: {  	[smem:$0x3F95] =	sst s2  }
0xb: {  	[smem:$0x3F96] =	sst s3  }
0xc: {  	[smem:$0x3F97] =	sst s4  }
0xd: {  	[smem:$0x3F98] =	sst s5  }
0xe: {  	[smem:$0x3F99] =	sst s6  }
0xf: {  	[smem:$0x3F9A] =	sst s7  }
0x10: {  	[smem:$0x3F9B] =	sst s8  }
0x11: {  	[smem:$0x3F9C] =	sst s9;
	s0 =	simm.s32 @!p0 $0x0  }
0x12: {  	s1 =	sld [smem:$0x3F82];
	s0 =	simm.s32 @p0 $0x1  }
0x13: {  	[smem:$0x3F9D] =	sst s0;
	s0 =	simm.s32 @!p1 $0x0  }
0x14: {  	s2 =	sld [smem:$0x3F81];
	s0 =	simm.s32 @p1 $0x1  }
0x15: {  	[smem:$0x3F9E] =	sst s0;
	s0 =	simm.s32 @!p2 $0x0  }
0x16: {  	s3 =	sld [smem:$0x3FDB];
	s0 =	simm.s32 @p2 $0x1  }
0x17: {  	s4 =	simm.s32 $0x1BF5;
	[smem:$0x3FA0] =	sst s0  }
0x18: {  	s0 =	sld [smem:$0x3F83];
	_ =	swait.ge [sflag:s4], $0x0  }
0x19: {  	s7 =	sld [smem:$0x3F84]  }
0x1a: {  	s8 =	sadd.s32 $0xFFFFE003, lr  }
0x1b: {  	s9 =	sadd.s32 $0xFFFFFEF7, lr;
	s5 =	simm.s32 $0xFFFFFFFF;
	p2 =	slt.u32 s8, $0xFFFFF086  }
0x1c: {  	p1 =	slt.u32 s9, $0xF7A;
	s5 =	simm.s32 @!p2 $0x0  }
0x1d: {  	s5 =	simm.s32 @p1 $0x1;
	p0 =	seq.s32 s7, s2  }
0x1e: {  	s7 =	smul.u32 @!p0 $0xF7A, s2;
	p2 =	seq.s32 @!p0 s5, $0x0  }
0x1f: {  	s9 =	smul.u32 $0xF7A, s1;
	s8 =	simm.s32 @!p0 $0x1BF5;
	p2 =	por !p2, p0  }
0x20: {  	[sflag:s8] =	ssyncset.s32 @!p0 $0xFFFFF086;
	s6 =	sadd.s32 @!p0 s3, s7;
	s7 =	simm.s32 @!p0 $0x108  }
0x21: {  	s3 =	sadd.s32 s3, s9;
	s6 =	sadd.s32 @!p0 $0x88, s6;
	s7 =	simm.s32 @p2 $0x1082  }
0x22: {  	[simem:s7], [sflag:s8] =	dma.local @!p0 [hbm:s6], $0xF7A  }
0x23: {  	s9 =	sor.u32 $0xD0000000, s2;
	s6 =	simm.s32 $0x108;
	_ =	swait.ge @!p0 [sflag:s8], $0x0  }
0x24: {  	s3 =	sadd.s32 $0x88, s3;
	s6 =	simm.s32 @!p1 $0x1082;
	[sflag:s4] =	ssyncset.s32 $0xFFFFF086  }
0x25: {  	[simem:s6], [sflag:s4] =	dma.local [hbm:s3], $0xF7A  }
0x26: {  	[smem:$0x3F84] =	sst s1;
	(tag) =	ssettag s2;
	_ =	strace s9  }
0x27: {  	s1 =	sld [smem:$0x3F94]  }
0x28: {  	s2 =	sld [smem:$0x3F95]  }
0x29: {  	s4 =	sld [smem:$0x3F97]  }
0x2a: {  	p0 =	seq.s32 s5, $0x0;
	s5 =	sld [smem:$0x3F98]  }
0x2b: {  	s6 =	sld [smem:$0x3F99]  }
0x2c: {  	s7 =	sld [smem:$0x3F9A]  }
0x2d: {  	s3 =	simm.s32 $0x108;
	s8 =	sld [smem:$0x3F9B]  }
0x2e: {  	s3 =	simm.s32 @!p0 $0x1082;
	s9 =	sld [smem:$0x3F9C]  }
0x2f: {  	lr =	sadd.s32 s0, s3;
	s0 =	sld [smem:$0x3F93]  }
0x30: {  	s3 =	sld [smem:$0x3F96]  }
0x31: {  	[smem:$0x3F9F] =	sst s10  }
0x32: {  	s10 =	sld [smem:$0x3F9D];
	_ =	sdelay $0x3  }
0x33: {  	p0 =	seq.s32 s10, $0x1;
	s10 =	sld [smem:$0x3F9F];
	_ =	sdelay $0x3  }
0x34: {  	[smem:$0x3F9F] =	sst s10  }
0x35: {  	s10 =	sld [smem:$0x3F9E];
	_ =	sdelay $0x3  }
0x36: {  	p1 =	seq.s32 s10, $0x1;
	s10 =	sld [smem:$0x3F9F];
	_ =	sdelay $0x3  }
0x37: {  	[smem:$0x3F9F] =	sst s10  }
0x38: {  	s10 =	sld [smem:$0x3FA0]  }
0x39: {  	_ = 	snop;
	(pc) =	sbr.ind lr, $3  }
0x3a: {  	_ = 	snop  }
0x3b: {  	_ = 	snop  }
0x3c: {  	p2 =	seq.s32 s10, $0x1;
	s10 =	sld [smem:$0x3F9F]  }
0x3d: {  	_ =	shalt  }
0x3e: {  	_ =	shalt  }
0x3f: {  	_ =	shalt  }
0x40: {  	_ =	shalt  }
0x41: {  	_ =	shalt  }
0x42: {  	_ =	shalt  }
0x43: {  	_ =	shalt  }
0x44: {  	_ =	shalt  }
0x45: {  	_ =	shalt  }
0x46: {  	_ =	shalt  }
0x47: {  	_ =	shalt  }
0x48: {  	_ =	shalt  }
0x49: {  	_ =	shalt  }
0x4a: {  	_ =	shalt  }
0x4b: {  	_ =	shalt  }
0x4c: {  	_ =	shalt  }
0x4d: {  	_ =	shalt  }
0x4e: {  	_ =	shalt  }
0x4f: {  	_ =	shalt  }
0x50: {  	_ =	shalt  }
0x51: {  	_ =	shalt  }
0x52: {  	_ =	shalt  }
0x53: {  	_ =	shalt  }
0x54: {  	_ =	shalt  }
0x55: {  	_ =	shalt  }
0x56: {  	_ =	shalt  }
0x57: {  	_ =	shalt  }
0x58: {  	_ =	shalt  }
0x59: {  	_ =	shalt  }
0x5a: {  	_ =	shalt  }
0x5b: {  	_ =	shalt  }
0x5c: {  	_ =	shalt  }
0x5d: {  	_ =	shalt  }
0x5e: {  	_ =	shalt  }
0x5f: {  	_ =	shalt  }
0x60: {  	_ =	shalt  }
0x61: {  	_ =	shalt  }
0x62: {  	_ =	shalt  }
0x63: {  	_ =	shalt  }
0x64: {  	_ =	shalt  }
0x65: {  	_ =	shalt  }
0x66: {  	_ =	shalt  }
0x67: {  	_ =	shalt  }
0x68: {  	_ =	shalt  }
0x69: {  	_ =	shalt  }
0x6a: {  	_ =	shalt  }
0x6b: {  	_ =	shalt  }
0x6c: {  	_ =	shalt  }
0x6d: {  	_ =	shalt  }
0x6e: {  	_ =	shalt  }
0x6f: {  	_ =	shalt  }
0x70: {  	_ =	shalt  }
0x71: {  	_ =	shalt  }
0x72: {  	_ =	shalt  }
0x73: {  	_ =	shalt  }
0x74: {  	_ =	shalt  }
0x75: {  	_ =	shalt  }
0x76: {  	_ =	shalt  }
0x77: {  	_ =	shalt  }
0x78: {  	_ =	shalt  }
0x79: {  	_ =	shalt  }
0x7a: {  	_ =	shalt  }
0x7b: {  	_ =	shalt  }
0x7c: {  	_ =	shalt  }
0x7d: {  	_ =	shalt  }
0x7e: {  	_ =	shalt  }
0x7f: {  	_ =	shalt  }
0x80: {  	_ =	shalt  }
0x81: {  	_ =	shalt  }
0x82: {  	_ =	shalt  }
0x83: {  	_ =	shalt  }
0x84: {  	_ =	shalt  }
0x85: {  	_ =	shalt  }
0x86: {  	_ =	shalt  }
0x87: {  	_ =	shalt  }
.Lfunc_end0:
.L_simem_size_0:
called_computation.1_lowered:
.L_overlay_start_0:
0x88: {  	s2 =	sld [smem:$0x3FD9]  }
0x89: {  	s3 =	sld [smem:$0x3FFE];
	_ =	sdelay $0x1  }
0x8a: {  	s1 =	srdreg.scid  }
0x8b: {  	s0 =	sand.u32 $0x1, s1  }
0x8c: {  	s16 =	sshll.u32 s0, $0xA;
	s2 =	sadd.s32 s3, s2  }
0x8d: {  	s2 =	sadd.s32 s2, s16  }
0x8e: {  	[smem:$0x3FAB] =	sst s2  }
0x8f: {  	_ = 	snop  }
0x90: {  	(tm) =	ssettm $0x1  }
0x91: {  	s17 =	sld [smem:$0x3FFB];
	_ =	sdelay $0x3  }
0x92: {  	_ =	strace s17  }
0x93: {  	s2 =	sld [smem:$0x3FFC];
	_ =	sdelay $0x3  }
0x94: {  	_ =	strace s2  }
0x95: {  	s2 =	sld [smem:$0x3FFD];
	_ =	sdelay $0x3  }
0x96: {  	_ =	strace s2  }
0x97: {  	_ =	strace $0x8FFFFFFF  }
0x98: {  	s18 =	sld [smem:$0x3FDB];
	_ =	sdelay $0x1  }
0x99: {  	s19 =	simm.s32 $_scs_section_size  }
0x9a: {  	s4 =	simm.s32 $_size__tile_overlayer_lowered;
	s5 =	simm.s32 $_tile_overlayer_lowered  }
0x9b: {  	s22 =	simm.s32 $0x1BFF;
	s21 =	sshll.u32 s5, $0x1;
	s2 =	sadd.s32 s19, s18  }
0x9c: {  	s6 =	simm.s32 $0x0;
	s20 =	sshll.u32 s4, $0x1;
	s4 =	sadd.s32 s21, s2  }
0x9d: {  	[timem:s6], [sflag:s22] =	dma.local [hbm:s4], s20  }
0x9e: {  	_ =	swait.ge [sflag:s22], s20  }
0x9f: {  	s3 =	ssub.s32 $0x0, s20;
	[sflag:s22] =	ssyncset.done $0x0  }
0xa0: {  	[sflag:s22] =	ssyncadd.s32 s3;
	_ =	sdelay $0x1  }
0xa1: {  	s23 =	simm.s32 $0x1B8B  }
0xa2: {  	_ =	swait.ge [sflag:s23], $0x1  }
0xa3: {  	[sflag:s23] =	ssyncset.done $0x0  }
0xa4: {  	s25 =	simm.s32 $0x1B8E;
	s24 =	sld [smem:$0x3FFE];
	[sflag:s23] =	ssyncadd.s32 $0xFFFFFFFF  }
0xa5: {  	s26 =	simm.s32 $execute0_lowered;
	[smem:$0x3FD2] =	sst s25  }
0xa6: {  	s4 =	sshll.u32 s26, $0x1;
	_ =	strace $0x80000049;
	[dreg:$0x1] =	wrdreg $0xFFFFFFFF  }
0xa7: {  	s28 =	simm.s32 $_size_execute0_lowered;
	s2 =	sadd.s32 s2, s4;
	[dreg:$0x0] =	wrdreg $0x0  }
0xa8: {  	s4 =	sshll.u32 s28, $0x1;
	[dreg:$0x2] =	wrdreg s2  }
0xa9: {  	[dreg:$0x3] =	wrdreg s4  }
0xaa: {  	[dreg:$0x4] =	wrdreg $0xC0  }
0xab: {  	_ =	task [dreg:s6], $0x5FFFF  }
0xac: {  	[dreg:$0x1] =	wrdreg $0xFFFFFFFF  }
0xad: {  	[dreg:$0x0] =	wrdreg $0x60  }
0xae: {  	[dreg:$0x2] =	wrdreg s24  }
0xaf: {  	[dreg:$0x3] =	wrdreg $0x100000  }
0xb0: {  	[dreg:$0x4] =	wrdreg $0x9  }
0xb1: {  	_ =	task.clear_ibuf [dreg:s6], $0x5FFFF;
	_ =	strace $0x90000049  }
0xb2: {  	s29 =	simm.s32 $0x9;
	_ =	strace $0x8000004B  }
0xb3: {  	_ =	swait.ge [sflag:s29], $0x1  }
0xb4: {  	[sflag:s29] =	ssyncadd.s32 $0xFFFFFFFF  }
0xb5: {  	_ =	strace $0x9000004B  }
0xb6: {  	_ =	sfence  }
0xb7: {  	s30 =	sld [smem:$0x0];
	_ =	sdelay $0x2  }
0xb8: {  	s31 =	sshll.u32 s1, $0xD;
	s1 =	sshrl.u32 s1, $0x2  }
0xb9: {  	s3 =	sand.u32 $0x4000, s31;
	s1 =	sadd.s32 s1, s30  }
0xba: {  	s0 =	sor.u32 s3, s0;
	s1 =	sshll.u32 s1, $0x11  }
0xbb: {  	s0 =	sor.u32 s1, s0  }
0xbc: {  	s0 =	sadd.s32 $0x8F2B, s0  }
0xbd: {  	[sflag:s0] =	ssyncadd.remote.s32 $0x1  }
0xbe: {  	_ =	sfence.sel $0xFFFF  }
0xbf: {  	[dreg:$0x0] =	wrdreg $0xFFFFFFFF;
	(pc) =	sbr.abs _section_cstart, $3  }
0xc0: {  	[dreg:$0x1] =	wrdreg $0xFFFFFFFF  }
0xc1: {  	_ =	task.clear_ibuf [dreg:s6], $0x2FFFF;
	_ =	strace $0x9FFFFFFF  }
0xc2: {  	(tm) =	ssettm $0x7FFFFFFF  }
0xc3: {  	_ =	shalt  }
tec
execute0_lowered:
.L_overlay_start_1:
0x0: {  	(tag) =	ssettag $0x1  }
0x1: {  	s12 =	rddreg [dreg:$0x0]  }
0x2: {  	s1 =	rddreg [dreg:$0x1];
	s2 =	srdreg.scid;
	s3 =	simm.s32 $0x0  }
0x3: {  	s15 =	simm.s32 $0x33E00;
	s16 =	simm.s32 $0x80;
	s17 =	simm.s32 $0x8000  }
0x4: {  	s20 =	simm.s32 $0x1;
	s21 =	simm.s32 $0x3;
	s22 =	simm.s32 $0x2  }
0x5: {  	s23 =	simm.s32 $0x3F80;
	s24 =	simm.s32 $0x0;
	s10 =	sand.u32 $0x1, s2  }
0x6: {  	s2 =	stileid.u32;
	[smem:$0x7FF] =	sst s3;
	s4 =	sshll.u32 s10, $0xE  }
0x7: {  	s5 =	sshll.u32 s2, $0xA;
	_ =	strace $0x8000004A;
	s6 =	sshll.u32 s10, $0x15  }
0x8: {  	s30 =	ssub.s32 $0x2, s10;
	s31 =	sshll.u32 s2, $0xD;
	s8 =	sshll.u32 s2, $0x10  }
0x9: {  	p0 =	seq.s32 s10, $0x0;
	s10 =	sshll.u32 s10, $0x11;
	s19 =	sshll.u32 s2, $0x11  }
0xa: {  	s4 =	sor.u32 s5, s4;
	s11 =	sadd.s32 s6, s12;
	s7 =	sshrl.u32 s30, $0x1  }
0xb: {  	s13 =	sadd.s32 s31, s12;
	s15 =	simm.s32 @!p0 $0xF7400;
	s29 =	sadd.s32 s4, s12  }
0xc: {  	s14 =	ssub.s32 s30, s7;
	s4 =	sadd.s32 s8, s1;
	s18 =	sadd.s32 $0x1BAA00, s11  }
.Ltmp0:
0xd: {  	s10 =	sadd.s32 s10, s13;
	s12 =	sadd.s32 s15, s12;
	(pc) =	sbr.rel .LBB2_1-.Ltmp0, $4  }
0xe: {  	s13 =	simm.s32 $0x4;
	s15 =	simm.s32 $0x4000;
	s5 =	sadd.s32 $0x1BE00, s29  }
0xf: {  	s6 =	sadd.s32 $0x23E00, s29;
	s7 =	sadd.s32 $0x4000, s4;
	s8 =	sadd.s32 $0x8000, s4  }
0x10: {  	v0 =	vimm.f32 $0.0e+00;
	vm0 =	vcmask $0x300;
	s9 =	sadd.s32 $0xC000, s4;
	s10 =	sadd.s32 $0x5BAA00, s10;
	s11 =	smax.u32 s14, $0x1  }
0x11: {  	v1 =	vsel vm0, $0x3F800000, v0;
	s14 =	simm.s32 $0x2000;
	s18 =	sadd.s32 s19, s18;
	s19 =	simm.s32 $0xC000  }
.LBB2_10:
0x12: {  	[spmem:s1] =	stream.indirect.scatter.add.f32 [tilespmem:s17], [sflag:$0x4], $0x80, s23, s16, $0xb8;
	v63 =	vld [tilespmem:$0x0]  }
0x13: {  	_ =	swait.ge [sflag:s13], $0x4000  }
0x14: {  	s0 =	sshll.u32 s2, $0x6;
	s24 =	sadd.s32 $0x1, s24;
	[sflag:s13] =	ssyncset.done $0x0  }
0x15: {  	s25 =	sshrl.u32 s4, $0x3;
	p0 =	sne.s32 s24, s11;
	[sflag:s13] =	ssyncadd.s32 $0xFFFFC000  }
.Ltmp1:
0x16: {  	s0 =	sor.u32 $0x1C04, s0;
	[bflag:$0x0] =	sbarrier.arrive $0xFFFF;
	(pc) =	sbr.rel @!p0 .LBB2_11-.Ltmp1, $4  }
0x17: {  	[hbm:s10], [sflag:s0] =	dma.local [spmem:s25], $0x2000  }
0x18: {  	_ =	swait.ge [sflag:s13], $0x2000  }
0x19: {  	[sflag:s13] =	ssyncset.done $0x0  }
0x1a: {  	[sflag:s13] =	ssyncadd.s32 $0xFFFFE000  }
.LBB2_1:
0x1b: {  	[tilespmem:s3], [sflag:$0x4] =	stream.linear.gather [hbm4b:s5+s3], $0x2000, $0x38;
	v63 =	vld [tilespmem:$0x0]  }
0x1c: {  	_ =	swait.ge [sflag:s13], $0x2000  }
0x1d: {  	[sflag:s13] =	ssyncset.done $0x0  }
0x1e: {  	[sflag:s13] =	ssyncadd.s32 $0xFFFFE000  }
0x1f: {  	[tilespmem:s14], [sflag:$0x4] =	stream.linear.gather [hbm4b:s6+s3], $0x2000, $0x38;
	v63 =	vld [tilespmem:$0x0]  }
0x20: {  	_ =	swait.ge [sflag:s13], $0x2000  }
0x21: {  	[sflag:s13] =	ssyncset.done $0x0  }
0x22: {  	s25 =	simm.s32 $0x0;
	s26 =	simm.s32 $0x200;
	[sflag:s13] =	ssyncadd.s32 $0xFFFFE000  }
.LBB2_2:
0x23: {  	p0 =	sne.s32 s26, $0xFE00;
	[tilespmem:s25+$0x4070] =	vst v0  }
0x24: {  	[tilespmem:s25+$0x4000] =	vst v0  }
0x25: {  	[tilespmem:s25+$0x4010] =	vst v0  }
.Ltmp2:
0x26: {  	[tilespmem:s25+$0x4020] =	vst v0;
	(pc) =	sbr.rel @p0 .LBB2_2-.Ltmp2, $4  }
0x27: {  	[tilespmem:s25+$0x4030] =	vst v0  }
0x28: {  	[tilespmem:s25+$0x4040] =	vst v0  }
0x29: {  	[tilespmem:s25+$0x4050] =	vst v0  }
0x2a: {  	[tilespmem:s25+$0x4060] =	vst v0;
	s25 =	sshra.s32 s26, $0x2;
	s26 =	sadd.s32 $0x200, s26  }
0x2b: {  	[tilespmem:s25+$0x4070] =	vst v0  }
0x2c: {  	[tilespmem:s25+$0x4000] =	vst v0  }
0x2d: {  	[tilespmem:s25+$0x4010] =	vst v0  }
0x2e: {  	[tilespmem:s25+$0x4020] =	vst v0  }
0x2f: {  	[tilespmem:s25+$0x4030] =	vst v0  }
0x30: {  	[tilespmem:s25+$0x4040] =	vst v0  }
0x31: {  	[tilespmem:s25+$0x4050] =	vst v0  }
0x32: {  	[tilespmem:s25+$0x4060] =	vst v0  }
0x33: {  	[spmem:s4] =	stream.linear.scatter [tilespmem:s15], [sflag:$0x4], $0x4000, $0x38;
	v63 =	vld [tilespmem:$0x0]  }
0x34: {  	_ =	swait.ge [sflag:s13], $0x4000  }
0x35: {  	[sflag:s13] =	ssyncset.done $0x0  }
0x36: {  	[sflag:s13] =	ssyncadd.s32 $0xFFFFC000  }
0x37: {  	[spmem:s7] =	stream.linear.scatter [tilespmem:s15], [sflag:$0x4], $0x4000, $0x38;
	v63 =	vld [tilespmem:$0x0]  }
0x38: {  	_ =	swait.ge [sflag:s13], $0x4000  }
0x39: {  	[sflag:s13] =	ssyncset.done $0x0  }
0x3a: {  	[sflag:s13] =	ssyncadd.s32 $0xFFFFC000  }
0x3b: {  	[spmem:s8] =	stream.linear.scatter [tilespmem:s15], [sflag:$0x4], $0x4000, $0x38;
	v63 =	vld [tilespmem:$0x0]  }
0x3c: {  	_ =	swait.ge [sflag:s13], $0x4000  }
0x3d: {  	[sflag:s13] =	ssyncset.done $0x0  }
0x3e: {  	[sflag:s13] =	ssyncadd.s32 $0xFFFFC000  }
0x3f: {  	[spmem:s9] =	stream.linear.scatter [tilespmem:s15], [sflag:$0x4], $0x4000, $0x38;
	v63 =	vld [tilespmem:$0x0]  }
0x40: {  	_ =	swait.ge [sflag:s13], $0x4000  }
0x41: {  	[sflag:s13] =	ssyncset.done $0x0  }
0x42: {  	[sflag:s13] =	ssyncadd.s32 $0xFFFFC000  }
0x43: {  	s25 =	simm.s32 $0x0;
	[bflag:$0x0] =	sbarrier.arrive $0xFFFF  }
0x44: {  	[tilespmem:s15], [sflag:$0x1] =	stream.indirect.gather [hbm4b:s12+s16], $0x80, s25, s16, $0xb8;
	v63 =	vld [tilespmem:$0x0]  }
0x45: {  	_ = 	snop  }
0x46: {  	[tilespmem:s17], [sflag:$0x2] =	stream.indirect.gather [hbm4b:s12+s16], $0x80, s16, s16, $0xb8;
	v63 =	vld [tilespmem:$0x0]  }
0x47: {  	_ = 	snop  }
0x48: {  	[tilespmem:s19], [sflag:$0x3] =	stream.linear.gather [hbm4b:s18+s25], $0x4000, $0x38;
	v63 =	vld [tilespmem:$0x0]  }
.LBB2_4:
0x49: {  	_ =	swait.ge [sflag:s20], $0x4000  }
0x4a: {  	[sflag:s20] =	ssyncset.done $0x0  }
0x4b: {  	[sflag:s20] =	ssyncadd.s32 $0xFFFFC000  }
0x4c: {  	_ =	swait.ge [sflag:s21], $0x4000  }
0x4d: {  	[sflag:s21] =	ssyncset.done $0x0  }
0x4e: {  	s28 =	simm.s32 $0x0;
	[sflag:s21] =	ssyncadd.s32 $0xFFFFC000  }
0x4f: {  	v8 =	vld [tilespmem:s28+$0xC000]  }
0x50: {  	v7 =	vld [tilespmem:s28+$0xC010]  }
0x51: {  	v6 =	vld [tilespmem:s28+$0xC020]  }
0x52: {  	v5 =	vld [tilespmem:s28+$0xC030]  }
0x53: {  	v4 =	vld [tilespmem:s28+$0xC040]  }
0x54: {  	v3 =	vld [tilespmem:s28+$0xC050]  }
0x55: {  	v2 =	vld [tilespmem:s28+$0xC060]  }
0x56: {  	v13 =	vld [tilespmem:s28+$0x4000]  }
0x57: {  	v12 =	vld [tilespmem:s28+$0x4010]  }
0x58: {  	v11 =	vld [tilespmem:s28+$0x4020]  }
0x59: {  	v10 =	vld [tilespmem:s28+$0x4030]  }
0x5a: {  	v9 =	vld [tilespmem:s28+$0x4040]  }
0x5b: {  	s26 =	simm.s32 $0x200;
	[tilespmem:s28+$0x4070] =	vst v1;
	v13 =	vmul.f32 v8, v13;
	v8 =	vld [tilespmem:s28+$0x4050]  }
.LBB2_5:
0x5c: {  	s29 =	sshra.s32 s26, $0x2;
	p0 =	sne.s32 s26, $0xFE00;
	v12 =	vmul.f32 v7, v12;
	v14 =	vld [tilespmem:s28+$0x4060]  }
0x5d: {  	v15 =	vld [tilespmem:s29+$0xC000];
	[tilespmem:s28+$0x4000] =	vst v13;
	v11 =	vmul.f32 v6, v11  }
0x5e: {  	v7 =	vld [tilespmem:s29+$0xC010];
	[tilespmem:s28+$0x4010] =	vst v12;
	v10 =	vmul.f32 v5, v10  }
0x5f: {  	v6 =	vld [tilespmem:s29+$0xC020];
	[tilespmem:s28+$0x4020] =	vst v11;
	v9 =	vmul.f32 v4, v9  }
0x60: {  	v5 =	vld [tilespmem:s29+$0xC030];
	[tilespmem:s28+$0x4030] =	vst v10;
	v8 =	vmul.f32 v3, v8  }
0x61: {  	v4 =	vld [tilespmem:s29+$0xC040];
	[tilespmem:s28+$0x4040] =	vst v9;
	v9 =	vmul.f32 v2, v14  }
0x62: {  	v3 =	vld [tilespmem:s29+$0xC050];
	[tilespmem:s28+$0x4050] =	vst v8  }
0x63: {  	v2 =	vld [tilespmem:s29+$0xC060];
	[tilespmem:s28+$0x4060] =	vst v9;
	s28 =	smov.u32 s29  }
0x64: {  	v8 =	vld [tilespmem:s28+$0x4000];
	[tilespmem:s28+$0x4070] =	vst v1  }
.Ltmp3:
0x65: {  	v12 =	vld [tilespmem:s28+$0x4010];
	(pc) =	sbr.rel @p0 .LBB2_5-.Ltmp3, $4  }
0x66: {  	v11 =	vld [tilespmem:s28+$0x4020]  }
0x67: {  	v10 =	vld [tilespmem:s28+$0x4030]  }
0x68: {  	v9 =	vld [tilespmem:s28+$0x4040]  }
0x69: {  	s26 =	sadd.s32 $0x200, s26;
	v13 =	vmul.f32 v15, v8;
	v8 =	vld [tilespmem:s28+$0x4050]  }
0x6a: {  	v7 =	vmul.f32 v7, v12;
	v12 =	vld [tilespmem:s28+$0x4060]  }
0x6b: {  	[tilespmem:s28+$0x4000] =	vst v13;
	v6 =	vmul.f32 v6, v11  }
0x6c: {  	[tilespmem:s28+$0x4010] =	vst v7;
	v5 =	vmul.f32 v5, v10  }
0x6d: {  	[tilespmem:s28+$0x4020] =	vst v6;
	v4 =	vmul.f32 v4, v9  }
0x6e: {  	[tilespmem:s28+$0x4030] =	vst v5;
	v3 =	vmul.f32 v3, v8  }
0x6f: {  	s26 =	sshllo.u32 s25, $0x1;
	[tilespmem:s28+$0x4040] =	vst v4;
	v2 =	vmul.f32 v2, v12  }
0x70: {  	s29 =	sshll.u32 s26, $0xB;
	[tilespmem:s28+$0x4050] =	vst v3  }
0x71: {  	[tilespmem:s28+$0x4060] =	vst v2;
	s28 =	sadd.s32 s29, s18  }
0x72: {  	[tilespmem:s19], [sflag:$0x3] =	stream.linear.gather [hbm4b:s28+s3], $0x4000, $0x38;
	v63 =	vld [tilespmem:$0x0]  }
0x73: {  	s28 =	sshll.u32 s25, $0xA  }
0x74: {  	s28 =	sshra.s32 s28, $0x2  }
0x75: {  	s29 =	sadd.s32 $0x2000, s28  }
0x76: {  	[spmem:s1] =	stream.indirect.scatter.add.f32 [tilespmem:s15], [sflag:$0x4], $0x80, s29, s16, $0xb8;
	v63 =	vld [tilespmem:$0x0]  }
0x77: {  	s29 =	sshll.u32 s25, $0x1  }
0x78: {  	p0 =	seq.s32 s25, $0x1F;
	_ =	swait.ge [sflag:s13], $0x4000;
	s29 =	sadd.s32 $0x2, s29  }
0x79: {  	s31 =	simm.s32 @!p0 $0x80;
	[sflag:s13] =	ssyncset.done $0x0;
	s30 =	sshll.u32 @!p0 s29, $0x7  }
0x7a: {  	s0 =	simm.s32 @!p0 $0x4000;
	[sflag:s13] =	ssyncadd.s32 $0xFFFFC000;
	s30 =	sand.u32 @!p0 $0x3FFFFF80, s30  }
0x7b: {  	[tilespmem:s0], [sflag:$0x1] =	stream.indirect.gather @!p0 [hbm4b:s12+s31], $0x80, s30, s31, $0xb8;
	v63 =	vld [tilespmem:$0x0]  }
0x7c: {  	_ =	swait.ge [sflag:s22], $0x4000  }
0x7d: {  	[sflag:s22] =	ssyncset.done $0x0  }
0x7e: {  	[sflag:s22] =	ssyncadd.s32 $0xFFFFC000  }
0x7f: {  	_ =	swait.ge [sflag:s21], $0x4000  }
0x80: {  	[sflag:s21] =	ssyncset.done $0x0  }
0x81: {  	s30 =	simm.s32 $0x0;
	[sflag:s21] =	ssyncadd.s32 $0xFFFFC000  }
0x82: {  	v8 =	vld [tilespmem:s30+$0xC000]  }
0x83: {  	v7 =	vld [tilespmem:s30+$0xC010]  }
0x84: {  	v6 =	vld [tilespmem:s30+$0xC020]  }
0x85: {  	v5 =	vld [tilespmem:s30+$0xC030]  }
0x86: {  	v4 =	vld [tilespmem:s30+$0xC040]  }
0x87: {  	v3 =	vld [tilespmem:s30+$0xC050]  }
0x88: {  	v2 =	vld [tilespmem:s30+$0xC060]  }
0x89: {  	v13 =	vld [tilespmem:s30+$0x8000]  }
0x8a: {  	v12 =	vld [tilespmem:s30+$0x8010]  }
0x8b: {  	v11 =	vld [tilespmem:s30+$0x8020]  }
0x8c: {  	v10 =	vld [tilespmem:s30+$0x8030]  }
0x8d: {  	v9 =	vld [tilespmem:s30+$0x8040]  }
0x8e: {  	s31 =	simm.s32 $0x200;
	[tilespmem:s30+$0x8070] =	vst v1;
	v13 =	vmul.f32 v8, v13;
	v8 =	vld [tilespmem:s30+$0x8050]  }
.LBB2_7:
0x8f: {  	s0 =	sshra.s32 s31, $0x2;
	p1 =	sne.s32 s31, $0xFE00;
	v12 =	vmul.f32 v7, v12;
	v14 =	vld [tilespmem:s30+$0x8060]  }
0x90: {  	v15 =	vld [tilespmem:s0+$0xC000];
	[tilespmem:s30+$0x8000] =	vst v13;
	v11 =	vmul.f32 v6, v11  }
0x91: {  	v7 =	vld [tilespmem:s0+$0xC010];
	[tilespmem:s30+$0x8010] =	vst v12;
	v10 =	vmul.f32 v5, v10  }
0x92: {  	v6 =	vld [tilespmem:s0+$0xC020];
	[tilespmem:s30+$0x8020] =	vst v11;
	v9 =	vmul.f32 v4, v9  }
0x93: {  	v5 =	vld [tilespmem:s0+$0xC030];
	[tilespmem:s30+$0x8030] =	vst v10;
	v8 =	vmul.f32 v3, v8  }
0x94: {  	v4 =	vld [tilespmem:s0+$0xC040];
	[tilespmem:s30+$0x8040] =	vst v9;
	v9 =	vmul.f32 v2, v14  }
0x95: {  	v3 =	vld [tilespmem:s0+$0xC050];
	[tilespmem:s30+$0x8050] =	vst v8  }
0x96: {  	v2 =	vld [tilespmem:s0+$0xC060];
	[tilespmem:s30+$0x8060] =	vst v9;
	s30 =	smov.u32 s0  }
0x97: {  	v8 =	vld [tilespmem:s30+$0x8000];
	[tilespmem:s30+$0x8070] =	vst v1  }
.Ltmp4:
0x98: {  	v12 =	vld [tilespmem:s30+$0x8010];
	(pc) =	sbr.rel @p1 .LBB2_7-.Ltmp4, $4  }
0x99: {  	v11 =	vld [tilespmem:s30+$0x8020]  }
0x9a: {  	v10 =	vld [tilespmem:s30+$0x8030]  }
0x9b: {  	v9 =	vld [tilespmem:s30+$0x8040]  }
0x9c: {  	s31 =	sadd.s32 $0x200, s31;
	v13 =	vmul.f32 v15, v8;
	v8 =	vld [tilespmem:s30+$0x8050]  }
0x9d: {  	v7 =	vmul.f32 v7, v12;
	v62 =	vld [tilespmem:s30+$0x8060]  }
0x9e: {  	[tilespmem:s30+$0x8000] =	vst v13;
	v6 =	vmul.f32 v6, v11  }
0x9f: {  	[tilespmem:s30+$0x8010] =	vst v7;
	v5 =	vmul.f32 v5, v10  }
.Ltmp5:
0xa0: {  	[tilespmem:s30+$0x8020] =	vst v6;
	v4 =	vmul.f32 v4, v9;
	(pc) =	sbr.rel @p0 .LBB2_10-.Ltmp5, $4  }
0xa1: {  	[tilespmem:s30+$0x8030] =	vst v5;
	v3 =	vmul.f32 v3, v8  }
0xa2: {  	[tilespmem:s30+$0x8040] =	vst v4;
	v2 =	vmul.f32 v2, v62  }
0xa3: {  	[tilespmem:s30+$0x8050] =	vst v3  }
0xa4: {  	[tilespmem:s30+$0x8060] =	vst v2  }
0xa5: {  	s0 =	sshll.u32 s29, $0xB  }
0xa6: {  	s30 =	sshll.u32 s26, $0x7;
	s0 =	sadd.s32 s0, s18  }
0xa7: {  	[tilespmem:s19], [sflag:$0x3] =	stream.linear.gather [hbm4b:s0+s3], $0x4000, $0x38;
	v63 =	vld [tilespmem:$0x0]  }
0xa8: {  	s0 =	sand.u32 $0x3FFFFF80, s30  }
0xa9: {  	s0 =	sadd.s32 $0x2000, s0  }
0xaa: {  	[spmem:s1] =	stream.indirect.scatter.add.f32 [tilespmem:s17], [sflag:$0x4], $0x80, s0, s16, $0xb8;
	v63 =	vld [tilespmem:$0x0]  }
.Ltmp6:
0xab: {  	_ = 	snop;
	(pc) =	sbr.rel .LBB2_4-.Ltmp6, $4  }
0xac: {  	_ =	swait.ge [sflag:s13], $0x4000  }
0xad: {  	[sflag:s13] =	ssyncset.done $0x0  }
0xae: {  	s31 =	sadd.s32 $0x180, s28;
	s25 =	sadd.s32 $0x1, s25;
	[sflag:s13] =	ssyncadd.s32 $0xFFFFC000  }
0xaf: {  	[tilespmem:s17], [sflag:$0x2] =	stream.indirect.gather [hbm4b:s12+s16], $0x80, s31, s16, $0xb8;
	v63 =	vld [tilespmem:$0x0]  }
.LBB2_11:
0xb0: {  	_ =	sfence.sel $0x180000  }
0xb1: {  	[bflag:$0x0] =	sbarrier.arrive $0xFFFF  }
0xb2: {  	_ =	strace $0x9000004A  }
0xb3: {  	[bflag:$0x2] =	sbarrier.arrive $0xFFFF  }
0xb4: {  	p0 =	sne.s32 s2, $0x0;
	s0 =	rddreg [dreg:$0x2]  }
0xb5: {  	s0 =	sadd.s32 @!p0 $0x100000, s0  }
0xb6: {  	[sflag:s0] =	ssyncadd.tile.s32 @!p0 $0x1;
	_ =	shalt  }
.Lfunc_end2:
_tile_overlayer_lowered:
.L_overlay_start_2:
0xb7: {  	(tag) =	ssettag $0x2  }
0xb8: {  	s0 =	rddreg [dreg:$0x0];
	s2 =	stileid.u32  }
0xb9: {  	s1 =	rddreg [dreg:$0x1];
	p0 =	sne.s32 s2, $0x0  }
0xba: {  	s3 =	rddreg [dreg:$0x2];
	[bflag:$0x3] =	sbarrier.arrive $0xFFFF;
	s2 =	simm.s32 @!p0 $0x1C04  }
0xbb: {  	[timem:s3], [sflag:s2] =	dma.local @!p0 [hbm:s0], s1  }
0xbc: {  	s0 =	simm.s32 @!p0 $0x4  }
0xbd: {  	_ =	swait.ge @!p0 [sflag:s0], s1  }
0xbe: {  	s1 =	ssub.s32 @!p0 $0x0, s1;
	[sflag:s0] =	ssyncset.done @!p0 $0x0  }
0xbf: {  	[sflag:s0] =	ssyncadd.s32 @!p0 s1  }
0xc0: {  	[bflag:$0x3] =	sbarrier.arrive $0xFFFF  }
0xc1: {  	_ =	shalt  }

// kernel: kernel.9.cloned.1.call-start
scs
__scs_entry_jumppad:
0x0: {  	(pc) =	sbr.rel $0x88, $3  }
0x1: {  	(tag) =	ssettag $0x0;
	lr =	simm.s32 $0x1  }
0x2: {  	[smem:$0x3F84] =	sst lr;
	_ =	strace $0xD0000000  }
0x3: {  	_ = 	snop  }
0x4: {  	_ = 	snop  }
0x5: {  	_ = 	snop  }
0x6: {  	_ = 	snop  }
0x7: {  	_ = 	snop  }
__scs_overlays_trampoline_lowered:
0x8: {  	[smem:$0x3F93] =	sst s0  }
0x9: {  	[smem:$0x3F94] =	sst s1  }
0xa: {  	[smem:$0x3F95] =	sst s2  }
0xb: {  	[smem:$0x3F96] =	sst s3  }
0xc: {  	[smem:$0x3F97] =	sst s4  }
0xd: {  	[smem:$0x3F98] =	sst s5  }
0xe: {  	[smem:$0x3F99] =	sst s6  }
0xf: {  	[smem:$0x3F9A] =	sst s7  }
0x10: {  	[smem:$0x3F9B] =	sst s8  }
0x11: {  	[smem:$0x3F9C] =	sst s9;
	s0 =	simm.s32 @!p0 $0x0  }
0x12: {  	s1 =	sld [smem:$0x3F82];
	s0 =	simm.s32 @p0 $0x1  }
0x13: {  	[smem:$0x3F9D] =	sst s0;
	s0 =	simm.s32 @!p1 $0x0  }
0x14: {  	s2 =	sld [smem:$0x3F81];
	s0 =	simm.s32 @p1 $0x1  }
0x15: {  	[smem:$0x3F9E] =	sst s0;
	s0 =	simm.s32 @!p2 $0x0  }
0x16: {  	s3 =	sld [smem:$0x3FDB];
	s0 =	simm.s32 @p2 $0x1  }
0x17: {  	s4 =	simm.s32 $0x1BF5;
	[smem:$0x3FA0] =	sst s0  }
0x18: {  	s0 =	sld [smem:$0x3F83];
	_ =	swait.ge [sflag:s4], $0x0  }
0x19: {  	s7 =	sld [smem:$0x3F84]  }
0x1a: {  	s8 =	sadd.s32 $0xFFFFE003, lr  }
0x1b: {  	s9 =	sadd.s32 $0xFFFFFEF7, lr;
	s5 =	simm.s32 $0xFFFFFFFF;
	p2 =	slt.u32 s8, $0xFFFFF086  }
0x1c: {  	p1 =	slt.u32 s9, $0xF7A;
	s5 =	simm.s32 @!p2 $0x0  }
0x1d: {  	s5 =	simm.s32 @p1 $0x1;
	p0 =	seq.s32 s7, s2  }
0x1e: {  	s7 =	smul.u32 @!p0 $0xF7A, s2;
	p2 =	seq.s32 @!p0 s5, $0x0  }
0x1f: {  	s9 =	smul.u32 $0xF7A, s1;
	s8 =	simm.s32 @!p0 $0x1BF5;
	p2 =	por !p2, p0  }
0x20: {  	[sflag:s8] =	ssyncset.s32 @!p0 $0xFFFFF086;
	s6 =	sadd.s32 @!p0 s3, s7;
	s7 =	simm.s32 @!p0 $0x108  }
0x21: {  	s3 =	sadd.s32 s3, s9;
	s6 =	sadd.s32 @!p0 $0x88, s6;
	s7 =	simm.s32 @p2 $0x1082  }
0x22: {  	[simem:s7], [sflag:s8] =	dma.local @!p0 [hbm:s6], $0xF7A  }
0x23: {  	s9 =	sor.u32 $0xD0000000, s2;
	s6 =	simm.s32 $0x108;
	_ =	swait.ge @!p0 [sflag:s8], $0x0  }
0x24: {  	s3 =	sadd.s32 $0x88, s3;
	s6 =	simm.s32 @!p1 $0x1082;
	[sflag:s4] =	ssyncset.s32 $0xFFFFF086  }
0x25: {  	[simem:s6], [sflag:s4] =	dma.local [hbm:s3], $0xF7A  }
0x26: {  	[smem:$0x3F84] =	sst s1;
	(tag) =	ssettag s2;
	_ =	strace s9  }
0x27: {  	s1 =	sld [smem:$0x3F94]  }
0x28: {  	s2 =	sld [smem:$0x3F95]  }
0x29: {  	s4 =	sld [smem:$0x3F97]  }
0x2a: {  	p0 =	seq.s32 s5, $0x0;
	s5 =	sld [smem:$0x3F98]  }
0x2b: {  	s6 =	sld [smem:$0x3F99]  }
0x2c: {  	s7 =	sld [smem:$0x3F9A]  }
0x2d: {  	s3 =	simm.s32 $0x108;
	s8 =	sld [smem:$0x3F9B]  }
0x2e: {  	s3 =	simm.s32 @!p0 $0x1082;
	s9 =	sld [smem:$0x3F9C]  }
0x2f: {  	lr =	sadd.s32 s0, s3;
	s0 =	sld [smem:$0x3F93]  }
0x30: {  	s3 =	sld [smem:$0x3F96]  }
0x31: {  	[smem:$0x3F9F] =	sst s10  }
0x32: {  	s10 =	sld [smem:$0x3F9D];
	_ =	sdelay $0x3  }
0x33: {  	p0 =	seq.s32 s10, $0x1;
	s10 =	sld [smem:$0x3F9F];
	_ =	sdelay $0x3  }
0x34: {  	[smem:$0x3F9F] =	sst s10  }
0x35: {  	s10 =	sld [smem:$0x3F9E];
	_ =	sdelay $0x3  }
0x36: {  	p1 =	seq.s32 s10, $0x1;
	s10 =	sld [smem:$0x3F9F];
	_ =	sdelay $0x3  }
0x37: {  	[smem:$0x3F9F] =	sst s10  }
0x38: {  	s10 =	sld [smem:$0x3FA0]  }
0x39: {  	_ = 	snop;
	(pc) =	sbr.ind lr, $3  }
0x3a: {  	_ = 	snop  }
0x3b: {  	_ = 	snop  }
0x3c: {  	p2 =	seq.s32 s10, $0x1;
	s10 =	sld [smem:$0x3F9F]  }
0x3d: {  	_ =	shalt  }
0x3e: {  	_ =	shalt  }
0x3f: {  	_ =	shalt  }
0x40: {  	_ =	shalt  }
0x41: {  	_ =	shalt  }
0x42: {  	_ =	shalt  }
0x43: {  	_ =	shalt  }
0x44: {  	_ =	shalt  }
0x45: {  	_ =	shalt  }
0x46: {  	_ =	shalt  }
0x47: {  	_ =	shalt  }
0x48: {  	_ =	shalt  }
0x49: {  	_ =	shalt  }
0x4a: {  	_ =	shalt  }
0x4b: {  	_ =	shalt  }
0x4c: {  	_ =	shalt  }
0x4d: {  	_ =	shalt  }
0x4e: {  	_ =	shalt  }
0x4f: {  	_ =	shalt  }
0x50: {  	_ =	shalt  }
0x51: {  	_ =	shalt  }
0x52: {  	_ =	shalt  }
0x53: {  	_ =	shalt  }
0x54: {  	_ =	shalt  }
0x55: {  	_ =	shalt  }
0x56: {  	_ =	shalt  }
0x57: {  	_ =	shalt  }
0x58: {  	_ =	shalt  }
0x59: {  	_ =	shalt  }
0x5a: {  	_ =	shalt  }
0x5b: {  	_ =	shalt  }
0x5c: {  	_ =	shalt  }
0x5d: {  	_ =	shalt  }
0x5e: {  	_ =	shalt  }
0x5f: {  	_ =	shalt  }
0x60: {  	_ =	shalt  }
0x61: {  	_ =	shalt  }
0x62: {  	_ =	shalt  }
0x63: {  	_ =	shalt  }
0x64: {  	_ =	shalt  }
0x65: {  	_ =	shalt  }
0x66: {  	_ =	shalt  }
0x67: {  	_ =	shalt  }
0x68: {  	_ =	shalt  }
0x69: {  	_ =	shalt  }
0x6a: {  	_ =	shalt  }
0x6b: {  	_ =	shalt  }
0x6c: {  	_ =	shalt  }
0x6d: {  	_ =	shalt  }
0x6e: {  	_ =	shalt  }
0x6f: {  	_ =	shalt  }
0x70: {  	_ =	shalt  }
0x71: {  	_ =	shalt  }
0x72: {  	_ =	shalt  }
0x73: {  	_ =	shalt  }
0x74: {  	_ =	shalt  }
0x75: {  	_ =	shalt  }
0x76: {  	_ =	shalt  }
0x77: {  	_ =	shalt  }
0x78: {  	_ =	shalt  }
0x79: {  	_ =	shalt  }
0x7a: {  	_ =	shalt  }
0x7b: {  	_ =	shalt  }
0x7c: {  	_ =	shalt  }
0x7d: {  	_ =	shalt  }
0x7e: {  	_ =	shalt  }
0x7f: {  	_ =	shalt  }
0x80: {  	_ =	shalt  }
0x81: {  	_ =	shalt  }
0x82: {  	_ =	shalt  }
0x83: {  	_ =	shalt  }
0x84: {  	_ =	shalt  }
0x85: {  	_ =	shalt  }
0x86: {  	_ =	shalt  }
0x87: {  	_ =	shalt  }
.Lfunc_end0:
.L_simem_size_0:
called_computation_lowered:
.L_overlay_start_0:
0x88: {  	s2 =	sld [smem:$0x3FD9]  }
0x89: {  	s3 =	sld [smem:$0x3FFE];
	_ =	sdelay $0x1  }
0x8a: {  	s1 =	srdreg.scid  }
0x8b: {  	s0 =	sand.u32 $0x1, s1  }
0x8c: {  	s16 =	sshll.u32 s0, $0xA;
	s2 =	sadd.s32 s3, s2  }
0x8d: {  	s2 =	sadd.s32 s2, s16  }
0x8e: {  	[smem:$0x3FAB] =	sst s2  }
0x8f: {  	_ = 	snop  }
0x90: {  	(tm) =	ssettm $0x1  }
0x91: {  	s17 =	sld [smem:$0x3FFB];
	_ =	sdelay $0x3  }
0x92: {  	_ =	strace s17  }
0x93: {  	s2 =	sld [smem:$0x3FFC];
	_ =	sdelay $0x3  }
0x94: {  	_ =	strace s2  }
0x95: {  	s2 =	sld [smem:$0x3FFD];
	_ =	sdelay $0x3  }
0x96: {  	_ =	strace s2  }
0x97: {  	_ =	strace $0x8FFFFFFF  }
0x98: {  	s18 =	sld [smem:$0x3FDB];
	_ =	sdelay $0x1  }
0x99: {  	s19 =	simm.s32 $_scs_section_size  }
0x9a: {  	s4 =	simm.s32 $_size__tile_overlayer_lowered;
	s5 =	simm.s32 $_tile_overlayer_lowered  }
0x9b: {  	s22 =	simm.s32 $0x1BFF;
	s21 =	sshll.u32 s5, $0x1;
	s2 =	sadd.s32 s19, s18  }
0x9c: {  	s6 =	simm.s32 $0x0;
	s20 =	sshll.u32 s4, $0x1;
	s4 =	sadd.s32 s21, s2  }
0x9d: {  	[timem:s6], [sflag:s22] =	dma.local [hbm:s4], s20  }
0x9e: {  	_ =	swait.ge [sflag:s22], s20  }
0x9f: {  	s3 =	ssub.s32 $0x0, s20;
	[sflag:s22] =	ssyncset.done $0x0  }
0xa0: {  	[sflag:s22] =	ssyncadd.s32 s3;
	_ =	sdelay $0x1  }
0xa1: {  	s23 =	simm.s32 $0x1B8B  }
0xa2: {  	_ =	swait.ge [sflag:s23], $0x1  }
0xa3: {  	[sflag:s23] =	ssyncset.done $0x0  }
0xa4: {  	s25 =	simm.s32 $0x1B8E;
	s24 =	sld [smem:$0x3FFE];
	[sflag:s23] =	ssyncadd.s32 $0xFFFFFFFF  }
0xa5: {  	s26 =	simm.s32 $execute0_lowered;
	[smem:$0x3FD2] =	sst s25  }
0xa6: {  	s4 =	sshll.u32 s26, $0x1;
	_ =	strace $0x80000046;
	[dreg:$0x1] =	wrdreg $0xFFFFFFFF  }
0xa7: {  	s28 =	simm.s32 $_size_execute0_lowered;
	s2 =	sadd.s32 s2, s4;
	[dreg:$0x0] =	wrdreg $0x0  }
0xa8: {  	s4 =	sshll.u32 s28, $0x1;
	[dreg:$0x2] =	wrdreg s2  }
0xa9: {  	[dreg:$0x3] =	wrdreg s4  }
0xaa: {  	[dreg:$0x4] =	wrdreg $0xC0  }
0xab: {  	_ =	task [dreg:s6], $0x5FFFF  }
0xac: {  	[dreg:$0x1] =	wrdreg $0xFFFFFFFF  }
0xad: {  	[dreg:$0x0] =	wrdreg $0x60  }
0xae: {  	[dreg:$0x2] =	wrdreg s24  }
0xaf: {  	[dreg:$0x3] =	wrdreg $0x66000  }
0xb0: {  	[dreg:$0x4] =	wrdreg $0x7E700  }
0xb1: {  	[dreg:$0x5] =	wrdreg $0x96E00  }
0xb2: {  	[dreg:$0x6] =	wrdreg $0xAF500  }
0xb3: {  	[dreg:$0x7] =	wrdreg $0xB1500  }
0xb4: {  	[dreg:$0x8] =	wrdreg $0xB3500  }
0xb5: {  	[dreg:$0x9] =	wrdreg $0x9  }
0xb6: {  	_ =	task.clear_ibuf [dreg:s6], $0xAFFFF;
	_ =	strace $0x90000046  }
0xb7: {  	s29 =	simm.s32 $0x9;
	_ =	strace $0x80000048  }
0xb8: {  	_ =	swait.ge [sflag:s29], $0x1  }
0xb9: {  	[sflag:s29] =	ssyncadd.s32 $0xFFFFFFFF  }
0xba: {  	_ =	strace $0x90000048  }
0xbb: {  	_ =	sfence  }
0xbc: {  	s30 =	sld [smem:$0x0];
	_ =	sdelay $0x2  }
0xbd: {  	s31 =	sshll.u32 s1, $0xD;
	s1 =	sshrl.u32 s1, $0x2  }
0xbe: {  	s3 =	sand.u32 $0x4000, s31;
	s1 =	sadd.s32 s1, s30  }
0xbf: {  	s0 =	sor.u32 s3, s0;
	s1 =	sshll.u32 s1, $0x11  }
0xc0: {  	s0 =	sor.u32 s1, s0  }
0xc1: {  	s0 =	sadd.s32 $0x8F2B, s0  }
0xc2: {  	[sflag:s0] =	ssyncadd.remote.s32 $0x1  }
0xc3: {  	_ =	sfence.sel $0xFFFF  }
0xc4: {  	[dreg:$0x0] =	wrdreg $0xFFFFFFFF;
	(pc) =	sbr.abs _section_cstart, $3  }
0xc5: {  	[dreg:$0x1] =	wrdreg $0xFFFFFFFF  }
0xc6: {  	_ =	task.clear_ibuf [dreg:s6], $0x2FFFF;
	_ =	strace $0x9FFFFFFF  }
0xc7: {  	(tm) =	ssettm $0x7FFFFFFF  }
tec
execute0_lowered:
.L_overlay_start_1:
0x0: {  	(tag) =	ssettag $0x1  }
0x1: {  	s1 =	rddreg [dreg:$0x0]  }
0x2: {  	s0 =	rddreg [dreg:$0x1]  }
0x3: {  	s2 =	rddreg [dreg:$0x2]  }
0x4: {  	s3 =	rddreg [dreg:$0x3]  }
0x5: {  	s4 =	rddreg [dreg:$0x4]  }
0x6: {  	s5 =	rddreg [dreg:$0x5]  }
0x7: {  	s6 =	rddreg [dreg:$0x6];
	s7 =	simm.s32 $0x0  }
0x8: {  	s18 =	srdreg.scid;
	s19 =	stileid.u32;
	s29 =	simm.s32 $0x4180  }
0x9: {  	s30 =	simm.s32 $0x2080;
	s31 =	simm.s32 $0x4480;
	s28 =	simm.s32 $0x4500  }
0xa: {  	[smem:$0x7FF] =	sst s7;
	s8 =	sadd.s32 $0xDA00, s1;
	s9 =	sadd.s32 $0x10C00, s1  }
0xb: {  	s10 =	sadd.s32 $0xA800, s1;
	_ =	strace $0x80000047;
	[dreg:$0x8] =	wrdreg s8  }
0xc: {  	s11 =	sshll.u32 s19, $0xA;
	s12 =	sadd.s32 $0xA400, s1;
	[dreg:$0x9] =	wrdreg s9  }
0xd: {  	s21 =	sadd.s32 $0xA000, s1;
	p0 =	sne.s32 s19, $0x0;
	[dreg:$0xa] =	wrdreg s10  }
0xe: {  	s19 =	simm.s32 $0x2000;
	s8 =	sand.u32 $0x1, s18;
	[dreg:$0xb] =	wrdreg s12  }
0xf: {  	[dreg:$0xc] =	wrdreg s21;
	s18 =	simm.s32 $0x3;
	s21 =	sshrl.u32 @!p0 s2, $0x3  }
0x10: {  	s9 =	simm.s32 $0x4580;
	s20 =	sshll.u32 s8, $0xE;
	s8 =	ssub.s32 $0x2, s8  }
0x11: {  	s12 =	simm.s32 $0x0;
	s10 =	sor.u32 s11, s20;
	s22 =	sshrl.u32 s8, $0x1  }
0x12: {  	s11 =	simm.s32 $0x2;
	s10 =	sadd.s32 s10, s1;
	s1 =	sadd.s32 $0x9C00, s1  }
0x13: {  	s23 =	ssub.s32 s8, s22;
	[dreg:$0xd] =	wrdreg s1;
	s24 =	sadd.s32 $0x13E00, s10  }
0x14: {  	s22 =	sshrl.u32 @!p0 s3, $0x3;
	s25 =	sadd.s32 $0x23E00, s10;
	[dreg:$0xe] =	wrdreg s24  }
.Ltmp0:
0x15: {  	s26 =	sadd.s32 $0x2BE00, s10;
	[dreg:$0xf] =	wrdreg s25;
	(pc) =	sbr.rel .LBB2_1-.Ltmp0, $4  }
0x16: {  	s8 =	simm.s32 $0x4280;
	s1 =	smax.u32 s23, $0x1;
	[dreg:$0x10] =	wrdreg s26  }
0x17: {  	s23 =	sshrl.u32 @!p0 s4, $0x3;
	s10 =	simm.s32 $0x1;
	[dreg:$0x11] =	wrdreg s1  }
0x18: {  	s1 =	sshrl.u32 @!p0 s0, $0x3;
	s24 =	sshrl.u32 @!p0 s5, $0x3;
	s25 =	sshrl.u32 @!p0 s6, $0x3  }
0x19: {  	s26 =	simm.s32 $0x80;
	[dreg:$0x12] =	wrdreg s1;
	s1 =	simm.s32 $0x4200  }
.LBB2_4:
0x1a: {  	s13 =	rddreg [dreg:$0x10];
	s14 =	simm.s32 $0x4600  }
0x1b: {  	[hbm4b:s13+s7] =	stream.linear.scatter [tilespmem:s14], [sflag:$0x3], $0x2000, $0x38;
	[tilespmem:$0xB550] =	vst v63  }
0x1c: {  	_ =	swait.ge [sflag:s18], $0x2000  }
0x1d: {  	s12 =	sadd.s32 $0x1, s12;
	s20 =	rddreg [dreg:$0x11]  }
0x1e: {  	p1 =	sne.s32 s12, s20  }
.Ltmp1:
0x1f: {  	_ = 	snop;
	(pc) =	sbr.rel @!p1 .LBB2_5-.Ltmp1, $3  }
0x20: {  	_ =	sdelay $0x1  }
0x21: {  	[sflag:s18] =	ssyncset.done $0x0  }
0x22: {  	[sflag:s18] =	ssyncadd.s32 $0xFFFFE000  }
.LBB2_1:
0x23: {  	s13 =	rddreg [dreg:$0xe]  }
0x24: {  	[tilespmem:s7], [sflag:$0x3] =	stream.linear.gather [hbm4b:s13+s7], $0x2000, $0x38;
	[tilespmem:$0xB550] =	vst v63  }
0x25: {  	_ =	swait.ge [sflag:s18], $0x2000  }
0x26: {  	[sflag:s18] =	ssyncset.done $0x0  }
0x27: {  	s17 =	rddreg [dreg:$0xf];
	[sflag:s18] =	ssyncadd.s32 $0xFFFFE000  }
0x28: {  	[tilespmem:s19], [sflag:$0x3] =	stream.linear.gather [hbm4b:s17+s7], $0x2000, $0x38;
	[tilespmem:$0xB550] =	vst v63  }
0x29: {  	_ =	swait.ge [sflag:s18], $0x2000  }
0x2a: {  	[sflag:s18] =	ssyncset.done $0x0;
	s14 =	rddreg [dreg:$0x8]  }
0x2b: {  	s13 =	simm.s32 @!p0 $0x1C03;
	s15 =	rddreg [dreg:$0x12];
	[sflag:s18] =	ssyncadd.s32 $0xFFFFE000  }
0x2c: {  	[spmem:s15], [sflag:s13] =	dma.local @!p0 [hbm:s14], $0x30E0  }
0x2d: {  	s14 =	simm.s32 @!p0 $0x3  }
0x2e: {  	_ =	swait.ge @!p0 [sflag:s14], $0x30E0  }
0x2f: {  	[sflag:s14] =	ssyncset.done @!p0 $0x0  }
0x30: {  	s15 =	rddreg [dreg:$0x9];
	[sflag:s14] =	ssyncadd.s32 @!p0 $0xFFFFCF20  }
0x31: {  	[spmem:s21], [sflag:s13] =	dma.local @!p0 [hbm:s15], $0x30E0  }
0x32: {  	_ =	swait.ge @!p0 [sflag:s14], $0x30E0  }
0x33: {  	[sflag:s14] =	ssyncset.done @!p0 $0x0  }
0x34: {  	s15 =	rddreg [dreg:$0xa];
	[sflag:s14] =	ssyncadd.s32 @!p0 $0xFFFFCF20  }
0x35: {  	[spmem:s22], [sflag:s13] =	dma.local @!p0 [hbm:s15], $0x30E0  }
0x36: {  	_ =	swait.ge @!p0 [sflag:s14], $0x30E0  }
0x37: {  	[sflag:s14] =	ssyncset.done @!p0 $0x0  }
0x38: {  	s15 =	rddreg [dreg:$0xb];
	[sflag:s14] =	ssyncadd.s32 @!p0 $0xFFFFCF20  }
0x39: {  	[spmem:s23], [sflag:s13] =	dma.local @!p0 [hbm:s15], $0x400  }
0x3a: {  	_ =	swait.ge @!p0 [sflag:s14], $0x400  }
0x3b: {  	[sflag:s14] =	ssyncset.done @!p0 $0x0  }
0x3c: {  	s15 =	rddreg [dreg:$0xc];
	[sflag:s14] =	ssyncadd.s32 @!p0 $0xFFFFFC00  }
0x3d: {  	[spmem:s24], [sflag:s13] =	dma.local @!p0 [hbm:s15], $0x400  }
0x3e: {  	_ =	swait.ge @!p0 [sflag:s14], $0x400  }
0x3f: {  	[sflag:s14] =	ssyncset.done @!p0 $0x0  }
0x40: {  	s15 =	rddreg [dreg:$0xd];
	[sflag:s14] =	ssyncadd.s32 @!p0 $0xFFFFFC00  }
0x41: {  	[spmem:s25], [sflag:s13] =	dma.local @!p0 [hbm:s15], $0x400  }
0x42: {  	_ =	swait.ge @!p0 [sflag:s14], $0x400  }
0x43: {  	[sflag:s14] =	ssyncset.done @!p0 $0x0  }
0x44: {  	[sflag:s14] =	ssyncadd.s32 @!p0 $0xFFFFFC00  }
0x45: {  	s20 =	simm.s32 $0x4000;
	[bflag:$0x0] =	sbarrier.arrive $0xFFFF  }
0x46: {  	[tilespmem:s20], [sflag:$0x1] =	stream.indirect.gather [spmem:s0], $0x1, s7, s26, $0xb8;
	[tilespmem:$0xB550] =	vst v63  }
0x47: {  	s14 =	simm.s32 $0x4300  }
0x48: {  	[tilespmem:s14], [sflag:$0x1] =	stream.indirect.gather [spmem:s4], $0x1, s19, s26, $0xb8;
	[tilespmem:$0xB550] =	vst v63  }
0x49: {  	s15 =	simm.s32 $0x4080  }
0x4a: {  	[tilespmem:s15], [sflag:$0x1] =	stream.indirect.gather [spmem:s2], $0x1, s7, s26, $0xb8;
	[tilespmem:$0xB550] =	vst v63  }
0x4b: {  	s16 =	simm.s32 $0x4380  }
0x4c: {  	[tilespmem:s16], [sflag:$0x1] =	stream.indirect.gather [spmem:s5], $0x1, s19, s26, $0xb8;
	[tilespmem:$0xB550] =	vst v63  }
0x4d: {  	s17 =	simm.s32 $0x4100  }
0x4e: {  	[tilespmem:s17], [sflag:$0x1] =	stream.indirect.gather [spmem:s3], $0x1, s7, s26, $0xb8;
	[tilespmem:$0xB550] =	vst v63  }
0x4f: {  	s20 =	simm.s32 $0x4400  }
0x50: {  	[tilespmem:s20], [sflag:$0x1] =	stream.indirect.gather [spmem:s6], $0x1, s19, s26, $0xb8;
	[tilespmem:$0xB550] =	vst v63  }
0x51: {  	_ = 	snop  }
0x52: {  	[tilespmem:s29], [sflag:$0x2] =	stream.indirect.gather [spmem:s0], $0x1, s26, s26, $0xb8;
	[tilespmem:$0xB550] =	vst v63  }
0x53: {  	_ = 	snop  }
0x54: {  	[tilespmem:s31], [sflag:$0x2] =	stream.indirect.gather [spmem:s4], $0x1, s30, s26, $0xb8;
	[tilespmem:$0xB550] =	vst v63  }
0x55: {  	_ = 	snop  }
0x56: {  	[tilespmem:s1], [sflag:$0x2] =	stream.indirect.gather [spmem:s2], $0x1, s26, s26, $0xb8;
	[tilespmem:$0xB550] =	vst v63  }
0x57: {  	_ = 	snop  }
0x58: {  	[tilespmem:s28], [sflag:$0x2] =	stream.indirect.gather [spmem:s5], $0x1, s30, s26, $0xb8;
	[tilespmem:$0xB550] =	vst v63  }
0x59: {  	_ = 	snop  }
0x5a: {  	[tilespmem:s8], [sflag:$0x2] =	stream.indirect.gather [spmem:s3], $0x1, s26, s26, $0xb8;
	[tilespmem:$0xB550] =	vst v63  }
0x5b: {  	s13 =	simm.s32 $0x0  }
0x5c: {  	[tilespmem:s9], [sflag:$0x2] =	stream.indirect.gather [spmem:s6], $0x1, s30, s26, $0xb8;
	[tilespmem:$0xB550] =	vst v63  }
.LBB2_2:
0x5d: {  	_ =	swait.ge [sflag:s10], $0x80  }
0x5e: {  	[sflag:s10] =	ssyncset.done $0x0  }
0x5f: {  	[sflag:s10] =	ssyncadd.s32 $0xFFFFFF80  }
0x60: {  	_ =	swait.ge [sflag:s10], $0x80  }
0x61: {  	[sflag:s10] =	ssyncset.done $0x0  }
0x62: {  	[sflag:s10] =	ssyncadd.s32 $0xFFFFFF80  }
0x63: {  	_ =	swait.ge [sflag:s10], $0x80  }
0x64: {  	[sflag:s10] =	ssyncset.done $0x0  }
0x65: {  	[sflag:s10] =	ssyncadd.s32 $0xFFFFFF80  }
0x66: {  	_ =	swait.ge [sflag:s10], $0x80  }
0x67: {  	[sflag:s10] =	ssyncset.done $0x0  }
0x68: {  	[sflag:s10] =	ssyncadd.s32 $0xFFFFFF80  }
0x69: {  	_ =	swait.ge [sflag:s10], $0x80  }
0x6a: {  	[sflag:s10] =	ssyncset.done $0x0  }
0x6b: {  	[sflag:s10] =	ssyncadd.s32 $0xFFFFFF80  }
0x6c: {  	_ =	swait.ge [sflag:s10], $0x80  }
0x6d: {  	[sflag:s10] =	ssyncset.done $0x0  }
0x6e: {  	[sflag:s10] =	ssyncadd.s32 $0xFFFFFF80  }
0x6f: {  	v0 =	vld [tilespmem:$0x4000]  }
0x70: {  	v1 =	vld [tilespmem:$0x4300]  }
0x71: {  	v2 =	vld [tilespmem:$0x4080]  }
0x72: {  	v3 =	vld [tilespmem:$0x4380]  }
0x73: {  	v4 =	vld [tilespmem:$0x4100]  }
0x74: {  	v5 =	vld [tilespmem:$0x4400];
	_ =	sdelay $0x2  }
0x75: {  	v0 =	vsub.f32 v0, v1;
	v56 =	vsub.f32 v2, v3;
	_ =	sdelay $0x1  }
0x76: {  	v57 =	vsub.f32 v4, v5;
	v0 =	vmul.f32 v0, v0;
	v1 =	vmul.f32 v56, v56;
	_ =	sdelay $0x1  }
0x77: {  	v58 =	vmul.f32 v57, v57;
	v0 =	vadd.f32 v1, v0;
	_ =	sdelay $0x1  }
0x78: {  	v0 =	vadd.f32 v58, v0  }
0x79: {  	s14 =	sshra.s32 s13, $0x2  }
0x7a: {  	[tilespmem:s14+$0x4600] =	vst v0  }
0x7b: {  	v0 =	vld [tilespmem:$0x4010]  }
0x7c: {  	v59 =	vld [tilespmem:$0x4310]  }
0x7d: {  	v60 =	vld [tilespmem:$0x4090]  }
0x7e: {  	v61 =	vld [tilespmem:$0x4390]  }
0x7f: {  	v62 =	vld [tilespmem:$0x4110]  }
0x80: {  	v63 =	vld [tilespmem:$0x4410];
	_ =	sdelay $0x2  }
0x81: {  	v0 =	vsub.f32 v0, v59;
	v6 =	vsub.f32 v60, v61;
	_ =	sdelay $0x1  }
0x82: {  	v7 =	vsub.f32 v62, v63;
	v0 =	vmul.f32 v0, v0;
	v1 =	vmul.f32 v6, v6;
	_ =	sdelay $0x1  }
0x83: {  	v8 =	vmul.f32 v7, v7;
	v0 =	vadd.f32 v1, v0;
	_ =	sdelay $0x1  }
0x84: {  	v0 =	vadd.f32 v8, v0;
	_ =	sdelay $0x1  }
0x85: {  	[tilespmem:s14+$0x4610] =	vst v0  }
0x86: {  	v0 =	vld [tilespmem:$0x4020]  }
0x87: {  	v9 =	vld [tilespmem:$0x4320]  }
0x88: {  	v10 =	vld [tilespmem:$0x40A0]  }
0x89: {  	v11 =	vld [tilespmem:$0x43A0]  }
0x8a: {  	v12 =	vld [tilespmem:$0x4120]  }
0x8b: {  	v13 =	vld [tilespmem:$0x4420];
	_ =	sdelay $0x2  }
0x8c: {  	v0 =	vsub.f32 v0, v9;
	v14 =	vsub.f32 v10, v11;
	_ =	sdelay $0x1  }
0x8d: {  	v15 =	vsub.f32 v12, v13;
	v0 =	vmul.f32 v0, v0;
	v1 =	vmul.f32 v14, v14;
	_ =	sdelay $0x1  }
0x8e: {  	v16 =	vmul.f32 v15, v15;
	v0 =	vadd.f32 v1, v0;
	_ =	sdelay $0x1  }
0x8f: {  	v0 =	vadd.f32 v16, v0;
	_ =	sdelay $0x1  }
0x90: {  	[tilespmem:s14+$0x4620] =	vst v0  }
0x91: {  	v0 =	vld [tilespmem:$0x4030]  }
0x92: {  	v17 =	vld [tilespmem:$0x4330]  }
0x93: {  	v18 =	vld [tilespmem:$0x40B0]  }
0x94: {  	v19 =	vld [tilespmem:$0x43B0]  }
0x95: {  	v20 =	vld [tilespmem:$0x4130]  }
0x96: {  	v21 =	vld [tilespmem:$0x4430];
	_ =	sdelay $0x2  }
0x97: {  	v0 =	vsub.f32 v0, v17;
	v22 =	vsub.f32 v18, v19;
	_ =	sdelay $0x1  }
0x98: {  	v23 =	vsub.f32 v20, v21;
	v0 =	vmul.f32 v0, v0;
	v1 =	vmul.f32 v22, v22;
	_ =	sdelay $0x1  }
0x99: {  	v24 =	vmul.f32 v23, v23;
	v0 =	vadd.f32 v1, v0;
	_ =	sdelay $0x1  }
0x9a: {  	v0 =	vadd.f32 v24, v0;
	_ =	sdelay $0x1  }
0x9b: {  	[tilespmem:s14+$0x4630] =	vst v0  }
0x9c: {  	v0 =	vld [tilespmem:$0x4040]  }
0x9d: {  	v25 =	vld [tilespmem:$0x4340]  }
0x9e: {  	v26 =	vld [tilespmem:$0x40C0]  }
0x9f: {  	v27 =	vld [tilespmem:$0x43C0]  }
0xa0: {  	v28 =	vld [tilespmem:$0x4140]  }
0xa1: {  	v29 =	vld [tilespmem:$0x4440];
	_ =	sdelay $0x2  }
0xa2: {  	v0 =	vsub.f32 v0, v25;
	v30 =	vsub.f32 v26, v27;
	_ =	sdelay $0x1  }
0xa3: {  	v31 =	vsub.f32 v28, v29;
	v0 =	vmul.f32 v0, v0;
	v1 =	vmul.f32 v30, v30;
	_ =	sdelay $0x1  }
0xa4: {  	v32 =	vmul.f32 v31, v31;
	v0 =	vadd.f32 v1, v0;
	_ =	sdelay $0x1  }
0xa5: {  	v0 =	vadd.f32 v32, v0;
	_ =	sdelay $0x1  }
0xa6: {  	[tilespmem:s14+$0x4640] =	vst v0  }
0xa7: {  	v0 =	vld [tilespmem:$0x4050]  }
0xa8: {  	v33 =	vld [tilespmem:$0x4350]  }
0xa9: {  	v34 =	vld [tilespmem:$0x40D0]  }
0xaa: {  	v35 =	vld [tilespmem:$0x43D0]  }
0xab: {  	v36 =	vld [tilespmem:$0x4150]  }
0xac: {  	v37 =	vld [tilespmem:$0x4450];
	_ =	sdelay $0x2  }
0xad: {  	v0 =	vsub.f32 v0, v33;
	v38 =	vsub.f32 v34, v35;
	_ =	sdelay $0x1  }
0xae: {  	v39 =	vsub.f32 v36, v37;
	v0 =	vmul.f32 v0, v0;
	v1 =	vmul.f32 v38, v38;
	_ =	sdelay $0x1  }
0xaf: {  	v40 =	vmul.f32 v39, v39;
	v0 =	vadd.f32 v1, v0;
	_ =	sdelay $0x1  }
0xb0: {  	v0 =	vadd.f32 v40, v0;
	_ =	sdelay $0x1  }
0xb1: {  	[tilespmem:s14+$0x4650] =	vst v0  }
0xb2: {  	v0 =	vld [tilespmem:$0x4060]  }
0xb3: {  	v41 =	vld [tilespmem:$0x4360]  }
0xb4: {  	v42 =	vld [tilespmem:$0x40E0]  }
0xb5: {  	v43 =	vld [tilespmem:$0x43E0]  }
0xb6: {  	v44 =	vld [tilespmem:$0x4160]  }
0xb7: {  	v45 =	vld [tilespmem:$0x4460];
	_ =	sdelay $0x2  }
0xb8: {  	v0 =	vsub.f32 v0, v41;
	v46 =	vsub.f32 v42, v43;
	_ =	sdelay $0x1  }
0xb9: {  	v47 =	vsub.f32 v44, v45;
	v0 =	vmul.f32 v0, v0;
	v1 =	vmul.f32 v46, v46;
	_ =	sdelay $0x1  }
0xba: {  	v48 =	vmul.f32 v47, v47;
	v0 =	vadd.f32 v1, v0;
	_ =	sdelay $0x1  }
0xbb: {  	v0 =	vadd.f32 v48, v0;
	_ =	sdelay $0x1  }
0xbc: {  	[tilespmem:s14+$0x4660] =	vst v0  }
0xbd: {  	v0 =	vld [tilespmem:$0x4070]  }
0xbe: {  	v49 =	vld [tilespmem:$0x4370]  }
0xbf: {  	v50 =	vld [tilespmem:$0x40F0]  }
0xc0: {  	v51 =	vld [tilespmem:$0x43F0]  }
0xc1: {  	v52 =	vld [tilespmem:$0x4170]  }
0xc2: {  	v53 =	vld [tilespmem:$0x4470];
	_ =	sdelay $0x2  }
0xc3: {  	v0 =	vsub.f32 v0, v49;
	v54 =	vsub.f32 v50, v51;
	_ =	sdelay $0x1  }
0xc4: {  	v55 =	vsub.f32 v52, v53;
	v0 =	vmul.f32 v0, v0;
	v1 =	vmul.f32 v54, v54;
	_ =	sdelay $0x1  }
0xc5: {  	v56 =	vmul.f32 v55, v55;
	v0 =	vadd.f32 v1, v0;
	_ =	sdelay $0x1  }
0xc6: {  	p1 =	seq.s32 s13, $0x7C00;
	v0 =	vadd.f32 v56, v0  }
0xc7: {  	s15 =	sshra.s32 @!p1 s13, $0x2  }
0xc8: {  	s17 =	simm.s32 @!p1 $0x80;
	s20 =	simm.s32 @!p1 $0x4000;
	s16 =	sadd.s32 @!p1 $0x100, s15;
	[tilespmem:s14+$0x4670] =	vst v0  }
0xc9: {  	[tilespmem:s20], [sflag:$0x1] =	stream.indirect.gather @!p1 [spmem:s0], $0x1, s16, s17, $0xb8;
	[tilespmem:$0xB550] =	vst v63  }
0xca: {  	s15 =	sadd.s32 @!p1 $0x2100, s15;
	s20 =	simm.s32 @!p1 $0x4300  }
0xcb: {  	[tilespmem:s20], [sflag:$0x1] =	stream.indirect.gather @!p1 [spmem:s4], $0x1, s15, s17, $0xb8;
	[tilespmem:$0xB550] =	vst v63  }
0xcc: {  	s20 =	simm.s32 @!p1 $0x4080  }
0xcd: {  	[tilespmem:s20], [sflag:$0x1] =	stream.indirect.gather @!p1 [spmem:s2], $0x1, s16, s17, $0xb8;
	[tilespmem:$0xB550] =	vst v63  }
0xce: {  	s20 =	simm.s32 @!p1 $0x4380  }
0xcf: {  	[tilespmem:s20], [sflag:$0x1] =	stream.indirect.gather @!p1 [spmem:s5], $0x1, s15, s17, $0xb8;
	[tilespmem:$0xB550] =	vst v63  }
0xd0: {  	s20 =	simm.s32 @!p1 $0x4100  }
0xd1: {  	[tilespmem:s20], [sflag:$0x1] =	stream.indirect.gather @!p1 [spmem:s3], $0x1, s16, s17, $0xb8;
	[tilespmem:$0xB550] =	vst v63  }
0xd2: {  	s16 =	simm.s32 @!p1 $0x4400  }
0xd3: {  	[tilespmem:s16], [sflag:$0x1] =	stream.indirect.gather @!p1 [spmem:s6], $0x1, s15, s17, $0xb8;
	[tilespmem:$0xB550] =	vst v63  }
0xd4: {  	_ =	swait.ge [sflag:s11], $0x80  }
0xd5: {  	[sflag:s11] =	ssyncset.done $0x0  }
0xd6: {  	[sflag:s11] =	ssyncadd.s32 $0xFFFFFF80  }
0xd7: {  	_ =	swait.ge [sflag:s11], $0x80  }
0xd8: {  	[sflag:s11] =	ssyncset.done $0x0  }
0xd9: {  	[sflag:s11] =	ssyncadd.s32 $0xFFFFFF80  }
0xda: {  	_ =	swait.ge [sflag:s11], $0x80  }
0xdb: {  	[sflag:s11] =	ssyncset.done $0x0  }
0xdc: {  	[sflag:s11] =	ssyncadd.s32 $0xFFFFFF80  }
0xdd: {  	_ =	swait.ge [sflag:s11], $0x80  }
0xde: {  	[sflag:s11] =	ssyncset.done $0x0  }
0xdf: {  	[sflag:s11] =	ssyncadd.s32 $0xFFFFFF80  }
0xe0: {  	_ =	swait.ge [sflag:s11], $0x80  }
0xe1: {  	[sflag:s11] =	ssyncset.done $0x0  }
0xe2: {  	[sflag:s11] =	ssyncadd.s32 $0xFFFFFF80  }
0xe3: {  	_ =	swait.ge [sflag:s11], $0x80  }
0xe4: {  	[sflag:s11] =	ssyncset.done $0x0  }
0xe5: {  	[sflag:s11] =	ssyncadd.s32 $0xFFFFFF80  }
0xe6: {  	v57 =	vld [tilespmem:$0x4180]  }
0xe7: {  	v58 =	vld [tilespmem:$0x4480]  }
0xe8: {  	v59 =	vld [tilespmem:$0x4200]  }
0xe9: {  	v60 =	vld [tilespmem:$0x4500]  }
0xea: {  	v61 =	vld [tilespmem:$0x4280]  }
0xeb: {  	v62 =	vld [tilespmem:$0x4580];
	_ =	sdelay $0x2  }
0xec: {  	v0 =	vsub.f32 v57, v58;
	v63 =	vsub.f32 v59, v60;
	_ =	sdelay $0x1  }
0xed: {  	v6 =	vsub.f32 v61, v62;
	v0 =	vmul.f32 v0, v0;
	v1 =	vmul.f32 v63, v63;
	_ =	sdelay $0x1  }
0xee: {  	v7 =	vmul.f32 v6, v6;
	v0 =	vadd.f32 v1, v0;
	_ =	sdelay $0x1  }
0xef: {  	v0 =	vadd.f32 v7, v0;
	_ =	sdelay $0x1  }
0xf0: {  	[tilespmem:s14+$0x4680] =	vst v0  }
0xf1: {  	v0 =	vld [tilespmem:$0x4190]  }
0xf2: {  	v8 =	vld [tilespmem:$0x4490]  }
0xf3: {  	v9 =	vld [tilespmem:$0x4210]  }
0xf4: {  	v10 =	vld [tilespmem:$0x4510]  }
0xf5: {  	v11 =	vld [tilespmem:$0x4290]  }
0xf6: {  	v12 =	vld [tilespmem:$0x4590];
	_ =	sdelay $0x2  }
0xf7: {  	v0 =	vsub.f32 v0, v8;
	v13 =	vsub.f32 v9, v10;
	_ =	sdelay $0x1  }
0xf8: {  	v14 =	vsub.f32 v11, v12;
	v0 =	vmul.f32 v0, v0;
	v1 =	vmul.f32 v13, v13;
	_ =	sdelay $0x1  }
0xf9: {  	v15 =	vmul.f32 v14, v14;
	v0 =	vadd.f32 v1, v0;
	_ =	sdelay $0x1  }
0xfa: {  	v0 =	vadd.f32 v15, v0;
	_ =	sdelay $0x1  }
0xfb: {  	[tilespmem:s14+$0x4690] =	vst v0  }
0xfc: {  	v0 =	vld [tilespmem:$0x41A0]  }
0xfd: {  	v16 =	vld [tilespmem:$0x44A0]  }
0xfe: {  	v17 =	vld [tilespmem:$0x4220]  }
0xff: {  	v18 =	vld [tilespmem:$0x4520]  }
0x100: {  	v19 =	vld [tilespmem:$0x42A0]  }
0x101: {  	v20 =	vld [tilespmem:$0x45A0];
	_ =	sdelay $0x2  }
0x102: {  	v0 =	vsub.f32 v0, v16;
	v21 =	vsub.f32 v17, v18;
	_ =	sdelay $0x1  }
0x103: {  	v22 =	vsub.f32 v19, v20;
	v0 =	vmul.f32 v0, v0;
	v1 =	vmul.f32 v21, v21;
	_ =	sdelay $0x1  }
0x104: {  	v23 =	vmul.f32 v22, v22;
	v0 =	vadd.f32 v1, v0;
	_ =	sdelay $0x1  }
0x105: {  	v0 =	vadd.f32 v23, v0;
	_ =	sdelay $0x1  }
0x106: {  	[tilespmem:s14+$0x46A0] =	vst v0  }
0x107: {  	v0 =	vld [tilespmem:$0x41B0]  }
0x108: {  	v24 =	vld [tilespmem:$0x44B0]  }
0x109: {  	v25 =	vld [tilespmem:$0x4230]  }
0x10a: {  	v26 =	vld [tilespmem:$0x4530]  }
0x10b: {  	v27 =	vld [tilespmem:$0x42B0]  }
0x10c: {  	v28 =	vld [tilespmem:$0x45B0];
	_ =	sdelay $0x2  }
0x10d: {  	v0 =	vsub.f32 v0, v24;
	v29 =	vsub.f32 v25, v26;
	_ =	sdelay $0x1  }
0x10e: {  	v30 =	vsub.f32 v27, v28;
	v0 =	vmul.f32 v0, v0;
	v1 =	vmul.f32 v29, v29;
	_ =	sdelay $0x1  }
0x10f: {  	v31 =	vmul.f32 v30, v30;
	v0 =	vadd.f32 v1, v0;
	_ =	sdelay $0x1  }
0x110: {  	v0 =	vadd.f32 v31, v0;
	_ =	sdelay $0x1  }
0x111: {  	[tilespmem:s14+$0x46B0] =	vst v0  }
0x112: {  	v0 =	vld [tilespmem:$0x41C0]  }
0x113: {  	v32 =	vld [tilespmem:$0x44C0]  }
0x114: {  	v33 =	vld [tilespmem:$0x4240]  }
0x115: {  	v34 =	vld [tilespmem:$0x4540]  }
0x116: {  	v35 =	vld [tilespmem:$0x42C0]  }
0x117: {  	v36 =	vld [tilespmem:$0x45C0];
	_ =	sdelay $0x2  }
0x118: {  	v0 =	vsub.f32 v0, v32;
	v37 =	vsub.f32 v33, v34;
	_ =	sdelay $0x1  }
0x119: {  	v38 =	vsub.f32 v35, v36;
	v0 =	vmul.f32 v0, v0;
	v1 =	vmul.f32 v37, v37;
	_ =	sdelay $0x1  }
0x11a: {  	v39 =	vmul.f32 v38, v38;
	v0 =	vadd.f32 v1, v0;
	_ =	sdelay $0x1  }
0x11b: {  	v0 =	vadd.f32 v39, v0;
	_ =	sdelay $0x1  }
0x11c: {  	[tilespmem:s14+$0x46C0] =	vst v0  }
0x11d: {  	v0 =	vld [tilespmem:$0x41D0]  }
0x11e: {  	v40 =	vld [tilespmem:$0x44D0]  }
0x11f: {  	v41 =	vld [tilespmem:$0x4250]  }
0x120: {  	v42 =	vld [tilespmem:$0x4550]  }
0x121: {  	v43 =	vld [tilespmem:$0x42D0]  }
0x122: {  	v44 =	vld [tilespmem:$0x45D0];
	_ =	sdelay $0x2  }
0x123: {  	v0 =	vsub.f32 v0, v40;
	v45 =	vsub.f32 v41, v42;
	_ =	sdelay $0x1  }
0x124: {  	v46 =	vsub.f32 v43, v44;
	v0 =	vmul.f32 v0, v0;
	v1 =	vmul.f32 v45, v45;
	_ =	sdelay $0x1  }
0x125: {  	v47 =	vmul.f32 v46, v46;
	v0 =	vadd.f32 v1, v0;
	_ =	sdelay $0x1  }
0x126: {  	v0 =	vadd.f32 v47, v0;
	_ =	sdelay $0x1  }
0x127: {  	[tilespmem:s14+$0x46D0] =	vst v0  }
0x128: {  	v0 =	vld [tilespmem:$0x41E0]  }
0x129: {  	v48 =	vld [tilespmem:$0x44E0]  }
0x12a: {  	v49 =	vld [tilespmem:$0x4260]  }
0x12b: {  	v50 =	vld [tilespmem:$0x4560]  }
0x12c: {  	v51 =	vld [tilespmem:$0x42E0]  }
0x12d: {  	v52 =	vld [tilespmem:$0x45E0];
	_ =	sdelay $0x2  }
0x12e: {  	v0 =	vsub.f32 v0, v48;
	v53 =	vsub.f32 v49, v50;
	_ =	sdelay $0x1  }
0x12f: {  	v54 =	vsub.f32 v51, v52;
	v0 =	vmul.f32 v0, v0;
	v1 =	vmul.f32 v53, v53;
	_ =	sdelay $0x1  }
0x130: {  	v55 =	vmul.f32 v54, v54;
	v0 =	vadd.f32 v1, v0;
	_ =	sdelay $0x1  }
0x131: {  	v0 =	vadd.f32 v55, v0;
	_ =	sdelay $0x1  }
0x132: {  	[tilespmem:s14+$0x46E0] =	vst v0  }
0x133: {  	v0 =	vld [tilespmem:$0x41F0]  }
0x134: {  	v56 =	vld [tilespmem:$0x44F0]  }
0x135: {  	v57 =	vld [tilespmem:$0x4270]  }
0x136: {  	v58 =	vld [tilespmem:$0x4570]  }
0x137: {  	v59 =	vld [tilespmem:$0x42F0]  }
0x138: {  	v60 =	vld [tilespmem:$0x45F0];
	_ =	sdelay $0x2  }
0x139: {  	v0 =	vsub.f32 v0, v56;
	v61 =	vsub.f32 v57, v58;
	_ =	sdelay $0x1  }
0x13a: {  	v62 =	vsub.f32 v59, v60;
	v0 =	vmul.f32 v0, v0;
	v1 =	vmul.f32 v61, v61;
	_ =	sdelay $0x1  }
.Ltmp2:
0x13b: {  	v63 =	vmul.f32 v62, v62;
	v0 =	vadd.f32 v1, v0;
	(pc) =	sbr.rel @p1 .LBB2_4-.Ltmp2, $3  }
0x13c: {  	_ = 	snop  }
0x13d: {  	v0 =	vadd.f32 v63, v0;
	_ =	sdelay $0x1  }
0x13e: {  	[tilespmem:s14+$0x46F0] =	vst v0  }
0x13f: {  	s15 =	sadd.s32 $0x180, s14  }
0x140: {  	[tilespmem:s29], [sflag:$0x2] =	stream.indirect.gather [spmem:s0], $0x1, s15, s26, $0xb8;
	[tilespmem:$0xB550] =	vst v63  }
0x141: {  	s20 =	sadd.s32 $0x2180, s14  }
0x142: {  	[tilespmem:s31], [sflag:$0x2] =	stream.indirect.gather [spmem:s4], $0x1, s20, s26, $0xb8;
	[tilespmem:$0xB550] =	vst v63  }
0x143: {  	_ = 	snop  }
0x144: {  	[tilespmem:s1], [sflag:$0x2] =	stream.indirect.gather [spmem:s2], $0x1, s15, s26, $0xb8;
	[tilespmem:$0xB550] =	vst v63  }
0x145: {  	_ = 	snop  }
0x146: {  	[tilespmem:s28], [sflag:$0x2] =	stream.indirect.gather [spmem:s5], $0x1, s20, s26, $0xb8;
	[tilespmem:$0xB550] =	vst v63  }
.Ltmp3:
0x147: {  	_ = 	snop;
	(pc) =	sbr.rel .LBB2_2-.Ltmp3, $4  }
0x148: {  	_ = 	snop  }
0x149: {  	[tilespmem:s8], [sflag:$0x2] =	stream.indirect.gather [spmem:s3], $0x1, s15, s26, $0xb8;
	[tilespmem:$0xB550] =	vst v63  }
0x14a: {  	s13 =	sadd.s32 $0x400, s13  }
0x14b: {  	[tilespmem:s9], [sflag:$0x2] =	stream.indirect.gather [spmem:s6], $0x1, s20, s26, $0xb8;
	[tilespmem:$0xB550] =	vst v63  }
.LBB2_5:
0x14c: {  	_ =	sfence.sel $0x180000  }
0x14d: {  	[bflag:$0x0] =	sbarrier.arrive $0xFFFF  }
0x14e: {  	_ =	strace $0x90000047  }
0x14f: {  	[bflag:$0x2] =	sbarrier.arrive $0xFFFF  }
0x150: {  	s0 =	rddreg [dreg:$0x7]  }
0x151: {  	s0 =	sadd.s32 @!p0 $0x100000, s0  }
0x152: {  	[sflag:s0] =	ssyncadd.tile.s32 @!p0 $0x1;
	_ =	shalt  }
.Lfunc_end2:
_tile_overlayer_lowered:
.L_overlay_start_2:
0x153: {  	(tag) =	ssettag $0x2  }
0x154: {  	s0 =	rddreg [dreg:$0x0];
	s2 =	stileid.u32  }
0x155: {  	s1 =	rddreg [dreg:$0x1];
	p0 =	sne.s32 s2, $0x0  }
0x156: {  	s3 =	rddreg [dreg:$0x2];
	[bflag:$0x3] =	sbarrier.arrive $0xFFFF;
	s2 =	simm.s32 @!p0 $0x1C03  }
0x157: {  	[timem:s3], [sflag:s2] =	dma.local @!p0 [hbm:s0], s1  }
0x158: {  	s0 =	simm.s32 @!p0 $0x3  }
0x159: {  	_ =	swait.ge @!p0 [sflag:s0], s1  }
0x15a: {  	s1 =	ssub.s32 @!p0 $0x0, s1;
	[sflag:s0] =	ssyncset.done @!p0 $0x0  }
0x15b: {  	[sflag:s0] =	ssyncadd.s32 @!p0 s1  }
0x15c: {  	[bflag:$0x3] =	sbarrier.arrive $0xFFFF  }
0x15d: {  	_ =	shalt  }

</sc_bundles>
